<compile_context>
chip_gen: v7x
topology: tpu7x:2x2x1
jax: 0.10.2.dev20260603
libtpu: 0.0.44.dev20260713+nightly
codegen_flags: <defaults>
</compile_context>

<pallas_src>
import functools

import jax
import jax.numpy as jnp
from jax import lax
from jax.experimental import pallas as pl
from jax.experimental.pallas import tpu as pltpu
from jax.experimental.pallas import tpu_sc as plsc

N_NODES = 10000
N_EDGES = 320000
D = 128
H = 128
NUM_CLASSES = 10
NUM_GRAPHS = 128

_NC = 2
_NS = 16
_CH = 128
_CHUNKS = N_EDGES // _CH
_CHUNKS_PER_CORE = _CHUNKS // _NC
_ROWS_PER_TILE = 632
_N_PAD = _ROWS_PER_TILE * _NS
_DEG_PAD = 640 * _NS


def _sc_mesh():
    return plsc.VectorSubcoreMesh(core_axis_name="c", subcore_axis_name="s")



def _sc_degree(dst, zdeg):

    nbd = 4

    @functools.partial(
        pl.kernel,
        mesh=_sc_mesh(),
        out_type=jax.ShapeDtypeStruct((_NC, _DEG_PAD), jnp.float32),
        scratch_types=[
            pltpu.VMEM((nbd, _CH), jnp.int32),
            pltpu.VMEM((_CH,), jnp.float32),
            pltpu.VMEM_SHARED((_DEG_PAD,), jnp.float32),
        ] + [pltpu.SemaphoreType.DMA] * nbd,
    )
    def k(dst_hbm, z_hbm, out_hbm, dst_v, ones_v, acc_sh, *sems):
        c = lax.axis_index("c")
        s = lax.axis_index("s")
        e0 = s * 640
        pltpu.sync_copy(z_hbm.at[pl.ds(e0, 640)], acc_sh.at[pl.ds(e0, 640)])
        for j in range(_CH // 16):
            ones_v[pl.ds(j * 16, 16)] = jnp.ones((16,), jnp.float32)

        n_iter = (_CHUNKS_PER_CORE - s + _NS - 1) // _NS

        def idx_copy(i, b):
            base = (c * _CHUNKS_PER_CORE + s + i * _NS) * _CH
            return pltpu.make_async_copy(dst_hbm.at[pl.ds(base, _CH)],
                                         dst_v.at[b], sems[b])

        for b in range(nbd):
            @pl.when(b < n_iter)
            def _(b=b):
                idx_copy(b, b).start()

        plsc.subcore_barrier()

        def group(g, carry):
            for b in range(nbd):
                i = g * nbd + b

                @pl.when(i < n_iter)
                def _(i=i, b=b):
                    idx_copy(i, b).wait()
                    pltpu.sync_copy(ones_v, acc_sh.at[dst_v.at[b]], add=True)

                    @pl.when(i + nbd < n_iter)
                    def _(i=i, b=b):
                        idx_copy(i + nbd, b).start()
            return carry

        lax.fori_loop(0, (n_iter + nbd - 1) // nbd, group, 0)
        plsc.subcore_barrier()
        pltpu.sync_copy(acc_sh.at[pl.ds(e0, 640)], out_hbm.at[c, pl.ds(e0, 640)])

    return k(dst, zdeg)


_NB = 3


def _sc_scatter_rows(y, src, dst, zrows):

    @functools.partial(
        pl.kernel,
        mesh=_sc_mesh(),
        out_type=jax.ShapeDtypeStruct((_NC, _N_PAD, H), jnp.float32),
        scratch_types=[
            pltpu.VMEM((_NB, _CH), jnp.int32),
            pltpu.VMEM((_NB, _CH), jnp.int32),
            pltpu.VMEM((_NB, _CH, H), jnp.float32),
            pltpu.VMEM_SHARED((_N_PAD, H), jnp.float32),
        ] + [pltpu.SemaphoreType.DMA] * (2 * _NB),
    )
    def k(y_hbm, src_hbm, dst_hbm, z_hbm, out_hbm, src_v, dst_v, rows_v, acc_sh, *sems):
        sem_i = sems[:_NB]
        sem_g = sems[_NB:]
        c = lax.axis_index("c")
        s = lax.axis_index("s")
        r0 = s * _ROWS_PER_TILE
        pltpu.sync_copy(z_hbm.at[pl.ds(r0, _ROWS_PER_TILE)],
                        acc_sh.at[pl.ds(r0, _ROWS_PER_TILE)])

        n_iter = (_CHUNKS_PER_CORE - s + _NS - 1) // _NS

        def ebase(i):
            return (c * _CHUNKS_PER_CORE + s + i * _NS) * _CH

        def idx_copies(i, b):
            return (pltpu.make_async_copy(src_hbm.at[pl.ds(ebase(i), _CH)],
                                          src_v.at[b], sem_i[b]),
                    pltpu.make_async_copy(dst_hbm.at[pl.ds(ebase(i), _CH)],
                                          dst_v.at[b], sem_i[b]))

        def gather_copy(b):
            return pltpu.make_async_copy(y_hbm.at[src_v.at[b]], rows_v.at[b],
                                         sem_g[b])

        for b in range(_NB):
            @pl.when(b < n_iter)
            def _(b=b):
                for cp in idx_copies(b, b):
                    cp.start()

        plsc.subcore_barrier()

        def group(g, carry):
            for b in range(_NB):
                i = g * _NB + b

                @pl.when(i < n_iter)
                def _(i=i, b=b):
                    for cp in idx_copies(i, b):
                        cp.wait()
                    gather_copy(b).start()
            for b in range(_NB):
                i = g * _NB + b

                @pl.when(i < n_iter)
                def _(i=i, b=b):
                    gather_copy(b).wait()
                    pltpu.sync_copy(rows_v.at[b], acc_sh.at[dst_v.at[b]], add=True)

                    @pl.when(i + _NB < n_iter)
                    def _(i=i, b=b):
                        for cp in idx_copies(i + _NB, b):
                            cp.start()
            return carry

        lax.fori_loop(0, (n_iter + _NB - 1) // _NB, group, 0)
        plsc.subcore_barrier()
        pltpu.sync_copy(acc_sh.at[pl.ds(r0, _ROWS_PER_TILE)],
                        out_hbm.at[c, pl.ds(r0, _ROWS_PER_TILE)])

    return k(y, src, dst, zrows)



def _dinv_of(degt):
    deg = degt[:, 0:1] + degt[:, 1:2] + 1.0
    return lax.rsqrt(jnp.maximum(deg, 1e-12))


def _tc_pre_body(x_ref, w_ref, degt_ref, y_ref):
    dinv = _dinv_of(degt_ref[...])
    y_ref[...] = jnp.dot(x_ref[...], w_ref[...],
                         preferred_element_type=jnp.float32) * dinv


def _tc_pre(x, W1, degt):
    return pl.pallas_call(
        _tc_pre_body,
        out_shape=jax.ShapeDtypeStruct((N_NODES, H), jnp.float32),
    )(x, W1, degt)


def _tc_mid_body(sa_ref, sb_ref, y_ref, degt_ref, b_ref, g_ref, be_ref, w_ref, o_ref):
    dinv = _dinv_of(degt_ref[...])
    t = dinv * (sa_ref[...] + sb_ref[...] + y_ref[...]) + b_ref[...]
    mu = jnp.mean(t, axis=0, keepdims=True)
    var = jnp.mean((t - mu) ** 2, axis=0, keepdims=True)
    h = (t - mu) * lax.rsqrt(var + 1e-5) * g_ref[...] + be_ref[...]
    h = jnp.maximum(h, 0.0)
    o_ref[...] = jnp.dot(h, w_ref[...], preferred_element_type=jnp.float32) * dinv


def _tc_mid(sa, sb, y, degt, b, g, be, Wn):
    return pl.pallas_call(
        _tc_mid_body,
        out_shape=jax.ShapeDtypeStruct((N_NODES, H), jnp.float32),
    )(sa, sb, y, degt, b, g, be, Wn)


def _tc_post_body(sa_ref, sb_ref, y_ref, degt_ref, b_ref, g_ref, be_ref,
                  x_ref, batch_ref, cw1_ref, cb1_ref, cw2_ref, cb2_ref, o_ref):
    dinv = _dinv_of(degt_ref[...])
    t = dinv * (sa_ref[...] + sb_ref[...] + y_ref[...]) + b_ref[...]
    mu = jnp.mean(t, axis=0, keepdims=True)
    var = jnp.mean((t - mu) ** 2, axis=0, keepdims=True)
    h = (t - mu) * lax.rsqrt(var + 1e-5) * g_ref[...] + be_ref[...]

    gids = lax.broadcasted_iota(jnp.int32, (NUM_GRAPHS, N_NODES), 0)
    onehot = (gids == batch_ref[...]).astype(jnp.float32)
    counts = jnp.sum(onehot, axis=1, keepdims=True)
    inv_cnt = 1.0 / jnp.maximum(counts, 1.0)
    ph = jnp.dot(onehot, h, preferred_element_type=jnp.float32) * inv_cnt
    px = jnp.dot(onehot, x_ref[...], preferred_element_type=jnp.float32) * inv_cnt
    comb = jnp.concatenate([ph, px], axis=1)
    z = jnp.maximum(jnp.dot(comb, cw1_ref[...],
                            preferred_element_type=jnp.float32) + cb1_ref[...], 0.0)
    o_ref[...] = jnp.dot(z, cw2_ref[...],
                         preferred_element_type=jnp.float32) + cb2_ref[...]


def _tc_post(sa, sb, y, degt, b, g, be, x, batch2d, cW1, cb1, cW2, cb2):
    return pl.pallas_call(
        _tc_post_body,
        out_shape=jax.ShapeDtypeStruct((NUM_GRAPHS, NUM_CLASSES), jnp.float32),
    )(sa, sb, y, degt, b, g, be, x, batch2d, cW1, cb1, cW2, cb2)



def kernel(x, edge_index, batch, W1, b1, W2, b2, W3, b3,
           g1, be1, g2, be2, g3, be3, cW1, cb1, cW2, cb2):
    src = edge_index[0].astype(jnp.int32)
    dst = edge_index[1].astype(jnp.int32)
    batch2d = batch.astype(jnp.int32).reshape(1, N_NODES)

    zdeg = jnp.zeros((_DEG_PAD,), jnp.float32)
    zrows = jnp.zeros((_N_PAD, H), jnp.float32)

    degp = _sc_degree(dst, zdeg)
    degt = degp[:, :N_NODES].T

    b1r, b2r, b3r = b1.reshape(1, H), b2.reshape(1, H), b3.reshape(1, H)
    g1r, g2r, g3r = g1.reshape(1, H), g2.reshape(1, H), g3.reshape(1, H)
    be1r, be2r, be3r = be1.reshape(1, H), be2.reshape(1, H), be3.reshape(1, H)
    cb1r, cb2r = cb1.reshape(1, H // 2), cb2.reshape(1, NUM_CLASSES)

    y1 = _tc_pre(x, W1, degt)
    s1 = _sc_scatter_rows(y1, src, dst, zrows)[:, :N_NODES]
    y2 = _tc_mid(s1[0], s1[1], y1, degt, b1r, g1r, be1r, W2)
    s2 = _sc_scatter_rows(y2, src, dst, zrows)[:, :N_NODES]
    y3 = _tc_mid(s2[0], s2[1], y2, degt, b2r, g2r, be2r, W3)
    s3 = _sc_scatter_rows(y3, src, dst, zrows)[:, :N_NODES]
    return _tc_post(s3[0], s3[1], y3, degt, b3r, g3r, be3r,
                    x, batch2d, cW1, cb1r, cW2, cb2r)

# --- scband reference (transcript-rebuilt; emitter-appended) ---
"""Pipeline reference for scband-gnnmodel-78847009620618 (READ-ONLY COPY).

The authoritative reference and input builder live on the scoring server;
editing this copy changes nothing except your own understanding.
"""

import jax, jax.numpy as jnp
import numpy as np

N_NODES = 10000
N_EDGES = 320000
D = 128
H = 128
NUM_CLASSES = 10
NUM_GRAPHS = 128


def setup_inputs(seed: int = 0):
    key = jax.random.key(seed)
    ks = jax.random.split(key, 12)
    x = jax.random.normal(ks[0], (N_NODES, D), dtype=jnp.float32)
    edge_index = jax.random.randint(ks[1], (2, N_EDGES), 0, N_NODES, dtype=jnp.int64)
    batch = jnp.sort(jax.random.randint(ks[2], (N_NODES,), 0, NUM_GRAPHS, dtype=jnp.int64))

    def lin(k, fan_in, fan_out):
        return jax.random.normal(k, (fan_in, fan_out), dtype=jnp.float32) * (1.0 / np.sqrt(fan_in))

    return {
        'x': x,
        'edge_index': edge_index,
        'batch': batch,
        'W1': lin(ks[3], D, H), 'b1': jnp.zeros((H,), jnp.float32),
        'W2': lin(ks[4], H, H), 'b2': jnp.zeros((H,), jnp.float32),
        'W3': lin(ks[5], H, H), 'b3': jnp.zeros((H,), jnp.float32),
        'g1': jnp.ones((H,), jnp.float32), 'be1': jnp.zeros((H,), jnp.float32),
        'g2': jnp.ones((H,), jnp.float32), 'be2': jnp.zeros((H,), jnp.float32),
        'g3': jnp.ones((H,), jnp.float32), 'be3': jnp.zeros((H,), jnp.float32),
        'cW1': lin(ks[6], H + D, H // 2), 'cb1': jnp.zeros((H // 2,), jnp.float32),
        'cW2': lin(ks[7], H // 2, NUM_CLASSES), 'cb2': jnp.zeros((NUM_CLASSES,), jnp.float32),
    }


def gcn_conv(x, src, dst, W, b):
    n = x.shape[0]
    loops = jnp.arange(n, dtype=src.dtype)
    s = jnp.concatenate([src, loops])
    d = jnp.concatenate([dst, loops])
    deg = jnp.zeros((n,), x.dtype).at[d].add(1.0)
    dinv = jax.lax.rsqrt(jnp.maximum(deg, 1e-12))
    norm = dinv[s] * dinv[d]
    xw = x @ W
    msg = xw[s] * norm[:, None]
    out = jnp.zeros((n, W.shape[1]), x.dtype).at[d].add(msg)
    return out + b


def batch_norm(x, g, b, eps=1e-5):
    mu = jnp.mean(x, axis=0)
    var = jnp.var(x, axis=0)
    return (x - mu) * jax.lax.rsqrt(var + eps) * g + b


def mean_pool(v, batch):
    s = jax.ops.segment_sum(v, batch, num_segments=NUM_GRAPHS)
    c = jax.ops.segment_sum(jnp.ones((v.shape[0], 1), v.dtype), batch, num_segments=NUM_GRAPHS)
    return s / jnp.maximum(c, 1.0)


def reference(x, edge_index, batch, W1, b1, W2, b2, W3, b3, g1, be1, g2, be2, g3, be3, cW1, cb1, cW2, cb2):
    src, dst = edge_index[0], edge_index[1]
    x_orig = x
    h = jax.nn.relu(batch_norm(gcn_conv(x, src, dst, W1, b1), g1, be1))
    h = jax.nn.relu(batch_norm(gcn_conv(h, src, dst, W2, b2), g2, be2))
    h = batch_norm(gcn_conv(h, src, dst, W3, b3), g3, be3)
    x_pooled = mean_pool(h, batch)
    x_orig_pooled = mean_pool(x_orig, batch)
    x_combined = jnp.concatenate([x_pooled, x_orig_pooled], axis=1)
    z = jax.nn.relu(x_combined @ cW1 + cb1)
    return z @ cW2 + cb2

if __name__ == "__main__":
    import jax
    _d = setup_inputs()
    print(jax.jit(kernel)(*tuple(_d.values())))

</pallas_src>

<mosaic_0001>
#map = affine_map<(d0, d1) -> (0)>
#map1 = affine_map<(d0, d1) -> (0, 0)>
module attributes {stable_mosaic.version = 14 : i64} {
  func.func @k(%arg0: i32, %arg1: i32, %arg2: memref<320000xi32, #tpu.memory_space<hbm>>, %arg3: memref<10240xf32, #tpu.memory_space<hbm>>, %arg4: memref<2x10240xf32, #tpu.memory_space<hbm>>, %arg5: memref<4x128xi32, #tpu.memory_space<vmem>>, %arg6: memref<128xf32, #tpu.memory_space<vmem>>, %arg7: memref<10240xf32, #tpu.memory_space<vmem_shared>>, %arg8: memref<!tpu.dma_semaphore, #tpu.memory_space<semaphore_mem>>, %arg9: memref<!tpu.dma_semaphore, #tpu.memory_space<semaphore_mem>>, %arg10: memref<!tpu.dma_semaphore, #tpu.memory_space<semaphore_mem>>, %arg11: memref<!tpu.dma_semaphore, #tpu.memory_space<semaphore_mem>>) attributes {dimension_semantics = [#tpu.dimension_semantics<core_parallel>, #tpu.dimension_semantics<subcore_parallel>], iteration_bounds = array<i64: 2, 16>, scalar_prefetch = 0 : i64, scratch_operands = 7 : i64, tpu.core_type = #tpu.core_type<sc_vector_subcore>, window_params = [{transform_indices = #map}, {transform_indices = #map}, {transform_indices = #map1}]} {
    %mul3A = arith.constant 640 : i32
    %mul3A_0 = arith.muli %arg1, %mul3A : i32
    "tpu.region"() ({
      %run_scoped3A = tpu.sem_alloc : memref<!tpu.dma_semaphore, #tpu.memory_space<semaphore_mem>>
      %dma_start3A = tpu.memref_slice %arg7[%mul3A_0] : memref<10240xf32, #tpu.memory_space<vmem_shared>> -> memref<640xf32, #tpu.memory_space<vmem_shared>>
      %dma_start3A_123 = tpu.memref_slice %arg3[%mul3A_0] : memref<10240xf32, #tpu.memory_space<hbm>> -> memref<640xf32, #tpu.memory_space<hbm>>
      tpu.enqueue_dma source(%dma_start3A_123 : memref<640xf32, #tpu.memory_space<hbm>>) target(%dma_start3A : memref<640xf32, #tpu.memory_space<vmem_shared>>) target_semaphore(%run_scoped3A : memref<!tpu.dma_semaphore, #tpu.memory_space<semaphore_mem>>)
      %dma_wait3A = tpu.memref_slice %arg7[%mul3A_0] : memref<10240xf32, #tpu.memory_space<vmem_shared>> -> memref<640xf32, #tpu.memory_space<vmem_shared>>
      %dma_wait3A_124 = tpu.memref_slice %arg3[%mul3A_0] : memref<10240xf32, #tpu.memory_space<hbm>> -> memref<640xf32, #tpu.memory_space<hbm>>
      tpu.wait_dma2 semaphore(%run_scoped3A : memref<!tpu.dma_semaphore, #tpu.memory_space<semaphore_mem>>) src(%dma_wait3A_124 : memref<640xf32, #tpu.memory_space<hbm>>) dst(%dma_wait3A : memref<640xf32, #tpu.memory_space<vmem_shared>>)
      tpu.yield
    }) : () -> ()
    %broadcast_in_dim3A = arith.constant 1.000000e+00 : f32
    %broadcast_in_dim3A_1 = vector.broadcast %broadcast_in_dim3A : f32 to vector<16xf32>
    %swap3A = arith.constant 0 : index
    %swap3A_2 = tpu.vector_load %arg6[%swap3A] {strides = array<i32>} : memref<128xf32, #tpu.memory_space<vmem>>, vector<16xf32>,
    %swap3A_3 = vector.shape_cast %swap3A_2 : vector<16xf32> to vector<16xf32>
    %swap3A_4 = vector.shape_cast %broadcast_in_dim3A_1 : vector<16xf32> to vector<16xf32>
    tpu.vector_store %arg6[%swap3A], %swap3A_4 {strides = array<i32>} : memref<128xf32, #tpu.memory_space<vmem>>, vector<16xf32>,
    %broadcast_in_dim3A_5 = arith.constant 1.000000e+00 : f32
    %broadcast_in_dim3A_6 = vector.broadcast %broadcast_in_dim3A_5 : f32 to vector<16xf32>
    %swap3A_7 = arith.constant 16 : index
    %swap3A_8 = tpu.vector_load %arg6[%swap3A_7] {strides = array<i32>} : memref<128xf32, #tpu.memory_space<vmem>>, vector<16xf32>,
    %swap3A_9 = vector.shape_cast %swap3A_8 : vector<16xf32> to vector<16xf32>
    %swap3A_10 = vector.shape_cast %broadcast_in_dim3A_6 : vector<16xf32> to vector<16xf32>
    tpu.vector_store %arg6[%swap3A_7], %swap3A_10 {strides = array<i32>} : memref<128xf32, #tpu.memory_space<vmem>>, vector<16xf32>,
    %broadcast_in_dim3A_11 = arith.constant 1.000000e+00 : f32
    %broadcast_in_dim3A_12 = vector.broadcast %broadcast_in_dim3A_11 : f32 to vector<16xf32>
    %swap3A_13 = arith.constant 32 : index
    %swap3A_14 = tpu.vector_load %arg6[%swap3A_13] {strides = array<i32>} : memref<128xf32, #tpu.memory_space<vmem>>, vector<16xf32>,
    %swap3A_15 = vector.shape_cast %swap3A_14 : vector<16xf32> to vector<16xf32>
    %swap3A_16 = vector.shape_cast %broadcast_in_dim3A_12 : vector<16xf32> to vector<16xf32>
    tpu.vector_store %arg6[%swap3A_13], %swap3A_16 {strides = array<i32>} : memref<128xf32, #tpu.memory_space<vmem>>, vector<16xf32>,
    %broadcast_in_dim3A_17 = arith.constant 1.000000e+00 : f32
    %broadcast_in_dim3A_18 = vector.broadcast %broadcast_in_dim3A_17 : f32 to vector<16xf32>
    %swap3A_19 = arith.constant 48 : index
    %swap3A_20 = tpu.vector_load %arg6[%swap3A_19] {strides = array<i32>} : memref<128xf32, #tpu.memory_space<vmem>>, vector<16xf32>,
    %swap3A_21 = vector.shape_cast %swap3A_20 : vector<16xf32> to vector<16xf32>
    %swap3A_22 = vector.shape_cast %broadcast_in_dim3A_18 : vector<16xf32> to vector<16xf32>
    tpu.vector_store %arg6[%swap3A_19], %swap3A_22 {strides = array<i32>} : memref<128xf32, #tpu.memory_space<vmem>>, vector<16xf32>,
    %broadcast_in_dim3A_23 = arith.constant 1.000000e+00 : f32
    %broadcast_in_dim3A_24 = vector.broadcast %broadcast_in_dim3A_23 : f32 to vector<16xf32>
    %swap3A_25 = arith.constant 64 : index
    %swap3A_26 = tpu.vector_load %arg6[%swap3A_25] {strides = array<i32>} : memref<128xf32, #tpu.memory_space<vmem>>, vector<16xf32>,
    %swap3A_27 = vector.shape_cast %swap3A_26 : vector<16xf32> to vector<16xf32>
    %swap3A_28 = vector.shape_cast %broadcast_in_dim3A_24 : vector<16xf32> to vector<16xf32>
    tpu.vector_store %arg6[%swap3A_25], %swap3A_28 {strides = array<i32>} : memref<128xf32, #tpu.memory_space<vmem>>, vector<16xf32>,
    %broadcast_in_dim3A_29 = arith.constant 1.000000e+00 : f32
    %broadcast_in_dim3A_30 = vector.broadcast %broadcast_in_dim3A_29 : f32 to vector<16xf32>
    %swap3A_31 = arith.constant 80 : index
    %swap3A_32 = tpu.vector_load %arg6[%swap3A_31] {strides = array<i32>} : memref<128xf32, #tpu.memory_space<vmem>>, vector<16xf32>,
    %swap3A_33 = vector.shape_cast %swap3A_32 : vector<16xf32> to vector<16xf32>
    %swap3A_34 = vector.shape_cast %broadcast_in_dim3A_30 : vector<16xf32> to vector<16xf32>
    tpu.vector_store %arg6[%swap3A_31], %swap3A_34 {strides = array<i32>} : memref<128xf32, #tpu.memory_space<vmem>>, vector<16xf32>,
    %broadcast_in_dim3A_35 = arith.constant 1.000000e+00 : f32
    %broadcast_in_dim3A_36 = vector.broadcast %broadcast_in_dim3A_35 : f32 to vector<16xf32>
    %swap3A_37 = arith.constant 96 : index
    %swap3A_38 = tpu.vector_load %arg6[%swap3A_37] {strides = array<i32>} : memref<128xf32, #tpu.memory_space<vmem>>, vector<16xf32>,
    %swap3A_39 = vector.shape_cast %swap3A_38 : vector<16xf32> to vector<16xf32>
    %swap3A_40 = vector.shape_cast %broadcast_in_dim3A_36 : vector<16xf32> to vector<16xf32>
    tpu.vector_store %arg6[%swap3A_37], %swap3A_40 {strides = array<i32>} : memref<128xf32, #tpu.memory_space<vmem>>, vector<16xf32>,
    %broadcast_in_dim3A_41 = arith.constant 1.000000e+00 : f32
    %broadcast_in_dim3A_42 = vector.broadcast %broadcast_in_dim3A_41 : f32 to vector<16xf32>
    %swap3A_43 = arith.constant 112 : index
    %swap3A_44 = tpu.vector_load %arg6[%swap3A_43] {strides = array<i32>} : memref<128xf32, #tpu.memory_space<vmem>>, vector<16xf32>,
    %swap3A_45 = vector.shape_cast %swap3A_44 : vector<16xf32> to vector<16xf32>
    %swap3A_46 = vector.shape_cast %broadcast_in_dim3A_42 : vector<16xf32> to vector<16xf32>
    tpu.vector_store %arg6[%swap3A_43], %swap3A_46 {strides = array<i32>} : memref<128xf32, #tpu.memory_space<vmem>>, vector<16xf32>,
    %sub3A = arith.constant 1250 : i32
    %sub3A_47 = arith.subi %sub3A, %arg1 : i32
    %add3A = arith.constant 16 : i32
    %add3A_48 = arith.addi %sub3A_47, %add3A : i32
    %sub3A_49 = arith.constant 1 : i32
    %sub3A_50 = arith.subi %add3A_48, %sub3A_49 : i32
    %jit3A = arith.constant 16 : i32
    %div3A = arith.divsi %sub3A_50, %jit3A : i32
    %sign3A = arith.constant 0 : i32
    %sign3A_51 = arith.cmpi sgt, %sub3A_50, %sign3A : i32
    %sign3A_52 = arith.extui %sign3A_51 : i1 to i32
    %sign3A_53 = arith.constant 0 : i32
    %sign3A_54 = arith.cmpi slt, %sub3A_50, %sign3A_53 : i32
    %sign3A_55 = arith.extui %sign3A_54 : i1 to i32
    %sign3A_56 = arith.subi %sign3A_52, %sign3A_55 : i32
    %sign3A_57 = arith.constant 0 : i32
    %sign3A_58 = arith.cmpi sgt, %jit3A, %sign3A_57 : i32
    %sign3A_59 = arith.extui %sign3A_58 : i1 to i32
    %sign3A_60 = arith.constant 0 : i32
    %sign3A_61 = arith.cmpi slt, %jit3A, %sign3A_60 : i32
    %sign3A_62 = arith.extui %sign3A_61 : i1 to i32
    %sign3A_63 = arith.subi %sign3A_59, %sign3A_62 : i32
    %ne3A = arith.cmpi ne, %sign3A_56, %sign3A_63 : i32
    %rem3A = arith.remsi %sub3A_50, %jit3A : i32
    %ne3A_64 = arith.constant 0 : i32
    %ne3A_65 = arith.cmpi ne, %rem3A, %ne3A_64 : i32
    %and3A = arith.andi %ne3A, %ne3A_65 : i1
    %sub3A_66 = arith.constant 1 : i32
    %sub3A_67 = arith.subi %div3A, %sub3A_66 : i32
    %select_n3A = arith.select %and3A, %sub3A_67, %div3A : i32
    %gt3A = arith.constant 0 : i32
    %gt3A_68 = arith.cmpi sgt, %select_n3A, %gt3A : i32
    %convert_element_type3A = arith.extui %gt3A_68 : i1 to i32
    %cond3A = arith.constant 0 : i32
    %cond3A_69 = arith.cmpi ne, %convert_element_type3A, %cond3A : i32
    scf.if %cond3A_69 {
      %mul3A_123 = arith.constant 1250 : i32
      %mul3A_124 = arith.muli %arg0, %mul3A_123 : i32
      %add3A_125 = arith.addi %mul3A_124, %arg1 : i32
      %add3A_126 = arith.constant 0 : i32
      %add3A_127 = arith.addi %add3A_125, %add3A_126 : i32
      %mul3A_128 = arith.constant 128 : i32
      %mul3A_129 = arith.muli %add3A_127, %mul3A_128 : i32
      %dma_start3A = arith.constant 0 : i32
      %dma_start3A_130 = arith.constant 0 : i32
      %dma_start3A_131 = tpu.memref_slice %arg5[%dma_start3A, %dma_start3A_130] : memref<4x128xi32, #tpu.memory_space<vmem>> -> memref<1x128xi32, #tpu.memory_space<vmem>>
      %dma_start3A_132 = tpu.memref_squeeze %dma_start3A_131 : memref<1x128xi32, #tpu.memory_space<vmem>> -> memref<128xi32, #tpu.memory_space<vmem>>
      %dma_start3A_133 = tpu.memref_slice %arg2[%mul3A_129] : memref<320000xi32, #tpu.memory_space<hbm>> -> memref<128xi32, #tpu.memory_space<hbm>>
      %dma_start3A_134 = arith.constant 0 : i32
      %dma_start3A_135 = tpu.memref_slice %arg5[%dma_start3A, %dma_start3A_134] : memref<4x128xi32, #tpu.memory_space<vmem>> -> memref<1x128xi32, #tpu.memory_space<vmem>>
      %dma_start3A_136 = tpu.memref_squeeze %dma_start3A_135 : memref<1x128xi32, #tpu.memory_space<vmem>> -> memref<128xi32, #tpu.memory_space<vmem>>
      %dma_start3A_137 = tpu.memref_slice %arg2[%mul3A_129] : memref<320000xi32, #tpu.memory_space<hbm>> -> memref<128xi32, #tpu.memory_space<hbm>>
      tpu.enqueue_dma source(%dma_start3A_137 : memref<128xi32, #tpu.memory_space<hbm>>) target(%dma_start3A_136 : memref<128xi32, #tpu.memory_space<vmem>>) target_semaphore(%arg8 : memref<!tpu.dma_semaphore, #tpu.memory_space<semaphore_mem>>)
    } else {
    }
    %gt3A_70 = arith.constant 1 : i32
    %gt3A_71 = arith.cmpi sgt, %select_n3A, %gt3A_70 : i32
    %convert_element_type3A_72 = arith.extui %gt3A_71 : i1 to i32
    %cond3A_73 = arith.constant 0 : i32
    %cond3A_74 = arith.cmpi ne, %convert_element_type3A_72, %cond3A_73 : i32
    scf.if %cond3A_74 {
      %mul3A_123 = arith.constant 1250 : i32
      %mul3A_124 = arith.muli %arg0, %mul3A_123 : i32
      %add3A_125 = arith.addi %mul3A_124, %arg1 : i32
      %add3A_126 = arith.constant 16 : i32
      %add3A_127 = arith.addi %add3A_125, %add3A_126 : i32
      %mul3A_128 = arith.constant 128 : i32
      %mul3A_129 = arith.muli %add3A_127, %mul3A_128 : i32
      %dma_start3A = arith.constant 1 : i32
      %dma_start3A_130 = arith.constant 0 : i32
      %dma_start3A_131 = tpu.memref_slice %arg5[%dma_start3A, %dma_start3A_130] : memref<4x128xi32, #tpu.memory_space<vmem>> -> memref<1x128xi32, #tpu.memory_space<vmem>>
      %dma_start3A_132 = tpu.memref_squeeze %dma_start3A_131 : memref<1x128xi32, #tpu.memory_space<vmem>> -> memref<128xi32, #tpu.memory_space<vmem>>
      %dma_start3A_133 = tpu.memref_slice %arg2[%mul3A_129] : memref<320000xi32, #tpu.memory_space<hbm>> -> memref<128xi32, #tpu.memory_space<hbm>>
      %dma_start3A_134 = arith.constant 0 : i32
      %dma_start3A_135 = tpu.memref_slice %arg5[%dma_start3A, %dma_start3A_134] : memref<4x128xi32, #tpu.memory_space<vmem>> -> memref<1x128xi32, #tpu.memory_space<vmem>>
      %dma_start3A_136 = tpu.memref_squeeze %dma_start3A_135 : memref<1x128xi32, #tpu.memory_space<vmem>> -> memref<128xi32, #tpu.memory_space<vmem>>
      %dma_start3A_137 = tpu.memref_slice %arg2[%mul3A_129] : memref<320000xi32, #tpu.memory_space<hbm>> -> memref<128xi32, #tpu.memory_space<hbm>>
      tpu.enqueue_dma source(%dma_start3A_137 : memref<128xi32, #tpu.memory_space<hbm>>) target(%dma_start3A_136 : memref<128xi32, #tpu.memory_space<vmem>>) target_semaphore(%arg9 : memref<!tpu.dma_semaphore, #tpu.memory_space<semaphore_mem>>)
    } else {
    }
    %gt3A_75 = arith.constant 2 : i32
    %gt3A_76 = arith.cmpi sgt, %select_n3A, %gt3A_75 : i32
    %convert_element_type3A_77 = arith.extui %gt3A_76 : i1 to i32
    %cond3A_78 = arith.constant 0 : i32
    %cond3A_79 = arith.cmpi ne, %convert_element_type3A_77, %cond3A_78 : i32
    scf.if %cond3A_79 {
      %mul3A_123 = arith.constant 1250 : i32
      %mul3A_124 = arith.muli %arg0, %mul3A_123 : i32
      %add3A_125 = arith.addi %mul3A_124, %arg1 : i32
      %add3A_126 = arith.constant 32 : i32
      %add3A_127 = arith.addi %add3A_125, %add3A_126 : i32
      %mul3A_128 = arith.constant 128 : i32
      %mul3A_129 = arith.muli %add3A_127, %mul3A_128 : i32
      %dma_start3A = arith.constant 2 : i32
      %dma_start3A_130 = arith.constant 0 : i32
      %dma_start3A_131 = tpu.memref_slice %arg5[%dma_start3A, %dma_start3A_130] : memref<4x128xi32, #tpu.memory_space<vmem>> -> memref<1x128xi32, #tpu.memory_space<vmem>>
      %dma_start3A_132 = tpu.memref_squeeze %dma_start3A_131 : memref<1x128xi32, #tpu.memory_space<vmem>> -> memref<128xi32, #tpu.memory_space<vmem>>
      %dma_start3A_133 = tpu.memref_slice %arg2[%mul3A_129] : memref<320000xi32, #tpu.memory_space<hbm>> -> memref<128xi32, #tpu.memory_space<hbm>>
      %dma_start3A_134 = arith.constant 0 : i32
      %dma_start3A_135 = tpu.memref_slice %arg5[%dma_start3A, %dma_start3A_134] : memref<4x128xi32, #tpu.memory_space<vmem>> -> memref<1x128xi32, #tpu.memory_space<vmem>>
      %dma_start3A_136 = tpu.memref_squeeze %dma_start3A_135 : memref<1x128xi32, #tpu.memory_space<vmem>> -> memref<128xi32, #tpu.memory_space<vmem>>
      %dma_start3A_137 = tpu.memref_slice %arg2[%mul3A_129] : memref<320000xi32, #tpu.memory_space<hbm>> -> memref<128xi32, #tpu.memory_space<hbm>>
      tpu.enqueue_dma source(%dma_start3A_137 : memref<128xi32, #tpu.memory_space<hbm>>) target(%dma_start3A_136 : memref<128xi32, #tpu.memory_space<vmem>>) target_semaphore(%arg10 : memref<!tpu.dma_semaphore, #tpu.memory_space<semaphore_mem>>)
    } else {
    }
    %gt3A_80 = arith.constant 3 : i32
    %gt3A_81 = arith.cmpi sgt, %select_n3A, %gt3A_80 : i32
    %convert_element_type3A_82 = arith.extui %gt3A_81 : i1 to i32
    %cond3A_83 = arith.constant 0 : i32
    %cond3A_84 = arith.cmpi ne, %convert_element_type3A_82, %cond3A_83 : i32
    scf.if %cond3A_84 {
      %mul3A_123 = arith.constant 1250 : i32
      %mul3A_124 = arith.muli %arg0, %mul3A_123 : i32
      %add3A_125 = arith.addi %mul3A_124, %arg1 : i32
      %add3A_126 = arith.constant 48 : i32
      %add3A_127 = arith.addi %add3A_125, %add3A_126 : i32
      %mul3A_128 = arith.constant 128 : i32
      %mul3A_129 = arith.muli %add3A_127, %mul3A_128 : i32
      %dma_start3A = arith.constant 3 : i32
      %dma_start3A_130 = arith.constant 0 : i32
      %dma_start3A_131 = tpu.memref_slice %arg5[%dma_start3A, %dma_start3A_130] : memref<4x128xi32, #tpu.memory_space<vmem>> -> memref<1x128xi32, #tpu.memory_space<vmem>>
      %dma_start3A_132 = tpu.memref_squeeze %dma_start3A_131 : memref<1x128xi32, #tpu.memory_space<vmem>> -> memref<128xi32, #tpu.memory_space<vmem>>
      %dma_start3A_133 = tpu.memref_slice %arg2[%mul3A_129] : memref<320000xi32, #tpu.memory_space<hbm>> -> memref<128xi32, #tpu.memory_space<hbm>>
      %dma_start3A_134 = arith.constant 0 : i32
      %dma_start3A_135 = tpu.memref_slice %arg5[%dma_start3A, %dma_start3A_134] : memref<4x128xi32, #tpu.memory_space<vmem>> -> memref<1x128xi32, #tpu.memory_space<vmem>>
      %dma_start3A_136 = tpu.memref_squeeze %dma_start3A_135 : memref<1x128xi32, #tpu.memory_space<vmem>> -> memref<128xi32, #tpu.memory_space<vmem>>
      %dma_start3A_137 = tpu.memref_slice %arg2[%mul3A_129] : memref<320000xi32, #tpu.memory_space<hbm>> -> memref<128xi32, #tpu.memory_space<hbm>>
      tpu.enqueue_dma source(%dma_start3A_137 : memref<128xi32, #tpu.memory_space<hbm>>) target(%dma_start3A_136 : memref<128xi32, #tpu.memory_space<vmem>>) target_semaphore(%arg11 : memref<!tpu.dma_semaphore, #tpu.memory_space<semaphore_mem>>)
    } else {
    }
    %barrier3A = arith.constant 0 : index
    tpu.barrier barrier_id(%barrier3A)
    %add3A_85 = arith.constant 4 : i32
    %add3A_86 = arith.addi %select_n3A, %add3A_85 : i32
    %sub3A_87 = arith.constant 1 : i32
    %sub3A_88 = arith.subi %add3A_86, %sub3A_87 : i32
    %jit3A_89 = arith.constant 4 : i32
    %div3A_90 = arith.divsi %sub3A_88, %jit3A_89 : i32
    %sign3A_91 = arith.constant 0 : i32
    %sign3A_92 = arith.cmpi sgt, %sub3A_88, %sign3A_91 : i32
    %sign3A_93 = arith.extui %sign3A_92 : i1 to i32
    %sign3A_94 = arith.constant 0 : i32
    %sign3A_95 = arith.cmpi slt, %sub3A_88, %sign3A_94 : i32
    %sign3A_96 = arith.extui %sign3A_95 : i1 to i32
    %sign3A_97 = arith.subi %sign3A_93, %sign3A_96 : i32
    %sign3A_98 = arith.constant 0 : i32
    %sign3A_99 = arith.cmpi sgt, %jit3A_89, %sign3A_98 : i32
    %sign3A_100 = arith.extui %sign3A_99 : i1 to i32
    %sign3A_101 = arith.constant 0 : i32
    %sign3A_102 = arith.cmpi slt, %jit3A_89, %sign3A_101 : i32
    %sign3A_103 = arith.extui %sign3A_102 : i1 to i32
    %sign3A_104 = arith.subi %sign3A_100, %sign3A_103 : i32
    %ne3A_105 = arith.cmpi ne, %sign3A_97, %sign3A_104 : i32
    %rem3A_106 = arith.remsi %sub3A_88, %jit3A_89 : i32
    %ne3A_107 = arith.constant 0 : i32
    %ne3A_108 = arith.cmpi ne, %rem3A_106, %ne3A_107 : i32
    %and3A_109 = arith.andi %ne3A_105, %ne3A_108 : i1
    %sub3A_110 = arith.constant 1 : i32
    %sub3A_111 = arith.subi %div3A_90, %sub3A_110 : i32
    %select_n3A_112 = arith.select %and3A_109, %sub3A_111, %div3A_90 : i32
    %while3A = arith.constant 0 : i32
    %while3A_113 = arith.constant 0 : i32
    %while3A_114 = arith.subi %select_n3A_112, %while3A_113 : i32
    %while3A_115 = arith.addi %while3A_113, %while3A_114 : i32
    %while3A_116 = arith.constant 1 : i32
    %while3A_117 = arith.divsi %while3A_114, %while3A_116 : i32
    %while3A_118 = arith.muli %while3A_117, %while3A_116 : i32
    %while3A_119 = arith.addi %while3A_113, %while3A_118 : i32
    %while3A_120 = arith.constant 1 : i32
    scf.for %while3A_123 = %while3A_113 to %while3A_119 step %while3A_120  : i32 {
      %mul3A_124 = arith.constant 4 : i32
      %mul3A_125 = arith.muli %while3A_123, %mul3A_124 : i32
      %add3A_126 = arith.constant 0 : i32
      %add3A_127 = arith.addi %mul3A_125, %add3A_126 : i32
      %lt3A = arith.cmpi slt, %add3A_127, %select_n3A : i32
      %convert_element_type3A_128 = arith.extui %lt3A : i1 to i32
      %cond3A_129 = arith.constant 0 : i32
      %cond3A_130 = arith.cmpi ne, %convert_element_type3A_128, %cond3A_129 : i32
      scf.if %cond3A_130 {
        %mul3A_155 = arith.constant 1250 : i32
        %mul3A_156 = arith.muli %arg0, %mul3A_155 : i32
        %add3A_157 = arith.addi %mul3A_156, %arg1 : i32
        %mul3A_158 = arith.constant 16 : i32
        %mul3A_159 = arith.muli %add3A_127, %mul3A_158 : i32
        %add3A_160 = arith.addi %add3A_157, %mul3A_159 : i32
        %mul3A_161 = arith.constant 128 : i32
        %mul3A_162 = arith.muli %add3A_160, %mul3A_161 : i32
        %dma_wait3A = arith.constant 0 : i32
        %dma_wait3A_163 = arith.constant 0 : i32
        %dma_wait3A_164 = tpu.memref_slice %arg5[%dma_wait3A, %dma_wait3A_163] : memref<4x128xi32, #tpu.memory_space<vmem>> -> memref<1x128xi32, #tpu.memory_space<vmem>>
        %dma_wait3A_165 = tpu.memref_squeeze %dma_wait3A_164 : memref<1x128xi32, #tpu.memory_space<vmem>> -> memref<128xi32, #tpu.memory_space<vmem>>
        %dma_wait3A_166 = tpu.memref_slice %arg2[%mul3A_162] : memref<320000xi32, #tpu.memory_space<hbm>> -> memref<128xi32, #tpu.memory_space<hbm>>
        %dma_wait3A_167 = arith.constant 0 : i32
        %dma_wait3A_168 = tpu.memref_slice %arg5[%dma_wait3A, %dma_wait3A_167] : memref<4x128xi32, #tpu.memory_space<vmem>> -> memref<1x128xi32, #tpu.memory_space<vmem>>
        %dma_wait3A_169 = tpu.memref_squeeze %dma_wait3A_168 : memref<1x128xi32, #tpu.memory_space<vmem>> -> memref<128xi32, #tpu.memory_space<vmem>>
        %dma_wait3A_170 = tpu.memref_slice %arg2[%mul3A_162] : memref<320000xi32, #tpu.memory_space<hbm>> -> memref<128xi32, #tpu.memory_space<hbm>>
        tpu.wait_dma2 semaphore(%arg8 : memref<!tpu.dma_semaphore, #tpu.memory_space<semaphore_mem>>) src(%dma_wait3A_170 : memref<128xi32, #tpu.memory_space<hbm>>) dst(%dma_wait3A_169 : memref<128xi32, #tpu.memory_space<vmem>>)
        %run_scoped3A = arith.constant 0 : i32
        "tpu.region"() ({
          %run_scoped3A_177 = tpu.sem_alloc : memref<!tpu.dma_semaphore, #tpu.memory_space<semaphore_mem>>
          %dma_start3A = arith.constant 0 : i32
          %dma_start3A_178 = tpu.memref_slice %arg5[%run_scoped3A, %dma_start3A] : memref<4x128xi32, #tpu.memory_space<vmem>> -> memref<1x128xi32, #tpu.memory_space<vmem>>
          %dma_start3A_179 = tpu.memref_squeeze %dma_start3A_178 : memref<1x128xi32, #tpu.memory_space<vmem>> -> memref<128xi32, #tpu.memory_space<vmem>>
          %dma_start3A_180 = arith.constant 0 : i32
          %dma_start3A_181 = tpu.memref_slice %arg7[%dma_start3A_180] : memref<10240xf32, #tpu.memory_space<vmem_shared>> -> memref<10240xf32, #tpu.memory_space<vmem_shared>>
          tpu.enqueue_indirect_dma source(%arg6 : memref<128xf32, #tpu.memory_space<vmem>>) target(%dma_start3A_181 : memref<10240xf32, #tpu.memory_space<vmem_shared>>) offsets(%dma_start3A_179 : memref<128xi32, #tpu.memory_space<vmem>>) semaphore(%run_scoped3A_177 : memref<!tpu.dma_semaphore, #tpu.memory_space<semaphore_mem>>) {add = true}
          %dma_wait3A_182 = arith.constant 0 : i32
          %dma_wait3A_183 = tpu.memref_slice %arg5[%run_scoped3A, %dma_wait3A_182] : memref<4x128xi32, #tpu.memory_space<vmem>> -> memref<1x128xi32, #tpu.memory_space<vmem>>
          %dma_wait3A_184 = tpu.memref_squeeze %dma_wait3A_183 : memref<1x128xi32, #tpu.memory_space<vmem>> -> memref<128xi32, #tpu.memory_space<vmem>>
          %dma_wait3A_185 = arith.constant 0 : i32
          %dma_wait3A_186 = tpu.memref_slice %arg7[%dma_wait3A_185] : memref<10240xf32, #tpu.memory_space<vmem_shared>> -> memref<10240xf32, #tpu.memory_space<vmem_shared>>
          tpu.wait_indirect_dma semaphore(%run_scoped3A_177 : memref<!tpu.dma_semaphore, #tpu.memory_space<semaphore_mem>>) src(%arg6 : memref<128xf32, #tpu.memory_space<vmem>>) dst(%dma_wait3A_186 : memref<10240xf32, #tpu.memory_space<vmem_shared>>)
          tpu.yield
        }) : () -> ()
        %add3A_171 = arith.constant 4 : i32
        %add3A_172 = arith.addi %add3A_127, %add3A_171 : i32
        %lt3A_173 = arith.cmpi slt, %add3A_172, %select_n3A : i32
        %convert_element_type3A_174 = arith.extui %lt3A_173 : i1 to i32
        %cond3A_175 = arith.constant 0 : i32
        %cond3A_176 = arith.cmpi ne, %convert_element_type3A_174, %cond3A_175 : i32
        scf.if %cond3A_176 {
          %add3A_177 = arith.constant 4 : i32
          %add3A_178 = arith.addi %add3A_127, %add3A_177 : i32
          %mul3A_179 = arith.constant 1250 : i32
          %mul3A_180 = arith.muli %arg0, %mul3A_179 : i32
          %add3A_181 = arith.addi %mul3A_180, %arg1 : i32
          %mul3A_182 = arith.constant 16 : i32
          %mul3A_183 = arith.muli %add3A_178, %mul3A_182 : i32
          %add3A_184 = arith.addi %add3A_181, %mul3A_183 : i32
          %mul3A_185 = arith.constant 128 : i32
          %mul3A_186 = arith.muli %add3A_184, %mul3A_185 : i32
          %dma_start3A = arith.constant 0 : i32
          %dma_start3A_187 = arith.constant 0 : i32
          %dma_start3A_188 = tpu.memref_slice %arg5[%dma_start3A, %dma_start3A_187] : memref<4x128xi32, #tpu.memory_space<vmem>> -> memref<1x128xi32, #tpu.memory_space<vmem>>
          %dma_start3A_189 = tpu.memref_squeeze %dma_start3A_188 : memref<1x128xi32, #tpu.memory_space<vmem>> -> memref<128xi32, #tpu.memory_space<vmem>>
          %dma_start3A_190 = tpu.memref_slice %arg2[%mul3A_186] : memref<320000xi32, #tpu.memory_space<hbm>> -> memref<128xi32, #tpu.memory_space<hbm>>
          %dma_start3A_191 = arith.constant 0 : i32
          %dma_start3A_192 = tpu.memref_slice %arg5[%dma_start3A, %dma_start3A_191] : memref<4x128xi32, #tpu.memory_space<vmem>> -> memref<1x128xi32, #tpu.memory_space<vmem>>
          %dma_start3A_193 = tpu.memref_squeeze %dma_start3A_192 : memref<1x128xi32, #tpu.memory_space<vmem>> -> memref<128xi32, #tpu.memory_space<vmem>>
          %dma_start3A_194 = tpu.memref_slice %arg2[%mul3A_186] : memref<320000xi32, #tpu.memory_space<hbm>> -> memref<128xi32, #tpu.memory_space<hbm>>
          tpu.enqueue_dma source(%dma_start3A_194 : memref<128xi32, #tpu.memory_space<hbm>>) target(%dma_start3A_193 : memref<128xi32, #tpu.memory_space<vmem>>) target_semaphore(%arg8 : memref<!tpu.dma_semaphore, #tpu.memory_space<semaphore_mem>>)
        } else {
        }
      } else {
      }
      %mul3A_131 = arith.constant 4 : i32
      %mul3A_132 = arith.muli %while3A_123, %mul3A_131 : i32
      %add3A_133 = arith.constant 1 : i32
      %add3A_134 = arith.addi %mul3A_132, %add3A_133 : i32
      %lt3A_135 = arith.cmpi slt, %add3A_134, %select_n3A : i32
      %convert_element_type3A_136 = arith.extui %lt3A_135 : i1 to i32
      %cond3A_137 = arith.constant 0 : i32
      %cond3A_138 = arith.cmpi ne, %convert_element_type3A_136, %cond3A_137 : i32
      scf.if %cond3A_138 {
        %mul3A_155 = arith.constant 1250 : i32
        %mul3A_156 = arith.muli %arg0, %mul3A_155 : i32
        %add3A_157 = arith.addi %mul3A_156, %arg1 : i32
        %mul3A_158 = arith.constant 16 : i32
        %mul3A_159 = arith.muli %add3A_134, %mul3A_158 : i32
        %add3A_160 = arith.addi %add3A_157, %mul3A_159 : i32
        %mul3A_161 = arith.constant 128 : i32
        %mul3A_162 = arith.muli %add3A_160, %mul3A_161 : i32
        %dma_wait3A = arith.constant 1 : i32
        %dma_wait3A_163 = arith.constant 0 : i32
        %dma_wait3A_164 = tpu.memref_slice %arg5[%dma_wait3A, %dma_wait3A_163] : memref<4x128xi32, #tpu.memory_space<vmem>> -> memref<1x128xi32, #tpu.memory_space<vmem>>
        %dma_wait3A_165 = tpu.memref_squeeze %dma_wait3A_164 : memref<1x128xi32, #tpu.memory_space<vmem>> -> memref<128xi32, #tpu.memory_space<vmem>>
        %dma_wait3A_166 = tpu.memref_slice %arg2[%mul3A_162] : memref<320000xi32, #tpu.memory_space<hbm>> -> memref<128xi32, #tpu.memory_space<hbm>>
        %dma_wait3A_167 = arith.constant 0 : i32
        %dma_wait3A_168 = tpu.memref_slice %arg5[%dma_wait3A, %dma_wait3A_167] : memref<4x128xi32, #tpu.memory_space<vmem>> -> memref<1x128xi32, #tpu.memory_space<vmem>>
        %dma_wait3A_169 = tpu.memref_squeeze %dma_wait3A_168 : memref<1x128xi32, #tpu.memory_space<vmem>> -> memref<128xi32, #tpu.memory_space<vmem>>
        %dma_wait3A_170 = tpu.memref_slice %arg2[%mul3A_162] : memref<320000xi32, #tpu.memory_space<hbm>> -> memref<128xi32, #tpu.memory_space<hbm>>
        tpu.wait_dma2 semaphore(%arg9 : memref<!tpu.dma_semaphore, #tpu.memory_space<semaphore_mem>>) src(%dma_wait3A_170 : memref<128xi32, #tpu.memory_space<hbm>>) dst(%dma_wait3A_169 : memref<128xi32, #tpu.memory_space<vmem>>)
        %run_scoped3A = arith.constant 1 : i32
        "tpu.region"() ({
          %run_scoped3A_177 = tpu.sem_alloc : memref<!tpu.dma_semaphore, #tpu.memory_space<semaphore_mem>>
          %dma_start3A = arith.constant 0 : i32
          %dma_start3A_178 = tpu.memref_slice %arg5[%run_scoped3A, %dma_start3A] : memref<4x128xi32, #tpu.memory_space<vmem>> -> memref<1x128xi32, #tpu.memory_space<vmem>>
          %dma_start3A_179 = tpu.memref_squeeze %dma_start3A_178 : memref<1x128xi32, #tpu.memory_space<vmem>> -> memref<128xi32, #tpu.memory_space<vmem>>
          %dma_start3A_180 = arith.constant 0 : i32
          %dma_start3A_181 = tpu.memref_slice %arg7[%dma_start3A_180] : memref<10240xf32, #tpu.memory_space<vmem_shared>> -> memref<10240xf32, #tpu.memory_space<vmem_shared>>
          tpu.enqueue_indirect_dma source(%arg6 : memref<128xf32, #tpu.memory_space<vmem>>) target(%dma_start3A_181 : memref<10240xf32, #tpu.memory_space<vmem_shared>>) offsets(%dma_start3A_179 : memref<128xi32, #tpu.memory_space<vmem>>) semaphore(%run_scoped3A_177 : memref<!tpu.dma_semaphore, #tpu.memory_space<semaphore_mem>>) {add = true}
          %dma_wait3A_182 = arith.constant 0 : i32
          %dma_wait3A_183 = tpu.memref_slice %arg5[%run_scoped3A, %dma_wait3A_182] : memref<4x128xi32, #tpu.memory_space<vmem>> -> memref<1x128xi32, #tpu.memory_space<vmem>>
          %dma_wait3A_184 = tpu.memref_squeeze %dma_wait3A_183 : memref<1x128xi32, #tpu.memory_space<vmem>> -> memref<128xi32, #tpu.memory_space<vmem>>
          %dma_wait3A_185 = arith.constant 0 : i32
          %dma_wait3A_186 = tpu.memref_slice %arg7[%dma_wait3A_185] : memref<10240xf32, #tpu.memory_space<vmem_shared>> -> memref<10240xf32, #tpu.memory_space<vmem_shared>>
          tpu.wait_indirect_dma semaphore(%run_scoped3A_177 : memref<!tpu.dma_semaphore, #tpu.memory_space<semaphore_mem>>) src(%arg6 : memref<128xf32, #tpu.memory_space<vmem>>) dst(%dma_wait3A_186 : memref<10240xf32, #tpu.memory_space<vmem_shared>>)
          tpu.yield
        }) : () -> ()
        %add3A_171 = arith.constant 4 : i32
        %add3A_172 = arith.addi %add3A_134, %add3A_171 : i32
        %lt3A_173 = arith.cmpi slt, %add3A_172, %select_n3A : i32
        %convert_element_type3A_174 = arith.extui %lt3A_173 : i1 to i32
        %cond3A_175 = arith.constant 0 : i32
        %cond3A_176 = arith.cmpi ne, %convert_element_type3A_174, %cond3A_175 : i32
        scf.if %cond3A_176 {
          %add3A_177 = arith.constant 4 : i32
          %add3A_178 = arith.addi %add3A_134, %add3A_177 : i32
          %mul3A_179 = arith.constant 1250 : i32
          %mul3A_180 = arith.muli %arg0, %mul3A_179 : i32
          %add3A_181 = arith.addi %mul3A_180, %arg1 : i32
          %mul3A_182 = arith.constant 16 : i32
          %mul3A_183 = arith.muli %add3A_178, %mul3A_182 : i32
          %add3A_184 = arith.addi %add3A_181, %mul3A_183 : i32
          %mul3A_185 = arith.constant 128 : i32
          %mul3A_186 = arith.muli %add3A_184, %mul3A_185 : i32
          %dma_start3A = arith.constant 1 : i32
          %dma_start3A_187 = arith.constant 0 : i32
          %dma_start3A_188 = tpu.memref_slice %arg5[%dma_start3A, %dma_start3A_187] : memref<4x128xi32, #tpu.memory_space<vmem>> -> memref<1x128xi32, #tpu.memory_space<vmem>>
          %dma_start3A_189 = tpu.memref_squeeze %dma_start3A_188 : memref<1x128xi32, #tpu.memory_space<vmem>> -> memref<128xi32, #tpu.memory_space<vmem>>
          %dma_start3A_190 = tpu.memref_slice %arg2[%mul3A_186] : memref<320000xi32, #tpu.memory_space<hbm>> -> memref<128xi32, #tpu.memory_space<hbm>>
          %dma_start3A_191 = arith.constant 0 : i32
          %dma_start3A_192 = tpu.memref_slice %arg5[%dma_start3A, %dma_start3A_191] : memref<4x128xi32, #tpu.memory_space<vmem>> -> memref<1x128xi32, #tpu.memory_space<vmem>>
          %dma_start3A_193 = tpu.memref_squeeze %dma_start3A_192 : memref<1x128xi32, #tpu.memory_space<vmem>> -> memref<128xi32, #tpu.memory_space<vmem>>
          %dma_start3A_194 = tpu.memref_slice %arg2[%mul3A_186] : memref<320000xi32, #tpu.memory_space<hbm>> -> memref<128xi32, #tpu.memory_space<hbm>>
          tpu.enqueue_dma source(%dma_start3A_194 : memref<128xi32, #tpu.memory_space<hbm>>) target(%dma_start3A_193 : memref<128xi32, #tpu.memory_space<vmem>>) target_semaphore(%arg9 : memref<!tpu.dma_semaphore, #tpu.memory_space<semaphore_mem>>)
        } else {
        }
      } else {
      }
      %mul3A_139 = arith.constant 4 : i32
      %mul3A_140 = arith.muli %while3A_123, %mul3A_139 : i32
      %add3A_141 = arith.constant 2 : i32
      %add3A_142 = arith.addi %mul3A_140, %add3A_141 : i32
      %lt3A_143 = arith.cmpi slt, %add3A_142, %select_n3A : i32
      %convert_element_type3A_144 = arith.extui %lt3A_143 : i1 to i32
      %cond3A_145 = arith.constant 0 : i32
      %cond3A_146 = arith.cmpi ne, %convert_element_type3A_144, %cond3A_145 : i32
      scf.if %cond3A_146 {
        %mul3A_155 = arith.constant 1250 : i32
        %mul3A_156 = arith.muli %arg0, %mul3A_155 : i32
        %add3A_157 = arith.addi %mul3A_156, %arg1 : i32
        %mul3A_158 = arith.constant 16 : i32
        %mul3A_159 = arith.muli %add3A_142, %mul3A_158 : i32
        %add3A_160 = arith.addi %add3A_157, %mul3A_159 : i32
        %mul3A_161 = arith.constant 128 : i32
        %mul3A_162 = arith.muli %add3A_160, %mul3A_161 : i32
        %dma_wait3A = arith.constant 2 : i32
        %dma_wait3A_163 = arith.constant 0 : i32
        %dma_wait3A_164 = tpu.memref_slice %arg5[%dma_wait3A, %dma_wait3A_163] : memref<4x128xi32, #tpu.memory_space<vmem>> -> memref<1x128xi32, #tpu.memory_space<vmem>>
        %dma_wait3A_165 = tpu.memref_squeeze %dma_wait3A_164 : memref<1x128xi32, #tpu.memory_space<vmem>> -> memref<128xi32, #tpu.memory_space<vmem>>
        %dma_wait3A_166 = tpu.memref_slice %arg2[%mul3A_162] : memref<320000xi32, #tpu.memory_space<hbm>> -> memref<128xi32, #tpu.memory_space<hbm>>
        %dma_wait3A_167 = arith.constant 0 : i32
        %dma_wait3A_168 = tpu.memref_slice %arg5[%dma_wait3A, %dma_wait3A_167] : memref<4x128xi32, #tpu.memory_space<vmem>> -> memref<1x128xi32, #tpu.memory_space<vmem>>
        %dma_wait3A_169 = tpu.memref_squeeze %dma_wait3A_168 : memref<1x128xi32, #tpu.memory_space<vmem>> -> memref<128xi32, #tpu.memory_space<vmem>>
        %dma_wait3A_170 = tpu.memref_slice %arg2[%mul3A_162] : memref<320000xi32, #tpu.memory_space<hbm>> -> memref<128xi32, #tpu.memory_space<hbm>>
        tpu.wait_dma2 semaphore(%arg10 : memref<!tpu.dma_semaphore, #tpu.memory_space<semaphore_mem>>) src(%dma_wait3A_170 : memref<128xi32, #tpu.memory_space<hbm>>) dst(%dma_wait3A_169 : memref<128xi32, #tpu.memory_space<vmem>>)
        %run_scoped3A = arith.constant 2 : i32
        "tpu.region"() ({
          %run_scoped3A_177 = tpu.sem_alloc : memref<!tpu.dma_semaphore, #tpu.memory_space<semaphore_mem>>
          %dma_start3A = arith.constant 0 : i32
          %dma_start3A_178 = tpu.memref_slice %arg5[%run_scoped3A, %dma_start3A] : memref<4x128xi32, #tpu.memory_space<vmem>> -> memref<1x128xi32, #tpu.memory_space<vmem>>
          %dma_start3A_179 = tpu.memref_squeeze %dma_start3A_178 : memref<1x128xi32, #tpu.memory_space<vmem>> -> memref<128xi32, #tpu.memory_space<vmem>>
          %dma_start3A_180 = arith.constant 0 : i32
          %dma_start3A_181 = tpu.memref_slice %arg7[%dma_start3A_180] : memref<10240xf32, #tpu.memory_space<vmem_shared>> -> memref<10240xf32, #tpu.memory_space<vmem_shared>>
          tpu.enqueue_indirect_dma source(%arg6 : memref<128xf32, #tpu.memory_space<vmem>>) target(%dma_start3A_181 : memref<10240xf32, #tpu.memory_space<vmem_shared>>) offsets(%dma_start3A_179 : memref<128xi32, #tpu.memory_space<vmem>>) semaphore(%run_scoped3A_177 : memref<!tpu.dma_semaphore, #tpu.memory_space<semaphore_mem>>) {add = true}
          %dma_wait3A_182 = arith.constant 0 : i32
          %dma_wait3A_183 = tpu.memref_slice %arg5[%run_scoped3A, %dma_wait3A_182] : memref<4x128xi32, #tpu.memory_space<vmem>> -> memref<1x128xi32, #tpu.memory_space<vmem>>
          %dma_wait3A_184 = tpu.memref_squeeze %dma_wait3A_183 : memref<1x128xi32, #tpu.memory_space<vmem>> -> memref<128xi32, #tpu.memory_space<vmem>>
          %dma_wait3A_185 = arith.constant 0 : i32
          %dma_wait3A_186 = tpu.memref_slice %arg7[%dma_wait3A_185] : memref<10240xf32, #tpu.memory_space<vmem_shared>> -> memref<10240xf32, #tpu.memory_space<vmem_shared>>
          tpu.wait_indirect_dma semaphore(%run_scoped3A_177 : memref<!tpu.dma_semaphore, #tpu.memory_space<semaphore_mem>>) src(%arg6 : memref<128xf32, #tpu.memory_space<vmem>>) dst(%dma_wait3A_186 : memref<10240xf32, #tpu.memory_space<vmem_shared>>)
          tpu.yield
        }) : () -> ()
        %add3A_171 = arith.constant 4 : i32
        %add3A_172 = arith.addi %add3A_142, %add3A_171 : i32
        %lt3A_173 = arith.cmpi slt, %add3A_172, %select_n3A : i32
        %convert_element_type3A_174 = arith.extui %lt3A_173 : i1 to i32
        %cond3A_175 = arith.constant 0 : i32
        %cond3A_176 = arith.cmpi ne, %convert_element_type3A_174, %cond3A_175 : i32
        scf.if %cond3A_176 {
          %add3A_177 = arith.constant 4 : i32
          %add3A_178 = arith.addi %add3A_142, %add3A_177 : i32
          %mul3A_179 = arith.constant 1250 : i32
          %mul3A_180 = arith.muli %arg0, %mul3A_179 : i32
          %add3A_181 = arith.addi %mul3A_180, %arg1 : i32
          %mul3A_182 = arith.constant 16 : i32
          %mul3A_183 = arith.muli %add3A_178, %mul3A_182 : i32
          %add3A_184 = arith.addi %add3A_181, %mul3A_183 : i32
          %mul3A_185 = arith.constant 128 : i32
          %mul3A_186 = arith.muli %add3A_184, %mul3A_185 : i32
          %dma_start3A = arith.constant 2 : i32
          %dma_start3A_187 = arith.constant 0 : i32
          %dma_start3A_188 = tpu.memref_slice %arg5[%dma_start3A, %dma_start3A_187] : memref<4x128xi32, #tpu.memory_space<vmem>> -> memref<1x128xi32, #tpu.memory_space<vmem>>
          %dma_start3A_189 = tpu.memref_squeeze %dma_start3A_188 : memref<1x128xi32, #tpu.memory_space<vmem>> -> memref<128xi32, #tpu.memory_space<vmem>>
          %dma_start3A_190 = tpu.memref_slice %arg2[%mul3A_186] : memref<320000xi32, #tpu.memory_space<hbm>> -> memref<128xi32, #tpu.memory_space<hbm>>
          %dma_start3A_191 = arith.constant 0 : i32
          %dma_start3A_192 = tpu.memref_slice %arg5[%dma_start3A, %dma_start3A_191] : memref<4x128xi32, #tpu.memory_space<vmem>> -> memref<1x128xi32, #tpu.memory_space<vmem>>
          %dma_start3A_193 = tpu.memref_squeeze %dma_start3A_192 : memref<1x128xi32, #tpu.memory_space<vmem>> -> memref<128xi32, #tpu.memory_space<vmem>>
          %dma_start3A_194 = tpu.memref_slice %arg2[%mul3A_186] : memref<320000xi32, #tpu.memory_space<hbm>> -> memref<128xi32, #tpu.memory_space<hbm>>
          tpu.enqueue_dma source(%dma_start3A_194 : memref<128xi32, #tpu.memory_space<hbm>>) target(%dma_start3A_193 : memref<128xi32, #tpu.memory_space<vmem>>) target_semaphore(%arg10 : memref<!tpu.dma_semaphore, #tpu.memory_space<semaphore_mem>>)
        } else {
        }
      } else {
      }
      %mul3A_147 = arith.constant 4 : i32
      %mul3A_148 = arith.muli %while3A_123, %mul3A_147 : i32
      %add3A_149 = arith.constant 3 : i32
      %add3A_150 = arith.addi %mul3A_148, %add3A_149 : i32
      %lt3A_151 = arith.cmpi slt, %add3A_150, %select_n3A : i32
      %convert_element_type3A_152 = arith.extui %lt3A_151 : i1 to i32
      %cond3A_153 = arith.constant 0 : i32
      %cond3A_154 = arith.cmpi ne, %convert_element_type3A_152, %cond3A_153 : i32
      scf.if %cond3A_154 {
        %mul3A_155 = arith.constant 1250 : i32
        %mul3A_156 = arith.muli %arg0, %mul3A_155 : i32
        %add3A_157 = arith.addi %mul3A_156, %arg1 : i32
        %mul3A_158 = arith.constant 16 : i32
        %mul3A_159 = arith.muli %add3A_150, %mul3A_158 : i32
        %add3A_160 = arith.addi %add3A_157, %mul3A_159 : i32
        %mul3A_161 = arith.constant 128 : i32
        %mul3A_162 = arith.muli %add3A_160, %mul3A_161 : i32
        %dma_wait3A = arith.constant 3 : i32
        %dma_wait3A_163 = arith.constant 0 : i32
        %dma_wait3A_164 = tpu.memref_slice %arg5[%dma_wait3A, %dma_wait3A_163] : memref<4x128xi32, #tpu.memory_space<vmem>> -> memref<1x128xi32, #tpu.memory_space<vmem>>
        %dma_wait3A_165 = tpu.memref_squeeze %dma_wait3A_164 : memref<1x128xi32, #tpu.memory_space<vmem>> -> memref<128xi32, #tpu.memory_space<vmem>>
        %dma_wait3A_166 = tpu.memref_slice %arg2[%mul3A_162] : memref<320000xi32, #tpu.memory_space<hbm>> -> memref<128xi32, #tpu.memory_space<hbm>>
        %dma_wait3A_167 = arith.constant 0 : i32
        %dma_wait3A_168 = tpu.memref_slice %arg5[%dma_wait3A, %dma_wait3A_167] : memref<4x128xi32, #tpu.memory_space<vmem>> -> memref<1x128xi32, #tpu.memory_space<vmem>>
        %dma_wait3A_169 = tpu.memref_squeeze %dma_wait3A_168 : memref<1x128xi32, #tpu.memory_space<vmem>> -> memref<128xi32, #tpu.memory_space<vmem>>
        %dma_wait3A_170 = tpu.memref_slice %arg2[%mul3A_162] : memref<320000xi32, #tpu.memory_space<hbm>> -> memref<128xi32, #tpu.memory_space<hbm>>
        tpu.wait_dma2 semaphore(%arg11 : memref<!tpu.dma_semaphore, #tpu.memory_space<semaphore_mem>>) src(%dma_wait3A_170 : memref<128xi32, #tpu.memory_space<hbm>>) dst(%dma_wait3A_169 : memref<128xi32, #tpu.memory_space<vmem>>)
        %run_scoped3A = arith.constant 3 : i32
        "tpu.region"() ({
          %run_scoped3A_177 = tpu.sem_alloc : memref<!tpu.dma_semaphore, #tpu.memory_space<semaphore_mem>>
          %dma_start3A = arith.constant 0 : i32
          %dma_start3A_178 = tpu.memref_slice %arg5[%run_scoped3A, %dma_start3A] : memref<4x128xi32, #tpu.memory_space<vmem>> -> memref<1x128xi32, #tpu.memory_space<vmem>>
          %dma_start3A_179 = tpu.memref_squeeze %dma_start3A_178 : memref<1x128xi32, #tpu.memory_space<vmem>> -> memref<128xi32, #tpu.memory_space<vmem>>
          %dma_start3A_180 = arith.constant 0 : i32
          %dma_start3A_181 = tpu.memref_slice %arg7[%dma_start3A_180] : memref<10240xf32, #tpu.memory_space<vmem_shared>> -> memref<10240xf32, #tpu.memory_space<vmem_shared>>
          tpu.enqueue_indirect_dma source(%arg6 : memref<128xf32, #tpu.memory_space<vmem>>) target(%dma_start3A_181 : memref<10240xf32, #tpu.memory_space<vmem_shared>>) offsets(%dma_start3A_179 : memref<128xi32, #tpu.memory_space<vmem>>) semaphore(%run_scoped3A_177 : memref<!tpu.dma_semaphore, #tpu.memory_space<semaphore_mem>>) {add = true}
          %dma_wait3A_182 = arith.constant 0 : i32
          %dma_wait3A_183 = tpu.memref_slice %arg5[%run_scoped3A, %dma_wait3A_182] : memref<4x128xi32, #tpu.memory_space<vmem>> -> memref<1x128xi32, #tpu.memory_space<vmem>>
          %dma_wait3A_184 = tpu.memref_squeeze %dma_wait3A_183 : memref<1x128xi32, #tpu.memory_space<vmem>> -> memref<128xi32, #tpu.memory_space<vmem>>
          %dma_wait3A_185 = arith.constant 0 : i32
          %dma_wait3A_186 = tpu.memref_slice %arg7[%dma_wait3A_185] : memref<10240xf32, #tpu.memory_space<vmem_shared>> -> memref<10240xf32, #tpu.memory_space<vmem_shared>>
          tpu.wait_indirect_dma semaphore(%run_scoped3A_177 : memref<!tpu.dma_semaphore, #tpu.memory_space<semaphore_mem>>) src(%arg6 : memref<128xf32, #tpu.memory_space<vmem>>) dst(%dma_wait3A_186 : memref<10240xf32, #tpu.memory_space<vmem_shared>>)
          tpu.yield
        }) : () -> ()
        %add3A_171 = arith.constant 4 : i32
        %add3A_172 = arith.addi %add3A_150, %add3A_171 : i32
        %lt3A_173 = arith.cmpi slt, %add3A_172, %select_n3A : i32
        %convert_element_type3A_174 = arith.extui %lt3A_173 : i1 to i32
        %cond3A_175 = arith.constant 0 : i32
        %cond3A_176 = arith.cmpi ne, %convert_element_type3A_174, %cond3A_175 : i32
        scf.if %cond3A_176 {
          %add3A_177 = arith.constant 4 : i32
          %add3A_178 = arith.addi %add3A_150, %add3A_177 : i32
          %mul3A_179 = arith.constant 1250 : i32
          %mul3A_180 = arith.muli %arg0, %mul3A_179 : i32
          %add3A_181 = arith.addi %mul3A_180, %arg1 : i32
          %mul3A_182 = arith.constant 16 : i32
          %mul3A_183 = arith.muli %add3A_178, %mul3A_182 : i32
          %add3A_184 = arith.addi %add3A_181, %mul3A_183 : i32
          %mul3A_185 = arith.constant 128 : i32
          %mul3A_186 = arith.muli %add3A_184, %mul3A_185 : i32
          %dma_start3A = arith.constant 3 : i32
          %dma_start3A_187 = arith.constant 0 : i32
          %dma_start3A_188 = tpu.memref_slice %arg5[%dma_start3A, %dma_start3A_187] : memref<4x128xi32, #tpu.memory_space<vmem>> -> memref<1x128xi32, #tpu.memory_space<vmem>>
          %dma_start3A_189 = tpu.memref_squeeze %dma_start3A_188 : memref<1x128xi32, #tpu.memory_space<vmem>> -> memref<128xi32, #tpu.memory_space<vmem>>
          %dma_start3A_190 = tpu.memref_slice %arg2[%mul3A_186] : memref<320000xi32, #tpu.memory_space<hbm>> -> memref<128xi32, #tpu.memory_space<hbm>>
          %dma_start3A_191 = arith.constant 0 : i32
          %dma_start3A_192 = tpu.memref_slice %arg5[%dma_start3A, %dma_start3A_191] : memref<4x128xi32, #tpu.memory_space<vmem>> -> memref<1x128xi32, #tpu.memory_space<vmem>>
          %dma_start3A_193 = tpu.memref_squeeze %dma_start3A_192 : memref<1x128xi32, #tpu.memory_space<vmem>> -> memref<128xi32, #tpu.memory_space<vmem>>
          %dma_start3A_194 = tpu.memref_slice %arg2[%mul3A_186] : memref<320000xi32, #tpu.memory_space<hbm>> -> memref<128xi32, #tpu.memory_space<hbm>>
          tpu.enqueue_dma source(%dma_start3A_194 : memref<128xi32, #tpu.memory_space<hbm>>) target(%dma_start3A_193 : memref<128xi32, #tpu.memory_space<vmem>>) target_semaphore(%arg11 : memref<!tpu.dma_semaphore, #tpu.memory_space<semaphore_mem>>)
        } else {
        }
      } else {
      }
    }
    %while3A_121 = arith.constant 1 : i32
    scf.for %while3A_123 = %while3A_119 to %while3A_115 step %while3A_121  : i32 {
      %mul3A_124 = arith.constant 4 : i32
      %mul3A_125 = arith.muli %while3A_123, %mul3A_124 : i32
      %add3A_126 = arith.constant 0 : i32
      %add3A_127 = arith.addi %mul3A_125, %add3A_126 : i32
      %lt3A = arith.cmpi slt, %add3A_127, %select_n3A : i32
      %convert_element_type3A_128 = arith.extui %lt3A : i1 to i32
      %cond3A_129 = arith.constant 0 : i32
      %cond3A_130 = arith.cmpi ne, %convert_element_type3A_128, %cond3A_129 : i32
      scf.if %cond3A_130 {
        %mul3A_155 = arith.constant 1250 : i32
        %mul3A_156 = arith.muli %arg0, %mul3A_155 : i32
        %add3A_157 = arith.addi %mul3A_156, %arg1 : i32
        %mul3A_158 = arith.constant 16 : i32
        %mul3A_159 = arith.muli %add3A_127, %mul3A_158 : i32
        %add3A_160 = arith.addi %add3A_157, %mul3A_159 : i32
        %mul3A_161 = arith.constant 128 : i32
        %mul3A_162 = arith.muli %add3A_160, %mul3A_161 : i32
        %dma_wait3A = arith.constant 0 : i32
        %dma_wait3A_163 = arith.constant 0 : i32
        %dma_wait3A_164 = tpu.memref_slice %arg5[%dma_wait3A, %dma_wait3A_163] : memref<4x128xi32, #tpu.memory_space<vmem>> -> memref<1x128xi32, #tpu.memory_space<vmem>>
        %dma_wait3A_165 = tpu.memref_squeeze %dma_wait3A_164 : memref<1x128xi32, #tpu.memory_space<vmem>> -> memref<128xi32, #tpu.memory_space<vmem>>
        %dma_wait3A_166 = tpu.memref_slice %arg2[%mul3A_162] : memref<320000xi32, #tpu.memory_space<hbm>> -> memref<128xi32, #tpu.memory_space<hbm>>
        %dma_wait3A_167 = arith.constant 0 : i32
        %dma_wait3A_168 = tpu.memref_slice %arg5[%dma_wait3A, %dma_wait3A_167] : memref<4x128xi32, #tpu.memory_space<vmem>> -> memref<1x128xi32, #tpu.memory_space<vmem>>
        %dma_wait3A_169 = tpu.memref_squeeze %dma_wait3A_168 : memref<1x128xi32, #tpu.memory_space<vmem>> -> memref<128xi32, #tpu.memory_space<vmem>>
        %dma_wait3A_170 = tpu.memref_slice %arg2[%mul3A_162] : memref<320000xi32, #tpu.memory_space<hbm>> -> memref<128xi32, #tpu.memory_space<hbm>>
        tpu.wait_dma2 semaphore(%arg8 : memref<!tpu.dma_semaphore, #tpu.memory_space<semaphore_mem>>) src(%dma_wait3A_170 : memref<128xi32, #tpu.memory_space<hbm>>) dst(%dma_wait3A_169 : memref<128xi32, #tpu.memory_space<vmem>>)
        %run_scoped3A = arith.constant 0 : i32
        "tpu.region"() ({
          %run_scoped3A_177 = tpu.sem_alloc : memref<!tpu.dma_semaphore, #tpu.memory_space<semaphore_mem>>
          %dma_start3A = arith.constant 0 : i32
          %dma_start3A_178 = tpu.memref_slice %arg5[%run_scoped3A, %dma_start3A] : memref<4x128xi32, #tpu.memory_space<vmem>> -> memref<1x128xi32, #tpu.memory_space<vmem>>
          %dma_start3A_179 = tpu.memref_squeeze %dma_start3A_178 : memref<1x128xi32, #tpu.memory_space<vmem>> -> memref<128xi32, #tpu.memory_space<vmem>>
          %dma_start3A_180 = arith.constant 0 : i32
          %dma_start3A_181 = tpu.memref_slice %arg7[%dma_start3A_180] : memref<10240xf32, #tpu.memory_space<vmem_shared>> -> memref<10240xf32, #tpu.memory_space<vmem_shared>>
          tpu.enqueue_indirect_dma source(%arg6 : memref<128xf32, #tpu.memory_space<vmem>>) target(%dma_start3A_181 : memref<10240xf32, #tpu.memory_space<vmem_shared>>) offsets(%dma_start3A_179 : memref<128xi32, #tpu.memory_space<vmem>>) semaphore(%run_scoped3A_177 : memref<!tpu.dma_semaphore, #tpu.memory_space<semaphore_mem>>) {add = true}
          %dma_wait3A_182 = arith.constant 0 : i32
          %dma_wait3A_183 = tpu.memref_slice %arg5[%run_scoped3A, %dma_wait3A_182] : memref<4x128xi32, #tpu.memory_space<vmem>> -> memref<1x128xi32, #tpu.memory_space<vmem>>
          %dma_wait3A_184 = tpu.memref_squeeze %dma_wait3A_183 : memref<1x128xi32, #tpu.memory_space<vmem>> -> memref<128xi32, #tpu.memory_space<vmem>>
          %dma_wait3A_185 = arith.constant 0 : i32
          %dma_wait3A_186 = tpu.memref_slice %arg7[%dma_wait3A_185] : memref<10240xf32, #tpu.memory_space<vmem_shared>> -> memref<10240xf32, #tpu.memory_space<vmem_shared>>
          tpu.wait_indirect_dma semaphore(%run_scoped3A_177 : memref<!tpu.dma_semaphore, #tpu.memory_space<semaphore_mem>>) src(%arg6 : memref<128xf32, #tpu.memory_space<vmem>>) dst(%dma_wait3A_186 : memref<10240xf32, #tpu.memory_space<vmem_shared>>)
          tpu.yield
        }) : () -> ()
        %add3A_171 = arith.constant 4 : i32
        %add3A_172 = arith.addi %add3A_127, %add3A_171 : i32
        %lt3A_173 = arith.cmpi slt, %add3A_172, %select_n3A : i32
        %convert_element_type3A_174 = arith.extui %lt3A_173 : i1 to i32
        %cond3A_175 = arith.constant 0 : i32
        %cond3A_176 = arith.cmpi ne, %convert_element_type3A_174, %cond3A_175 : i32
        scf.if %cond3A_176 {
          %add3A_177 = arith.constant 4 : i32
          %add3A_178 = arith.addi %add3A_127, %add3A_177 : i32
          %mul3A_179 = arith.constant 1250 : i32
          %mul3A_180 = arith.muli %arg0, %mul3A_179 : i32
          %add3A_181 = arith.addi %mul3A_180, %arg1 : i32
          %mul3A_182 = arith.constant 16 : i32
          %mul3A_183 = arith.muli %add3A_178, %mul3A_182 : i32
          %add3A_184 = arith.addi %add3A_181, %mul3A_183 : i32
          %mul3A_185 = arith.constant 128 : i32
          %mul3A_186 = arith.muli %add3A_184, %mul3A_185 : i32
          %dma_start3A = arith.constant 0 : i32
          %dma_start3A_187 = arith.constant 0 : i32
          %dma_start3A_188 = tpu.memref_slice %arg5[%dma_start3A, %dma_start3A_187] : memref<4x128xi32, #tpu.memory_space<vmem>> -> memref<1x128xi32, #tpu.memory_space<vmem>>
          %dma_start3A_189 = tpu.memref_squeeze %dma_start3A_188 : memref<1x128xi32, #tpu.memory_space<vmem>> -> memref<128xi32, #tpu.memory_space<vmem>>
          %dma_start3A_190 = tpu.memref_slice %arg2[%mul3A_186] : memref<320000xi32, #tpu.memory_space<hbm>> -> memref<128xi32, #tpu.memory_space<hbm>>
          %dma_start3A_191 = arith.constant 0 : i32
          %dma_start3A_192 = tpu.memref_slice %arg5[%dma_start3A, %dma_start3A_191] : memref<4x128xi32, #tpu.memory_space<vmem>> -> memref<1x128xi32, #tpu.memory_space<vmem>>
          %dma_start3A_193 = tpu.memref_squeeze %dma_start3A_192 : memref<1x128xi32, #tpu.memory_space<vmem>> -> memref<128xi32, #tpu.memory_space<vmem>>
          %dma_start3A_194 = tpu.memref_slice %arg2[%mul3A_186] : memref<320000xi32, #tpu.memory_space<hbm>> -> memref<128xi32, #tpu.memory_space<hbm>>
          tpu.enqueue_dma source(%dma_start3A_194 : memref<128xi32, #tpu.memory_space<hbm>>) target(%dma_start3A_193 : memref<128xi32, #tpu.memory_space<vmem>>) target_semaphore(%arg8 : memref<!tpu.dma_semaphore, #tpu.memory_space<semaphore_mem>>)
        } else {
        }
      } else {
      }
      %mul3A_131 = arith.constant 4 : i32
      %mul3A_132 = arith.muli %while3A_123, %mul3A_131 : i32
      %add3A_133 = arith.constant 1 : i32
      %add3A_134 = arith.addi %mul3A_132, %add3A_133 : i32
      %lt3A_135 = arith.cmpi slt, %add3A_134, %select_n3A : i32
      %convert_element_type3A_136 = arith.extui %lt3A_135 : i1 to i32
      %cond3A_137 = arith.constant 0 : i32
      %cond3A_138 = arith.cmpi ne, %convert_element_type3A_136, %cond3A_137 : i32
      scf.if %cond3A_138 {
        %mul3A_155 = arith.constant 1250 : i32
        %mul3A_156 = arith.muli %arg0, %mul3A_155 : i32
        %add3A_157 = arith.addi %mul3A_156, %arg1 : i32
        %mul3A_158 = arith.constant 16 : i32
        %mul3A_159 = arith.muli %add3A_134, %mul3A_158 : i32
        %add3A_160 = arith.addi %add3A_157, %mul3A_159 : i32
        %mul3A_161 = arith.constant 128 : i32
        %mul3A_162 = arith.muli %add3A_160, %mul3A_161 : i32
        %dma_wait3A = arith.constant 1 : i32
        %dma_wait3A_163 = arith.constant 0 : i32
        %dma_wait3A_164 = tpu.memref_slice %arg5[%dma_wait3A, %dma_wait3A_163] : memref<4x128xi32, #tpu.memory_space<vmem>> -> memref<1x128xi32, #tpu.memory_space<vmem>>
        %dma_wait3A_165 = tpu.memref_squeeze %dma_wait3A_164 : memref<1x128xi32, #tpu.memory_space<vmem>> -> memref<128xi32, #tpu.memory_space<vmem>>
        %dma_wait3A_166 = tpu.memref_slice %arg2[%mul3A_162] : memref<320000xi32, #tpu.memory_space<hbm>> -> memref<128xi32, #tpu.memory_space<hbm>>
        %dma_wait3A_167 = arith.constant 0 : i32
        %dma_wait3A_168 = tpu.memref_slice %arg5[%dma_wait3A, %dma_wait3A_167] : memref<4x128xi32, #tpu.memory_space<vmem>> -> memref<1x128xi32, #tpu.memory_space<vmem>>
        %dma_wait3A_169 = tpu.memref_squeeze %dma_wait3A_168 : memref<1x128xi32, #tpu.memory_space<vmem>> -> memref<128xi32, #tpu.memory_space<vmem>>
        %dma_wait3A_170 = tpu.memref_slice %arg2[%mul3A_162] : memref<320000xi32, #tpu.memory_space<hbm>> -> memref<128xi32, #tpu.memory_space<hbm>>
        tpu.wait_dma2 semaphore(%arg9 : memref<!tpu.dma_semaphore, #tpu.memory_space<semaphore_mem>>) src(%dma_wait3A_170 : memref<128xi32, #tpu.memory_space<hbm>>) dst(%dma_wait3A_169 : memref<128xi32, #tpu.memory_space<vmem>>)
        %run_scoped3A = arith.constant 1 : i32
        "tpu.region"() ({
          %run_scoped3A_177 = tpu.sem_alloc : memref<!tpu.dma_semaphore, #tpu.memory_space<semaphore_mem>>
          %dma_start3A = arith.constant 0 : i32
          %dma_start3A_178 = tpu.memref_slice %arg5[%run_scoped3A, %dma_start3A] : memref<4x128xi32, #tpu.memory_space<vmem>> -> memref<1x128xi32, #tpu.memory_space<vmem>>
          %dma_start3A_179 = tpu.memref_squeeze %dma_start3A_178 : memref<1x128xi32, #tpu.memory_space<vmem>> -> memref<128xi32, #tpu.memory_space<vmem>>
          %dma_start3A_180 = arith.constant 0 : i32
          %dma_start3A_181 = tpu.memref_slice %arg7[%dma_start3A_180] : memref<10240xf32, #tpu.memory_space<vmem_shared>> -> memref<10240xf32, #tpu.memory_space<vmem_shared>>
          tpu.enqueue_indirect_dma source(%arg6 : memref<128xf32, #tpu.memory_space<vmem>>) target(%dma_start3A_181 : memref<10240xf32, #tpu.memory_space<vmem_shared>>) offsets(%dma_start3A_179 : memref<128xi32, #tpu.memory_space<vmem>>) semaphore(%run_scoped3A_177 : memref<!tpu.dma_semaphore, #tpu.memory_space<semaphore_mem>>) {add = true}
          %dma_wait3A_182 = arith.constant 0 : i32
          %dma_wait3A_183 = tpu.memref_slice %arg5[%run_scoped3A, %dma_wait3A_182] : memref<4x128xi32, #tpu.memory_space<vmem>> -> memref<1x128xi32, #tpu.memory_space<vmem>>
          %dma_wait3A_184 = tpu.memref_squeeze %dma_wait3A_183 : memref<1x128xi32, #tpu.memory_space<vmem>> -> memref<128xi32, #tpu.memory_space<vmem>>
          %dma_wait3A_185 = arith.constant 0 : i32
          %dma_wait3A_186 = tpu.memref_slice %arg7[%dma_wait3A_185] : memref<10240xf32, #tpu.memory_space<vmem_shared>> -> memref<10240xf32, #tpu.memory_space<vmem_shared>>
          tpu.wait_indirect_dma semaphore(%run_scoped3A_177 : memref<!tpu.dma_semaphore, #tpu.memory_space<semaphore_mem>>) src(%arg6 : memref<128xf32, #tpu.memory_space<vmem>>) dst(%dma_wait3A_186 : memref<10240xf32, #tpu.memory_space<vmem_shared>>)
          tpu.yield
        }) : () -> ()
        %add3A_171 = arith.constant 4 : i32
        %add3A_172 = arith.addi %add3A_134, %add3A_171 : i32
        %lt3A_173 = arith.cmpi slt, %add3A_172, %select_n3A : i32
        %convert_element_type3A_174 = arith.extui %lt3A_173 : i1 to i32
        %cond3A_175 = arith.constant 0 : i32
        %cond3A_176 = arith.cmpi ne, %convert_element_type3A_174, %cond3A_175 : i32
        scf.if %cond3A_176 {
          %add3A_177 = arith.constant 4 : i32
          %add3A_178 = arith.addi %add3A_134, %add3A_177 : i32
          %mul3A_179 = arith.constant 1250 : i32
          %mul3A_180 = arith.muli %arg0, %mul3A_179 : i32
          %add3A_181 = arith.addi %mul3A_180, %arg1 : i32
          %mul3A_182 = arith.constant 16 : i32
          %mul3A_183 = arith.muli %add3A_178, %mul3A_182 : i32
          %add3A_184 = arith.addi %add3A_181, %mul3A_183 : i32
          %mul3A_185 = arith.constant 128 : i32
          %mul3A_186 = arith.muli %add3A_184, %mul3A_185 : i32
          %dma_start3A = arith.constant 1 : i32
          %dma_start3A_187 = arith.constant 0 : i32
          %dma_start3A_188 = tpu.memref_slice %arg5[%dma_start3A, %dma_start3A_187] : memref<4x128xi32, #tpu.memory_space<vmem>> -> memref<1x128xi32, #tpu.memory_space<vmem>>
          %dma_start3A_189 = tpu.memref_squeeze %dma_start3A_188 : memref<1x128xi32, #tpu.memory_space<vmem>> -> memref<128xi32, #tpu.memory_space<vmem>>
          %dma_start3A_190 = tpu.memref_slice %arg2[%mul3A_186] : memref<320000xi32, #tpu.memory_space<hbm>> -> memref<128xi32, #tpu.memory_space<hbm>>
          %dma_start3A_191 = arith.constant 0 : i32
          %dma_start3A_192 = tpu.memref_slice %arg5[%dma_start3A, %dma_start3A_191] : memref<4x128xi32, #tpu.memory_space<vmem>> -> memref<1x128xi32, #tpu.memory_space<vmem>>
          %dma_start3A_193 = tpu.memref_squeeze %dma_start3A_192 : memref<1x128xi32, #tpu.memory_space<vmem>> -> memref<128xi32, #tpu.memory_space<vmem>>
          %dma_start3A_194 = tpu.memref_slice %arg2[%mul3A_186] : memref<320000xi32, #tpu.memory_space<hbm>> -> memref<128xi32, #tpu.memory_space<hbm>>
          tpu.enqueue_dma source(%dma_start3A_194 : memref<128xi32, #tpu.memory_space<hbm>>) target(%dma_start3A_193 : memref<128xi32, #tpu.memory_space<vmem>>) target_semaphore(%arg9 : memref<!tpu.dma_semaphore, #tpu.memory_space<semaphore_mem>>)
        } else {
        }
      } else {
      }
      %mul3A_139 = arith.constant 4 : i32
      %mul3A_140 = arith.muli %while3A_123, %mul3A_139 : i32
      %add3A_141 = arith.constant 2 : i32
      %add3A_142 = arith.addi %mul3A_140, %add3A_141 : i32
      %lt3A_143 = arith.cmpi slt, %add3A_142, %select_n3A : i32
      %convert_element_type3A_144 = arith.extui %lt3A_143 : i1 to i32
      %cond3A_145 = arith.constant 0 : i32
      %cond3A_146 = arith.cmpi ne, %convert_element_type3A_144, %cond3A_145 : i32
      scf.if %cond3A_146 {
        %mul3A_155 = arith.constant 1250 : i32
        %mul3A_156 = arith.muli %arg0, %mul3A_155 : i32
        %add3A_157 = arith.addi %mul3A_156, %arg1 : i32
        %mul3A_158 = arith.constant 16 : i32
        %mul3A_159 = arith.muli %add3A_142, %mul3A_158 : i32
        %add3A_160 = arith.addi %add3A_157, %mul3A_159 : i32
        %mul3A_161 = arith.constant 128 : i32
        %mul3A_162 = arith.muli %add3A_160, %mul3A_161 : i32
        %dma_wait3A = arith.constant 2 : i32
        %dma_wait3A_163 = arith.constant 0 : i32
        %dma_wait3A_164 = tpu.memref_slice %arg5[%dma_wait3A, %dma_wait3A_163] : memref<4x128xi32, #tpu.memory_space<vmem>> -> memref<1x128xi32, #tpu.memory_space<vmem>>
        %dma_wait3A_165 = tpu.memref_squeeze %dma_wait3A_164 : memref<1x128xi32, #tpu.memory_space<vmem>> -> memref<128xi32, #tpu.memory_space<vmem>>
        %dma_wait3A_166 = tpu.memref_slice %arg2[%mul3A_162] : memref<320000xi32, #tpu.memory_space<hbm>> -> memref<128xi32, #tpu.memory_space<hbm>>
        %dma_wait3A_167 = arith.constant 0 : i32
        %dma_wait3A_168 = tpu.memref_slice %arg5[%dma_wait3A, %dma_wait3A_167] : memref<4x128xi32, #tpu.memory_space<vmem>> -> memref<1x128xi32, #tpu.memory_space<vmem>>
        %dma_wait3A_169 = tpu.memref_squeeze %dma_wait3A_168 : memref<1x128xi32, #tpu.memory_space<vmem>> -> memref<128xi32, #tpu.memory_space<vmem>>
        %dma_wait3A_170 = tpu.memref_slice %arg2[%mul3A_162] : memref<320000xi32, #tpu.memory_space<hbm>> -> memref<128xi32, #tpu.memory_space<hbm>>
        tpu.wait_dma2 semaphore(%arg10 : memref<!tpu.dma_semaphore, #tpu.memory_space<semaphore_mem>>) src(%dma_wait3A_170 : memref<128xi32, #tpu.memory_space<hbm>>) dst(%dma_wait3A_169 : memref<128xi32, #tpu.memory_space<vmem>>)
        %run_scoped3A = arith.constant 2 : i32
        "tpu.region"() ({
          %run_scoped3A_177 = tpu.sem_alloc : memref<!tpu.dma_semaphore, #tpu.memory_space<semaphore_mem>>
          %dma_start3A = arith.constant 0 : i32
          %dma_start3A_178 = tpu.memref_slice %arg5[%run_scoped3A, %dma_start3A] : memref<4x128xi32, #tpu.memory_space<vmem>> -> memref<1x128xi32, #tpu.memory_space<vmem>>
          %dma_start3A_179 = tpu.memref_squeeze %dma_start3A_178 : memref<1x128xi32, #tpu.memory_space<vmem>> -> memref<128xi32, #tpu.memory_space<vmem>>
          %dma_start3A_180 = arith.constant 0 : i32
          %dma_start3A_181 = tpu.memref_slice %arg7[%dma_start3A_180] : memref<10240xf32, #tpu.memory_space<vmem_shared>> -> memref<10240xf32, #tpu.memory_space<vmem_shared>>
          tpu.enqueue_indirect_dma source(%arg6 : memref<128xf32, #tpu.memory_space<vmem>>) target(%dma_start3A_181 : memref<10240xf32, #tpu.memory_space<vmem_shared>>) offsets(%dma_start3A_179 : memref<128xi32, #tpu.memory_space<vmem>>) semaphore(%run_scoped3A_177 : memref<!tpu.dma_semaphore, #tpu.memory_space<semaphore_mem>>) {add = true}
          %dma_wait3A_182 = arith.constant 0 : i32
          %dma_wait3A_183 = tpu.memref_slice %arg5[%run_scoped3A, %dma_wait3A_182] : memref<4x128xi32, #tpu.memory_space<vmem>> -> memref<1x128xi32, #tpu.memory_space<vmem>>
          %dma_wait3A_184 = tpu.memref_squeeze %dma_wait3A_183 : memref<1x128xi32, #tpu.memory_space<vmem>> -> memref<128xi32, #tpu.memory_space<vmem>>
          %dma_wait3A_185 = arith.constant 0 : i32
          %dma_wait3A_186 = tpu.memref_slice %arg7[%dma_wait3A_185] : memref<10240xf32, #tpu.memory_space<vmem_shared>> -> memref<10240xf32, #tpu.memory_space<vmem_shared>>
          tpu.wait_indirect_dma semaphore(%run_scoped3A_177 : memref<!tpu.dma_semaphore, #tpu.memory_space<semaphore_mem>>) src(%arg6 : memref<128xf32, #tpu.memory_space<vmem>>) dst(%dma_wait3A_186 : memref<10240xf32, #tpu.memory_space<vmem_shared>>)
          tpu.yield
        }) : () -> ()
        %add3A_171 = arith.constant 4 : i32
        %add3A_172 = arith.addi %add3A_142, %add3A_171 : i32
        %lt3A_173 = arith.cmpi slt, %add3A_172, %select_n3A : i32
        %convert_element_type3A_174 = arith.extui %lt3A_173 : i1 to i32
        %cond3A_175 = arith.constant 0 : i32
        %cond3A_176 = arith.cmpi ne, %convert_element_type3A_174, %cond3A_175 : i32
        scf.if %cond3A_176 {
          %add3A_177 = arith.constant 4 : i32
          %add3A_178 = arith.addi %add3A_142, %add3A_177 : i32
          %mul3A_179 = arith.constant 1250 : i32
          %mul3A_180 = arith.muli %arg0, %mul3A_179 : i32
          %add3A_181 = arith.addi %mul3A_180, %arg1 : i32
          %mul3A_182 = arith.constant 16 : i32
          %mul3A_183 = arith.muli %add3A_178, %mul3A_182 : i32
          %add3A_184 = arith.addi %add3A_181, %mul3A_183 : i32
          %mul3A_185 = arith.constant 128 : i32
          %mul3A_186 = arith.muli %add3A_184, %mul3A_185 : i32
          %dma_start3A = arith.constant 2 : i32
          %dma_start3A_187 = arith.constant 0 : i32
          %dma_start3A_188 = tpu.memref_slice %arg5[%dma_start3A, %dma_start3A_187] : memref<4x128xi32, #tpu.memory_space<vmem>> -> memref<1x128xi32, #tpu.memory_space<vmem>>
          %dma_start3A_189 = tpu.memref_squeeze %dma_start3A_188 : memref<1x128xi32, #tpu.memory_space<vmem>> -> memref<128xi32, #tpu.memory_space<vmem>>
          %dma_start3A_190 = tpu.memref_slice %arg2[%mul3A_186] : memref<320000xi32, #tpu.memory_space<hbm>> -> memref<128xi32, #tpu.memory_space<hbm>>
          %dma_start3A_191 = arith.constant 0 : i32
          %dma_start3A_192 = tpu.memref_slice %arg5[%dma_start3A, %dma_start3A_191] : memref<4x128xi32, #tpu.memory_space<vmem>> -> memref<1x128xi32, #tpu.memory_space<vmem>>
          %dma_start3A_193 = tpu.memref_squeeze %dma_start3A_192 : memref<1x128xi32, #tpu.memory_space<vmem>> -> memref<128xi32, #tpu.memory_space<vmem>>
          %dma_start3A_194 = tpu.memref_slice %arg2[%mul3A_186] : memref<320000xi32, #tpu.memory_space<hbm>> -> memref<128xi32, #tpu.memory_space<hbm>>
          tpu.enqueue_dma source(%dma_start3A_194 : memref<128xi32, #tpu.memory_space<hbm>>) target(%dma_start3A_193 : memref<128xi32, #tpu.memory_space<vmem>>) target_semaphore(%arg10 : memref<!tpu.dma_semaphore, #tpu.memory_space<semaphore_mem>>)
        } else {
        }
      } else {
      }
      %mul3A_147 = arith.constant 4 : i32
      %mul3A_148 = arith.muli %while3A_123, %mul3A_147 : i32
      %add3A_149 = arith.constant 3 : i32
      %add3A_150 = arith.addi %mul3A_148, %add3A_149 : i32
      %lt3A_151 = arith.cmpi slt, %add3A_150, %select_n3A : i32
      %convert_element_type3A_152 = arith.extui %lt3A_151 : i1 to i32
      %cond3A_153 = arith.constant 0 : i32
      %cond3A_154 = arith.cmpi ne, %convert_element_type3A_152, %cond3A_153 : i32
      scf.if %cond3A_154 {
        %mul3A_155 = arith.constant 1250 : i32
        %mul3A_156 = arith.muli %arg0, %mul3A_155 : i32
        %add3A_157 = arith.addi %mul3A_156, %arg1 : i32
        %mul3A_158 = arith.constant 16 : i32
        %mul3A_159 = arith.muli %add3A_150, %mul3A_158 : i32
        %add3A_160 = arith.addi %add3A_157, %mul3A_159 : i32
        %mul3A_161 = arith.constant 128 : i32
        %mul3A_162 = arith.muli %add3A_160, %mul3A_161 : i32
        %dma_wait3A = arith.constant 3 : i32
        %dma_wait3A_163 = arith.constant 0 : i32
        %dma_wait3A_164 = tpu.memref_slice %arg5[%dma_wait3A, %dma_wait3A_163] : memref<4x128xi32, #tpu.memory_space<vmem>> -> memref<1x128xi32, #tpu.memory_space<vmem>>
        %dma_wait3A_165 = tpu.memref_squeeze %dma_wait3A_164 : memref<1x128xi32, #tpu.memory_space<vmem>> -> memref<128xi32, #tpu.memory_space<vmem>>
        %dma_wait3A_166 = tpu.memref_slice %arg2[%mul3A_162] : memref<320000xi32, #tpu.memory_space<hbm>> -> memref<128xi32, #tpu.memory_space<hbm>>
        %dma_wait3A_167 = arith.constant 0 : i32
        %dma_wait3A_168 = tpu.memref_slice %arg5[%dma_wait3A, %dma_wait3A_167] : memref<4x128xi32, #tpu.memory_space<vmem>> -> memref<1x128xi32, #tpu.memory_space<vmem>>
        %dma_wait3A_169 = tpu.memref_squeeze %dma_wait3A_168 : memref<1x128xi32, #tpu.memory_space<vmem>> -> memref<128xi32, #tpu.memory_space<vmem>>
        %dma_wait3A_170 = tpu.memref_slice %arg2[%mul3A_162] : memref<320000xi32, #tpu.memory_space<hbm>> -> memref<128xi32, #tpu.memory_space<hbm>>
        tpu.wait_dma2 semaphore(%arg11 : memref<!tpu.dma_semaphore, #tpu.memory_space<semaphore_mem>>) src(%dma_wait3A_170 : memref<128xi32, #tpu.memory_space<hbm>>) dst(%dma_wait3A_169 : memref<128xi32, #tpu.memory_space<vmem>>)
        %run_scoped3A = arith.constant 3 : i32
        "tpu.region"() ({
          %run_scoped3A_177 = tpu.sem_alloc : memref<!tpu.dma_semaphore, #tpu.memory_space<semaphore_mem>>
          %dma_start3A = arith.constant 0 : i32
          %dma_start3A_178 = tpu.memref_slice %arg5[%run_scoped3A, %dma_start3A] : memref<4x128xi32, #tpu.memory_space<vmem>> -> memref<1x128xi32, #tpu.memory_space<vmem>>
          %dma_start3A_179 = tpu.memref_squeeze %dma_start3A_178 : memref<1x128xi32, #tpu.memory_space<vmem>> -> memref<128xi32, #tpu.memory_space<vmem>>
          %dma_start3A_180 = arith.constant 0 : i32
          %dma_start3A_181 = tpu.memref_slice %arg7[%dma_start3A_180] : memref<10240xf32, #tpu.memory_space<vmem_shared>> -> memref<10240xf32, #tpu.memory_space<vmem_shared>>
          tpu.enqueue_indirect_dma source(%arg6 : memref<128xf32, #tpu.memory_space<vmem>>) target(%dma_start3A_181 : memref<10240xf32, #tpu.memory_space<vmem_shared>>) offsets(%dma_start3A_179 : memref<128xi32, #tpu.memory_space<vmem>>) semaphore(%run_scoped3A_177 : memref<!tpu.dma_semaphore, #tpu.memory_space<semaphore_mem>>) {add = true}
          %dma_wait3A_182 = arith.constant 0 : i32
          %dma_wait3A_183 = tpu.memref_slice %arg5[%run_scoped3A, %dma_wait3A_182] : memref<4x128xi32, #tpu.memory_space<vmem>> -> memref<1x128xi32, #tpu.memory_space<vmem>>
          %dma_wait3A_184 = tpu.memref_squeeze %dma_wait3A_183 : memref<1x128xi32, #tpu.memory_space<vmem>> -> memref<128xi32, #tpu.memory_space<vmem>>
          %dma_wait3A_185 = arith.constant 0 : i32
          %dma_wait3A_186 = tpu.memref_slice %arg7[%dma_wait3A_185] : memref<10240xf32, #tpu.memory_space<vmem_shared>> -> memref<10240xf32, #tpu.memory_space<vmem_shared>>
          tpu.wait_indirect_dma semaphore(%run_scoped3A_177 : memref<!tpu.dma_semaphore, #tpu.memory_space<semaphore_mem>>) src(%arg6 : memref<128xf32, #tpu.memory_space<vmem>>) dst(%dma_wait3A_186 : memref<10240xf32, #tpu.memory_space<vmem_shared>>)
          tpu.yield
        }) : () -> ()
        %add3A_171 = arith.constant 4 : i32
        %add3A_172 = arith.addi %add3A_150, %add3A_171 : i32
        %lt3A_173 = arith.cmpi slt, %add3A_172, %select_n3A : i32
        %convert_element_type3A_174 = arith.extui %lt3A_173 : i1 to i32
        %cond3A_175 = arith.constant 0 : i32
        %cond3A_176 = arith.cmpi ne, %convert_element_type3A_174, %cond3A_175 : i32
        scf.if %cond3A_176 {
          %add3A_177 = arith.constant 4 : i32
          %add3A_178 = arith.addi %add3A_150, %add3A_177 : i32
          %mul3A_179 = arith.constant 1250 : i32
          %mul3A_180 = arith.muli %arg0, %mul3A_179 : i32
          %add3A_181 = arith.addi %mul3A_180, %arg1 : i32
          %mul3A_182 = arith.constant 16 : i32
          %mul3A_183 = arith.muli %add3A_178, %mul3A_182 : i32
          %add3A_184 = arith.addi %add3A_181, %mul3A_183 : i32
          %mul3A_185 = arith.constant 128 : i32
          %mul3A_186 = arith.muli %add3A_184, %mul3A_185 : i32
          %dma_start3A = arith.constant 3 : i32
          %dma_start3A_187 = arith.constant 0 : i32
          %dma_start3A_188 = tpu.memref_slice %arg5[%dma_start3A, %dma_start3A_187] : memref<4x128xi32, #tpu.memory_space<vmem>> -> memref<1x128xi32, #tpu.memory_space<vmem>>
          %dma_start3A_189 = tpu.memref_squeeze %dma_start3A_188 : memref<1x128xi32, #tpu.memory_space<vmem>> -> memref<128xi32, #tpu.memory_space<vmem>>
          %dma_start3A_190 = tpu.memref_slice %arg2[%mul3A_186] : memref<320000xi32, #tpu.memory_space<hbm>> -> memref<128xi32, #tpu.memory_space<hbm>>
          %dma_start3A_191 = arith.constant 0 : i32
          %dma_start3A_192 = tpu.memref_slice %arg5[%dma_start3A, %dma_start3A_191] : memref<4x128xi32, #tpu.memory_space<vmem>> -> memref<1x128xi32, #tpu.memory_space<vmem>>
          %dma_start3A_193 = tpu.memref_squeeze %dma_start3A_192 : memref<1x128xi32, #tpu.memory_space<vmem>> -> memref<128xi32, #tpu.memory_space<vmem>>
          %dma_start3A_194 = tpu.memref_slice %arg2[%mul3A_186] : memref<320000xi32, #tpu.memory_space<hbm>> -> memref<128xi32, #tpu.memory_space<hbm>>
          tpu.enqueue_dma source(%dma_start3A_194 : memref<128xi32, #tpu.memory_space<hbm>>) target(%dma_start3A_193 : memref<128xi32, #tpu.memory_space<vmem>>) target_semaphore(%arg11 : memref<!tpu.dma_semaphore, #tpu.memory_space<semaphore_mem>>)
        } else {
        }
      } else {
      }
    }
    %barrier3A_122 = arith.constant 0 : index
    tpu.barrier barrier_id(%barrier3A_122)
    "tpu.region"() ({
      %run_scoped3A = tpu.sem_alloc : memref<!tpu.dma_semaphore, #tpu.memory_space<semaphore_mem>>
      %dma_start3A = tpu.memref_slice %arg4[%arg0, %mul3A_0] : memref<2x10240xf32, #tpu.memory_space<hbm>> -> memref<1x640xf32, #tpu.memory_space<hbm>>
      %dma_start3A_123 = tpu.memref_squeeze %dma_start3A : memref<1x640xf32, #tpu.memory_space<hbm>> -> memref<640xf32, #tpu.memory_space<hbm>>
      %dma_start3A_124 = tpu.memref_slice %arg7[%mul3A_0] : memref<10240xf32, #tpu.memory_space<vmem_shared>> -> memref<640xf32, #tpu.memory_space<vmem_shared>>
      tpu.enqueue_dma source(%dma_start3A_124 : memref<640xf32, #tpu.memory_space<vmem_shared>>) target(%dma_start3A_123 : memref<640xf32, #tpu.memory_space<hbm>>) target_semaphore(%run_scoped3A : memref<!tpu.dma_semaphore, #tpu.memory_space<semaphore_mem>>)
      %dma_wait3A = tpu.memref_slice %arg4[%arg0, %mul3A_0] : memref<2x10240xf32, #tpu.memory_space<hbm>> -> memref<1x640xf32, #tpu.memory_space<hbm>>
      %dma_wait3A_125 = tpu.memref_squeeze %dma_wait3A : memref<1x640xf32, #tpu.memory_space<hbm>> -> memref<640xf32, #tpu.memory_space<hbm>>
      %dma_wait3A_126 = tpu.memref_slice %arg7[%mul3A_0] : memref<10240xf32, #tpu.memory_space<vmem_shared>> -> memref<640xf32, #tpu.memory_space<vmem_shared>>
      tpu.wait_dma2 semaphore(%run_scoped3A : memref<!tpu.dma_semaphore, #tpu.memory_space<semaphore_mem>>) src(%dma_wait3A_126 : memref<640xf32, #tpu.memory_space<vmem_shared>>) dst(%dma_wait3A_125 : memref<640xf32, #tpu.memory_space<hbm>>)
      tpu.yield
    }) : () -> ()
    return
  }
}

#map = affine_map<(d0, d1) -> (0, 0)>
#map1 = affine_map<(d0, d1) -> (0)>
#map2 = affine_map<(d0, d1) -> (0, 0, 0)>
module attributes {stable_mosaic.version = 14 : i64} {
  func.func @k(%arg0: i32, %arg1: i32, %arg2: memref<10000x128xf32, #tpu.memory_space<hbm>>, %arg3: memref<320000xi32, #tpu.memory_space<hbm>>, %arg4: memref<320000xi32, #tpu.memory_space<hbm>>, %arg5: memref<10112x128xf32, #tpu.memory_space<hbm>>, %arg6: memref<2x10112x128xf32, #tpu.memory_space<hbm>>, %arg7: memref<3x128xi32, #tpu.memory_space<vmem>>, %arg8: memref<3x128xi32, #tpu.memory_space<vmem>>, %arg9: memref<3x128x128xf32, #tpu.memory_space<vmem>>, %arg10: memref<10112x128xf32, #tpu.memory_space<vmem_shared>>, %arg11: memref<!tpu.dma_semaphore, #tpu.memory_space<semaphore_mem>>, %arg12: memref<!tpu.dma_semaphore, #tpu.memory_space<semaphore_mem>>, %arg13: memref<!tpu.dma_semaphore, #tpu.memory_space<semaphore_mem>>, %arg14: memref<!tpu.dma_semaphore, #tpu.memory_space<semaphore_mem>>, %arg15: memref<!tpu.dma_semaphore, #tpu.memory_space<semaphore_mem>>, %arg16: memref<!tpu.dma_semaphore, #tpu.memory_space<semaphore_mem>>) attributes {dimension_semantics = [#tpu.dimension_semantics<core_parallel>, #tpu.dimension_semantics<subcore_parallel>], iteration_bounds = array<i64: 2, 16>, scalar_prefetch = 0 : i64, scratch_operands = 10 : i64, tpu.core_type = #tpu.core_type<sc_vector_subcore>, window_params = [{transform_indices = #map}, {transform_indices = #map1}, {transform_indices = #map1}, {transform_indices = #map}, {transform_indices = #map2}]} {
    %mul3A = arith.constant 632 : i32
    %mul3A_0 = arith.muli %arg1, %mul3A : i32
    "tpu.region"() ({
      %run_scoped3A = tpu.sem_alloc : memref<!tpu.dma_semaphore, #tpu.memory_space<semaphore_mem>>
      %dma_start3A = arith.constant 0 : i32
      %dma_start3A_72 = tpu.memref_slice %arg10[%mul3A_0, %dma_start3A] : memref<10112x128xf32, #tpu.memory_space<vmem_shared>> -> memref<632x128xf32, #tpu.memory_space<vmem_shared>>
      %dma_start3A_73 = arith.constant 0 : i32
      %dma_start3A_74 = tpu.memref_slice %arg5[%mul3A_0, %dma_start3A_73] : memref<10112x128xf32, #tpu.memory_space<hbm>> -> memref<632x128xf32, #tpu.memory_space<hbm>>
      tpu.enqueue_dma source(%dma_start3A_74 : memref<632x128xf32, #tpu.memory_space<hbm>>) target(%dma_start3A_72 : memref<632x128xf32, #tpu.memory_space<vmem_shared>>) target_semaphore(%run_scoped3A : memref<!tpu.dma_semaphore, #tpu.memory_space<semaphore_mem>>)
      %dma_wait3A = arith.constant 0 : i32
      %dma_wait3A_75 = tpu.memref_slice %arg10[%mul3A_0, %dma_wait3A] : memref<10112x128xf32, #tpu.memory_space<vmem_shared>> -> memref<632x128xf32, #tpu.memory_space<vmem_shared>>
      %dma_wait3A_76 = arith.constant 0 : i32
      %dma_wait3A_77 = tpu.memref_slice %arg5[%mul3A_0, %dma_wait3A_76] : memref<10112x128xf32, #tpu.memory_space<hbm>> -> memref<632x128xf32, #tpu.memory_space<hbm>>
      tpu.wait_dma2 semaphore(%run_scoped3A : memref<!tpu.dma_semaphore, #tpu.memory_space<semaphore_mem>>) src(%dma_wait3A_77 : memref<632x128xf32, #tpu.memory_space<hbm>>) dst(%dma_wait3A_75 : memref<632x128xf32, #tpu.memory_space<vmem_shared>>)
      tpu.yield
    }) : () -> ()
    %sub3A = arith.constant 1250 : i32
    %sub3A_1 = arith.subi %sub3A, %arg1 : i32
    %add3A = arith.constant 16 : i32
    %add3A_2 = arith.addi %sub3A_1, %add3A : i32
    %sub3A_3 = arith.constant 1 : i32
    %sub3A_4 = arith.subi %add3A_2, %sub3A_3 : i32
    %jit3A = arith.constant 16 : i32
    %div3A = arith.divsi %sub3A_4, %jit3A : i32
    %sign3A = arith.constant 0 : i32
    %sign3A_5 = arith.cmpi sgt, %sub3A_4, %sign3A : i32
    %sign3A_6 = arith.extui %sign3A_5 : i1 to i32
    %sign3A_7 = arith.constant 0 : i32
    %sign3A_8 = arith.cmpi slt, %sub3A_4, %sign3A_7 : i32
    %sign3A_9 = arith.extui %sign3A_8 : i1 to i32
    %sign3A_10 = arith.subi %sign3A_6, %sign3A_9 : i32
    %sign3A_11 = arith.constant 0 : i32
    %sign3A_12 = arith.cmpi sgt, %jit3A, %sign3A_11 : i32
    %sign3A_13 = arith.extui %sign3A_12 : i1 to i32
    %sign3A_14 = arith.constant 0 : i32
    %sign3A_15 = arith.cmpi slt, %jit3A, %sign3A_14 : i32
    %sign3A_16 = arith.extui %sign3A_15 : i1 to i32
    %sign3A_17 = arith.subi %sign3A_13, %sign3A_16 : i32
    %ne3A = arith.cmpi ne, %sign3A_10, %sign3A_17 : i32
    %rem3A = arith.remsi %sub3A_4, %jit3A : i32
    %ne3A_18 = arith.constant 0 : i32
    %ne3A_19 = arith.cmpi ne, %rem3A, %ne3A_18 : i32
    %and3A = arith.andi %ne3A, %ne3A_19 : i1
    %sub3A_20 = arith.constant 1 : i32
    %sub3A_21 = arith.subi %div3A, %sub3A_20 : i32
    %select_n3A = arith.select %and3A, %sub3A_21, %div3A : i32
    %gt3A = arith.constant 0 : i32
    %gt3A_22 = arith.cmpi sgt, %select_n3A, %gt3A : i32
    %convert_element_type3A = arith.extui %gt3A_22 : i1 to i32
    %cond3A = arith.constant 0 : i32
    %cond3A_23 = arith.cmpi ne, %convert_element_type3A, %cond3A : i32
    scf.if %cond3A_23 {
      %mul3A_72 = arith.constant 1250 : i32
      %mul3A_73 = arith.muli %arg0, %mul3A_72 : i32
      %add3A_74 = arith.addi %mul3A_73, %arg1 : i32
      %add3A_75 = arith.constant 0 : i32
      %add3A_76 = arith.addi %add3A_74, %add3A_75 : i32
      %mul3A_77 = arith.constant 128 : i32
      %mul3A_78 = arith.muli %add3A_76, %mul3A_77 : i32
      %mul3A_79 = arith.constant 1250 : i32
      %mul3A_80 = arith.muli %arg0, %mul3A_79 : i32
      %add3A_81 = arith.addi %mul3A_80, %arg1 : i32
      %add3A_82 = arith.constant 0 : i32
      %add3A_83 = arith.addi %add3A_81, %add3A_82 : i32
      %mul3A_84 = arith.constant 128 : i32
      %mul3A_85 = arith.muli %add3A_83, %mul3A_84 : i32
      %dma_start3A = arith.constant 0 : i32
      %dma_start3A_86 = arith.constant 0 : i32
      %dma_start3A_87 = tpu.memref_slice %arg7[%dma_start3A, %dma_start3A_86] : memref<3x128xi32, #tpu.memory_space<vmem>> -> memref<1x128xi32, #tpu.memory_space<vmem>>
      %dma_start3A_88 = tpu.memref_squeeze %dma_start3A_87 : memref<1x128xi32, #tpu.memory_space<vmem>> -> memref<128xi32, #tpu.memory_space<vmem>>
      %dma_start3A_89 = tpu.memref_slice %arg3[%mul3A_78] : memref<320000xi32, #tpu.memory_space<hbm>> -> memref<128xi32, #tpu.memory_space<hbm>>
      %dma_start3A_90 = arith.constant 0 : i32
      %dma_start3A_91 = tpu.memref_slice %arg7[%dma_start3A, %dma_start3A_90] : memref<3x128xi32, #tpu.memory_space<vmem>> -> memref<1x128xi32, #tpu.memory_space<vmem>>
      %dma_start3A_92 = tpu.memref_squeeze %dma_start3A_91 : memref<1x128xi32, #tpu.memory_space<vmem>> -> memref<128xi32, #tpu.memory_space<vmem>>
      %dma_start3A_93 = tpu.memref_slice %arg3[%mul3A_78] : memref<320000xi32, #tpu.memory_space<hbm>> -> memref<128xi32, #tpu.memory_space<hbm>>
      tpu.enqueue_dma source(%dma_start3A_93 : memref<128xi32, #tpu.memory_space<hbm>>) target(%dma_start3A_92 : memref<128xi32, #tpu.memory_space<vmem>>) target_semaphore(%arg11 : memref<!tpu.dma_semaphore, #tpu.memory_space<semaphore_mem>>)
      %dma_start3A_94 = arith.constant 0 : i32
      %dma_start3A_95 = arith.constant 0 : i32
      %dma_start3A_96 = tpu.memref_slice %arg8[%dma_start3A_94, %dma_start3A_95] : memref<3x128xi32, #tpu.memory_space<vmem>> -> memref<1x128xi32, #tpu.memory_space<vmem>>
      %dma_start3A_97 = tpu.memref_squeeze %dma_start3A_96 : memref<1x128xi32, #tpu.memory_space<vmem>> -> memref<128xi32, #tpu.memory_space<vmem>>
      %dma_start3A_98 = tpu.memref_slice %arg4[%mul3A_85] : memref<320000xi32, #tpu.memory_space<hbm>> -> memref<128xi32, #tpu.memory_space<hbm>>
      %dma_start3A_99 = arith.constant 0 : i32
      %dma_start3A_100 = tpu.memref_slice %arg8[%dma_start3A_94, %dma_start3A_99] : memref<3x128xi32, #tpu.memory_space<vmem>> -> memref<1x128xi32, #tpu.memory_space<vmem>>
      %dma_start3A_101 = tpu.memref_squeeze %dma_start3A_100 : memref<1x128xi32, #tpu.memory_space<vmem>> -> memref<128xi32, #tpu.memory_space<vmem>>
      %dma_start3A_102 = tpu.memref_slice %arg4[%mul3A_85] : memref<320000xi32, #tpu.memory_space<hbm>> -> memref<128xi32, #tpu.memory_space<hbm>>
      tpu.enqueue_dma source(%dma_start3A_102 : memref<128xi32, #tpu.memory_space<hbm>>) target(%dma_start3A_101 : memref<128xi32, #tpu.memory_space<vmem>>) target_semaphore(%arg11 : memref<!tpu.dma_semaphore, #tpu.memory_space<semaphore_mem>>)
    } else {
    }
    %gt3A_24 = arith.constant 1 : i32
    %gt3A_25 = arith.cmpi sgt, %select_n3A, %gt3A_24 : i32
    %convert_element_type3A_26 = arith.extui %gt3A_25 : i1 to i32
    %cond3A_27 = arith.constant 0 : i32
    %cond3A_28 = arith.cmpi ne, %convert_element_type3A_26, %cond3A_27 : i32
    scf.if %cond3A_28 {
      %mul3A_72 = arith.constant 1250 : i32
      %mul3A_73 = arith.muli %arg0, %mul3A_72 : i32
      %add3A_74 = arith.addi %mul3A_73, %arg1 : i32
      %add3A_75 = arith.constant 16 : i32
      %add3A_76 = arith.addi %add3A_74, %add3A_75 : i32
      %mul3A_77 = arith.constant 128 : i32
      %mul3A_78 = arith.muli %add3A_76, %mul3A_77 : i32
      %mul3A_79 = arith.constant 1250 : i32
      %mul3A_80 = arith.muli %arg0, %mul3A_79 : i32
      %add3A_81 = arith.addi %mul3A_80, %arg1 : i32
      %add3A_82 = arith.constant 16 : i32
      %add3A_83 = arith.addi %add3A_81, %add3A_82 : i32
      %mul3A_84 = arith.constant 128 : i32
      %mul3A_85 = arith.muli %add3A_83, %mul3A_84 : i32
      %dma_start3A = arith.constant 1 : i32
      %dma_start3A_86 = arith.constant 0 : i32
      %dma_start3A_87 = tpu.memref_slice %arg7[%dma_start3A, %dma_start3A_86] : memref<3x128xi32, #tpu.memory_space<vmem>> -> memref<1x128xi32, #tpu.memory_space<vmem>>
      %dma_start3A_88 = tpu.memref_squeeze %dma_start3A_87 : memref<1x128xi32, #tpu.memory_space<vmem>> -> memref<128xi32, #tpu.memory_space<vmem>>
      %dma_start3A_89 = tpu.memref_slice %arg3[%mul3A_78] : memref<320000xi32, #tpu.memory_space<hbm>> -> memref<128xi32, #tpu.memory_space<hbm>>
      %dma_start3A_90 = arith.constant 0 : i32
      %dma_start3A_91 = tpu.memref_slice %arg7[%dma_start3A, %dma_start3A_90] : memref<3x128xi32, #tpu.memory_space<vmem>> -> memref<1x128xi32, #tpu.memory_space<vmem>>
      %dma_start3A_92 = tpu.memref_squeeze %dma_start3A_91 : memref<1x128xi32, #tpu.memory_space<vmem>> -> memref<128xi32, #tpu.memory_space<vmem>>
      %dma_start3A_93 = tpu.memref_slice %arg3[%mul3A_78] : memref<320000xi32, #tpu.memory_space<hbm>> -> memref<128xi32, #tpu.memory_space<hbm>>
      tpu.enqueue_dma source(%dma_start3A_93 : memref<128xi32, #tpu.memory_space<hbm>>) target(%dma_start3A_92 : memref<128xi32, #tpu.memory_space<vmem>>) target_semaphore(%arg12 : memref<!tpu.dma_semaphore, #tpu.memory_space<semaphore_mem>>)
      %dma_start3A_94 = arith.constant 1 : i32
      %dma_start3A_95 = arith.constant 0 : i32
      %dma_start3A_96 = tpu.memref_slice %arg8[%dma_start3A_94, %dma_start3A_95] : memref<3x128xi32, #tpu.memory_space<vmem>> -> memref<1x128xi32, #tpu.memory_space<vmem>>
      %dma_start3A_97 = tpu.memref_squeeze %dma_start3A_96 : memref<1x128xi32, #tpu.memory_space<vmem>> -> memref<128xi32, #tpu.memory_space<vmem>>
      %dma_start3A_98 = tpu.memref_slice %arg4[%mul3A_85] : memref<320000xi32, #tpu.memory_space<hbm>> -> memref<128xi32, #tpu.memory_space<hbm>>
      %dma_start3A_99 = arith.constant 0 : i32
      %dma_start3A_100 = tpu.memref_slice %arg8[%dma_start3A_94, %dma_start3A_99] : memref<3x128xi32, #tpu.memory_space<vmem>> -> memref<1x128xi32, #tpu.memory_space<vmem>>
      %dma_start3A_101 = tpu.memref_squeeze %dma_start3A_100 : memref<1x128xi32, #tpu.memory_space<vmem>> -> memref<128xi32, #tpu.memory_space<vmem>>
      %dma_start3A_102 = tpu.memref_slice %arg4[%mul3A_85] : memref<320000xi32, #tpu.memory_space<hbm>> -> memref<128xi32, #tpu.memory_space<hbm>>
      tpu.enqueue_dma source(%dma_start3A_102 : memref<128xi32, #tpu.memory_space<hbm>>) target(%dma_start3A_101 : memref<128xi32, #tpu.memory_space<vmem>>) target_semaphore(%arg12 : memref<!tpu.dma_semaphore, #tpu.memory_space<semaphore_mem>>)
    } else {
    }
    %gt3A_29 = arith.constant 2 : i32
    %gt3A_30 = arith.cmpi sgt, %select_n3A, %gt3A_29 : i32
    %convert_element_type3A_31 = arith.extui %gt3A_30 : i1 to i32
    %cond3A_32 = arith.constant 0 : i32
    %cond3A_33 = arith.cmpi ne, %convert_element_type3A_31, %cond3A_32 : i32
    scf.if %cond3A_33 {
      %mul3A_72 = arith.constant 1250 : i32
      %mul3A_73 = arith.muli %arg0, %mul3A_72 : i32
      %add3A_74 = arith.addi %mul3A_73, %arg1 : i32
      %add3A_75 = arith.constant 32 : i32
      %add3A_76 = arith.addi %add3A_74, %add3A_75 : i32
      %mul3A_77 = arith.constant 128 : i32
      %mul3A_78 = arith.muli %add3A_76, %mul3A_77 : i32
      %mul3A_79 = arith.constant 1250 : i32
      %mul3A_80 = arith.muli %arg0, %mul3A_79 : i32
      %add3A_81 = arith.addi %mul3A_80, %arg1 : i32
      %add3A_82 = arith.constant 32 : i32
      %add3A_83 = arith.addi %add3A_81, %add3A_82 : i32
      %mul3A_84 = arith.constant 128 : i32
      %mul3A_85 = arith.muli %add3A_83, %mul3A_84 : i32
      %dma_start3A = arith.constant 2 : i32
      %dma_start3A_86 = arith.constant 0 : i32
      %dma_start3A_87 = tpu.memref_slice %arg7[%dma_start3A, %dma_start3A_86] : memref<3x128xi32, #tpu.memory_space<vmem>> -> memref<1x128xi32, #tpu.memory_space<vmem>>
      %dma_start3A_88 = tpu.memref_squeeze %dma_start3A_87 : memref<1x128xi32, #tpu.memory_space<vmem>> -> memref<128xi32, #tpu.memory_space<vmem>>
      %dma_start3A_89 = tpu.memref_slice %arg3[%mul3A_78] : memref<320000xi32, #tpu.memory_space<hbm>> -> memref<128xi32, #tpu.memory_space<hbm>>
      %dma_start3A_90 = arith.constant 0 : i32
      %dma_start3A_91 = tpu.memref_slice %arg7[%dma_start3A, %dma_start3A_90] : memref<3x128xi32, #tpu.memory_space<vmem>> -> memref<1x128xi32, #tpu.memory_space<vmem>>
      %dma_start3A_92 = tpu.memref_squeeze %dma_start3A_91 : memref<1x128xi32, #tpu.memory_space<vmem>> -> memref<128xi32, #tpu.memory_space<vmem>>
      %dma_start3A_93 = tpu.memref_slice %arg3[%mul3A_78] : memref<320000xi32, #tpu.memory_space<hbm>> -> memref<128xi32, #tpu.memory_space<hbm>>
      tpu.enqueue_dma source(%dma_start3A_93 : memref<128xi32, #tpu.memory_space<hbm>>) target(%dma_start3A_92 : memref<128xi32, #tpu.memory_space<vmem>>) target_semaphore(%arg13 : memref<!tpu.dma_semaphore, #tpu.memory_space<semaphore_mem>>)
      %dma_start3A_94 = arith.constant 2 : i32
      %dma_start3A_95 = arith.constant 0 : i32
      %dma_start3A_96 = tpu.memref_slice %arg8[%dma_start3A_94, %dma_start3A_95] : memref<3x128xi32, #tpu.memory_space<vmem>> -> memref<1x128xi32, #tpu.memory_space<vmem>>
      %dma_start3A_97 = tpu.memref_squeeze %dma_start3A_96 : memref<1x128xi32, #tpu.memory_space<vmem>> -> memref<128xi32, #tpu.memory_space<vmem>>
      %dma_start3A_98 = tpu.memref_slice %arg4[%mul3A_85] : memref<320000xi32, #tpu.memory_space<hbm>> -> memref<128xi32, #tpu.memory_space<hbm>>
      %dma_start3A_99 = arith.constant 0 : i32
      %dma_start3A_100 = tpu.memref_slice %arg8[%dma_start3A_94, %dma_start3A_99] : memref<3x128xi32, #tpu.memory_space<vmem>> -> memref<1x128xi32, #tpu.memory_space<vmem>>
      %dma_start3A_101 = tpu.memref_squeeze %dma_start3A_100 : memref<1x128xi32, #tpu.memory_space<vmem>> -> memref<128xi32, #tpu.memory_space<vmem>>
      %dma_start3A_102 = tpu.memref_slice %arg4[%mul3A_85] : memref<320000xi32, #tpu.memory_space<hbm>> -> memref<128xi32, #tpu.memory_space<hbm>>
      tpu.enqueue_dma source(%dma_start3A_102 : memref<128xi32, #tpu.memory_space<hbm>>) target(%dma_start3A_101 : memref<128xi32, #tpu.memory_space<vmem>>) target_semaphore(%arg13 : memref<!tpu.dma_semaphore, #tpu.memory_space<semaphore_mem>>)
    } else {
    }
    %barrier3A = arith.constant 0 : index
    tpu.barrier barrier_id(%barrier3A)
    %add3A_34 = arith.constant 3 : i32
    %add3A_35 = arith.addi %select_n3A, %add3A_34 : i32
    %sub3A_36 = arith.constant 1 : i32
    %sub3A_37 = arith.subi %add3A_35, %sub3A_36 : i32
    %jit3A_38 = arith.constant 3 : i32
    %div3A_39 = arith.divsi %sub3A_37, %jit3A_38 : i32
    %sign3A_40 = arith.constant 0 : i32
    %sign3A_41 = arith.cmpi sgt, %sub3A_37, %sign3A_40 : i32
    %sign3A_42 = arith.extui %sign3A_41 : i1 to i32
    %sign3A_43 = arith.constant 0 : i32
    %sign3A_44 = arith.cmpi slt, %sub3A_37, %sign3A_43 : i32
    %sign3A_45 = arith.extui %sign3A_44 : i1 to i32
    %sign3A_46 = arith.subi %sign3A_42, %sign3A_45 : i32
    %sign3A_47 = arith.constant 0 : i32
    %sign3A_48 = arith.cmpi sgt, %jit3A_38, %sign3A_47 : i32
    %sign3A_49 = arith.extui %sign3A_48 : i1 to i32
    %sign3A_50 = arith.constant 0 : i32
    %sign3A_51 = arith.cmpi slt, %jit3A_38, %sign3A_50 : i32
    %sign3A_52 = arith.extui %sign3A_51 : i1 to i32
    %sign3A_53 = arith.subi %sign3A_49, %sign3A_52 : i32
    %ne3A_54 = arith.cmpi ne, %sign3A_46, %sign3A_53 : i32
    %rem3A_55 = arith.remsi %sub3A_37, %jit3A_38 : i32
    %ne3A_56 = arith.constant 0 : i32
    %ne3A_57 = arith.cmpi ne, %rem3A_55, %ne3A_56 : i32
    %and3A_58 = arith.andi %ne3A_54, %ne3A_57 : i1
    %sub3A_59 = arith.constant 1 : i32
    %sub3A_60 = arith.subi %div3A_39, %sub3A_59 : i32
    %select_n3A_61 = arith.select %and3A_58, %sub3A_60, %div3A_39 : i32
    %while3A = arith.constant 0 : i32
    %while3A_62 = arith.constant 0 : i32
    %while3A_63 = arith.subi %select_n3A_61, %while3A_62 : i32
    %while3A_64 = arith.addi %while3A_62, %while3A_63 : i32
    %while3A_65 = arith.constant 1 : i32
    %while3A_66 = arith.divsi %while3A_63, %while3A_65 : i32
    %while3A_67 = arith.muli %while3A_66, %while3A_65 : i32
    %while3A_68 = arith.addi %while3A_62, %while3A_67 : i32
    %while3A_69 = arith.constant 1 : i32
    scf.for %while3A_72 = %while3A_62 to %while3A_68 step %while3A_69  : i32 {
      %mul3A_73 = arith.constant 3 : i32
      %mul3A_74 = arith.muli %while3A_72, %mul3A_73 : i32
      %add3A_75 = arith.constant 0 : i32
      %add3A_76 = arith.addi %mul3A_74, %add3A_75 : i32
      %lt3A = arith.cmpi slt, %add3A_76, %select_n3A : i32
      %convert_element_type3A_77 = arith.extui %lt3A : i1 to i32
      %cond3A_78 = arith.constant 0 : i32
      %cond3A_79 = arith.cmpi ne, %convert_element_type3A_77, %cond3A_78 : i32
      scf.if %cond3A_79 {
        %mul3A_120 = arith.constant 1250 : i32
        %mul3A_121 = arith.muli %arg0, %mul3A_120 : i32
        %add3A_122 = arith.addi %mul3A_121, %arg1 : i32
        %mul3A_123 = arith.constant 16 : i32
        %mul3A_124 = arith.muli %add3A_76, %mul3A_123 : i32
        %add3A_125 = arith.addi %add3A_122, %mul3A_124 : i32
        %mul3A_126 = arith.constant 128 : i32
        %mul3A_127 = arith.muli %add3A_125, %mul3A_126 : i32
        %mul3A_128 = arith.constant 1250 : i32
        %mul3A_129 = arith.muli %arg0, %mul3A_128 : i32
        %add3A_130 = arith.addi %mul3A_129, %arg1 : i32
        %mul3A_131 = arith.constant 16 : i32
        %mul3A_132 = arith.muli %add3A_76, %mul3A_131 : i32
        %add3A_133 = arith.addi %add3A_130, %mul3A_132 : i32
        %mul3A_134 = arith.constant 128 : i32
        %mul3A_135 = arith.muli %add3A_133, %mul3A_134 : i32
        %dma_wait3A = arith.constant 0 : i32
        %dma_wait3A_136 = arith.constant 0 : i32
        %dma_wait3A_137 = tpu.memref_slice %arg7[%dma_wait3A, %dma_wait3A_136] : memref<3x128xi32, #tpu.memory_space<vmem>> -> memref<1x128xi32, #tpu.memory_space<vmem>>
        %dma_wait3A_138 = tpu.memref_squeeze %dma_wait3A_137 : memref<1x128xi32, #tpu.memory_space<vmem>> -> memref<128xi32, #tpu.memory_space<vmem>>
        %dma_wait3A_139 = tpu.memref_slice %arg3[%mul3A_127] : memref<320000xi32, #tpu.memory_space<hbm>> -> memref<128xi32, #tpu.memory_space<hbm>>
        %dma_wait3A_140 = arith.constant 0 : i32
        %dma_wait3A_141 = tpu.memref_slice %arg7[%dma_wait3A, %dma_wait3A_140] : memref<3x128xi32, #tpu.memory_space<vmem>> -> memref<1x128xi32, #tpu.memory_space<vmem>>
        %dma_wait3A_142 = tpu.memref_squeeze %dma_wait3A_141 : memref<1x128xi32, #tpu.memory_space<vmem>> -> memref<128xi32, #tpu.memory_space<vmem>>
        %dma_wait3A_143 = tpu.memref_slice %arg3[%mul3A_127] : memref<320000xi32, #tpu.memory_space<hbm>> -> memref<128xi32, #tpu.memory_space<hbm>>
        tpu.wait_dma2 semaphore(%arg11 : memref<!tpu.dma_semaphore, #tpu.memory_space<semaphore_mem>>) src(%dma_wait3A_143 : memref<128xi32, #tpu.memory_space<hbm>>) dst(%dma_wait3A_142 : memref<128xi32, #tpu.memory_space<vmem>>)
        %dma_wait3A_144 = arith.constant 0 : i32
        %dma_wait3A_145 = arith.constant 0 : i32
        %dma_wait3A_146 = tpu.memref_slice %arg8[%dma_wait3A_144, %dma_wait3A_145] : memref<3x128xi32, #tpu.memory_space<vmem>> -> memref<1x128xi32, #tpu.memory_space<vmem>>
        %dma_wait3A_147 = tpu.memref_squeeze %dma_wait3A_146 : memref<1x128xi32, #tpu.memory_space<vmem>> -> memref<128xi32, #tpu.memory_space<vmem>>
        %dma_wait3A_148 = tpu.memref_slice %arg4[%mul3A_135] : memref<320000xi32, #tpu.memory_space<hbm>> -> memref<128xi32, #tpu.memory_space<hbm>>
        %dma_wait3A_149 = arith.constant 0 : i32
        %dma_wait3A_150 = tpu.memref_slice %arg8[%dma_wait3A_144, %dma_wait3A_149] : memref<3x128xi32, #tpu.memory_space<vmem>> -> memref<1x128xi32, #tpu.memory_space<vmem>>
        %dma_wait3A_151 = tpu.memref_squeeze %dma_wait3A_150 : memref<1x128xi32, #tpu.memory_space<vmem>> -> memref<128xi32, #tpu.memory_space<vmem>>
        %dma_wait3A_152 = tpu.memref_slice %arg4[%mul3A_135] : memref<320000xi32, #tpu.memory_space<hbm>> -> memref<128xi32, #tpu.memory_space<hbm>>
        tpu.wait_dma2 semaphore(%arg11 : memref<!tpu.dma_semaphore, #tpu.memory_space<semaphore_mem>>) src(%dma_wait3A_152 : memref<128xi32, #tpu.memory_space<hbm>>) dst(%dma_wait3A_151 : memref<128xi32, #tpu.memory_space<vmem>>)
        %dma_start3A = arith.constant 0 : i32
        %dma_start3A_153 = arith.constant 0 : i32
        %dma_start3A_154 = arith.constant 0 : i32
        %dma_start3A_155 = arith.constant 0 : i32
        %dma_start3A_156 = tpu.memref_slice %arg9[%dma_start3A_153, %dma_start3A_154, %dma_start3A_155] : memref<3x128x128xf32, #tpu.memory_space<vmem>> -> memref<1x128x128xf32, #tpu.memory_space<vmem>>
        %dma_start3A_157 = tpu.memref_squeeze %dma_start3A_156 : memref<1x128x128xf32, #tpu.memory_space<vmem>> -> memref<128x128xf32, #tpu.memory_space<vmem>>
        %dma_start3A_158 = arith.constant 0 : i32
        %dma_start3A_159 = tpu.memref_slice %arg7[%dma_start3A, %dma_start3A_158] : memref<3x128xi32, #tpu.memory_space<vmem>> -> memref<1x128xi32, #tpu.memory_space<vmem>>
        %dma_start3A_160 = tpu.memref_squeeze %dma_start3A_159 : memref<1x128xi32, #tpu.memory_space<vmem>> -> memref<128xi32, #tpu.memory_space<vmem>>
        %dma_start3A_161 = arith.constant 0 : i32
        %dma_start3A_162 = arith.constant 0 : i32
        %dma_start3A_163 = tpu.memref_slice %arg2[%dma_start3A_161, %dma_start3A_162] : memref<10000x128xf32, #tpu.memory_space<hbm>> -> memref<10000x128xf32, #tpu.memory_space<hbm>>
        tpu.enqueue_indirect_dma source(%dma_start3A_163 : memref<10000x128xf32, #tpu.memory_space<hbm>>) target(%dma_start3A_157 : memref<128x128xf32, #tpu.memory_space<vmem>>) offsets(%dma_start3A_160 : memref<128xi32, #tpu.memory_space<vmem>>) semaphore(%arg14 : memref<!tpu.dma_semaphore, #tpu.memory_space<semaphore_mem>>)
      } else {
      }
      %mul3A_80 = arith.constant 3 : i32
      %mul3A_81 = arith.muli %while3A_72, %mul3A_80 : i32
      %add3A_82 = arith.constant 1 : i32
      %add3A_83 = arith.addi %mul3A_81, %add3A_82 : i32
      %lt3A_84 = arith.cmpi slt, %add3A_83, %select_n3A : i32
      %convert_element_type3A_85 = arith.extui %lt3A_84 : i1 to i32
      %cond3A_86 = arith.constant 0 : i32
      %cond3A_87 = arith.cmpi ne, %convert_element_type3A_85, %cond3A_86 : i32
      scf.if %cond3A_87 {
        %mul3A_120 = arith.constant 1250 : i32
        %mul3A_121 = arith.muli %arg0, %mul3A_120 : i32
        %add3A_122 = arith.addi %mul3A_121, %arg1 : i32
        %mul3A_123 = arith.constant 16 : i32
        %mul3A_124 = arith.muli %add3A_83, %mul3A_123 : i32
        %add3A_125 = arith.addi %add3A_122, %mul3A_124 : i32
        %mul3A_126 = arith.constant 128 : i32
        %mul3A_127 = arith.muli %add3A_125, %mul3A_126 : i32
        %mul3A_128 = arith.constant 1250 : i32
        %mul3A_129 = arith.muli %arg0, %mul3A_128 : i32
        %add3A_130 = arith.addi %mul3A_129, %arg1 : i32
        %mul3A_131 = arith.constant 16 : i32
        %mul3A_132 = arith.muli %add3A_83, %mul3A_131 : i32
        %add3A_133 = arith.addi %add3A_130, %mul3A_132 : i32
        %mul3A_134 = arith.constant 128 : i32
        %mul3A_135 = arith.muli %add3A_133, %mul3A_134 : i32
        %dma_wait3A = arith.constant 1 : i32
        %dma_wait3A_136 = arith.constant 0 : i32
        %dma_wait3A_137 = tpu.memref_slice %arg7[%dma_wait3A, %dma_wait3A_136] : memref<3x128xi32, #tpu.memory_space<vmem>> -> memref<1x128xi32, #tpu.memory_space<vmem>>
        %dma_wait3A_138 = tpu.memref_squeeze %dma_wait3A_137 : memref<1x128xi32, #tpu.memory_space<vmem>> -> memref<128xi32, #tpu.memory_space<vmem>>
        %dma_wait3A_139 = tpu.memref_slice %arg3[%mul3A_127] : memref<320000xi32, #tpu.memory_space<hbm>> -> memref<128xi32, #tpu.memory_space<hbm>>
        %dma_wait3A_140 = arith.constant 0 : i32
        %dma_wait3A_141 = tpu.memref_slice %arg7[%dma_wait3A, %dma_wait3A_140] : memref<3x128xi32, #tpu.memory_space<vmem>> -> memref<1x128xi32, #tpu.memory_space<vmem>>
        %dma_wait3A_142 = tpu.memref_squeeze %dma_wait3A_141 : memref<1x128xi32, #tpu.memory_space<vmem>> -> memref<128xi32, #tpu.memory_space<vmem>>
        %dma_wait3A_143 = tpu.memref_slice %arg3[%mul3A_127] : memref<320000xi32, #tpu.memory_space<hbm>> -> memref<128xi32, #tpu.memory_space<hbm>>
        tpu.wait_dma2 semaphore(%arg12 : memref<!tpu.dma_semaphore, #tpu.memory_space<semaphore_mem>>) src(%dma_wait3A_143 : memref<128xi32, #tpu.memory_space<hbm>>) dst(%dma_wait3A_142 : memref<128xi32, #tpu.memory_space<vmem>>)
        %dma_wait3A_144 = arith.constant 1 : i32
        %dma_wait3A_145 = arith.constant 0 : i32
        %dma_wait3A_146 = tpu.memref_slice %arg8[%dma_wait3A_144, %dma_wait3A_145] : memref<3x128xi32, #tpu.memory_space<vmem>> -> memref<1x128xi32, #tpu.memory_space<vmem>>
        %dma_wait3A_147 = tpu.memref_squeeze %dma_wait3A_146 : memref<1x128xi32, #tpu.memory_space<vmem>> -> memref<128xi32, #tpu.memory_space<vmem>>
        %dma_wait3A_148 = tpu.memref_slice %arg4[%mul3A_135] : memref<320000xi32, #tpu.memory_space<hbm>> -> memref<128xi32, #tpu.memory_space<hbm>>
        %dma_wait3A_149 = arith.constant 0 : i32
        %dma_wait3A_150 = tpu.memref_slice %arg8[%dma_wait3A_144, %dma_wait3A_149] : memref<3x128xi32, #tpu.memory_space<vmem>> -> memref<1x128xi32, #tpu.memory_space<vmem>>
        %dma_wait3A_151 = tpu.memref_squeeze %dma_wait3A_150 : memref<1x128xi32, #tpu.memory_space<vmem>> -> memref<128xi32, #tpu.memory_space<vmem>>
        %dma_wait3A_152 = tpu.memref_slice %arg4[%mul3A_135] : memref<320000xi32, #tpu.memory_space<hbm>> -> memref<128xi32, #tpu.memory_space<hbm>>
        tpu.wait_dma2 semaphore(%arg12 : memref<!tpu.dma_semaphore, #tpu.memory_space<semaphore_mem>>) src(%dma_wait3A_152 : memref<128xi32, #tpu.memory_space<hbm>>) dst(%dma_wait3A_151 : memref<128xi32, #tpu.memory_space<vmem>>)
        %dma_start3A = arith.constant 1 : i32
        %dma_start3A_153 = arith.constant 1 : i32
        %dma_start3A_154 = arith.constant 0 : i32
        %dma_start3A_155 = arith.constant 0 : i32
        %dma_start3A_156 = tpu.memref_slice %arg9[%dma_start3A_153, %dma_start3A_154, %dma_start3A_155] : memref<3x128x128xf32, #tpu.memory_space<vmem>> -> memref<1x128x128xf32, #tpu.memory_space<vmem>>
        %dma_start3A_157 = tpu.memref_squeeze %dma_start3A_156 : memref<1x128x128xf32, #tpu.memory_space<vmem>> -> memref<128x128xf32, #tpu.memory_space<vmem>>
        %dma_start3A_158 = arith.constant 0 : i32
        %dma_start3A_159 = tpu.memref_slice %arg7[%dma_start3A, %dma_start3A_158] : memref<3x128xi32, #tpu.memory_space<vmem>> -> memref<1x128xi32, #tpu.memory_space<vmem>>
        %dma_start3A_160 = tpu.memref_squeeze %dma_start3A_159 : memref<1x128xi32, #tpu.memory_space<vmem>> -> memref<128xi32, #tpu.memory_space<vmem>>
        %dma_start3A_161 = arith.constant 0 : i32
        %dma_start3A_162 = arith.constant 0 : i32
        %dma_start3A_163 = tpu.memref_slice %arg2[%dma_start3A_161, %dma_start3A_162] : memref<10000x128xf32, #tpu.memory_space<hbm>> -> memref<10000x128xf32, #tpu.memory_space<hbm>>
        tpu.enqueue_indirect_dma source(%dma_start3A_163 : memref<10000x128xf32, #tpu.memory_space<hbm>>) target(%dma_start3A_157 : memref<128x128xf32, #tpu.memory_space<vmem>>) offsets(%dma_start3A_160 : memref<128xi32, #tpu.memory_space<vmem>>) semaphore(%arg15 : memref<!tpu.dma_semaphore, #tpu.memory_space<semaphore_mem>>)
      } else {
      }
      %mul3A_88 = arith.constant 3 : i32
      %mul3A_89 = arith.muli %while3A_72, %mul3A_88 : i32
      %add3A_90 = arith.constant 2 : i32
      %add3A_91 = arith.addi %mul3A_89, %add3A_90 : i32
      %lt3A_92 = arith.cmpi slt, %add3A_91, %select_n3A : i32
      %convert_element_type3A_93 = arith.extui %lt3A_92 : i1 to i32
      %cond3A_94 = arith.constant 0 : i32
      %cond3A_95 = arith.cmpi ne, %convert_element_type3A_93, %cond3A_94 : i32
      scf.if %cond3A_95 {
        %mul3A_120 = arith.constant 1250 : i32
        %mul3A_121 = arith.muli %arg0, %mul3A_120 : i32
        %add3A_122 = arith.addi %mul3A_121, %arg1 : i32
        %mul3A_123 = arith.constant 16 : i32
        %mul3A_124 = arith.muli %add3A_91, %mul3A_123 : i32
        %add3A_125 = arith.addi %add3A_122, %mul3A_124 : i32
        %mul3A_126 = arith.constant 128 : i32
        %mul3A_127 = arith.muli %add3A_125, %mul3A_126 : i32
        %mul3A_128 = arith.constant 1250 : i32
        %mul3A_129 = arith.muli %arg0, %mul3A_128 : i32
        %add3A_130 = arith.addi %mul3A_129, %arg1 : i32
        %mul3A_131 = arith.constant 16 : i32
        %mul3A_132 = arith.muli %add3A_91, %mul3A_131 : i32
        %add3A_133 = arith.addi %add3A_130, %mul3A_132 : i32
        %mul3A_134 = arith.constant 128 : i32
        %mul3A_135 = arith.muli %add3A_133, %mul3A_134 : i32
        %dma_wait3A = arith.constant 2 : i32
        %dma_wait3A_136 = arith.constant 0 : i32
        %dma_wait3A_137 = tpu.memref_slice %arg7[%dma_wait3A, %dma_wait3A_136] : memref<3x128xi32, #tpu.memory_space<vmem>> -> memref<1x128xi32, #tpu.memory_space<vmem>>
        %dma_wait3A_138 = tpu.memref_squeeze %dma_wait3A_137 : memref<1x128xi32, #tpu.memory_space<vmem>> -> memref<128xi32, #tpu.memory_space<vmem>>
        %dma_wait3A_139 = tpu.memref_slice %arg3[%mul3A_127] : memref<320000xi32, #tpu.memory_space<hbm>> -> memref<128xi32, #tpu.memory_space<hbm>>
        %dma_wait3A_140 = arith.constant 0 : i32
        %dma_wait3A_141 = tpu.memref_slice %arg7[%dma_wait3A, %dma_wait3A_140] : memref<3x128xi32, #tpu.memory_space<vmem>> -> memref<1x128xi32, #tpu.memory_space<vmem>>
        %dma_wait3A_142 = tpu.memref_squeeze %dma_wait3A_141 : memref<1x128xi32, #tpu.memory_space<vmem>> -> memref<128xi32, #tpu.memory_space<vmem>>
        %dma_wait3A_143 = tpu.memref_slice %arg3[%mul3A_127] : memref<320000xi32, #tpu.memory_space<hbm>> -> memref<128xi32, #tpu.memory_space<hbm>>
        tpu.wait_dma2 semaphore(%arg13 : memref<!tpu.dma_semaphore, #tpu.memory_space<semaphore_mem>>) src(%dma_wait3A_143 : memref<128xi32, #tpu.memory_space<hbm>>) dst(%dma_wait3A_142 : memref<128xi32, #tpu.memory_space<vmem>>)
        %dma_wait3A_144 = arith.constant 2 : i32
        %dma_wait3A_145 = arith.constant 0 : i32
        %dma_wait3A_146 = tpu.memref_slice %arg8[%dma_wait3A_144, %dma_wait3A_145] : memref<3x128xi32, #tpu.memory_space<vmem>> -> memref<1x128xi32, #tpu.memory_space<vmem>>
        %dma_wait3A_147 = tpu.memref_squeeze %dma_wait3A_146 : memref<1x128xi32, #tpu.memory_space<vmem>> -> memref<128xi32, #tpu.memory_space<vmem>>
        %dma_wait3A_148 = tpu.memref_slice %arg4[%mul3A_135] : memref<320000xi32, #tpu.memory_space<hbm>> -> memref<128xi32, #tpu.memory_space<hbm>>
        %dma_wait3A_149 = arith.constant 0 : i32
        %dma_wait3A_150 = tpu.memref_slice %arg8[%dma_wait3A_144, %dma_wait3A_149] : memref<3x128xi32, #tpu.memory_space<vmem>> -> memref<1x128xi32, #tpu.memory_space<vmem>>
        %dma_wait3A_151 = tpu.memref_squeeze %dma_wait3A_150 : memref<1x128xi32, #tpu.memory_space<vmem>> -> memref<128xi32, #tpu.memory_space<vmem>>
        %dma_wait3A_152 = tpu.memref_slice %arg4[%mul3A_135] : memref<320000xi32, #tpu.memory_space<hbm>> -> memref<128xi32, #tpu.memory_space<hbm>>
        tpu.wait_dma2 semaphore(%arg13 : memref<!tpu.dma_semaphore, #tpu.memory_space<semaphore_mem>>) src(%dma_wait3A_152 : memref<128xi32, #tpu.memory_space<hbm>>) dst(%dma_wait3A_151 : memref<128xi32, #tpu.memory_space<vmem>>)
        %dma_start3A = arith.constant 2 : i32
        %dma_start3A_153 = arith.constant 2 : i32
        %dma_start3A_154 = arith.constant 0 : i32
        %dma_start3A_155 = arith.constant 0 : i32
        %dma_start3A_156 = tpu.memref_slice %arg9[%dma_start3A_153, %dma_start3A_154, %dma_start3A_155] : memref<3x128x128xf32, #tpu.memory_space<vmem>> -> memref<1x128x128xf32, #tpu.memory_space<vmem>>
        %dma_start3A_157 = tpu.memref_squeeze %dma_start3A_156 : memref<1x128x128xf32, #tpu.memory_space<vmem>> -> memref<128x128xf32, #tpu.memory_space<vmem>>
        %dma_start3A_158 = arith.constant 0 : i32
        %dma_start3A_159 = tpu.memref_slice %arg7[%dma_start3A, %dma_start3A_158] : memref<3x128xi32, #tpu.memory_space<vmem>> -> memref<1x128xi32, #tpu.memory_space<vmem>>
        %dma_start3A_160 = tpu.memref_squeeze %dma_start3A_159 : memref<1x128xi32, #tpu.memory_space<vmem>> -> memref<128xi32, #tpu.memory_space<vmem>>
        %dma_start3A_161 = arith.constant 0 : i32
        %dma_start3A_162 = arith.constant 0 : i32
        %dma_start3A_163 = tpu.memref_slice %arg2[%dma_start3A_161, %dma_start3A_162] : memref<10000x128xf32, #tpu.memory_space<hbm>> -> memref<10000x128xf32, #tpu.memory_space<hbm>>
        tpu.enqueue_indirect_dma source(%dma_start3A_163 : memref<10000x128xf32, #tpu.memory_space<hbm>>) target(%dma_start3A_157 : memref<128x128xf32, #tpu.memory_space<vmem>>) offsets(%dma_start3A_160 : memref<128xi32, #tpu.memory_space<vmem>>) semaphore(%arg16 : memref<!tpu.dma_semaphore, #tpu.memory_space<semaphore_mem>>)
      } else {
      }
      %mul3A_96 = arith.constant 3 : i32
      %mul3A_97 = arith.muli %while3A_72, %mul3A_96 : i32
      %add3A_98 = arith.constant 0 : i32
      %add3A_99 = arith.addi %mul3A_97, %add3A_98 : i32
      %lt3A_100 = arith.cmpi slt, %add3A_99, %select_n3A : i32
      %convert_element_type3A_101 = arith.extui %lt3A_100 : i1 to i32
      %cond3A_102 = arith.constant 0 : i32
      %cond3A_103 = arith.cmpi ne, %convert_element_type3A_101, %cond3A_102 : i32
      scf.if %cond3A_103 {
        %dma_wait3A = arith.constant 0 : i32
        %dma_wait3A_120 = arith.constant 0 : i32
        %dma_wait3A_121 = arith.constant 0 : i32
        %dma_wait3A_122 = arith.constant 0 : i32
        %dma_wait3A_123 = tpu.memref_slice %arg9[%dma_wait3A_120, %dma_wait3A_121, %dma_wait3A_122] : memref<3x128x128xf32, #tpu.memory_space<vmem>> -> memref<1x128x128xf32, #tpu.memory_space<vmem>>
        %dma_wait3A_124 = tpu.memref_squeeze %dma_wait3A_123 : memref<1x128x128xf32, #tpu.memory_space<vmem>> -> memref<128x128xf32, #tpu.memory_space<vmem>>
        %dma_wait3A_125 = arith.constant 0 : i32
        %dma_wait3A_126 = tpu.memref_slice %arg7[%dma_wait3A, %dma_wait3A_125] : memref<3x128xi32, #tpu.memory_space<vmem>> -> memref<1x128xi32, #tpu.memory_space<vmem>>
        %dma_wait3A_127 = tpu.memref_squeeze %dma_wait3A_126 : memref<1x128xi32, #tpu.memory_space<vmem>> -> memref<128xi32, #tpu.memory_space<vmem>>
        %dma_wait3A_128 = arith.constant 0 : i32
        %dma_wait3A_129 = arith.constant 0 : i32
        %dma_wait3A_130 = tpu.memref_slice %arg2[%dma_wait3A_128, %dma_wait3A_129] : memref<10000x128xf32, #tpu.memory_space<hbm>> -> memref<10000x128xf32, #tpu.memory_space<hbm>>
        tpu.wait_indirect_dma semaphore(%arg14 : memref<!tpu.dma_semaphore, #tpu.memory_space<semaphore_mem>>) src(%dma_wait3A_130 : memref<10000x128xf32, #tpu.memory_space<hbm>>) dst(%dma_wait3A_124 : memref<128x128xf32, #tpu.memory_space<vmem>>)
        %run_scoped3A = arith.constant 0 : i32
        %run_scoped3A_131 = arith.constant 0 : i32
        "tpu.region"() ({
          %run_scoped3A_138 = tpu.sem_alloc : memref<!tpu.dma_semaphore, #tpu.memory_space<semaphore_mem>>
          %dma_start3A = arith.constant 0 : i32
          %dma_start3A_139 = arith.constant 0 : i32
          %dma_start3A_140 = tpu.memref_slice %arg9[%run_scoped3A, %dma_start3A, %dma_start3A_139] : memref<3x128x128xf32, #tpu.memory_space<vmem>> -> memref<1x128x128xf32, #tpu.memory_space<vmem>>
          %dma_start3A_141 = tpu.memref_squeeze %dma_start3A_140 : memref<1x128x128xf32, #tpu.memory_space<vmem>> -> memref<128x128xf32, #tpu.memory_space<vmem>>
          %dma_start3A_142 = arith.constant 0 : i32
          %dma_start3A_143 = tpu.memref_slice %arg8[%run_scoped3A_131, %dma_start3A_142] : memref<3x128xi32, #tpu.memory_space<vmem>> -> memref<1x128xi32, #tpu.memory_space<vmem>>
          %dma_start3A_144 = tpu.memref_squeeze %dma_start3A_143 : memref<1x128xi32, #tpu.memory_space<vmem>> -> memref<128xi32, #tpu.memory_space<vmem>>
          %dma_start3A_145 = arith.constant 0 : i32
          %dma_start3A_146 = arith.constant 0 : i32
          %dma_start3A_147 = tpu.memref_slice %arg10[%dma_start3A_145, %dma_start3A_146] : memref<10112x128xf32, #tpu.memory_space<vmem_shared>> -> memref<10112x128xf32, #tpu.memory_space<vmem_shared>>
          tpu.enqueue_indirect_dma source(%dma_start3A_141 : memref<128x128xf32, #tpu.memory_space<vmem>>) target(%dma_start3A_147 : memref<10112x128xf32, #tpu.memory_space<vmem_shared>>) offsets(%dma_start3A_144 : memref<128xi32, #tpu.memory_space<vmem>>) semaphore(%run_scoped3A_138 : memref<!tpu.dma_semaphore, #tpu.memory_space<semaphore_mem>>) {add = true}
          %dma_wait3A_148 = arith.constant 0 : i32
          %dma_wait3A_149 = arith.constant 0 : i32
          %dma_wait3A_150 = tpu.memref_slice %arg9[%run_scoped3A, %dma_wait3A_148, %dma_wait3A_149] : memref<3x128x128xf32, #tpu.memory_space<vmem>> -> memref<1x128x128xf32, #tpu.memory_space<vmem>>
          %dma_wait3A_151 = tpu.memref_squeeze %dma_wait3A_150 : memref<1x128x128xf32, #tpu.memory_space<vmem>> -> memref<128x128xf32, #tpu.memory_space<vmem>>
          %dma_wait3A_152 = arith.constant 0 : i32
          %dma_wait3A_153 = tpu.memref_slice %arg8[%run_scoped3A_131, %dma_wait3A_152] : memref<3x128xi32, #tpu.memory_space<vmem>> -> memref<1x128xi32, #tpu.memory_space<vmem>>
          %dma_wait3A_154 = tpu.memref_squeeze %dma_wait3A_153 : memref<1x128xi32, #tpu.memory_space<vmem>> -> memref<128xi32, #tpu.memory_space<vmem>>
          %dma_wait3A_155 = arith.constant 0 : i32
          %dma_wait3A_156 = arith.constant 0 : i32
          %dma_wait3A_157 = tpu.memref_slice %arg10[%dma_wait3A_155, %dma_wait3A_156] : memref<10112x128xf32, #tpu.memory_space<vmem_shared>> -> memref<10112x128xf32, #tpu.memory_space<vmem_shared>>
          tpu.wait_indirect_dma semaphore(%run_scoped3A_138 : memref<!tpu.dma_semaphore, #tpu.memory_space<semaphore_mem>>) src(%dma_wait3A_151 : memref<128x128xf32, #tpu.memory_space<vmem>>) dst(%dma_wait3A_157 : memref<10112x128xf32, #tpu.memory_space<vmem_shared>>)
          tpu.yield
        }) : () -> ()
        %add3A_132 = arith.constant 3 : i32
        %add3A_133 = arith.addi %add3A_99, %add3A_132 : i32
        %lt3A_134 = arith.cmpi slt, %add3A_133, %select_n3A : i32
        %convert_element_type3A_135 = arith.extui %lt3A_134 : i1 to i32
        %cond3A_136 = arith.constant 0 : i32
        %cond3A_137 = arith.cmpi ne, %convert_element_type3A_135, %cond3A_136 : i32
        scf.if %cond3A_137 {
          %add3A_138 = arith.constant 3 : i32
          %add3A_139 = arith.addi %add3A_99, %add3A_138 : i32
          %mul3A_140 = arith.constant 1250 : i32
          %mul3A_141 = arith.muli %arg0, %mul3A_140 : i32
          %add3A_142 = arith.addi %mul3A_141, %arg1 : i32
          %mul3A_143 = arith.constant 16 : i32
          %mul3A_144 = arith.muli %add3A_139, %mul3A_143 : i32
          %add3A_145 = arith.addi %add3A_142, %mul3A_144 : i32
          %mul3A_146 = arith.constant 128 : i32
          %mul3A_147 = arith.muli %add3A_145, %mul3A_146 : i32
          %mul3A_148 = arith.constant 1250 : i32
          %mul3A_149 = arith.muli %arg0, %mul3A_148 : i32
          %add3A_150 = arith.addi %mul3A_149, %arg1 : i32
          %mul3A_151 = arith.constant 16 : i32
          %mul3A_152 = arith.muli %add3A_139, %mul3A_151 : i32
          %add3A_153 = arith.addi %add3A_150, %mul3A_152 : i32
          %mul3A_154 = arith.constant 128 : i32
          %mul3A_155 = arith.muli %add3A_153, %mul3A_154 : i32
          %dma_start3A = arith.constant 0 : i32
          %dma_start3A_156 = arith.constant 0 : i32
          %dma_start3A_157 = tpu.memref_slice %arg7[%dma_start3A, %dma_start3A_156] : memref<3x128xi32, #tpu.memory_space<vmem>> -> memref<1x128xi32, #tpu.memory_space<vmem>>
          %dma_start3A_158 = tpu.memref_squeeze %dma_start3A_157 : memref<1x128xi32, #tpu.memory_space<vmem>> -> memref<128xi32, #tpu.memory_space<vmem>>
          %dma_start3A_159 = tpu.memref_slice %arg3[%mul3A_147] : memref<320000xi32, #tpu.memory_space<hbm>> -> memref<128xi32, #tpu.memory_space<hbm>>
          %dma_start3A_160 = arith.constant 0 : i32
          %dma_start3A_161 = tpu.memref_slice %arg7[%dma_start3A, %dma_start3A_160] : memref<3x128xi32, #tpu.memory_space<vmem>> -> memref<1x128xi32, #tpu.memory_space<vmem>>
          %dma_start3A_162 = tpu.memref_squeeze %dma_start3A_161 : memref<1x128xi32, #tpu.memory_space<vmem>> -> memref<128xi32, #tpu.memory_space<vmem>>
          %dma_start3A_163 = tpu.memref_slice %arg3[%mul3A_147] : memref<320000xi32, #tpu.memory_space<hbm>> -> memref<128xi32, #tpu.memory_space<hbm>>
          tpu.enqueue_dma source(%dma_start3A_163 : memref<128xi32, #tpu.memory_space<hbm>>) target(%dma_start3A_162 : memref<128xi32, #tpu.memory_space<vmem>>) target_semaphore(%arg11 : memref<!tpu.dma_semaphore, #tpu.memory_space<semaphore_mem>>)
          %dma_start3A_164 = arith.constant 0 : i32
          %dma_start3A_165 = arith.constant 0 : i32
          %dma_start3A_166 = tpu.memref_slice %arg8[%dma_start3A_164, %dma_start3A_165] : memref<3x128xi32, #tpu.memory_space<vmem>> -> memref<1x128xi32, #tpu.memory_space<vmem>>
          %dma_start3A_167 = tpu.memref_squeeze %dma_start3A_166 : memref<1x128xi32, #tpu.memory_space<vmem>> -> memref<128xi32, #tpu.memory_space<vmem>>
          %dma_start3A_168 = tpu.memref_slice %arg4[%mul3A_155] : memref<320000xi32, #tpu.memory_space<hbm>> -> memref<128xi32, #tpu.memory_space<hbm>>
          %dma_start3A_169 = arith.constant 0 : i32
          %dma_start3A_170 = tpu.memref_slice %arg8[%dma_start3A_164, %dma_start3A_169] : memref<3x128xi32, #tpu.memory_space<vmem>> -> memref<1x128xi32, #tpu.memory_space<vmem>>
          %dma_start3A_171 = tpu.memref_squeeze %dma_start3A_170 : memref<1x128xi32, #tpu.memory_space<vmem>> -> memref<128xi32, #tpu.memory_space<vmem>>
          %dma_start3A_172 = tpu.memref_slice %arg4[%mul3A_155] : memref<320000xi32, #tpu.memory_space<hbm>> -> memref<128xi32, #tpu.memory_space<hbm>>
          tpu.enqueue_dma source(%dma_start3A_172 : memref<128xi32, #tpu.memory_space<hbm>>) target(%dma_start3A_171 : memref<128xi32, #tpu.memory_space<vmem>>) target_semaphore(%arg11 : memref<!tpu.dma_semaphore, #tpu.memory_space<semaphore_mem>>)
        } else {
        }
      } else {
      }
      %mul3A_104 = arith.constant 3 : i32
      %mul3A_105 = arith.muli %while3A_72, %mul3A_104 : i32
      %add3A_106 = arith.constant 1 : i32
      %add3A_107 = arith.addi %mul3A_105, %add3A_106 : i32
      %lt3A_108 = arith.cmpi slt, %add3A_107, %select_n3A : i32
      %convert_element_type3A_109 = arith.extui %lt3A_108 : i1 to i32
      %cond3A_110 = arith.constant 0 : i32
      %cond3A_111 = arith.cmpi ne, %convert_element_type3A_109, %cond3A_110 : i32
      scf.if %cond3A_111 {
        %dma_wait3A = arith.constant 1 : i32
        %dma_wait3A_120 = arith.constant 1 : i32
        %dma_wait3A_121 = arith.constant 0 : i32
        %dma_wait3A_122 = arith.constant 0 : i32
        %dma_wait3A_123 = tpu.memref_slice %arg9[%dma_wait3A_120, %dma_wait3A_121, %dma_wait3A_122] : memref<3x128x128xf32, #tpu.memory_space<vmem>> -> memref<1x128x128xf32, #tpu.memory_space<vmem>>
        %dma_wait3A_124 = tpu.memref_squeeze %dma_wait3A_123 : memref<1x128x128xf32, #tpu.memory_space<vmem>> -> memref<128x128xf32, #tpu.memory_space<vmem>>
        %dma_wait3A_125 = arith.constant 0 : i32
        %dma_wait3A_126 = tpu.memref_slice %arg7[%dma_wait3A, %dma_wait3A_125] : memref<3x128xi32, #tpu.memory_space<vmem>> -> memref<1x128xi32, #tpu.memory_space<vmem>>
        %dma_wait3A_127 = tpu.memref_squeeze %dma_wait3A_126 : memref<1x128xi32, #tpu.memory_space<vmem>> -> memref<128xi32, #tpu.memory_space<vmem>>
        %dma_wait3A_128 = arith.constant 0 : i32
        %dma_wait3A_129 = arith.constant 0 : i32
        %dma_wait3A_130 = tpu.memref_slice %arg2[%dma_wait3A_128, %dma_wait3A_129] : memref<10000x128xf32, #tpu.memory_space<hbm>> -> memref<10000x128xf32, #tpu.memory_space<hbm>>
        tpu.wait_indirect_dma semaphore(%arg15 : memref<!tpu.dma_semaphore, #tpu.memory_space<semaphore_mem>>) src(%dma_wait3A_130 : memref<10000x128xf32, #tpu.memory_space<hbm>>) dst(%dma_wait3A_124 : memref<128x128xf32, #tpu.memory_space<vmem>>)
        %run_scoped3A = arith.constant 1 : i32
        %run_scoped3A_131 = arith.constant 1 : i32
        "tpu.region"() ({
          %run_scoped3A_138 = tpu.sem_alloc : memref<!tpu.dma_semaphore, #tpu.memory_space<semaphore_mem>>
          %dma_start3A = arith.constant 0 : i32
          %dma_start3A_139 = arith.constant 0 : i32
          %dma_start3A_140 = tpu.memref_slice %arg9[%run_scoped3A, %dma_start3A, %dma_start3A_139] : memref<3x128x128xf32, #tpu.memory_space<vmem>> -> memref<1x128x128xf32, #tpu.memory_space<vmem>>
          %dma_start3A_141 = tpu.memref_squeeze %dma_start3A_140 : memref<1x128x128xf32, #tpu.memory_space<vmem>> -> memref<128x128xf32, #tpu.memory_space<vmem>>
          %dma_start3A_142 = arith.constant 0 : i32
          %dma_start3A_143 = tpu.memref_slice %arg8[%run_scoped3A_131, %dma_start3A_142] : memref<3x128xi32, #tpu.memory_space<vmem>> -> memref<1x128xi32, #tpu.memory_space<vmem>>
          %dma_start3A_144 = tpu.memref_squeeze %dma_start3A_143 : memref<1x128xi32, #tpu.memory_space<vmem>> -> memref<128xi32, #tpu.memory_space<vmem>>
          %dma_start3A_145 = arith.constant 0 : i32
          %dma_start3A_146 = arith.constant 0 : i32
          %dma_start3A_147 = tpu.memref_slice %arg10[%dma_start3A_145, %dma_start3A_146] : memref<10112x128xf32, #tpu.memory_space<vmem_shared>> -> memref<10112x128xf32, #tpu.memory_space<vmem_shared>>
          tpu.enqueue_indirect_dma source(%dma_start3A_141 : memref<128x128xf32, #tpu.memory_space<vmem>>) target(%dma_start3A_147 : memref<10112x128xf32, #tpu.memory_space<vmem_shared>>) offsets(%dma_start3A_144 : memref<128xi32, #tpu.memory_space<vmem>>) semaphore(%run_scoped3A_138 : memref<!tpu.dma_semaphore, #tpu.memory_space<semaphore_mem>>) {add = true}
          %dma_wait3A_148 = arith.constant 0 : i32
          %dma_wait3A_149 = arith.constant 0 : i32
          %dma_wait3A_150 = tpu.memref_slice %arg9[%run_scoped3A, %dma_wait3A_148, %dma_wait3A_149] : memref<3x128x128xf32, #tpu.memory_space<vmem>> -> memref<1x128x128xf32, #tpu.memory_space<vmem>>
          %dma_wait3A_151 = tpu.memref_squeeze %dma_wait3A_150 : memref<1x128x128xf32, #tpu.memory_space<vmem>> -> memref<128x128xf32, #tpu.memory_space<vmem>>
          %dma_wait3A_152 = arith.constant 0 : i32
          %dma_wait3A_153 = tpu.memref_slice %arg8[%run_scoped3A_131, %dma_wait3A_152] : memref<3x128xi32, #tpu.memory_space<vmem>> -> memref<1x128xi32, #tpu.memory_space<vmem>>
          %dma_wait3A_154 = tpu.memref_squeeze %dma_wait3A_153 : memref<1x128xi32, #tpu.memory_space<vmem>> -> memref<128xi32, #tpu.memory_space<vmem>>
          %dma_wait3A_155 = arith.constant 0 : i32
          %dma_wait3A_156 = arith.constant 0 : i32
          %dma_wait3A_157 = tpu.memref_slice %arg10[%dma_wait3A_155, %dma_wait3A_156] : memref<10112x128xf32, #tpu.memory_space<vmem_shared>> -> memref<10112x128xf32, #tpu.memory_space<vmem_shared>>
          tpu.wait_indirect_dma semaphore(%run_scoped3A_138 : memref<!tpu.dma_semaphore, #tpu.memory_space<semaphore_mem>>) src(%dma_wait3A_151 : memref<128x128xf32, #tpu.memory_space<vmem>>) dst(%dma_wait3A_157 : memref<10112x128xf32, #tpu.memory_space<vmem_shared>>)
          tpu.yield
        }) : () -> ()
        %add3A_132 = arith.constant 3 : i32
        %add3A_133 = arith.addi %add3A_107, %add3A_132 : i32
        %lt3A_134 = arith.cmpi slt, %add3A_133, %select_n3A : i32
        %convert_element_type3A_135 = arith.extui %lt3A_134 : i1 to i32
        %cond3A_136 = arith.constant 0 : i32
        %cond3A_137 = arith.cmpi ne, %convert_element_type3A_135, %cond3A_136 : i32
        scf.if %cond3A_137 {
          %add3A_138 = arith.constant 3 : i32
          %add3A_139 = arith.addi %add3A_107, %add3A_138 : i32
          %mul3A_140 = arith.constant 1250 : i32
          %mul3A_141 = arith.muli %arg0, %mul3A_140 : i32
          %add3A_142 = arith.addi %mul3A_141, %arg1 : i32
          %mul3A_143 = arith.constant 16 : i32
          %mul3A_144 = arith.muli %add3A_139, %mul3A_143 : i32
          %add3A_145 = arith.addi %add3A_142, %mul3A_144 : i32
          %mul3A_146 = arith.constant 128 : i32
          %mul3A_147 = arith.muli %add3A_145, %mul3A_146 : i32
          %mul3A_148 = arith.constant 1250 : i32
          %mul3A_149 = arith.muli %arg0, %mul3A_148 : i32
          %add3A_150 = arith.addi %mul3A_149, %arg1 : i32
          %mul3A_151 = arith.constant 16 : i32
          %mul3A_152 = arith.muli %add3A_139, %mul3A_151 : i32
          %add3A_153 = arith.addi %add3A_150, %mul3A_152 : i32
          %mul3A_154 = arith.constant 128 : i32
          %mul3A_155 = arith.muli %add3A_153, %mul3A_154 : i32
          %dma_start3A = arith.constant 1 : i32
          %dma_start3A_156 = arith.constant 0 : i32
          %dma_start3A_157 = tpu.memref_slice %arg7[%dma_start3A, %dma_start3A_156] : memref<3x128xi32, #tpu.memory_space<vmem>> -> memref<1x128xi32, #tpu.memory_space<vmem>>
          %dma_start3A_158 = tpu.memref_squeeze %dma_start3A_157 : memref<1x128xi32, #tpu.memory_space<vmem>> -> memref<128xi32, #tpu.memory_space<vmem>>
          %dma_start3A_159 = tpu.memref_slice %arg3[%mul3A_147] : memref<320000xi32, #tpu.memory_space<hbm>> -> memref<128xi32, #tpu.memory_space<hbm>>
          %dma_start3A_160 = arith.constant 0 : i32
          %dma_start3A_161 = tpu.memref_slice %arg7[%dma_start3A, %dma_start3A_160] : memref<3x128xi32, #tpu.memory_space<vmem>> -> memref<1x128xi32, #tpu.memory_space<vmem>>
          %dma_start3A_162 = tpu.memref_squeeze %dma_start3A_161 : memref<1x128xi32, #tpu.memory_space<vmem>> -> memref<128xi32, #tpu.memory_space<vmem>>
          %dma_start3A_163 = tpu.memref_slice %arg3[%mul3A_147] : memref<320000xi32, #tpu.memory_space<hbm>> -> memref<128xi32, #tpu.memory_space<hbm>>
          tpu.enqueue_dma source(%dma_start3A_163 : memref<128xi32, #tpu.memory_space<hbm>>) target(%dma_start3A_162 : memref<128xi32, #tpu.memory_space<vmem>>) target_semaphore(%arg12 : memref<!tpu.dma_semaphore, #tpu.memory_space<semaphore_mem>>)
          %dma_start3A_164 = arith.constant 1 : i32
          %dma_start3A_165 = arith.constant 0 : i32
          %dma_start3A_166 = tpu.memref_slice %arg8[%dma_start3A_164, %dma_start3A_165] : memref<3x128xi32, #tpu.memory_space<vmem>> -> memref<1x128xi32, #tpu.memory_space<vmem>>
          %dma_start3A_167 = tpu.memref_squeeze %dma_start3A_166 : memref<1x128xi32, #tpu.memory_space<vmem>> -> memref<128xi32, #tpu.memory_space<vmem>>
          %dma_start3A_168 = tpu.memref_slice %arg4[%mul3A_155] : memref<320000xi32, #tpu.memory_space<hbm>> -> memref<128xi32, #tpu.memory_space<hbm>>
          %dma_start3A_169 = arith.constant 0 : i32
          %dma_start3A_170 = tpu.memref_slice %arg8[%dma_start3A_164, %dma_start3A_169] : memref<3x128xi32, #tpu.memory_space<vmem>> -> memref<1x128xi32, #tpu.memory_space<vmem>>
          %dma_start3A_171 = tpu.memref_squeeze %dma_start3A_170 : memref<1x128xi32, #tpu.memory_space<vmem>> -> memref<128xi32, #tpu.memory_space<vmem>>
          %dma_start3A_172 = tpu.memref_slice %arg4[%mul3A_155] : memref<320000xi32, #tpu.memory_space<hbm>> -> memref<128xi32, #tpu.memory_space<hbm>>
          tpu.enqueue_dma source(%dma_start3A_172 : memref<128xi32, #tpu.memory_space<hbm>>) target(%dma_start3A_171 : memref<128xi32, #tpu.memory_space<vmem>>) target_semaphore(%arg12 : memref<!tpu.dma_semaphore, #tpu.memory_space<semaphore_mem>>)
        } else {
        }
      } else {
      }
      %mul3A_112 = arith.constant 3 : i32
      %mul3A_113 = arith.muli %while3A_72, %mul3A_112 : i32
      %add3A_114 = arith.constant 2 : i32
      %add3A_115 = arith.addi %mul3A_113, %add3A_114 : i32
      %lt3A_116 = arith.cmpi slt, %add3A_115, %select_n3A : i32
      %convert_element_type3A_117 = arith.extui %lt3A_116 : i1 to i32
      %cond3A_118 = arith.constant 0 : i32
      %cond3A_119 = arith.cmpi ne, %convert_element_type3A_117, %cond3A_118 : i32
      scf.if %cond3A_119 {
        %dma_wait3A = arith.constant 2 : i32
        %dma_wait3A_120 = arith.constant 2 : i32
        %dma_wait3A_121 = arith.constant 0 : i32
        %dma_wait3A_122 = arith.constant 0 : i32
        %dma_wait3A_123 = tpu.memref_slice %arg9[%dma_wait3A_120, %dma_wait3A_121, %dma_wait3A_122] : memref<3x128x128xf32, #tpu.memory_space<vmem>> -> memref<1x128x128xf32, #tpu.memory_space<vmem>>
        %dma_wait3A_124 = tpu.memref_squeeze %dma_wait3A_123 : memref<1x128x128xf32, #tpu.memory_space<vmem>> -> memref<128x128xf32, #tpu.memory_space<vmem>>
        %dma_wait3A_125 = arith.constant 0 : i32
        %dma_wait3A_126 = tpu.memref_slice %arg7[%dma_wait3A, %dma_wait3A_125] : memref<3x128xi32, #tpu.memory_space<vmem>> -> memref<1x128xi32, #tpu.memory_space<vmem>>
        %dma_wait3A_127 = tpu.memref_squeeze %dma_wait3A_126 : memref<1x128xi32, #tpu.memory_space<vmem>> -> memref<128xi32, #tpu.memory_space<vmem>>
        %dma_wait3A_128 = arith.constant 0 : i32
        %dma_wait3A_129 = arith.constant 0 : i32
        %dma_wait3A_130 = tpu.memref_slice %arg2[%dma_wait3A_128, %dma_wait3A_129] : memref<10000x128xf32, #tpu.memory_space<hbm>> -> memref<10000x128xf32, #tpu.memory_space<hbm>>
        tpu.wait_indirect_dma semaphore(%arg16 : memref<!tpu.dma_semaphore, #tpu.memory_space<semaphore_mem>>) src(%dma_wait3A_130 : memref<10000x128xf32, #tpu.memory_space<hbm>>) dst(%dma_wait3A_124 : memref<128x128xf32, #tpu.memory_space<vmem>>)
        %run_scoped3A = arith.constant 2 : i32
        %run_scoped3A_131 = arith.constant 2 : i32
        "tpu.region"() ({
          %run_scoped3A_138 = tpu.sem_alloc : memref<!tpu.dma_semaphore, #tpu.memory_space<semaphore_mem>>
          %dma_start3A = arith.constant 0 : i32
          %dma_start3A_139 = arith.constant 0 : i32
          %dma_start3A_140 = tpu.memref_slice %arg9[%run_scoped3A, %dma_start3A, %dma_start3A_139] : memref<3x128x128xf32, #tpu.memory_space<vmem>> -> memref<1x128x128xf32, #tpu.memory_space<vmem>>
          %dma_start3A_141 = tpu.memref_squeeze %dma_start3A_140 : memref<1x128x128xf32, #tpu.memory_space<vmem>> -> memref<128x128xf32, #tpu.memory_space<vmem>>
          %dma_start3A_142 = arith.constant 0 : i32
          %dma_start3A_143 = tpu.memref_slice %arg8[%run_scoped3A_131, %dma_start3A_142] : memref<3x128xi32, #tpu.memory_space<vmem>> -> memref<1x128xi32, #tpu.memory_space<vmem>>
          %dma_start3A_144 = tpu.memref_squeeze %dma_start3A_143 : memref<1x128xi32, #tpu.memory_space<vmem>> -> memref<128xi32, #tpu.memory_space<vmem>>
          %dma_start3A_145 = arith.constant 0 : i32
          %dma_start3A_146 = arith.constant 0 : i32
          %dma_start3A_147 = tpu.memref_slice %arg10[%dma_start3A_145, %dma_start3A_146] : memref<10112x128xf32, #tpu.memory_space<vmem_shared>> -> memref<10112x128xf32, #tpu.memory_space<vmem_shared>>
          tpu.enqueue_indirect_dma source(%dma_start3A_141 : memref<128x128xf32, #tpu.memory_space<vmem>>) target(%dma_start3A_147 : memref<10112x128xf32, #tpu.memory_space<vmem_shared>>) offsets(%dma_start3A_144 : memref<128xi32, #tpu.memory_space<vmem>>) semaphore(%run_scoped3A_138 : memref<!tpu.dma_semaphore, #tpu.memory_space<semaphore_mem>>) {add = true}
          %dma_wait3A_148 = arith.constant 0 : i32
          %dma_wait3A_149 = arith.constant 0 : i32
          %dma_wait3A_150 = tpu.memref_slice %arg9[%run_scoped3A, %dma_wait3A_148, %dma_wait3A_149] : memref<3x128x128xf32, #tpu.memory_space<vmem>> -> memref<1x128x128xf32, #tpu.memory_space<vmem>>
          %dma_wait3A_151 = tpu.memref_squeeze %dma_wait3A_150 : memref<1x128x128xf32, #tpu.memory_space<vmem>> -> memref<128x128xf32, #tpu.memory_space<vmem>>
          %dma_wait3A_152 = arith.constant 0 : i32
          %dma_wait3A_153 = tpu.memref_slice %arg8[%run_scoped3A_131, %dma_wait3A_152] : memref<3x128xi32, #tpu.memory_space<vmem>> -> memref<1x128xi32, #tpu.memory_space<vmem>>
          %dma_wait3A_154 = tpu.memref_squeeze %dma_wait3A_153 : memref<1x128xi32, #tpu.memory_space<vmem>> -> memref<128xi32, #tpu.memory_space<vmem>>
          %dma_wait3A_155 = arith.constant 0 : i32
          %dma_wait3A_156 = arith.constant 0 : i32
          %dma_wait3A_157 = tpu.memref_slice %arg10[%dma_wait3A_155, %dma_wait3A_156] : memref<10112x128xf32, #tpu.memory_space<vmem_shared>> -> memref<10112x128xf32, #tpu.memory_space<vmem_shared>>
          tpu.wait_indirect_dma semaphore(%run_scoped3A_138 : memref<!tpu.dma_semaphore, #tpu.memory_space<semaphore_mem>>) src(%dma_wait3A_151 : memref<128x128xf32, #tpu.memory_space<vmem>>) dst(%dma_wait3A_157 : memref<10112x128xf32, #tpu.memory_space<vmem_shared>>)
          tpu.yield
        }) : () -> ()
        %add3A_132 = arith.constant 3 : i32
        %add3A_133 = arith.addi %add3A_115, %add3A_132 : i32
        %lt3A_134 = arith.cmpi slt, %add3A_133, %select_n3A : i32
        %convert_element_type3A_135 = arith.extui %lt3A_134 : i1 to i32
        %cond3A_136 = arith.constant 0 : i32
        %cond3A_137 = arith.cmpi ne, %convert_element_type3A_135, %cond3A_136 : i32
        scf.if %cond3A_137 {
          %add3A_138 = arith.constant 3 : i32
          %add3A_139 = arith.addi %add3A_115, %add3A_138 : i32
          %mul3A_140 = arith.constant 1250 : i32
          %mul3A_141 = arith.muli %arg0, %mul3A_140 : i32
          %add3A_142 = arith.addi %mul3A_141, %arg1 : i32
          %mul3A_143 = arith.constant 16 : i32
          %mul3A_144 = arith.muli %add3A_139, %mul3A_143 : i32
          %add3A_145 = arith.addi %add3A_142, %mul3A_144 : i32
          %mul3A_146 = arith.constant 128 : i32
          %mul3A_147 = arith.muli %add3A_145, %mul3A_146 : i32
          %mul3A_148 = arith.constant 1250 : i32
          %mul3A_149 = arith.muli %arg0, %mul3A_148 : i32
          %add3A_150 = arith.addi %mul3A_149, %arg1 : i32
          %mul3A_151 = arith.constant 16 : i32
          %mul3A_152 = arith.muli %add3A_139, %mul3A_151 : i32
          %add3A_153 = arith.addi %add3A_150, %mul3A_152 : i32
          %mul3A_154 = arith.constant 128 : i32
          %mul3A_155 = arith.muli %add3A_153, %mul3A_154 : i32
          %dma_start3A = arith.constant 2 : i32
          %dma_start3A_156 = arith.constant 0 : i32
          %dma_start3A_157 = tpu.memref_slice %arg7[%dma_start3A, %dma_start3A_156] : memref<3x128xi32, #tpu.memory_space<vmem>> -> memref<1x128xi32, #tpu.memory_space<vmem>>
          %dma_start3A_158 = tpu.memref_squeeze %dma_start3A_157 : memref<1x128xi32, #tpu.memory_space<vmem>> -> memref<128xi32, #tpu.memory_space<vmem>>
          %dma_start3A_159 = tpu.memref_slice %arg3[%mul3A_147] : memref<320000xi32, #tpu.memory_space<hbm>> -> memref<128xi32, #tpu.memory_space<hbm>>
          %dma_start3A_160 = arith.constant 0 : i32
          %dma_start3A_161 = tpu.memref_slice %arg7[%dma_start3A, %dma_start3A_160] : memref<3x128xi32, #tpu.memory_space<vmem>> -> memref<1x128xi32, #tpu.memory_space<vmem>>
          %dma_start3A_162 = tpu.memref_squeeze %dma_start3A_161 : memref<1x128xi32, #tpu.memory_space<vmem>> -> memref<128xi32, #tpu.memory_space<vmem>>
          %dma_start3A_163 = tpu.memref_slice %arg3[%mul3A_147] : memref<320000xi32, #tpu.memory_space<hbm>> -> memref<128xi32, #tpu.memory_space<hbm>>
          tpu.enqueue_dma source(%dma_start3A_163 : memref<128xi32, #tpu.memory_space<hbm>>) target(%dma_start3A_162 : memref<128xi32, #tpu.memory_space<vmem>>) target_semaphore(%arg13 : memref<!tpu.dma_semaphore, #tpu.memory_space<semaphore_mem>>)
          %dma_start3A_164 = arith.constant 2 : i32
          %dma_start3A_165 = arith.constant 0 : i32
          %dma_start3A_166 = tpu.memref_slice %arg8[%dma_start3A_164, %dma_start3A_165] : memref<3x128xi32, #tpu.memory_space<vmem>> -> memref<1x128xi32, #tpu.memory_space<vmem>>
          %dma_start3A_167 = tpu.memref_squeeze %dma_start3A_166 : memref<1x128xi32, #tpu.memory_space<vmem>> -> memref<128xi32, #tpu.memory_space<vmem>>
          %dma_start3A_168 = tpu.memref_slice %arg4[%mul3A_155] : memref<320000xi32, #tpu.memory_space<hbm>> -> memref<128xi32, #tpu.memory_space<hbm>>
          %dma_start3A_169 = arith.constant 0 : i32
          %dma_start3A_170 = tpu.memref_slice %arg8[%dma_start3A_164, %dma_start3A_169] : memref<3x128xi32, #tpu.memory_space<vmem>> -> memref<1x128xi32, #tpu.memory_space<vmem>>
          %dma_start3A_171 = tpu.memref_squeeze %dma_start3A_170 : memref<1x128xi32, #tpu.memory_space<vmem>> -> memref<128xi32, #tpu.memory_space<vmem>>
          %dma_start3A_172 = tpu.memref_slice %arg4[%mul3A_155] : memref<320000xi32, #tpu.memory_space<hbm>> -> memref<128xi32, #tpu.memory_space<hbm>>
          tpu.enqueue_dma source(%dma_start3A_172 : memref<128xi32, #tpu.memory_space<hbm>>) target(%dma_start3A_171 : memref<128xi32, #tpu.memory_space<vmem>>) target_semaphore(%arg13 : memref<!tpu.dma_semaphore, #tpu.memory_space<semaphore_mem>>)
        } else {
        }
      } else {
      }
    }
    %while3A_70 = arith.constant 1 : i32
    scf.for %while3A_72 = %while3A_68 to %while3A_64 step %while3A_70  : i32 {
      %mul3A_73 = arith.constant 3 : i32
      %mul3A_74 = arith.muli %while3A_72, %mul3A_73 : i32
      %add3A_75 = arith.constant 0 : i32
      %add3A_76 = arith.addi %mul3A_74, %add3A_75 : i32
      %lt3A = arith.cmpi slt, %add3A_76, %select_n3A : i32
      %convert_element_type3A_77 = arith.extui %lt3A : i1 to i32
      %cond3A_78 = arith.constant 0 : i32
      %cond3A_79 = arith.cmpi ne, %convert_element_type3A_77, %cond3A_78 : i32
      scf.if %cond3A_79 {
        %mul3A_120 = arith.constant 1250 : i32
        %mul3A_121 = arith.muli %arg0, %mul3A_120 : i32
        %add3A_122 = arith.addi %mul3A_121, %arg1 : i32
        %mul3A_123 = arith.constant 16 : i32
        %mul3A_124 = arith.muli %add3A_76, %mul3A_123 : i32
        %add3A_125 = arith.addi %add3A_122, %mul3A_124 : i32
        %mul3A_126 = arith.constant 128 : i32
        %mul3A_127 = arith.muli %add3A_125, %mul3A_126 : i32
        %mul3A_128 = arith.constant 1250 : i32
        %mul3A_129 = arith.muli %arg0, %mul3A_128 : i32
        %add3A_130 = arith.addi %mul3A_129, %arg1 : i32
        %mul3A_131 = arith.constant 16 : i32
        %mul3A_132 = arith.muli %add3A_76, %mul3A_131 : i32
        %add3A_133 = arith.addi %add3A_130, %mul3A_132 : i32
        %mul3A_134 = arith.constant 128 : i32
        %mul3A_135 = arith.muli %add3A_133, %mul3A_134 : i32
        %dma_wait3A = arith.constant 0 : i32
        %dma_wait3A_136 = arith.constant 0 : i32
        %dma_wait3A_137 = tpu.memref_slice %arg7[%dma_wait3A, %dma_wait3A_136] : memref<3x128xi32, #tpu.memory_space<vmem>> -> memref<1x128xi32, #tpu.memory_space<vmem>>
        %dma_wait3A_138 = tpu.memref_squeeze %dma_wait3A_137 : memref<1x128xi32, #tpu.memory_space<vmem>> -> memref<128xi32, #tpu.memory_space<vmem>>
        %dma_wait3A_139 = tpu.memref_slice %arg3[%mul3A_127] : memref<320000xi32, #tpu.memory_space<hbm>> -> memref<128xi32, #tpu.memory_space<hbm>>
        %dma_wait3A_140 = arith.constant 0 : i32
        %dma_wait3A_141 = tpu.memref_slice %arg7[%dma_wait3A, %dma_wait3A_140] : memref<3x128xi32, #tpu.memory_space<vmem>> -> memref<1x128xi32, #tpu.memory_space<vmem>>
        %dma_wait3A_142 = tpu.memref_squeeze %dma_wait3A_141 : memref<1x128xi32, #tpu.memory_space<vmem>> -> memref<128xi32, #tpu.memory_space<vmem>>
        %dma_wait3A_143 = tpu.memref_slice %arg3[%mul3A_127] : memref<320000xi32, #tpu.memory_space<hbm>> -> memref<128xi32, #tpu.memory_space<hbm>>
        tpu.wait_dma2 semaphore(%arg11 : memref<!tpu.dma_semaphore, #tpu.memory_space<semaphore_mem>>) src(%dma_wait3A_143 : memref<128xi32, #tpu.memory_space<hbm>>) dst(%dma_wait3A_142 : memref<128xi32, #tpu.memory_space<vmem>>)
        %dma_wait3A_144 = arith.constant 0 : i32
        %dma_wait3A_145 = arith.constant 0 : i32
        %dma_wait3A_146 = tpu.memref_slice %arg8[%dma_wait3A_144, %dma_wait3A_145] : memref<3x128xi32, #tpu.memory_space<vmem>> -> memref<1x128xi32, #tpu.memory_space<vmem>>
        %dma_wait3A_147 = tpu.memref_squeeze %dma_wait3A_146 : memref<1x128xi32, #tpu.memory_space<vmem>> -> memref<128xi32, #tpu.memory_space<vmem>>
        %dma_wait3A_148 = tpu.memref_slice %arg4[%mul3A_135] : memref<320000xi32, #tpu.memory_space<hbm>> -> memref<128xi32, #tpu.memory_space<hbm>>
        %dma_wait3A_149 = arith.constant 0 : i32
        %dma_wait3A_150 = tpu.memref_slice %arg8[%dma_wait3A_144, %dma_wait3A_149] : memref<3x128xi32, #tpu.memory_space<vmem>> -> memref<1x128xi32, #tpu.memory_space<vmem>>
        %dma_wait3A_151 = tpu.memref_squeeze %dma_wait3A_150 : memref<1x128xi32, #tpu.memory_space<vmem>> -> memref<128xi32, #tpu.memory_space<vmem>>
        %dma_wait3A_152 = tpu.memref_slice %arg4[%mul3A_135] : memref<320000xi32, #tpu.memory_space<hbm>> -> memref<128xi32, #tpu.memory_space<hbm>>
        tpu.wait_dma2 semaphore(%arg11 : memref<!tpu.dma_semaphore, #tpu.memory_space<semaphore_mem>>) src(%dma_wait3A_152 : memref<128xi32, #tpu.memory_space<hbm>>) dst(%dma_wait3A_151 : memref<128xi32, #tpu.memory_space<vmem>>)
        %dma_start3A = arith.constant 0 : i32
        %dma_start3A_153 = arith.constant 0 : i32
        %dma_start3A_154 = arith.constant 0 : i32
        %dma_start3A_155 = arith.constant 0 : i32
        %dma_start3A_156 = tpu.memref_slice %arg9[%dma_start3A_153, %dma_start3A_154, %dma_start3A_155] : memref<3x128x128xf32, #tpu.memory_space<vmem>> -> memref<1x128x128xf32, #tpu.memory_space<vmem>>
        %dma_start3A_157 = tpu.memref_squeeze %dma_start3A_156 : memref<1x128x128xf32, #tpu.memory_space<vmem>> -> memref<128x128xf32, #tpu.memory_space<vmem>>
        %dma_start3A_158 = arith.constant 0 : i32
        %dma_start3A_159 = tpu.memref_slice %arg7[%dma_start3A, %dma_start3A_158] : memref<3x128xi32, #tpu.memory_space<vmem>> -> memref<1x128xi32, #tpu.memory_space<vmem>>
        %dma_start3A_160 = tpu.memref_squeeze %dma_start3A_159 : memref<1x128xi32, #tpu.memory_space<vmem>> -> memref<128xi32, #tpu.memory_space<vmem>>
        %dma_start3A_161 = arith.constant 0 : i32
        %dma_start3A_162 = arith.constant 0 : i32
        %dma_start3A_163 = tpu.memref_slice %arg2[%dma_start3A_161, %dma_start3A_162] : memref<10000x128xf32, #tpu.memory_space<hbm>> -> memref<10000x128xf32, #tpu.memory_space<hbm>>
        tpu.enqueue_indirect_dma source(%dma_start3A_163 : memref<10000x128xf32, #tpu.memory_space<hbm>>) target(%dma_start3A_157 : memref<128x128xf32, #tpu.memory_space<vmem>>) offsets(%dma_start3A_160 : memref<128xi32, #tpu.memory_space<vmem>>) semaphore(%arg14 : memref<!tpu.dma_semaphore, #tpu.memory_space<semaphore_mem>>)
      } else {
      }
      %mul3A_80 = arith.constant 3 : i32
      %mul3A_81 = arith.muli %while3A_72, %mul3A_80 : i32
      %add3A_82 = arith.constant 1 : i32
      %add3A_83 = arith.addi %mul3A_81, %add3A_82 : i32
      %lt3A_84 = arith.cmpi slt, %add3A_83, %select_n3A : i32
      %convert_element_type3A_85 = arith.extui %lt3A_84 : i1 to i32
      %cond3A_86 = arith.constant 0 : i32
      %cond3A_87 = arith.cmpi ne, %convert_element_type3A_85, %cond3A_86 : i32
      scf.if %cond3A_87 {
        %mul3A_120 = arith.constant 1250 : i32
        %mul3A_121 = arith.muli %arg0, %mul3A_120 : i32
        %add3A_122 = arith.addi %mul3A_121, %arg1 : i32
        %mul3A_123 = arith.constant 16 : i32
        %mul3A_124 = arith.muli %add3A_83, %mul3A_123 : i32
        %add3A_125 = arith.addi %add3A_122, %mul3A_124 : i32
        %mul3A_126 = arith.constant 128 : i32
        %mul3A_127 = arith.muli %add3A_125, %mul3A_126 : i32
        %mul3A_128 = arith.constant 1250 : i32
        %mul3A_129 = arith.muli %arg0, %mul3A_128 : i32
        %add3A_130 = arith.addi %mul3A_129, %arg1 : i32
        %mul3A_131 = arith.constant 16 : i32
        %mul3A_132 = arith.muli %add3A_83, %mul3A_131 : i32
        %add3A_133 = arith.addi %add3A_130, %mul3A_132 : i32
        %mul3A_134 = arith.constant 128 : i32
        %mul3A_135 = arith.muli %add3A_133, %mul3A_134 : i32
        %dma_wait3A = arith.constant 1 : i32
        %dma_wait3A_136 = arith.constant 0 : i32
        %dma_wait3A_137 = tpu.memref_slice %arg7[%dma_wait3A, %dma_wait3A_136] : memref<3x128xi32, #tpu.memory_space<vmem>> -> memref<1x128xi32, #tpu.memory_space<vmem>>
        %dma_wait3A_138 = tpu.memref_squeeze %dma_wait3A_137 : memref<1x128xi32, #tpu.memory_space<vmem>> -> memref<128xi32, #tpu.memory_space<vmem>>
        %dma_wait3A_139 = tpu.memref_slice %arg3[%mul3A_127] : memref<320000xi32, #tpu.memory_space<hbm>> -> memref<128xi32, #tpu.memory_space<hbm>>
        %dma_wait3A_140 = arith.constant 0 : i32
        %dma_wait3A_141 = tpu.memref_slice %arg7[%dma_wait3A, %dma_wait3A_140] : memref<3x128xi32, #tpu.memory_space<vmem>> -> memref<1x128xi32, #tpu.memory_space<vmem>>
        %dma_wait3A_142 = tpu.memref_squeeze %dma_wait3A_141 : memref<1x128xi32, #tpu.memory_space<vmem>> -> memref<128xi32, #tpu.memory_space<vmem>>
        %dma_wait3A_143 = tpu.memref_slice %arg3[%mul3A_127] : memref<320000xi32, #tpu.memory_space<hbm>> -> memref<128xi32, #tpu.memory_space<hbm>>
        tpu.wait_dma2 semaphore(%arg12 : memref<!tpu.dma_semaphore, #tpu.memory_space<semaphore_mem>>) src(%dma_wait3A_143 : memref<128xi32, #tpu.memory_space<hbm>>) dst(%dma_wait3A_142 : memref<128xi32, #tpu.memory_space<vmem>>)
        %dma_wait3A_144 = arith.constant 1 : i32
        %dma_wait3A_145 = arith.constant 0 : i32
        %dma_wait3A_146 = tpu.memref_slice %arg8[%dma_wait3A_144, %dma_wait3A_145] : memref<3x128xi32, #tpu.memory_space<vmem>> -> memref<1x128xi32, #tpu.memory_space<vmem>>
        %dma_wait3A_147 = tpu.memref_squeeze %dma_wait3A_146 : memref<1x128xi32, #tpu.memory_space<vmem>> -> memref<128xi32, #tpu.memory_space<vmem>>
        %dma_wait3A_148 = tpu.memref_slice %arg4[%mul3A_135] : memref<320000xi32, #tpu.memory_space<hbm>> -> memref<128xi32, #tpu.memory_space<hbm>>
        %dma_wait3A_149 = arith.constant 0 : i32
        %dma_wait3A_150 = tpu.memref_slice %arg8[%dma_wait3A_144, %dma_wait3A_149] : memref<3x128xi32, #tpu.memory_space<vmem>> -> memref<1x128xi32, #tpu.memory_space<vmem>>
        %dma_wait3A_151 = tpu.memref_squeeze %dma_wait3A_150 : memref<1x128xi32, #tpu.memory_space<vmem>> -> memref<128xi32, #tpu.memory_space<vmem>>
        %dma_wait3A_152 = tpu.memref_slice %arg4[%mul3A_135] : memref<320000xi32, #tpu.memory_space<hbm>> -> memref<128xi32, #tpu.memory_space<hbm>>
        tpu.wait_dma2 semaphore(%arg12 : memref<!tpu.dma_semaphore, #tpu.memory_space<semaphore_mem>>) src(%dma_wait3A_152 : memref<128xi32, #tpu.memory_space<hbm>>) dst(%dma_wait3A_151 : memref<128xi32, #tpu.memory_space<vmem>>)
        %dma_start3A = arith.constant 1 : i32
        %dma_start3A_153 = arith.constant 1 : i32
        %dma_start3A_154 = arith.constant 0 : i32
        %dma_start3A_155 = arith.constant 0 : i32
        %dma_start3A_156 = tpu.memref_slice %arg9[%dma_start3A_153, %dma_start3A_154, %dma_start3A_155] : memref<3x128x128xf32, #tpu.memory_space<vmem>> -> memref<1x128x128xf32, #tpu.memory_space<vmem>>
        %dma_start3A_157 = tpu.memref_squeeze %dma_start3A_156 : memref<1x128x128xf32, #tpu.memory_space<vmem>> -> memref<128x128xf32, #tpu.memory_space<vmem>>
        %dma_start3A_158 = arith.constant 0 : i32
        %dma_start3A_159 = tpu.memref_slice %arg7[%dma_start3A, %dma_start3A_158] : memref<3x128xi32, #tpu.memory_space<vmem>> -> memref<1x128xi32, #tpu.memory_space<vmem>>
        %dma_start3A_160 = tpu.memref_squeeze %dma_start3A_159 : memref<1x128xi32, #tpu.memory_space<vmem>> -> memref<128xi32, #tpu.memory_space<vmem>>
        %dma_start3A_161 = arith.constant 0 : i32
        %dma_start3A_162 = arith.constant 0 : i32
        %dma_start3A_163 = tpu.memref_slice %arg2[%dma_start3A_161, %dma_start3A_162] : memref<10000x128xf32, #tpu.memory_space<hbm>> -> memref<10000x128xf32, #tpu.memory_space<hbm>>
        tpu.enqueue_indirect_dma source(%dma_start3A_163 : memref<10000x128xf32, #tpu.memory_space<hbm>>) target(%dma_start3A_157 : memref<128x128xf32, #tpu.memory_space<vmem>>) offsets(%dma_start3A_160 : memref<128xi32, #tpu.memory_space<vmem>>) semaphore(%arg15 : memref<!tpu.dma_semaphore, #tpu.memory_space<semaphore_mem>>)
      } else {
      }
      %mul3A_88 = arith.constant 3 : i32
      %mul3A_89 = arith.muli %while3A_72, %mul3A_88 : i32
      %add3A_90 = arith.constant 2 : i32
      %add3A_91 = arith.addi %mul3A_89, %add3A_90 : i32
      %lt3A_92 = arith.cmpi slt, %add3A_91, %select_n3A : i32
      %convert_element_type3A_93 = arith.extui %lt3A_92 : i1 to i32
      %cond3A_94 = arith.constant 0 : i32
      %cond3A_95 = arith.cmpi ne, %convert_element_type3A_93, %cond3A_94 : i32
      scf.if %cond3A_95 {
        %mul3A_120 = arith.constant 1250 : i32
        %mul3A_121 = arith.muli %arg0, %mul3A_120 : i32
        %add3A_122 = arith.addi %mul3A_121, %arg1 : i32
        %mul3A_123 = arith.constant 16 : i32
        %mul3A_124 = arith.muli %add3A_91, %mul3A_123 : i32
        %add3A_125 = arith.addi %add3A_122, %mul3A_124 : i32
        %mul3A_126 = arith.constant 128 : i32
        %mul3A_127 = arith.muli %add3A_125, %mul3A_126 : i32
        %mul3A_128 = arith.constant 1250 : i32
        %mul3A_129 = arith.muli %arg0, %mul3A_128 : i32
        %add3A_130 = arith.addi %mul3A_129, %arg1 : i32
        %mul3A_131 = arith.constant 16 : i32
        %mul3A_132 = arith.muli %add3A_91, %mul3A_131 : i32
        %add3A_133 = arith.addi %add3A_130, %mul3A_132 : i32
        %mul3A_134 = arith.constant 128 : i32
        %mul3A_135 = arith.muli %add3A_133, %mul3A_134 : i32
        %dma_wait3A = arith.constant 2 : i32
        %dma_wait3A_136 = arith.constant 0 : i32
        %dma_wait3A_137 = tpu.memref_slice %arg7[%dma_wait3A, %dma_wait3A_136] : memref<3x128xi32, #tpu.memory_space<vmem>> -> memref<1x128xi32, #tpu.memory_space<vmem>>
        %dma_wait3A_138 = tpu.memref_squeeze %dma_wait3A_137 : memref<1x128xi32, #tpu.memory_space<vmem>> -> memref<128xi32, #tpu.memory_space<vmem>>
        %dma_wait3A_139 = tpu.memref_slice %arg3[%mul3A_127] : memref<320000xi32, #tpu.memory_space<hbm>> -> memref<128xi32, #tpu.memory_space<hbm>>
        %dma_wait3A_140 = arith.constant 0 : i32
        %dma_wait3A_141 = tpu.memref_slice %arg7[%dma_wait3A, %dma_wait3A_140] : memref<3x128xi32, #tpu.memory_space<vmem>> -> memref<1x128xi32, #tpu.memory_space<vmem>>
        %dma_wait3A_142 = tpu.memref_squeeze %dma_wait3A_141 : memref<1x128xi32, #tpu.memory_space<vmem>> -> memref<128xi32, #tpu.memory_space<vmem>>
        %dma_wait3A_143 = tpu.memref_slice %arg3[%mul3A_127] : memref<320000xi32, #tpu.memory_space<hbm>> -> memref<128xi32, #tpu.memory_space<hbm>>
        tpu.wait_dma2 semaphore(%arg13 : memref<!tpu.dma_semaphore, #tpu.memory_space<semaphore_mem>>) src(%dma_wait3A_143 : memref<128xi32, #tpu.memory_space<hbm>>) dst(%dma_wait3A_142 : memref<128xi32, #tpu.memory_space<vmem>>)
        %dma_wait3A_144 = arith.constant 2 : i32
        %dma_wait3A_145 = arith.constant 0 : i32
        %dma_wait3A_146 = tpu.memref_slice %arg8[%dma_wait3A_144, %dma_wait3A_145] : memref<3x128xi32, #tpu.memory_space<vmem>> -> memref<1x128xi32, #tpu.memory_space<vmem>>
        %dma_wait3A_147 = tpu.memref_squeeze %dma_wait3A_146 : memref<1x128xi32, #tpu.memory_space<vmem>> -> memref<128xi32, #tpu.memory_space<vmem>>
        %dma_wait3A_148 = tpu.memref_slice %arg4[%mul3A_135] : memref<320000xi32, #tpu.memory_space<hbm>> -> memref<128xi32, #tpu.memory_space<hbm>>
        %dma_wait3A_149 = arith.constant 0 : i32
        %dma_wait3A_150 = tpu.memref_slice %arg8[%dma_wait3A_144, %dma_wait3A_149] : memref<3x128xi32, #tpu.memory_space<vmem>> -> memref<1x128xi32, #tpu.memory_space<vmem>>
        %dma_wait3A_151 = tpu.memref_squeeze %dma_wait3A_150 : memref<1x128xi32, #tpu.memory_space<vmem>> -> memref<128xi32, #tpu.memory_space<vmem>>
        %dma_wait3A_152 = tpu.memref_slice %arg4[%mul3A_135] : memref<320000xi32, #tpu.memory_space<hbm>> -> memref<128xi32, #tpu.memory_space<hbm>>
        tpu.wait_dma2 semaphore(%arg13 : memref<!tpu.dma_semaphore, #tpu.memory_space<semaphore_mem>>) src(%dma_wait3A_152 : memref<128xi32, #tpu.memory_space<hbm>>) dst(%dma_wait3A_151 : memref<128xi32, #tpu.memory_space<vmem>>)
        %dma_start3A = arith.constant 2 : i32
        %dma_start3A_153 = arith.constant 2 : i32
        %dma_start3A_154 = arith.constant 0 : i32
        %dma_start3A_155 = arith.constant 0 : i32
        %dma_start3A_156 = tpu.memref_slice %arg9[%dma_start3A_153, %dma_start3A_154, %dma_start3A_155] : memref<3x128x128xf32, #tpu.memory_space<vmem>> -> memref<1x128x128xf32, #tpu.memory_space<vmem>>
        %dma_start3A_157 = tpu.memref_squeeze %dma_start3A_156 : memref<1x128x128xf32, #tpu.memory_space<vmem>> -> memref<128x128xf32, #tpu.memory_space<vmem>>
        %dma_start3A_158 = arith.constant 0 : i32
        %dma_start3A_159 = tpu.memref_slice %arg7[%dma_start3A, %dma_start3A_158] : memref<3x128xi32, #tpu.memory_space<vmem>> -> memref<1x128xi32, #tpu.memory_space<vmem>>
        %dma_start3A_160 = tpu.memref_squeeze %dma_start3A_159 : memref<1x128xi32, #tpu.memory_space<vmem>> -> memref<128xi32, #tpu.memory_space<vmem>>
        %dma_start3A_161 = arith.constant 0 : i32
        %dma_start3A_162 = arith.constant 0 : i32
        %dma_start3A_163 = tpu.memref_slice %arg2[%dma_start3A_161, %dma_start3A_162] : memref<10000x128xf32, #tpu.memory_space<hbm>> -> memref<10000x128xf32, #tpu.memory_space<hbm>>
        tpu.enqueue_indirect_dma source(%dma_start3A_163 : memref<10000x128xf32, #tpu.memory_space<hbm>>) target(%dma_start3A_157 : memref<128x128xf32, #tpu.memory_space<vmem>>) offsets(%dma_start3A_160 : memref<128xi32, #tpu.memory_space<vmem>>) semaphore(%arg16 : memref<!tpu.dma_semaphore, #tpu.memory_space<semaphore_mem>>)
      } else {
      }
      %mul3A_96 = arith.constant 3 : i32
      %mul3A_97 = arith.muli %while3A_72, %mul3A_96 : i32
      %add3A_98 = arith.constant 0 : i32
      %add3A_99 = arith.addi %mul3A_97, %add3A_98 : i32
      %lt3A_100 = arith.cmpi slt, %add3A_99, %select_n3A : i32
      %convert_element_type3A_101 = arith.extui %lt3A_100 : i1 to i32
      %cond3A_102 = arith.constant 0 : i32
      %cond3A_103 = arith.cmpi ne, %convert_element_type3A_101, %cond3A_102 : i32
      scf.if %cond3A_103 {
        %dma_wait3A = arith.constant 0 : i32
        %dma_wait3A_120 = arith.constant 0 : i32
        %dma_wait3A_121 = arith.constant 0 : i32
        %dma_wait3A_122 = arith.constant 0 : i32
        %dma_wait3A_123 = tpu.memref_slice %arg9[%dma_wait3A_120, %dma_wait3A_121, %dma_wait3A_122] : memref<3x128x128xf32, #tpu.memory_space<vmem>> -> memref<1x128x128xf32, #tpu.memory_space<vmem>>
        %dma_wait3A_124 = tpu.memref_squeeze %dma_wait3A_123 : memref<1x128x128xf32, #tpu.memory_space<vmem>> -> memref<128x128xf32, #tpu.memory_space<vmem>>
        %dma_wait3A_125 = arith.constant 0 : i32
        %dma_wait3A_126 = tpu.memref_slice %arg7[%dma_wait3A, %dma_wait3A_125] : memref<3x128xi32, #tpu.memory_space<vmem>> -> memref<1x128xi32, #tpu.memory_space<vmem>>
        %dma_wait3A_127 = tpu.memref_squeeze %dma_wait3A_126 : memref<1x128xi32, #tpu.memory_space<vmem>> -> memref<128xi32, #tpu.memory_space<vmem>>
        %dma_wait3A_128 = arith.constant 0 : i32
        %dma_wait3A_129 = arith.constant 0 : i32
        %dma_wait3A_130 = tpu.memref_slice %arg2[%dma_wait3A_128, %dma_wait3A_129] : memref<10000x128xf32, #tpu.memory_space<hbm>> -> memref<10000x128xf32, #tpu.memory_space<hbm>>
        tpu.wait_indirect_dma semaphore(%arg14 : memref<!tpu.dma_semaphore, #tpu.memory_space<semaphore_mem>>) src(%dma_wait3A_130 : memref<10000x128xf32, #tpu.memory_space<hbm>>) dst(%dma_wait3A_124 : memref<128x128xf32, #tpu.memory_space<vmem>>)
        %run_scoped3A = arith.constant 0 : i32
        %run_scoped3A_131 = arith.constant 0 : i32
        "tpu.region"() ({
          %run_scoped3A_138 = tpu.sem_alloc : memref<!tpu.dma_semaphore, #tpu.memory_space<semaphore_mem>>
          %dma_start3A = arith.constant 0 : i32
          %dma_start3A_139 = arith.constant 0 : i32
          %dma_start3A_140 = tpu.memref_slice %arg9[%run_scoped3A, %dma_start3A, %dma_start3A_139] : memref<3x128x128xf32, #tpu.memory_space<vmem>> -> memref<1x128x128xf32, #tpu.memory_space<vmem>>
          %dma_start3A_141 = tpu.memref_squeeze %dma_start3A_140 : memref<1x128x128xf32, #tpu.memory_space<vmem>> -> memref<128x128xf32, #tpu.memory_space<vmem>>
          %dma_start3A_142 = arith.constant 0 : i32
          %dma_start3A_143 = tpu.memref_slice %arg8[%run_scoped3A_131, %dma_start3A_142] : memref<3x128xi32, #tpu.memory_space<vmem>> -> memref<1x128xi32, #tpu.memory_space<vmem>>
          %dma_start3A_144 = tpu.memref_squeeze %dma_start3A_143 : memref<1x128xi32, #tpu.memory_space<vmem>> -> memref<128xi32, #tpu.memory_space<vmem>>
          %dma_start3A_145 = arith.constant 0 : i32
          %dma_start3A_146 = arith.constant 0 : i32
          %dma_start3A_147 = tpu.memref_slice %arg10[%dma_start3A_145, %dma_start3A_146] : memref<10112x128xf32, #tpu.memory_space<vmem_shared>> -> memref<10112x128xf32, #tpu.memory_space<vmem_shared>>
          tpu.enqueue_indirect_dma source(%dma_start3A_141 : memref<128x128xf32, #tpu.memory_space<vmem>>) target(%dma_start3A_147 : memref<10112x128xf32, #tpu.memory_space<vmem_shared>>) offsets(%dma_start3A_144 : memref<128xi32, #tpu.memory_space<vmem>>) semaphore(%run_scoped3A_138 : memref<!tpu.dma_semaphore, #tpu.memory_space<semaphore_mem>>) {add = true}
          %dma_wait3A_148 = arith.constant 0 : i32
          %dma_wait3A_149 = arith.constant 0 : i32
          %dma_wait3A_150 = tpu.memref_slice %arg9[%run_scoped3A, %dma_wait3A_148, %dma_wait3A_149] : memref<3x128x128xf32, #tpu.memory_space<vmem>> -> memref<1x128x128xf32, #tpu.memory_space<vmem>>
          %dma_wait3A_151 = tpu.memref_squeeze %dma_wait3A_150 : memref<1x128x128xf32, #tpu.memory_space<vmem>> -> memref<128x128xf32, #tpu.memory_space<vmem>>
          %dma_wait3A_152 = arith.constant 0 : i32
          %dma_wait3A_153 = tpu.memref_slice %arg8[%run_scoped3A_131, %dma_wait3A_152] : memref<3x128xi32, #tpu.memory_space<vmem>> -> memref<1x128xi32, #tpu.memory_space<vmem>>
          %dma_wait3A_154 = tpu.memref_squeeze %dma_wait3A_153 : memref<1x128xi32, #tpu.memory_space<vmem>> -> memref<128xi32, #tpu.memory_space<vmem>>
          %dma_wait3A_155 = arith.constant 0 : i32
          %dma_wait3A_156 = arith.constant 0 : i32
          %dma_wait3A_157 = tpu.memref_slice %arg10[%dma_wait3A_155, %dma_wait3A_156] : memref<10112x128xf32, #tpu.memory_space<vmem_shared>> -> memref<10112x128xf32, #tpu.memory_space<vmem_shared>>
          tpu.wait_indirect_dma semaphore(%run_scoped3A_138 : memref<!tpu.dma_semaphore, #tpu.memory_space<semaphore_mem>>) src(%dma_wait3A_151 : memref<128x128xf32, #tpu.memory_space<vmem>>) dst(%dma_wait3A_157 : memref<10112x128xf32, #tpu.memory_space<vmem_shared>>)
          tpu.yield
        }) : () -> ()
        %add3A_132 = arith.constant 3 : i32
        %add3A_133 = arith.addi %add3A_99, %add3A_132 : i32
        %lt3A_134 = arith.cmpi slt, %add3A_133, %select_n3A : i32
        %convert_element_type3A_135 = arith.extui %lt3A_134 : i1 to i32
        %cond3A_136 = arith.constant 0 : i32
        %cond3A_137 = arith.cmpi ne, %convert_element_type3A_135, %cond3A_136 : i32
        scf.if %cond3A_137 {
          %add3A_138 = arith.constant 3 : i32
          %add3A_139 = arith.addi %add3A_99, %add3A_138 : i32
          %mul3A_140 = arith.constant 1250 : i32
          %mul3A_141 = arith.muli %arg0, %mul3A_140 : i32
          %add3A_142 = arith.addi %mul3A_141, %arg1 : i32
          %mul3A_143 = arith.constant 16 : i32
          %mul3A_144 = arith.muli %add3A_139, %mul3A_143 : i32
          %add3A_145 = arith.addi %add3A_142, %mul3A_144 : i32
          %mul3A_146 = arith.constant 128 : i32
          %mul3A_147 = arith.muli %add3A_145, %mul3A_146 : i32
          %mul3A_148 = arith.constant 1250 : i32
          %mul3A_149 = arith.muli %arg0, %mul3A_148 : i32
          %add3A_150 = arith.addi %mul3A_149, %arg1 : i32
          %mul3A_151 = arith.constant 16 : i32
          %mul3A_152 = arith.muli %add3A_139, %mul3A_151 : i32
          %add3A_153 = arith.addi %add3A_150, %mul3A_152 : i32
          %mul3A_154 = arith.constant 128 : i32
          %mul3A_155 = arith.muli %add3A_153, %mul3A_154 : i32
          %dma_start3A = arith.constant 0 : i32
          %dma_start3A_156 = arith.constant 0 : i32
          %dma_start3A_157 = tpu.memref_slice %arg7[%dma_start3A, %dma_start3A_156] : memref<3x128xi32, #tpu.memory_space<vmem>> -> memref<1x128xi32, #tpu.memory_space<vmem>>
          %dma_start3A_158 = tpu.memref_squeeze %dma_start3A_157 : memref<1x128xi32, #tpu.memory_space<vmem>> -> memref<128xi32, #tpu.memory_space<vmem>>
          %dma_start3A_159 = tpu.memref_slice %arg3[%mul3A_147] : memref<320000xi32, #tpu.memory_space<hbm>> -> memref<128xi32, #tpu.memory_space<hbm>>
          %dma_start3A_160 = arith.constant 0 : i32
          %dma_start3A_161 = tpu.memref_slice %arg7[%dma_start3A, %dma_start3A_160] : memref<3x128xi32, #tpu.memory_space<vmem>> -> memref<1x128xi32, #tpu.memory_space<vmem>>
          %dma_start3A_162 = tpu.memref_squeeze %dma_start3A_161 : memref<1x128xi32, #tpu.memory_space<vmem>> -> memref<128xi32, #tpu.memory_space<vmem>>
          %dma_start3A_163 = tpu.memref_slice %arg3[%mul3A_147] : memref<320000xi32, #tpu.memory_space<hbm>> -> memref<128xi32, #tpu.memory_space<hbm>>
          tpu.enqueue_dma source(%dma_start3A_163 : memref<128xi32, #tpu.memory_space<hbm>>) target(%dma_start3A_162 : memref<128xi32, #tpu.memory_space<vmem>>) target_semaphore(%arg11 : memref<!tpu.dma_semaphore, #tpu.memory_space<semaphore_mem>>)
          %dma_start3A_164 = arith.constant 0 : i32
          %dma_start3A_165 = arith.constant 0 : i32
          %dma_start3A_166 = tpu.memref_slice %arg8[%dma_start3A_164, %dma_start3A_165] : memref<3x128xi32, #tpu.memory_space<vmem>> -> memref<1x128xi32, #tpu.memory_space<vmem>>
          %dma_start3A_167 = tpu.memref_squeeze %dma_start3A_166 : memref<1x128xi32, #tpu.memory_space<vmem>> -> memref<128xi32, #tpu.memory_space<vmem>>
          %dma_start3A_168 = tpu.memref_slice %arg4[%mul3A_155] : memref<320000xi32, #tpu.memory_space<hbm>> -> memref<128xi32, #tpu.memory_space<hbm>>
          %dma_start3A_169 = arith.constant 0 : i32
          %dma_start3A_170 = tpu.memref_slice %arg8[%dma_start3A_164, %dma_start3A_169] : memref<3x128xi32, #tpu.memory_space<vmem>> -> memref<1x128xi32, #tpu.memory_space<vmem>>
          %dma_start3A_171 = tpu.memref_squeeze %dma_start3A_170 : memref<1x128xi32, #tpu.memory_space<vmem>> -> memref<128xi32, #tpu.memory_space<vmem>>
          %dma_start3A_172 = tpu.memref_slice %arg4[%mul3A_155] : memref<320000xi32, #tpu.memory_space<hbm>> -> memref<128xi32, #tpu.memory_space<hbm>>
          tpu.enqueue_dma source(%dma_start3A_172 : memref<128xi32, #tpu.memory_space<hbm>>) target(%dma_start3A_171 : memref<128xi32, #tpu.memory_space<vmem>>) target_semaphore(%arg11 : memref<!tpu.dma_semaphore, #tpu.memory_space<semaphore_mem>>)
        } else {
        }
      } else {
      }
      %mul3A_104 = arith.constant 3 : i32
      %mul3A_105 = arith.muli %while3A_72, %mul3A_104 : i32
      %add3A_106 = arith.constant 1 : i32
      %add3A_107 = arith.addi %mul3A_105, %add3A_106 : i32
      %lt3A_108 = arith.cmpi slt, %add3A_107, %select_n3A : i32
      %convert_element_type3A_109 = arith.extui %lt3A_108 : i1 to i32
      %cond3A_110 = arith.constant 0 : i32
      %cond3A_111 = arith.cmpi ne, %convert_element_type3A_109, %cond3A_110 : i32
      scf.if %cond3A_111 {
        %dma_wait3A = arith.constant 1 : i32
        %dma_wait3A_120 = arith.constant 1 : i32
        %dma_wait3A_121 = arith.constant 0 : i32
        %dma_wait3A_122 = arith.constant 0 : i32
        %dma_wait3A_123 = tpu.memref_slice %arg9[%dma_wait3A_120, %dma_wait3A_121, %dma_wait3A_122] : memref<3x128x128xf32, #tpu.memory_space<vmem>> -> memref<1x128x128xf32, #tpu.memory_space<vmem>>
        %dma_wait3A_124 = tpu.memref_squeeze %dma_wait3A_123 : memref<1x128x128xf32, #tpu.memory_space<vmem>> -> memref<128x128xf32, #tpu.memory_space<vmem>>
        %dma_wait3A_125 = arith.constant 0 : i32
        %dma_wait3A_126 = tpu.memref_slice %arg7[%dma_wait3A, %dma_wait3A_125] : memref<3x128xi32, #tpu.memory_space<vmem>> -> memref<1x128xi32, #tpu.memory_space<vmem>>
        %dma_wait3A_127 = tpu.memref_squeeze %dma_wait3A_126 : memref<1x128xi32, #tpu.memory_space<vmem>> -> memref<128xi32, #tpu.memory_space<vmem>>
        %dma_wait3A_128 = arith.constant 0 : i32
        %dma_wait3A_129 = arith.constant 0 : i32
        %dma_wait3A_130 = tpu.memref_slice %arg2[%dma_wait3A_128, %dma_wait3A_129] : memref<10000x128xf32, #tpu.memory_space<hbm>> -> memref<10000x128xf32, #tpu.memory_space<hbm>>
        tpu.wait_indirect_dma semaphore(%arg15 : memref<!tpu.dma_semaphore, #tpu.memory_space<semaphore_mem>>) src(%dma_wait3A_130 : memref<10000x128xf32, #tpu.memory_space<hbm>>) dst(%dma_wait3A_124 : memref<128x128xf32, #tpu.memory_space<vmem>>)
        %run_scoped3A = arith.constant 1 : i32
        %run_scoped3A_131 = arith.constant 1 : i32
        "tpu.region"() ({
          %run_scoped3A_138 = tpu.sem_alloc : memref<!tpu.dma_semaphore, #tpu.memory_space<semaphore_mem>>
          %dma_start3A = arith.constant 0 : i32
          %dma_start3A_139 = arith.constant 0 : i32
          %dma_start3A_140 = tpu.memref_slice %arg9[%run_scoped3A, %dma_start3A, %dma_start3A_139] : memref<3x128x128xf32, #tpu.memory_space<vmem>> -> memref<1x128x128xf32, #tpu.memory_space<vmem>>
          %dma_start3A_141 = tpu.memref_squeeze %dma_start3A_140 : memref<1x128x128xf32, #tpu.memory_space<vmem>> -> memref<128x128xf32, #tpu.memory_space<vmem>>
          %dma_start3A_142 = arith.constant 0 : i32
          %dma_start3A_143 = tpu.memref_slice %arg8[%run_scoped3A_131, %dma_start3A_142] : memref<3x128xi32, #tpu.memory_space<vmem>> -> memref<1x128xi32, #tpu.memory_space<vmem>>
          %dma_start3A_144 = tpu.memref_squeeze %dma_start3A_143 : memref<1x128xi32, #tpu.memory_space<vmem>> -> memref<128xi32, #tpu.memory_space<vmem>>
          %dma_start3A_145 = arith.constant 0 : i32
          %dma_start3A_146 = arith.constant 0 : i32
          %dma_start3A_147 = tpu.memref_slice %arg10[%dma_start3A_145, %dma_start3A_146] : memref<10112x128xf32, #tpu.memory_space<vmem_shared>> -> memref<10112x128xf32, #tpu.memory_space<vmem_shared>>
          tpu.enqueue_indirect_dma source(%dma_start3A_141 : memref<128x128xf32, #tpu.memory_space<vmem>>) target(%dma_start3A_147 : memref<10112x128xf32, #tpu.memory_space<vmem_shared>>) offsets(%dma_start3A_144 : memref<128xi32, #tpu.memory_space<vmem>>) semaphore(%run_scoped3A_138 : memref<!tpu.dma_semaphore, #tpu.memory_space<semaphore_mem>>) {add = true}
          %dma_wait3A_148 = arith.constant 0 : i32
          %dma_wait3A_149 = arith.constant 0 : i32
          %dma_wait3A_150 = tpu.memref_slice %arg9[%run_scoped3A, %dma_wait3A_148, %dma_wait3A_149] : memref<3x128x128xf32, #tpu.memory_space<vmem>> -> memref<1x128x128xf32, #tpu.memory_space<vmem>>
          %dma_wait3A_151 = tpu.memref_squeeze %dma_wait3A_150 : memref<1x128x128xf32, #tpu.memory_space<vmem>> -> memref<128x128xf32, #tpu.memory_space<vmem>>
          %dma_wait3A_152 = arith.constant 0 : i32
          %dma_wait3A_153 = tpu.memref_slice %arg8[%run_scoped3A_131, %dma_wait3A_152] : memref<3x128xi32, #tpu.memory_space<vmem>> -> memref<1x128xi32, #tpu.memory_space<vmem>>
          %dma_wait3A_154 = tpu.memref_squeeze %dma_wait3A_153 : memref<1x128xi32, #tpu.memory_space<vmem>> -> memref<128xi32, #tpu.memory_space<vmem>>
          %dma_wait3A_155 = arith.constant 0 : i32
          %dma_wait3A_156 = arith.constant 0 : i32
          %dma_wait3A_157 = tpu.memref_slice %arg10[%dma_wait3A_155, %dma_wait3A_156] : memref<10112x128xf32, #tpu.memory_space<vmem_shared>> -> memref<10112x128xf32, #tpu.memory_space<vmem_shared>>
          tpu.wait_indirect_dma semaphore(%run_scoped3A_138 : memref<!tpu.dma_semaphore, #tpu.memory_space<semaphore_mem>>) src(%dma_wait3A_151 : memref<128x128xf32, #tpu.memory_space<vmem>>) dst(%dma_wait3A_157 : memref<10112x128xf32, #tpu.memory_space<vmem_shared>>)
          tpu.yield
        }) : () -> ()
        %add3A_132 = arith.constant 3 : i32
        %add3A_133 = arith.addi %add3A_107, %add3A_132 : i32
        %lt3A_134 = arith.cmpi slt, %add3A_133, %select_n3A : i32
        %convert_element_type3A_135 = arith.extui %lt3A_134 : i1 to i32
        %cond3A_136 = arith.constant 0 : i32
        %cond3A_137 = arith.cmpi ne, %convert_element_type3A_135, %cond3A_136 : i32
        scf.if %cond3A_137 {
          %add3A_138 = arith.constant 3 : i32
          %add3A_139 = arith.addi %add3A_107, %add3A_138 : i32
          %mul3A_140 = arith.constant 1250 : i32
          %mul3A_141 = arith.muli %arg0, %mul3A_140 : i32
          %add3A_142 = arith.addi %mul3A_141, %arg1 : i32
          %mul3A_143 = arith.constant 16 : i32
          %mul3A_144 = arith.muli %add3A_139, %mul3A_143 : i32
          %add3A_145 = arith.addi %add3A_142, %mul3A_144 : i32
          %mul3A_146 = arith.constant 128 : i32
          %mul3A_147 = arith.muli %add3A_145, %mul3A_146 : i32
          %mul3A_148 = arith.constant 1250 : i32
          %mul3A_149 = arith.muli %arg0, %mul3A_148 : i32
          %add3A_150 = arith.addi %mul3A_149, %arg1 : i32
          %mul3A_151 = arith.constant 16 : i32
          %mul3A_152 = arith.muli %add3A_139, %mul3A_151 : i32
          %add3A_153 = arith.addi %add3A_150, %mul3A_152 : i32
          %mul3A_154 = arith.constant 128 : i32
          %mul3A_155 = arith.muli %add3A_153, %mul3A_154 : i32
          %dma_start3A = arith.constant 1 : i32
          %dma_start3A_156 = arith.constant 0 : i32
          %dma_start3A_157 = tpu.memref_slice %arg7[%dma_start3A, %dma_start3A_156] : memref<3x128xi32, #tpu.memory_space<vmem>> -> memref<1x128xi32, #tpu.memory_space<vmem>>
          %dma_start3A_158 = tpu.memref_squeeze %dma_start3A_157 : memref<1x128xi32, #tpu.memory_space<vmem>> -> memref<128xi32, #tpu.memory_space<vmem>>
          %dma_start3A_159 = tpu.memref_slice %arg3[%mul3A_147] : memref<320000xi32, #tpu.memory_space<hbm>> -> memref<128xi32, #tpu.memory_space<hbm>>
          %dma_start3A_160 = arith.constant 0 : i32
          %dma_start3A_161 = tpu.memref_slice %arg7[%dma_start3A, %dma_start3A_160] : memref<3x128xi32, #tpu.memory_space<vmem>> -> memref<1x128xi32, #tpu.memory_space<vmem>>
          %dma_start3A_162 = tpu.memref_squeeze %dma_start3A_161 : memref<1x128xi32, #tpu.memory_space<vmem>> -> memref<128xi32, #tpu.memory_space<vmem>>
          %dma_start3A_163 = tpu.memref_slice %arg3[%mul3A_147] : memref<320000xi32, #tpu.memory_space<hbm>> -> memref<128xi32, #tpu.memory_space<hbm>>
          tpu.enqueue_dma source(%dma_start3A_163 : memref<128xi32, #tpu.memory_space<hbm>>) target(%dma_start3A_162 : memref<128xi32, #tpu.memory_space<vmem>>) target_semaphore(%arg12 : memref<!tpu.dma_semaphore, #tpu.memory_space<semaphore_mem>>)
          %dma_start3A_164 = arith.constant 1 : i32
          %dma_start3A_165 = arith.constant 0 : i32
          %dma_start3A_166 = tpu.memref_slice %arg8[%dma_start3A_164, %dma_start3A_165] : memref<3x128xi32, #tpu.memory_space<vmem>> -> memref<1x128xi32, #tpu.memory_space<vmem>>
          %dma_start3A_167 = tpu.memref_squeeze %dma_start3A_166 : memref<1x128xi32, #tpu.memory_space<vmem>> -> memref<128xi32, #tpu.memory_space<vmem>>
          %dma_start3A_168 = tpu.memref_slice %arg4[%mul3A_155] : memref<320000xi32, #tpu.memory_space<hbm>> -> memref<128xi32, #tpu.memory_space<hbm>>
          %dma_start3A_169 = arith.constant 0 : i32
          %dma_start3A_170 = tpu.memref_slice %arg8[%dma_start3A_164, %dma_start3A_169] : memref<3x128xi32, #tpu.memory_space<vmem>> -> memref<1x128xi32, #tpu.memory_space<vmem>>
          %dma_start3A_171 = tpu.memref_squeeze %dma_start3A_170 : memref<1x128xi32, #tpu.memory_space<vmem>> -> memref<128xi32, #tpu.memory_space<vmem>>
          %dma_start3A_172 = tpu.memref_slice %arg4[%mul3A_155] : memref<320000xi32, #tpu.memory_space<hbm>> -> memref<128xi32, #tpu.memory_space<hbm>>
          tpu.enqueue_dma source(%dma_start3A_172 : memref<128xi32, #tpu.memory_space<hbm>>) target(%dma_start3A_171 : memref<128xi32, #tpu.memory_space<vmem>>) target_semaphore(%arg12 : memref<!tpu.dma_semaphore, #tpu.memory_space<semaphore_mem>>)
        } else {
        }
      } else {
      }
      %mul3A_112 = arith.constant 3 : i32
      %mul3A_113 = arith.muli %while3A_72, %mul3A_112 : i32
      %add3A_114 = arith.constant 2 : i32
      %add3A_115 = arith.addi %mul3A_113, %add3A_114 : i32
      %lt3A_116 = arith.cmpi slt, %add3A_115, %select_n3A : i32
      %convert_element_type3A_117 = arith.extui %lt3A_116 : i1 to i32
      %cond3A_118 = arith.constant 0 : i32
      %cond3A_119 = arith.cmpi ne, %convert_element_type3A_117, %cond3A_118 : i32
      scf.if %cond3A_119 {
        %dma_wait3A = arith.constant 2 : i32
        %dma_wait3A_120 = arith.constant 2 : i32
        %dma_wait3A_121 = arith.constant 0 : i32
        %dma_wait3A_122 = arith.constant 0 : i32
        %dma_wait3A_123 = tpu.memref_slice %arg9[%dma_wait3A_120, %dma_wait3A_121, %dma_wait3A_122] : memref<3x128x128xf32, #tpu.memory_space<vmem>> -> memref<1x128x128xf32, #tpu.memory_space<vmem>>
        %dma_wait3A_124 = tpu.memref_squeeze %dma_wait3A_123 : memref<1x128x128xf32, #tpu.memory_space<vmem>> -> memref<128x128xf32, #tpu.memory_space<vmem>>
        %dma_wait3A_125 = arith.constant 0 : i32
        %dma_wait3A_126 = tpu.memref_slice %arg7[%dma_wait3A, %dma_wait3A_125] : memref<3x128xi32, #tpu.memory_space<vmem>> -> memref<1x128xi32, #tpu.memory_space<vmem>>
        %dma_wait3A_127 = tpu.memref_squeeze %dma_wait3A_126 : memref<1x128xi32, #tpu.memory_space<vmem>> -> memref<128xi32, #tpu.memory_space<vmem>>
        %dma_wait3A_128 = arith.constant 0 : i32
        %dma_wait3A_129 = arith.constant 0 : i32
        %dma_wait3A_130 = tpu.memref_slice %arg2[%dma_wait3A_128, %dma_wait3A_129] : memref<10000x128xf32, #tpu.memory_space<hbm>> -> memref<10000x128xf32, #tpu.memory_space<hbm>>
        tpu.wait_indirect_dma semaphore(%arg16 : memref<!tpu.dma_semaphore, #tpu.memory_space<semaphore_mem>>) src(%dma_wait3A_130 : memref<10000x128xf32, #tpu.memory_space<hbm>>) dst(%dma_wait3A_124 : memref<128x128xf32, #tpu.memory_space<vmem>>)
        %run_scoped3A = arith.constant 2 : i32
        %run_scoped3A_131 = arith.constant 2 : i32
        "tpu.region"() ({
          %run_scoped3A_138 = tpu.sem_alloc : memref<!tpu.dma_semaphore, #tpu.memory_space<semaphore_mem>>
          %dma_start3A = arith.constant 0 : i32
          %dma_start3A_139 = arith.constant 0 : i32
          %dma_start3A_140 = tpu.memref_slice %arg9[%run_scoped3A, %dma_start3A, %dma_start3A_139] : memref<3x128x128xf32, #tpu.memory_space<vmem>> -> memref<1x128x128xf32, #tpu.memory_space<vmem>>
          %dma_start3A_141 = tpu.memref_squeeze %dma_start3A_140 : memref<1x128x128xf32, #tpu.memory_space<vmem>> -> memref<128x128xf32, #tpu.memory_space<vmem>>
          %dma_start3A_142 = arith.constant 0 : i32
          %dma_start3A_143 = tpu.memref_slice %arg8[%run_scoped3A_131, %dma_start3A_142] : memref<3x128xi32, #tpu.memory_space<vmem>> -> memref<1x128xi32, #tpu.memory_space<vmem>>
          %dma_start3A_144 = tpu.memref_squeeze %dma_start3A_143 : memref<1x128xi32, #tpu.memory_space<vmem>> -> memref<128xi32, #tpu.memory_space<vmem>>
          %dma_start3A_145 = arith.constant 0 : i32
          %dma_start3A_146 = arith.constant 0 : i32
          %dma_start3A_147 = tpu.memref_slice %arg10[%dma_start3A_145, %dma_start3A_146] : memref<10112x128xf32, #tpu.memory_space<vmem_shared>> -> memref<10112x128xf32, #tpu.memory_space<vmem_shared>>
          tpu.enqueue_indirect_dma source(%dma_start3A_141 : memref<128x128xf32, #tpu.memory_space<vmem>>) target(%dma_start3A_147 : memref<10112x128xf32, #tpu.memory_space<vmem_shared>>) offsets(%dma_start3A_144 : memref<128xi32, #tpu.memory_space<vmem>>) semaphore(%run_scoped3A_138 : memref<!tpu.dma_semaphore, #tpu.memory_space<semaphore_mem>>) {add = true}
          %dma_wait3A_148 = arith.constant 0 : i32
          %dma_wait3A_149 = arith.constant 0 : i32
          %dma_wait3A_150 = tpu.memref_slice %arg9[%run_scoped3A, %dma_wait3A_148, %dma_wait3A_149] : memref<3x128x128xf32, #tpu.memory_space<vmem>> -> memref<1x128x128xf32, #tpu.memory_space<vmem>>
          %dma_wait3A_151 = tpu.memref_squeeze %dma_wait3A_150 : memref<1x128x128xf32, #tpu.memory_space<vmem>> -> memref<128x128xf32, #tpu.memory_space<vmem>>
          %dma_wait3A_152 = arith.constant 0 : i32
          %dma_wait3A_153 = tpu.memref_slice %arg8[%run_scoped3A_131, %dma_wait3A_152] : memref<3x128xi32, #tpu.memory_space<vmem>> -> memref<1x128xi32, #tpu.memory_space<vmem>>
          %dma_wait3A_154 = tpu.memref_squeeze %dma_wait3A_153 : memref<1x128xi32, #tpu.memory_space<vmem>> -> memref<128xi32, #tpu.memory_space<vmem>>
          %dma_wait3A_155 = arith.constant 0 : i32
          %dma_wait3A_156 = arith.constant 0 : i32
          %dma_wait3A_157 = tpu.memref_slice %arg10[%dma_wait3A_155, %dma_wait3A_156] : memref<10112x128xf32, #tpu.memory_space<vmem_shared>> -> memref<10112x128xf32, #tpu.memory_space<vmem_shared>>
          tpu.wait_indirect_dma semaphore(%run_scoped3A_138 : memref<!tpu.dma_semaphore, #tpu.memory_space<semaphore_mem>>) src(%dma_wait3A_151 : memref<128x128xf32, #tpu.memory_space<vmem>>) dst(%dma_wait3A_157 : memref<10112x128xf32, #tpu.memory_space<vmem_shared>>)
          tpu.yield
        }) : () -> ()
        %add3A_132 = arith.constant 3 : i32
        %add3A_133 = arith.addi %add3A_115, %add3A_132 : i32
        %lt3A_134 = arith.cmpi slt, %add3A_133, %select_n3A : i32
        %convert_element_type3A_135 = arith.extui %lt3A_134 : i1 to i32
        %cond3A_136 = arith.constant 0 : i32
        %cond3A_137 = arith.cmpi ne, %convert_element_type3A_135, %cond3A_136 : i32
        scf.if %cond3A_137 {
          %add3A_138 = arith.constant 3 : i32
          %add3A_139 = arith.addi %add3A_115, %add3A_138 : i32
          %mul3A_140 = arith.constant 1250 : i32
          %mul3A_141 = arith.muli %arg0, %mul3A_140 : i32
          %add3A_142 = arith.addi %mul3A_141, %arg1 : i32
          %mul3A_143 = arith.constant 16 : i32
          %mul3A_144 = arith.muli %add3A_139, %mul3A_143 : i32
          %add3A_145 = arith.addi %add3A_142, %mul3A_144 : i32
          %mul3A_146 = arith.constant 128 : i32
          %mul3A_147 = arith.muli %add3A_145, %mul3A_146 : i32
          %mul3A_148 = arith.constant 1250 : i32
          %mul3A_149 = arith.muli %arg0, %mul3A_148 : i32
          %add3A_150 = arith.addi %mul3A_149, %arg1 : i32
          %mul3A_151 = arith.constant 16 : i32
          %mul3A_152 = arith.muli %add3A_139, %mul3A_151 : i32
          %add3A_153 = arith.addi %add3A_150, %mul3A_152 : i32
          %mul3A_154 = arith.constant 128 : i32
          %mul3A_155 = arith.muli %add3A_153, %mul3A_154 : i32
          %dma_start3A = arith.constant 2 : i32
          %dma_start3A_156 = arith.constant 0 : i32
          %dma_start3A_157 = tpu.memref_slice %arg7[%dma_start3A, %dma_start3A_156] : memref<3x128xi32, #tpu.memory_space<vmem>> -> memref<1x128xi32, #tpu.memory_space<vmem>>
          %dma_start3A_158 = tpu.memref_squeeze %dma_start3A_157 : memref<1x128xi32, #tpu.memory_space<vmem>> -> memref<128xi32, #tpu.memory_space<vmem>>
          %dma_start3A_159 = tpu.memref_slice %arg3[%mul3A_147] : memref<320000xi32, #tpu.memory_space<hbm>> -> memref<128xi32, #tpu.memory_space<hbm>>
          %dma_start3A_160 = arith.constant 0 : i32
          %dma_start3A_161 = tpu.memref_slice %arg7[%dma_start3A, %dma_start3A_160] : memref<3x128xi32, #tpu.memory_space<vmem>> -> memref<1x128xi32, #tpu.memory_space<vmem>>
          %dma_start3A_162 = tpu.memref_squeeze %dma_start3A_161 : memref<1x128xi32, #tpu.memory_space<vmem>> -> memref<128xi32, #tpu.memory_space<vmem>>
          %dma_start3A_163 = tpu.memref_slice %arg3[%mul3A_147] : memref<320000xi32, #tpu.memory_space<hbm>> -> memref<128xi32, #tpu.memory_space<hbm>>
          tpu.enqueue_dma source(%dma_start3A_163 : memref<128xi32, #tpu.memory_space<hbm>>) target(%dma_start3A_162 : memref<128xi32, #tpu.memory_space<vmem>>) target_semaphore(%arg13 : memref<!tpu.dma_semaphore, #tpu.memory_space<semaphore_mem>>)
          %dma_start3A_164 = arith.constant 2 : i32
          %dma_start3A_165 = arith.constant 0 : i32
          %dma_start3A_166 = tpu.memref_slice %arg8[%dma_start3A_164, %dma_start3A_165] : memref<3x128xi32, #tpu.memory_space<vmem>> -> memref<1x128xi32, #tpu.memory_space<vmem>>
          %dma_start3A_167 = tpu.memref_squeeze %dma_start3A_166 : memref<1x128xi32, #tpu.memory_space<vmem>> -> memref<128xi32, #tpu.memory_space<vmem>>
          %dma_start3A_168 = tpu.memref_slice %arg4[%mul3A_155] : memref<320000xi32, #tpu.memory_space<hbm>> -> memref<128xi32, #tpu.memory_space<hbm>>
          %dma_start3A_169 = arith.constant 0 : i32
          %dma_start3A_170 = tpu.memref_slice %arg8[%dma_start3A_164, %dma_start3A_169] : memref<3x128xi32, #tpu.memory_space<vmem>> -> memref<1x128xi32, #tpu.memory_space<vmem>>
          %dma_start3A_171 = tpu.memref_squeeze %dma_start3A_170 : memref<1x128xi32, #tpu.memory_space<vmem>> -> memref<128xi32, #tpu.memory_space<vmem>>
          %dma_start3A_172 = tpu.memref_slice %arg4[%mul3A_155] : memref<320000xi32, #tpu.memory_space<hbm>> -> memref<128xi32, #tpu.memory_space<hbm>>
          tpu.enqueue_dma source(%dma_start3A_172 : memref<128xi32, #tpu.memory_space<hbm>>) target(%dma_start3A_171 : memref<128xi32, #tpu.memory_space<vmem>>) target_semaphore(%arg13 : memref<!tpu.dma_semaphore, #tpu.memory_space<semaphore_mem>>)
        } else {
        }
      } else {
      }
    }
    %barrier3A_71 = arith.constant 0 : index
    tpu.barrier barrier_id(%barrier3A_71)
    "tpu.region"() ({
      %run_scoped3A = tpu.sem_alloc : memref<!tpu.dma_semaphore, #tpu.memory_space<semaphore_mem>>
      %dma_start3A = arith.constant 0 : i32
      %dma_start3A_72 = tpu.memref_slice %arg6[%arg0, %mul3A_0, %dma_start3A] : memref<2x10112x128xf32, #tpu.memory_space<hbm>> -> memref<1x632x128xf32, #tpu.memory_space<hbm>>
      %dma_start3A_73 = tpu.memref_squeeze %dma_start3A_72 : memref<1x632x128xf32, #tpu.memory_space<hbm>> -> memref<632x128xf32, #tpu.memory_space<hbm>>
      %dma_start3A_74 = arith.constant 0 : i32
      %dma_start3A_75 = tpu.memref_slice %arg10[%mul3A_0, %dma_start3A_74] : memref<10112x128xf32, #tpu.memory_space<vmem_shared>> -> memref<632x128xf32, #tpu.memory_space<vmem_shared>>
      tpu.enqueue_dma source(%dma_start3A_75 : memref<632x128xf32, #tpu.memory_space<vmem_shared>>) target(%dma_start3A_73 : memref<632x128xf32, #tpu.memory_space<hbm>>) target_semaphore(%run_scoped3A : memref<!tpu.dma_semaphore, #tpu.memory_space<semaphore_mem>>)
      %dma_wait3A = arith.constant 0 : i32
      %dma_wait3A_76 = tpu.memref_slice %arg6[%arg0, %mul3A_0, %dma_wait3A] : memref<2x10112x128xf32, #tpu.memory_space<hbm>> -> memref<1x632x128xf32, #tpu.memory_space<hbm>>
      %dma_wait3A_77 = tpu.memref_squeeze %dma_wait3A_76 : memref<1x632x128xf32, #tpu.memory_space<hbm>> -> memref<632x128xf32, #tpu.memory_space<hbm>>
      %dma_wait3A_78 = arith.constant 0 : i32
      %dma_wait3A_79 = tpu.memref_slice %arg10[%mul3A_0, %dma_wait3A_78] : memref<10112x128xf32, #tpu.memory_space<vmem_shared>> -> memref<632x128xf32, #tpu.memory_space<vmem_shared>>
      tpu.wait_dma2 semaphore(%run_scoped3A : memref<!tpu.dma_semaphore, #tpu.memory_space<semaphore_mem>>) src(%dma_wait3A_79 : memref<632x128xf32, #tpu.memory_space<vmem_shared>>) dst(%dma_wait3A_77 : memref<632x128xf32, #tpu.memory_space<hbm>>)
      tpu.yield
    }) : () -> ()
    return
  }
}

#map = affine_map<(d0, d1) -> (0, 0)>
#map1 = affine_map<(d0, d1) -> (0)>
#map2 = affine_map<(d0, d1) -> (0, 0, 0)>
module attributes {stable_mosaic.version = 14 : i64} {
  func.func @k(%arg0: i32, %arg1: i32, %arg2: memref<10000x128xf32, #tpu.memory_space<hbm>>, %arg3: memref<320000xi32, #tpu.memory_space<hbm>>, %arg4: memref<320000xi32, #tpu.memory_space<hbm>>, %arg5: memref<10112x128xf32, #tpu.memory_space<hbm>>, %arg6: memref<2x10112x128xf32, #tpu.memory_space<hbm>>, %arg7: memref<3x128xi32, #tpu.memory_space<vmem>>, %arg8: memref<3x128xi32, #tpu.memory_space<vmem>>, %arg9: memref<3x128x128xf32, #tpu.memory_space<vmem>>, %arg10: memref<10112x128xf32, #tpu.memory_space<vmem_shared>>, %arg11: memref<!tpu.dma_semaphore, #tpu.memory_space<semaphore_mem>>, %arg12: memref<!tpu.dma_semaphore, #tpu.memory_space<semaphore_mem>>, %arg13: memref<!tpu.dma_semaphore, #tpu.memory_space<semaphore_mem>>, %arg14: memref<!tpu.dma_semaphore, #tpu.memory_space<semaphore_mem>>, %arg15: memref<!tpu.dma_semaphore, #tpu.memory_space<semaphore_mem>>, %arg16: memref<!tpu.dma_semaphore, #tpu.memory_space<semaphore_mem>>) attributes {dimension_semantics = [#tpu.dimension_semantics<core_parallel>, #tpu.dimension_semantics<subcore_parallel>], iteration_bounds = array<i64: 2, 16>, scalar_prefetch = 0 : i64, scratch_operands = 10 : i64, tpu.core_type = #tpu.core_type<sc_vector_subcore>, window_params = [{transform_indices = #map}, {transform_indices = #map1}, {transform_indices = #map1}, {transform_indices = #map}, {transform_indices = #map2}]} {
    %mul3A = arith.constant 632 : i32
    %mul3A_0 = arith.muli %arg1, %mul3A : i32
    "tpu.region"() ({
      %run_scoped3A = tpu.sem_alloc : memref<!tpu.dma_semaphore, #tpu.memory_space<semaphore_mem>>
      %dma_start3A = arith.constant 0 : i32
      %dma_start3A_72 = tpu.memref_slice %arg10[%mul3A_0, %dma_start3A] : memref<10112x128xf32, #tpu.memory_space<vmem_shared>> -> memref<632x128xf32, #tpu.memory_space<vmem_shared>>
      %dma_start3A_73 = arith.constant 0 : i32
      %dma_start3A_74 = tpu.memref_slice %arg5[%mul3A_0, %dma_start3A_73] : memref<10112x128xf32, #tpu.memory_space<hbm>> -> memref<632x128xf32, #tpu.memory_space<hbm>>
      tpu.enqueue_dma source(%dma_start3A_74 : memref<632x128xf32, #tpu.memory_space<hbm>>) target(%dma_start3A_72 : memref<632x128xf32, #tpu.memory_space<vmem_shared>>) target_semaphore(%run_scoped3A : memref<!tpu.dma_semaphore, #tpu.memory_space<semaphore_mem>>)
      %dma_wait3A = arith.constant 0 : i32
      %dma_wait3A_75 = tpu.memref_slice %arg10[%mul3A_0, %dma_wait3A] : memref<10112x128xf32, #tpu.memory_space<vmem_shared>> -> memref<632x128xf32, #tpu.memory_space<vmem_shared>>
      %dma_wait3A_76 = arith.constant 0 : i32
      %dma_wait3A_77 = tpu.memref_slice %arg5[%mul3A_0, %dma_wait3A_76] : memref<10112x128xf32, #tpu.memory_space<hbm>> -> memref<632x128xf32, #tpu.memory_space<hbm>>
      tpu.wait_dma2 semaphore(%run_scoped3A : memref<!tpu.dma_semaphore, #tpu.memory_space<semaphore_mem>>) src(%dma_wait3A_77 : memref<632x128xf32, #tpu.memory_space<hbm>>) dst(%dma_wait3A_75 : memref<632x128xf32, #tpu.memory_space<vmem_shared>>)
      tpu.yield
    }) : () -> ()
    %sub3A = arith.constant 1250 : i32
    %sub3A_1 = arith.subi %sub3A, %arg1 : i32
    %add3A = arith.constant 16 : i32
    %add3A_2 = arith.addi %sub3A_1, %add3A : i32
    %sub3A_3 = arith.constant 1 : i32
    %sub3A_4 = arith.subi %add3A_2, %sub3A_3 : i32
    %jit3A = arith.constant 16 : i32
    %div3A = arith.divsi %sub3A_4, %jit3A : i32
    %sign3A = arith.constant 0 : i32
    %sign3A_5 = arith.cmpi sgt, %sub3A_4, %sign3A : i32
    %sign3A_6 = arith.extui %sign3A_5 : i1 to i32
    %sign3A_7 = arith.constant 0 : i32
    %sign3A_8 = arith.cmpi slt, %sub3A_4, %sign3A_7 : i32
    %sign3A_9 = arith.extui %sign3A_8 : i1 to i32
    %sign3A_10 = arith.subi %sign3A_6, %sign3A_9 : i32
    %sign3A_11 = arith.constant 0 : i32
    %sign3A_12 = arith.cmpi sgt, %jit3A, %sign3A_11 : i32
    %sign3A_13 = arith.extui %sign3A_12 : i1 to i32
    %sign3A_14 = arith.constant 0 : i32
    %sign3A_15 = arith.cmpi slt, %jit3A, %sign3A_14 : i32
    %sign3A_16 = arith.extui %sign3A_15 : i1 to i32
    %sign3A_17 = arith.subi %sign3A_13, %sign3A_16 : i32
    %ne3A = arith.cmpi ne, %sign3A_10, %sign3A_17 : i32
    %rem3A = arith.remsi %sub3A_4, %jit3A : i32
    %ne3A_18 = arith.constant 0 : i32
    %ne3A_19 = arith.cmpi ne, %rem3A, %ne3A_18 : i32
    %and3A = arith.andi %ne3A, %ne3A_19 : i1
    %sub3A_20 = arith.constant 1 : i32
    %sub3A_21 = arith.subi %div3A, %sub3A_20 : i32
    %select_n3A = arith.select %and3A, %sub3A_21, %div3A : i32
    %gt3A = arith.constant 0 : i32
    %gt3A_22 = arith.cmpi sgt, %select_n3A, %gt3A : i32
    %convert_element_type3A = arith.extui %gt3A_22 : i1 to i32
    %cond3A = arith.constant 0 : i32
    %cond3A_23 = arith.cmpi ne, %convert_element_type3A, %cond3A : i32
    scf.if %cond3A_23 {
      %mul3A_72 = arith.constant 1250 : i32
      %mul3A_73 = arith.muli %arg0, %mul3A_72 : i32
      %add3A_74 = arith.addi %mul3A_73, %arg1 : i32
      %add3A_75 = arith.constant 0 : i32
      %add3A_76 = arith.addi %add3A_74, %add3A_75 : i32
      %mul3A_77 = arith.constant 128 : i32
      %mul3A_78 = arith.muli %add3A_76, %mul3A_77 : i32
      %mul3A_79 = arith.constant 1250 : i32
      %mul3A_80 = arith.muli %arg0, %mul3A_79 : i32
      %add3A_81 = arith.addi %mul3A_80, %arg1 : i32
      %add3A_82 = arith.constant 0 : i32
      %add3A_83 = arith.addi %add3A_81, %add3A_82 : i32
      %mul3A_84 = arith.constant 128 : i32
      %mul3A_85 = arith.muli %add3A_83, %mul3A_84 : i32
      %dma_start3A = arith.constant 0 : i32
      %dma_start3A_86 = arith.constant 0 : i32
      %dma_start3A_87 = tpu.memref_slice %arg7[%dma_start3A, %dma_start3A_86] : memref<3x128xi32, #tpu.memory_space<vmem>> -> memref<1x128xi32, #tpu.memory_space<vmem>>
      %dma_start3A_88 = tpu.memref_squeeze %dma_start3A_87 : memref<1x128xi32, #tpu.memory_space<vmem>> -> memref<128xi32, #tpu.memory_space<vmem>>
      %dma_start3A_89 = tpu.memref_slice %arg3[%mul3A_78] : memref<320000xi32, #tpu.memory_space<hbm>> -> memref<128xi32, #tpu.memory_space<hbm>>
      %dma_start3A_90 = arith.constant 0 : i32
      %dma_start3A_91 = tpu.memref_slice %arg7[%dma_start3A, %dma_start3A_90] : memref<3x128xi32, #tpu.memory_space<vmem>> -> memref<1x128xi32, #tpu.memory_space<vmem>>
      %dma_start3A_92 = tpu.memref_squeeze %dma_start3A_91 : memref<1x128xi32, #tpu.memory_space<vmem>> -> memref<128xi32, #tpu.memory_space<vmem>>
      %dma_start3A_93 = tpu.memref_slice %arg3[%mul3A_78] : memref<320000xi32, #tpu.memory_space<hbm>> -> memref<128xi32, #tpu.memory_space<hbm>>
      tpu.enqueue_dma source(%dma_start3A_93 : memref<128xi32, #tpu.memory_space<hbm>>) target(%dma_start3A_92 : memref<128xi32, #tpu.memory_space<vmem>>) target_semaphore(%arg11 : memref<!tpu.dma_semaphore, #tpu.memory_space<semaphore_mem>>)
      %dma_start3A_94 = arith.constant 0 : i32
      %dma_start3A_95 = arith.constant 0 : i32
      %dma_start3A_96 = tpu.memref_slice %arg8[%dma_start3A_94, %dma_start3A_95] : memref<3x128xi32, #tpu.memory_space<vmem>> -> memref<1x128xi32, #tpu.memory_space<vmem>>
      %dma_start3A_97 = tpu.memref_squeeze %dma_start3A_96 : memref<1x128xi32, #tpu.memory_space<vmem>> -> memref<128xi32, #tpu.memory_space<vmem>>
      %dma_start3A_98 = tpu.memref_slice %arg4[%mul3A_85] : memref<320000xi32, #tpu.memory_space<hbm>> -> memref<128xi32, #tpu.memory_space<hbm>>
      %dma_start3A_99 = arith.constant 0 : i32
      %dma_start3A_100 = tpu.memref_slice %arg8[%dma_start3A_94, %dma_start3A_99] : memref<3x128xi32, #tpu.memory_space<vmem>> -> memref<1x128xi32, #tpu.memory_space<vmem>>
      %dma_start3A_101 = tpu.memref_squeeze %dma_start3A_100 : memref<1x128xi32, #tpu.memory_space<vmem>> -> memref<128xi32, #tpu.memory_space<vmem>>
      %dma_start3A_102 = tpu.memref_slice %arg4[%mul3A_85] : memref<320000xi32, #tpu.memory_space<hbm>> -> memref<128xi32, #tpu.memory_space<hbm>>
      tpu.enqueue_dma source(%dma_start3A_102 : memref<128xi32, #tpu.memory_space<hbm>>) target(%dma_start3A_101 : memref<128xi32, #tpu.memory_space<vmem>>) target_semaphore(%arg11 : memref<!tpu.dma_semaphore, #tpu.memory_space<semaphore_mem>>)
    } else {
    }
    %gt3A_24 = arith.constant 1 : i32
    %gt3A_25 = arith.cmpi sgt, %select_n3A, %gt3A_24 : i32
    %convert_element_type3A_26 = arith.extui %gt3A_25 : i1 to i32
    %cond3A_27 = arith.constant 0 : i32
    %cond3A_28 = arith.cmpi ne, %convert_element_type3A_26, %cond3A_27 : i32
    scf.if %cond3A_28 {
      %mul3A_72 = arith.constant 1250 : i32
      %mul3A_73 = arith.muli %arg0, %mul3A_72 : i32
      %add3A_74 = arith.addi %mul3A_73, %arg1 : i32
      %add3A_75 = arith.constant 16 : i32
      %add3A_76 = arith.addi %add3A_74, %add3A_75 : i32
      %mul3A_77 = arith.constant 128 : i32
      %mul3A_78 = arith.muli %add3A_76, %mul3A_77 : i32
      %mul3A_79 = arith.constant 1250 : i32
      %mul3A_80 = arith.muli %arg0, %mul3A_79 : i32
      %add3A_81 = arith.addi %mul3A_80, %arg1 : i32
      %add3A_82 = arith.constant 16 : i32
      %add3A_83 = arith.addi %add3A_81, %add3A_82 : i32
      %mul3A_84 = arith.constant 128 : i32
      %mul3A_85 = arith.muli %add3A_83, %mul3A_84 : i32
      %dma_start3A = arith.constant 1 : i32
      %dma_start3A_86 = arith.constant 0 : i32
      %dma_start3A_87 = tpu.memref_slice %arg7[%dma_start3A, %dma_start3A_86] : memref<3x128xi32, #tpu.memory_space<vmem>> -> memref<1x128xi32, #tpu.memory_space<vmem>>
      %dma_start3A_88 = tpu.memref_squeeze %dma_start3A_87 : memref<1x128xi32, #tpu.memory_space<vmem>> -> memref<128xi32, #tpu.memory_space<vmem>>
      %dma_start3A_89 = tpu.memref_slice %arg3[%mul3A_78] : memref<320000xi32, #tpu.memory_space<hbm>> -> memref<128xi32, #tpu.memory_space<hbm>>
      %dma_start3A_90 = arith.constant 0 : i32
      %dma_start3A_91 = tpu.memref_slice %arg7[%dma_start3A, %dma_start3A_90] : memref<3x128xi32, #tpu.memory_space<vmem>> -> memref<1x128xi32, #tpu.memory_space<vmem>>
      %dma_start3A_92 = tpu.memref_squeeze %dma_start3A_91 : memref<1x128xi32, #tpu.memory_space<vmem>> -> memref<128xi32, #tpu.memory_space<vmem>>
      %dma_start3A_93 = tpu.memref_slice %arg3[%mul3A_78] : memref<320000xi32, #tpu.memory_space<hbm>> -> memref<128xi32, #tpu.memory_space<hbm>>
      tpu.enqueue_dma source(%dma_start3A_93 : memref<128xi32, #tpu.memory_space<hbm>>) target(%dma_start3A_92 : memref<128xi32, #tpu.memory_space<vmem>>) target_semaphore(%arg12 : memref<!tpu.dma_semaphore, #tpu.memory_space<semaphore_mem>>)
      %dma_start3A_94 = arith.constant 1 : i32
      %dma_start3A_95 = arith.constant 0 : i32
      %dma_start3A_96 = tpu.memref_slice %arg8[%dma_start3A_94, %dma_start3A_95] : memref<3x128xi32, #tpu.memory_space<vmem>> -> memref<1x128xi32, #tpu.memory_space<vmem>>
      %dma_start3A_97 = tpu.memref_squeeze %dma_start3A_96 : memref<1x128xi32, #tpu.memory_space<vmem>> -> memref<128xi32, #tpu.memory_space<vmem>>
      %dma_start3A_98 = tpu.memref_slice %arg4[%mul3A_85] : memref<320000xi32, #tpu.memory_space<hbm>> -> memref<128xi32, #tpu.memory_space<hbm>>
      %dma_start3A_99 = arith.constant 0 : i32
      %dma_start3A_100 = tpu.memref_slice %arg8[%dma_start3A_94, %dma_start3A_99] : memref<3x128xi32, #tpu.memory_space<vmem>> -> memref<1x128xi32, #tpu.memory_space<vmem>>
      %dma_start3A_101 = tpu.memref_squeeze %dma_start3A_100 : memref<1x128xi32, #tpu.memory_space<vmem>> -> memref<128xi32, #tpu.memory_space<vmem>>
      %dma_start3A_102 = tpu.memref_slice %arg4[%mul3A_85] : memref<320000xi32, #tpu.memory_space<hbm>> -> memref<128xi32, #tpu.memory_space<hbm>>
      tpu.enqueue_dma source(%dma_start3A_102 : memref<128xi32, #tpu.memory_space<hbm>>) target(%dma_start3A_101 : memref<128xi32, #tpu.memory_space<vmem>>) target_semaphore(%arg12 : memref<!tpu.dma_semaphore, #tpu.memory_space<semaphore_mem>>)
    } else {
    }
    %gt3A_29 = arith.constant 2 : i32
    %gt3A_30 = arith.cmpi sgt, %select_n3A, %gt3A_29 : i32
    %convert_element_type3A_31 = arith.extui %gt3A_30 : i1 to i32
    %cond3A_32 = arith.constant 0 : i32
    %cond3A_33 = arith.cmpi ne, %convert_element_type3A_31, %cond3A_32 : i32
    scf.if %cond3A_33 {
      %mul3A_72 = arith.constant 1250 : i32
      %mul3A_73 = arith.muli %arg0, %mul3A_72 : i32
      %add3A_74 = arith.addi %mul3A_73, %arg1 : i32
      %add3A_75 = arith.constant 32 : i32
      %add3A_76 = arith.addi %add3A_74, %add3A_75 : i32
      %mul3A_77 = arith.constant 128 : i32
      %mul3A_78 = arith.muli %add3A_76, %mul3A_77 : i32
      %mul3A_79 = arith.constant 1250 : i32
      %mul3A_80 = arith.muli %arg0, %mul3A_79 : i32
      %add3A_81 = arith.addi %mul3A_80, %arg1 : i32
      %add3A_82 = arith.constant 32 : i32
      %add3A_83 = arith.addi %add3A_81, %add3A_82 : i32
      %mul3A_84 = arith.constant 128 : i32
      %mul3A_85 = arith.muli %add3A_83, %mul3A_84 : i32
      %dma_start3A = arith.constant 2 : i32
      %dma_start3A_86 = arith.constant 0 : i32
      %dma_start3A_87 = tpu.memref_slice %arg7[%dma_start3A, %dma_start3A_86] : memref<3x128xi32, #tpu.memory_space<vmem>> -> memref<1x128xi32, #tpu.memory_space<vmem>>
      %dma_start3A_88 = tpu.memref_squeeze %dma_start3A_87 : memref<1x128xi32, #tpu.memory_space<vmem>> -> memref<128xi32, #tpu.memory_space<vmem>>
      %dma_start3A_89 = tpu.memref_slice %arg3[%mul3A_78] : memref<320000xi32, #tpu.memory_space<hbm>> -> memref<128xi32, #tpu.memory_space<hbm>>
      %dma_start3A_90 = arith.constant 0 : i32
      %dma_start3A_91 = tpu.memref_slice %arg7[%dma_start3A, %dma_start3A_90] : memref<3x128xi32, #tpu.memory_space<vmem>> -> memref<1x128xi32, #tpu.memory_space<vmem>>
      %dma_start3A_92 = tpu.memref_squeeze %dma_start3A_91 : memref<1x128xi32, #tpu.memory_space<vmem>> -> memref<128xi32, #tpu.memory_space<vmem>>
      %dma_start3A_93 = tpu.memref_slice %arg3[%mul3A_78] : memref<320000xi32, #tpu.memory_space<hbm>> -> memref<128xi32, #tpu.memory_space<hbm>>
      tpu.enqueue_dma source(%dma_start3A_93 : memref<128xi32, #tpu.memory_space<hbm>>) target(%dma_start3A_92 : memref<128xi32, #tpu.memory_space<vmem>>) target_semaphore(%arg13 : memref<!tpu.dma_semaphore, #tpu.memory_space<semaphore_mem>>)
      %dma_start3A_94 = arith.constant 2 : i32
      %dma_start3A_95 = arith.constant 0 : i32
      %dma_start3A_96 = tpu.memref_slice %arg8[%dma_start3A_94, %dma_start3A_95] : memref<3x128xi32, #tpu.memory_space<vmem>> -> memref<1x128xi32, #tpu.memory_space<vmem>>
      %dma_start3A_97 = tpu.memref_squeeze %dma_start3A_96 : memref<1x128xi32, #tpu.memory_space<vmem>> -> memref<128xi32, #tpu.memory_space<vmem>>
      %dma_start3A_98 = tpu.memref_slice %arg4[%mul3A_85] : memref<320000xi32, #tpu.memory_space<hbm>> -> memref<128xi32, #tpu.memory_space<hbm>>
      %dma_start3A_99 = arith.constant 0 : i32
      %dma_start3A_100 = tpu.memref_slice %arg8[%dma_start3A_94, %dma_start3A_99] : memref<3x128xi32, #tpu.memory_space<vmem>> -> memref<1x128xi32, #tpu.memory_space<vmem>>
      %dma_start3A_101 = tpu.memref_squeeze %dma_start3A_100 : memref<1x128xi32, #tpu.memory_space<vmem>> -> memref<128xi32, #tpu.memory_space<vmem>>
      %dma_start3A_102 = tpu.memref_slice %arg4[%mul3A_85] : memref<320000xi32, #tpu.memory_space<hbm>> -> memref<128xi32, #tpu.memory_space<hbm>>
      tpu.enqueue_dma source(%dma_start3A_102 : memref<128xi32, #tpu.memory_space<hbm>>) target(%dma_start3A_101 : memref<128xi32, #tpu.memory_space<vmem>>) target_semaphore(%arg13 : memref<!tpu.dma_semaphore, #tpu.memory_space<semaphore_mem>>)
    } else {
    }
    %barrier3A = arith.constant 0 : index
    tpu.barrier barrier_id(%barrier3A)
    %add3A_34 = arith.constant 3 : i32
    %add3A_35 = arith.addi %select_n3A, %add3A_34 : i32
    %sub3A_36 = arith.constant 1 : i32
    %sub3A_37 = arith.subi %add3A_35, %sub3A_36 : i32
    %jit3A_38 = arith.constant 3 : i32
    %div3A_39 = arith.divsi %sub3A_37, %jit3A_38 : i32
    %sign3A_40 = arith.constant 0 : i32
    %sign3A_41 = arith.cmpi sgt, %sub3A_37, %sign3A_40 : i32
    %sign3A_42 = arith.extui %sign3A_41 : i1 to i32
    %sign3A_43 = arith.constant 0 : i32
    %sign3A_44 = arith.cmpi slt, %sub3A_37, %sign3A_43 : i32
    %sign3A_45 = arith.extui %sign3A_44 : i1 to i32
    %sign3A_46 = arith.subi %sign3A_42, %sign3A_45 : i32
    %sign3A_47 = arith.constant 0 : i32
    %sign3A_48 = arith.cmpi sgt, %jit3A_38, %sign3A_47 : i32
    %sign3A_49 = arith.extui %sign3A_48 : i1 to i32
    %sign3A_50 = arith.constant 0 : i32
    %sign3A_51 = arith.cmpi slt, %jit3A_38, %sign3A_50 : i32
    %sign3A_52 = arith.extui %sign3A_51 : i1 to i32
    %sign3A_53 = arith.subi %sign3A_49, %sign3A_52 : i32
    %ne3A_54 = arith.cmpi ne, %sign3A_46, %sign3A_53 : i32
    %rem3A_55 = arith.remsi %sub3A_37, %jit3A_38 : i32
    %ne3A_56 = arith.constant 0 : i32
    %ne3A_57 = arith.cmpi ne, %rem3A_55, %ne3A_56 : i32
    %and3A_58 = arith.andi %ne3A_54, %ne3A_57 : i1
    %sub3A_59 = arith.constant 1 : i32
    %sub3A_60 = arith.subi %div3A_39, %sub3A_59 : i32
    %select_n3A_61 = arith.select %and3A_58, %sub3A_60, %div3A_39 : i32
    %while3A = arith.constant 0 : i32
    %while3A_62 = arith.constant 0 : i32
    %while3A_63 = arith.subi %select_n3A_61, %while3A_62 : i32
    %while3A_64 = arith.addi %while3A_62, %while3A_63 : i32
    %while3A_65 = arith.constant 1 : i32
    %while3A_66 = arith.divsi %while3A_63, %while3A_65 : i32
    %while3A_67 = arith.muli %while3A_66, %while3A_65 : i32
    %while3A_68 = arith.addi %while3A_62, %while3A_67 : i32
    %while3A_69 = arith.constant 1 : i32
    scf.for %while3A_72 = %while3A_62 to %while3A_68 step %while3A_69  : i32 {
      %mul3A_73 = arith.constant 3 : i32
      %mul3A_74 = arith.muli %while3A_72, %mul3A_73 : i32
      %add3A_75 = arith.constant 0 : i32
      %add3A_76 = arith.addi %mul3A_74, %add3A_75 : i32
      %lt3A = arith.cmpi slt, %add3A_76, %select_n3A : i32
      %convert_element_type3A_77 = arith.extui %lt3A : i1 to i32
      %cond3A_78 = arith.constant 0 : i32
      %cond3A_79 = arith.cmpi ne, %convert_element_type3A_77, %cond3A_78 : i32
      scf.if %cond3A_79 {
        %mul3A_120 = arith.constant 1250 : i32
        %mul3A_121 = arith.muli %arg0, %mul3A_120 : i32
        %add3A_122 = arith.addi %mul3A_121, %arg1 : i32
        %mul3A_123 = arith.constant 16 : i32
        %mul3A_124 = arith.muli %add3A_76, %mul3A_123 : i32
        %add3A_125 = arith.addi %add3A_122, %mul3A_124 : i32
        %mul3A_126 = arith.constant 128 : i32
        %mul3A_127 = arith.muli %add3A_125, %mul3A_126 : i32
        %mul3A_128 = arith.constant 1250 : i32
        %mul3A_129 = arith.muli %arg0, %mul3A_128 : i32
        %add3A_130 = arith.addi %mul3A_129, %arg1 : i32
        %mul3A_131 = arith.constant 16 : i32
        %mul3A_132 = arith.muli %add3A_76, %mul3A_131 : i32
        %add3A_133 = arith.addi %add3A_130, %mul3A_132 : i32
        %mul3A_134 = arith.constant 128 : i32
        %mul3A_135 = arith.muli %add3A_133, %mul3A_134 : i32
        %dma_wait3A = arith.constant 0 : i32
        %dma_wait3A_136 = arith.constant 0 : i32
        %dma_wait3A_137 = tpu.memref_slice %arg7[%dma_wait3A, %dma_wait3A_136] : memref<3x128xi32, #tpu.memory_space<vmem>> -> memref<1x128xi32, #tpu.memory_space<vmem>>
        %dma_wait3A_138 = tpu.memref_squeeze %dma_wait3A_137 : memref<1x128xi32, #tpu.memory_space<vmem>> -> memref<128xi32, #tpu.memory_space<vmem>>
        %dma_wait3A_139 = tpu.memref_slice %arg3[%mul3A_127] : memref<320000xi32, #tpu.memory_space<hbm>> -> memref<128xi32, #tpu.memory_space<hbm>>
        %dma_wait3A_140 = arith.constant 0 : i32
        %dma_wait3A_141 = tpu.memref_slice %arg7[%dma_wait3A, %dma_wait3A_140] : memref<3x128xi32, #tpu.memory_space<vmem>> -> memref<1x128xi32, #tpu.memory_space<vmem>>
        %dma_wait3A_142 = tpu.memref_squeeze %dma_wait3A_141 : memref<1x128xi32, #tpu.memory_space<vmem>> -> memref<128xi32, #tpu.memory_space<vmem>>
        %dma_wait3A_143 = tpu.memref_slice %arg3[%mul3A_127] : memref<320000xi32, #tpu.memory_space<hbm>> -> memref<128xi32, #tpu.memory_space<hbm>>
        tpu.wait_dma2 semaphore(%arg11 : memref<!tpu.dma_semaphore, #tpu.memory_space<semaphore_mem>>) src(%dma_wait3A_143 : memref<128xi32, #tpu.memory_space<hbm>>) dst(%dma_wait3A_142 : memref<128xi32, #tpu.memory_space<vmem>>)
        %dma_wait3A_144 = arith.constant 0 : i32
        %dma_wait3A_145 = arith.constant 0 : i32
        %dma_wait3A_146 = tpu.memref_slice %arg8[%dma_wait3A_144, %dma_wait3A_145] : memref<3x128xi32, #tpu.memory_space<vmem>> -> memref<1x128xi32, #tpu.memory_space<vmem>>
        %dma_wait3A_147 = tpu.memref_squeeze %dma_wait3A_146 : memref<1x128xi32, #tpu.memory_space<vmem>> -> memref<128xi32, #tpu.memory_space<vmem>>
        %dma_wait3A_148 = tpu.memref_slice %arg4[%mul3A_135] : memref<320000xi32, #tpu.memory_space<hbm>> -> memref<128xi32, #tpu.memory_space<hbm>>
        %dma_wait3A_149 = arith.constant 0 : i32
        %dma_wait3A_150 = tpu.memref_slice %arg8[%dma_wait3A_144, %dma_wait3A_149] : memref<3x128xi32, #tpu.memory_space<vmem>> -> memref<1x128xi32, #tpu.memory_space<vmem>>
        %dma_wait3A_151 = tpu.memref_squeeze %dma_wait3A_150 : memref<1x128xi32, #tpu.memory_space<vmem>> -> memref<128xi32, #tpu.memory_space<vmem>>
        %dma_wait3A_152 = tpu.memref_slice %arg4[%mul3A_135] : memref<320000xi32, #tpu.memory_space<hbm>> -> memref<128xi32, #tpu.memory_space<hbm>>
        tpu.wait_dma2 semaphore(%arg11 : memref<!tpu.dma_semaphore, #tpu.memory_space<semaphore_mem>>) src(%dma_wait3A_152 : memref<128xi32, #tpu.memory_space<hbm>>) dst(%dma_wait3A_151 : memref<128xi32, #tpu.memory_space<vmem>>)
        %dma_start3A = arith.constant 0 : i32
        %dma_start3A_153 = arith.constant 0 : i32
        %dma_start3A_154 = arith.constant 0 : i32
        %dma_start3A_155 = arith.constant 0 : i32
        %dma_start3A_156 = tpu.memref_slice %arg9[%dma_start3A_153, %dma_start3A_154, %dma_start3A_155] : memref<3x128x128xf32, #tpu.memory_space<vmem>> -> memref<1x128x128xf32, #tpu.memory_space<vmem>>
        %dma_start3A_157 = tpu.memref_squeeze %dma_start3A_156 : memref<1x128x128xf32, #tpu.memory_space<vmem>> -> memref<128x128xf32, #tpu.memory_space<vmem>>
        %dma_start3A_158 = arith.constant 0 : i32
        %dma_start3A_159 = tpu.memref_slice %arg7[%dma_start3A, %dma_start3A_158] : memref<3x128xi32, #tpu.memory_space<vmem>> -> memref<1x128xi32, #tpu.memory_space<vmem>>
        %dma_start3A_160 = tpu.memref_squeeze %dma_start3A_159 : memref<1x128xi32, #tpu.memory_space<vmem>> -> memref<128xi32, #tpu.memory_space<vmem>>
        %dma_start3A_161 = arith.constant 0 : i32
        %dma_start3A_162 = arith.constant 0 : i32
        %dma_start3A_163 = tpu.memref_slice %arg2[%dma_start3A_161, %dma_start3A_162] : memref<10000x128xf32, #tpu.memory_space<hbm>> -> memref<10000x128xf32, #tpu.memory_space<hbm>>
        tpu.enqueue_indirect_dma source(%dma_start3A_163 : memref<10000x128xf32, #tpu.memory_space<hbm>>) target(%dma_start3A_157 : memref<128x128xf32, #tpu.memory_space<vmem>>) offsets(%dma_start3A_160 : memref<128xi32, #tpu.memory_space<vmem>>) semaphore(%arg14 : memref<!tpu.dma_semaphore, #tpu.memory_space<semaphore_mem>>)
      } else {
      }
      %mul3A_80 = arith.constant 3 : i32
      %mul3A_81 = arith.muli %while3A_72, %mul3A_80 : i32
      %add3A_82 = arith.constant 1 : i32
      %add3A_83 = arith.addi %mul3A_81, %add3A_82 : i32
      %lt3A_84 = arith.cmpi slt, %add3A_83, %select_n3A : i32
      %convert_element_type3A_85 = arith.extui %lt3A_84 : i1 to i32
      %cond3A_86 = arith.constant 0 : i32
      %cond3A_87 = arith.cmpi ne, %convert_element_type3A_85, %cond3A_86 : i32
      scf.if %cond3A_87 {
        %mul3A_120 = arith.constant 1250 : i32
        %mul3A_121 = arith.muli %arg0, %mul3A_120 : i32
        %add3A_122 = arith.addi %mul3A_121, %arg1 : i32
        %mul3A_123 = arith.constant 16 : i32
        %mul3A_124 = arith.muli %add3A_83, %mul3A_123 : i32
        %add3A_125 = arith.addi %add3A_122, %mul3A_124 : i32
        %mul3A_126 = arith.constant 128 : i32
        %mul3A_127 = arith.muli %add3A_125, %mul3A_126 : i32
        %mul3A_128 = arith.constant 1250 : i32
        %mul3A_129 = arith.muli %arg0, %mul3A_128 : i32
        %add3A_130 = arith.addi %mul3A_129, %arg1 : i32
        %mul3A_131 = arith.constant 16 : i32
        %mul3A_132 = arith.muli %add3A_83, %mul3A_131 : i32
        %add3A_133 = arith.addi %add3A_130, %mul3A_132 : i32
        %mul3A_134 = arith.constant 128 : i32
        %mul3A_135 = arith.muli %add3A_133, %mul3A_134 : i32
        %dma_wait3A = arith.constant 1 : i32
        %dma_wait3A_136 = arith.constant 0 : i32
        %dma_wait3A_137 = tpu.memref_slice %arg7[%dma_wait3A, %dma_wait3A_136] : memref<3x128xi32, #tpu.memory_space<vmem>> -> memref<1x128xi32, #tpu.memory_space<vmem>>
        %dma_wait3A_138 = tpu.memref_squeeze %dma_wait3A_137 : memref<1x128xi32, #tpu.memory_space<vmem>> -> memref<128xi32, #tpu.memory_space<vmem>>
        %dma_wait3A_139 = tpu.memref_slice %arg3[%mul3A_127] : memref<320000xi32, #tpu.memory_space<hbm>> -> memref<128xi32, #tpu.memory_space<hbm>>
        %dma_wait3A_140 = arith.constant 0 : i32
        %dma_wait3A_141 = tpu.memref_slice %arg7[%dma_wait3A, %dma_wait3A_140] : memref<3x128xi32, #tpu.memory_space<vmem>> -> memref<1x128xi32, #tpu.memory_space<vmem>>
        %dma_wait3A_142 = tpu.memref_squeeze %dma_wait3A_141 : memref<1x128xi32, #tpu.memory_space<vmem>> -> memref<128xi32, #tpu.memory_space<vmem>>
        %dma_wait3A_143 = tpu.memref_slice %arg3[%mul3A_127] : memref<320000xi32, #tpu.memory_space<hbm>> -> memref<128xi32, #tpu.memory_space<hbm>>
        tpu.wait_dma2 semaphore(%arg12 : memref<!tpu.dma_semaphore, #tpu.memory_space<semaphore_mem>>) src(%dma_wait3A_143 : memref<128xi32, #tpu.memory_space<hbm>>) dst(%dma_wait3A_142 : memref<128xi32, #tpu.memory_space<vmem>>)
        %dma_wait3A_144 = arith.constant 1 : i32
        %dma_wait3A_145 = arith.constant 0 : i32
        %dma_wait3A_146 = tpu.memref_slice %arg8[%dma_wait3A_144, %dma_wait3A_145] : memref<3x128xi32, #tpu.memory_space<vmem>> -> memref<1x128xi32, #tpu.memory_space<vmem>>
        %dma_wait3A_147 = tpu.memref_squeeze %dma_wait3A_146 : memref<1x128xi32, #tpu.memory_space<vmem>> -> memref<128xi32, #tpu.memory_space<vmem>>
        %dma_wait3A_148 = tpu.memref_slice %arg4[%mul3A_135] : memref<320000xi32, #tpu.memory_space<hbm>> -> memref<128xi32, #tpu.memory_space<hbm>>
        %dma_wait3A_149 = arith.constant 0 : i32
        %dma_wait3A_150 = tpu.memref_slice %arg8[%dma_wait3A_144, %dma_wait3A_149] : memref<3x128xi32, #tpu.memory_space<vmem>> -> memref<1x128xi32, #tpu.memory_space<vmem>>
        %dma_wait3A_151 = tpu.memref_squeeze %dma_wait3A_150 : memref<1x128xi32, #tpu.memory_space<vmem>> -> memref<128xi32, #tpu.memory_space<vmem>>
        %dma_wait3A_152 = tpu.memref_slice %arg4[%mul3A_135] : memref<320000xi32, #tpu.memory_space<hbm>> -> memref<128xi32, #tpu.memory_space<hbm>>
        tpu.wait_dma2 semaphore(%arg12 : memref<!tpu.dma_semaphore, #tpu.memory_space<semaphore_mem>>) src(%dma_wait3A_152 : memref<128xi32, #tpu.memory_space<hbm>>) dst(%dma_wait3A_151 : memref<128xi32, #tpu.memory_space<vmem>>)
        %dma_start3A = arith.constant 1 : i32
        %dma_start3A_153 = arith.constant 1 : i32
        %dma_start3A_154 = arith.constant 0 : i32
        %dma_start3A_155 = arith.constant 0 : i32
        %dma_start3A_156 = tpu.memref_slice %arg9[%dma_start3A_153, %dma_start3A_154, %dma_start3A_155] : memref<3x128x128xf32, #tpu.memory_space<vmem>> -> memref<1x128x128xf32, #tpu.memory_space<vmem>>
        %dma_start3A_157 = tpu.memref_squeeze %dma_start3A_156 : memref<1x128x128xf32, #tpu.memory_space<vmem>> -> memref<128x128xf32, #tpu.memory_space<vmem>>
        %dma_start3A_158 = arith.constant 0 : i32
        %dma_start3A_159 = tpu.memref_slice %arg7[%dma_start3A, %dma_start3A_158] : memref<3x128xi32, #tpu.memory_space<vmem>> -> memref<1x128xi32, #tpu.memory_space<vmem>>
        %dma_start3A_160 = tpu.memref_squeeze %dma_start3A_159 : memref<1x128xi32, #tpu.memory_space<vmem>> -> memref<128xi32, #tpu.memory_space<vmem>>
        %dma_start3A_161 = arith.constant 0 : i32
        %dma_start3A_162 = arith.constant 0 : i32
        %dma_start3A_163 = tpu.memref_slice %arg2[%dma_start3A_161, %dma_start3A_162] : memref<10000x128xf32, #tpu.memory_space<hbm>> -> memref<10000x128xf32, #tpu.memory_space<hbm>>
        tpu.enqueue_indirect_dma source(%dma_start3A_163 : memref<10000x128xf32, #tpu.memory_space<hbm>>) target(%dma_start3A_157 : memref<128x128xf32, #tpu.memory_space<vmem>>) offsets(%dma_start3A_160 : memref<128xi32, #tpu.memory_space<vmem>>) semaphore(%arg15 : memref<!tpu.dma_semaphore, #tpu.memory_space<semaphore_mem>>)
      } else {
      }
      %mul3A_88 = arith.constant 3 : i32
      %mul3A_89 = arith.muli %while3A_72, %mul3A_88 : i32
      %add3A_90 = arith.constant 2 : i32
      %add3A_91 = arith.addi %mul3A_89, %add3A_90 : i32
      %lt3A_92 = arith.cmpi slt, %add3A_91, %select_n3A : i32
      %convert_element_type3A_93 = arith.extui %lt3A_92 : i1 to i32
      %cond3A_94 = arith.constant 0 : i32
      %cond3A_95 = arith.cmpi ne, %convert_element_type3A_93, %cond3A_94 : i32
      scf.if %cond3A_95 {
        %mul3A_120 = arith.constant 1250 : i32
        %mul3A_121 = arith.muli %arg0, %mul3A_120 : i32
        %add3A_122 = arith.addi %mul3A_121, %arg1 : i32
        %mul3A_123 = arith.constant 16 : i32
        %mul3A_124 = arith.muli %add3A_91, %mul3A_123 : i32
        %add3A_125 = arith.addi %add3A_122, %mul3A_124 : i32
        %mul3A_126 = arith.constant 128 : i32
        %mul3A_127 = arith.muli %add3A_125, %mul3A_126 : i32
        %mul3A_128 = arith.constant 1250 : i32
        %mul3A_129 = arith.muli %arg0, %mul3A_128 : i32
        %add3A_130 = arith.addi %mul3A_129, %arg1 : i32
        %mul3A_131 = arith.constant 16 : i32
        %mul3A_132 = arith.muli %add3A_91, %mul3A_131 : i32
        %add3A_133 = arith.addi %add3A_130, %mul3A_132 : i32
        %mul3A_134 = arith.constant 128 : i32
        %mul3A_135 = arith.muli %add3A_133, %mul3A_134 : i32
        %dma_wait3A = arith.constant 2 : i32
        %dma_wait3A_136 = arith.constant 0 : i32
        %dma_wait3A_137 = tpu.memref_slice %arg7[%dma_wait3A, %dma_wait3A_136] : memref<3x128xi32, #tpu.memory_space<vmem>> -> memref<1x128xi32, #tpu.memory_space<vmem>>
        %dma_wait3A_138 = tpu.memref_squeeze %dma_wait3A_137 : memref<1x128xi32, #tpu.memory_space<vmem>> -> memref<128xi32, #tpu.memory_space<vmem>>
        %dma_wait3A_139 = tpu.memref_slice %arg3[%mul3A_127] : memref<320000xi32, #tpu.memory_space<hbm>> -> memref<128xi32, #tpu.memory_space<hbm>>
        %dma_wait3A_140 = arith.constant 0 : i32
        %dma_wait3A_141 = tpu.memref_slice %arg7[%dma_wait3A, %dma_wait3A_140] : memref<3x128xi32, #tpu.memory_space<vmem>> -> memref<1x128xi32, #tpu.memory_space<vmem>>
        %dma_wait3A_142 = tpu.memref_squeeze %dma_wait3A_141 : memref<1x128xi32, #tpu.memory_space<vmem>> -> memref<128xi32, #tpu.memory_space<vmem>>
        %dma_wait3A_143 = tpu.memref_slice %arg3[%mul3A_127] : memref<320000xi32, #tpu.memory_space<hbm>> -> memref<128xi32, #tpu.memory_space<hbm>>
        tpu.wait_dma2 semaphore(%arg13 : memref<!tpu.dma_semaphore, #tpu.memory_space<semaphore_mem>>) src(%dma_wait3A_143 : memref<128xi32, #tpu.memory_space<hbm>>) dst(%dma_wait3A_142 : memref<128xi32, #tpu.memory_space<vmem>>)
        %dma_wait3A_144 = arith.constant 2 : i32
        %dma_wait3A_145 = arith.constant 0 : i32
        %dma_wait3A_146 = tpu.memref_slice %arg8[%dma_wait3A_144, %dma_wait3A_145] : memref<3x128xi32, #tpu.memory_space<vmem>> -> memref<1x128xi32, #tpu.memory_space<vmem>>
        %dma_wait3A_147 = tpu.memref_squeeze %dma_wait3A_146 : memref<1x128xi32, #tpu.memory_space<vmem>> -> memref<128xi32, #tpu.memory_space<vmem>>
        %dma_wait3A_148 = tpu.memref_slice %arg4[%mul3A_135] : memref<320000xi32, #tpu.memory_space<hbm>> -> memref<128xi32, #tpu.memory_space<hbm>>
        %dma_wait3A_149 = arith.constant 0 : i32
        %dma_wait3A_150 = tpu.memref_slice %arg8[%dma_wait3A_144, %dma_wait3A_149] : memref<3x128xi32, #tpu.memory_space<vmem>> -> memref<1x128xi32, #tpu.memory_space<vmem>>
        %dma_wait3A_151 = tpu.memref_squeeze %dma_wait3A_150 : memref<1x128xi32, #tpu.memory_space<vmem>> -> memref<128xi32, #tpu.memory_space<vmem>>
        %dma_wait3A_152 = tpu.memref_slice %arg4[%mul3A_135] : memref<320000xi32, #tpu.memory_space<hbm>> -> memref<128xi32, #tpu.memory_space<hbm>>
        tpu.wait_dma2 semaphore(%arg13 : memref<!tpu.dma_semaphore, #tpu.memory_space<semaphore_mem>>) src(%dma_wait3A_152 : memref<128xi32, #tpu.memory_space<hbm>>) dst(%dma_wait3A_151 : memref<128xi32, #tpu.memory_space<vmem>>)
        %dma_start3A = arith.constant 2 : i32
        %dma_start3A_153 = arith.constant 2 : i32
        %dma_start3A_154 = arith.constant 0 : i32
        %dma_start3A_155 = arith.constant 0 : i32
        %dma_start3A_156 = tpu.memref_slice %arg9[%dma_start3A_153, %dma_start3A_154, %dma_start3A_155] : memref<3x128x128xf32, #tpu.memory_space<vmem>> -> memref<1x128x128xf32, #tpu.memory_space<vmem>>
        %dma_start3A_157 = tpu.memref_squeeze %dma_start3A_156 : memref<1x128x128xf32, #tpu.memory_space<vmem>> -> memref<128x128xf32, #tpu.memory_space<vmem>>
        %dma_start3A_158 = arith.constant 0 : i32
        %dma_start3A_159 = tpu.memref_slice %arg7[%dma_start3A, %dma_start3A_158] : memref<3x128xi32, #tpu.memory_space<vmem>> -> memref<1x128xi32, #tpu.memory_space<vmem>>
        %dma_start3A_160 = tpu.memref_squeeze %dma_start3A_159 : memref<1x128xi32, #tpu.memory_space<vmem>> -> memref<128xi32, #tpu.memory_space<vmem>>
        %dma_start3A_161 = arith.constant 0 : i32
        %dma_start3A_162 = arith.constant 0 : i32
        %dma_start3A_163 = tpu.memref_slice %arg2[%dma_start3A_161, %dma_start3A_162] : memref<10000x128xf32, #tpu.memory_space<hbm>> -> memref<10000x128xf32, #tpu.memory_space<hbm>>
        tpu.enqueue_indirect_dma source(%dma_start3A_163 : memref<10000x128xf32, #tpu.memory_space<hbm>>) target(%dma_start3A_157 : memref<128x128xf32, #tpu.memory_space<vmem>>) offsets(%dma_start3A_160 : memref<128xi32, #tpu.memory_space<vmem>>) semaphore(%arg16 : memref<!tpu.dma_semaphore, #tpu.memory_space<semaphore_mem>>)
      } else {
      }
      %mul3A_96 = arith.constant 3 : i32
      %mul3A_97 = arith.muli %while3A_72, %mul3A_96 : i32
      %add3A_98 = arith.constant 0 : i32
      %add3A_99 = arith.addi %mul3A_97, %add3A_98 : i32
      %lt3A_100 = arith.cmpi slt, %add3A_99, %select_n3A : i32
      %convert_element_type3A_101 = arith.extui %lt3A_100 : i1 to i32
      %cond3A_102 = arith.constant 0 : i32
      %cond3A_103 = arith.cmpi ne, %convert_element_type3A_101, %cond3A_102 : i32
      scf.if %cond3A_103 {
        %dma_wait3A = arith.constant 0 : i32
        %dma_wait3A_120 = arith.constant 0 : i32
        %dma_wait3A_121 = arith.constant 0 : i32
        %dma_wait3A_122 = arith.constant 0 : i32
        %dma_wait3A_123 = tpu.memref_slice %arg9[%dma_wait3A_120, %dma_wait3A_121, %dma_wait3A_122] : memref<3x128x128xf32, #tpu.memory_space<vmem>> -> memref<1x128x128xf32, #tpu.memory_space<vmem>>
        %dma_wait3A_124 = tpu.memref_squeeze %dma_wait3A_123 : memref<1x128x128xf32, #tpu.memory_space<vmem>> -> memref<128x128xf32, #tpu.memory_space<vmem>>
        %dma_wait3A_125 = arith.constant 0 : i32
        %dma_wait3A_126 = tpu.memref_slice %arg7[%dma_wait3A, %dma_wait3A_125] : memref<3x128xi32, #tpu.memory_space<vmem>> -> memref<1x128xi32, #tpu.memory_space<vmem>>
        %dma_wait3A_127 = tpu.memref_squeeze %dma_wait3A_126 : memref<1x128xi32, #tpu.memory_space<vmem>> -> memref<128xi32, #tpu.memory_space<vmem>>
        %dma_wait3A_128 = arith.constant 0 : i32
        %dma_wait3A_129 = arith.constant 0 : i32
        %dma_wait3A_130 = tpu.memref_slice %arg2[%dma_wait3A_128, %dma_wait3A_129] : memref<10000x128xf32, #tpu.memory_space<hbm>> -> memref<10000x128xf32, #tpu.memory_space<hbm>>
        tpu.wait_indirect_dma semaphore(%arg14 : memref<!tpu.dma_semaphore, #tpu.memory_space<semaphore_mem>>) src(%dma_wait3A_130 : memref<10000x128xf32, #tpu.memory_space<hbm>>) dst(%dma_wait3A_124 : memref<128x128xf32, #tpu.memory_space<vmem>>)
        %run_scoped3A = arith.constant 0 : i32
        %run_scoped3A_131 = arith.constant 0 : i32
        "tpu.region"() ({
          %run_scoped3A_138 = tpu.sem_alloc : memref<!tpu.dma_semaphore, #tpu.memory_space<semaphore_mem>>
          %dma_start3A = arith.constant 0 : i32
          %dma_start3A_139 = arith.constant 0 : i32
          %dma_start3A_140 = tpu.memref_slice %arg9[%run_scoped3A, %dma_start3A, %dma_start3A_139] : memref<3x128x128xf32, #tpu.memory_space<vmem>> -> memref<1x128x128xf32, #tpu.memory_space<vmem>>
          %dma_start3A_141 = tpu.memref_squeeze %dma_start3A_140 : memref<1x128x128xf32, #tpu.memory_space<vmem>> -> memref<128x128xf32, #tpu.memory_space<vmem>>
          %dma_start3A_142 = arith.constant 0 : i32
          %dma_start3A_143 = tpu.memref_slice %arg8[%run_scoped3A_131, %dma_start3A_142] : memref<3x128xi32, #tpu.memory_space<vmem>> -> memref<1x128xi32, #tpu.memory_space<vmem>>
          %dma_start3A_144 = tpu.memref_squeeze %dma_start3A_143 : memref<1x128xi32, #tpu.memory_space<vmem>> -> memref<128xi32, #tpu.memory_space<vmem>>
          %dma_start3A_145 = arith.constant 0 : i32
          %dma_start3A_146 = arith.constant 0 : i32
          %dma_start3A_147 = tpu.memref_slice %arg10[%dma_start3A_145, %dma_start3A_146] : memref<10112x128xf32, #tpu.memory_space<vmem_shared>> -> memref<10112x128xf32, #tpu.memory_space<vmem_shared>>
          tpu.enqueue_indirect_dma source(%dma_start3A_141 : memref<128x128xf32, #tpu.memory_space<vmem>>) target(%dma_start3A_147 : memref<10112x128xf32, #tpu.memory_space<vmem_shared>>) offsets(%dma_start3A_144 : memref<128xi32, #tpu.memory_space<vmem>>) semaphore(%run_scoped3A_138 : memref<!tpu.dma_semaphore, #tpu.memory_space<semaphore_mem>>) {add = true}
          %dma_wait3A_148 = arith.constant 0 : i32
          %dma_wait3A_149 = arith.constant 0 : i32
          %dma_wait3A_150 = tpu.memref_slice %arg9[%run_scoped3A, %dma_wait3A_148, %dma_wait3A_149] : memref<3x128x128xf32, #tpu.memory_space<vmem>> -> memref<1x128x128xf32, #tpu.memory_space<vmem>>
          %dma_wait3A_151 = tpu.memref_squeeze %dma_wait3A_150 : memref<1x128x128xf32, #tpu.memory_space<vmem>> -> memref<128x128xf32, #tpu.memory_space<vmem>>
          %dma_wait3A_152 = arith.constant 0 : i32
          %dma_wait3A_153 = tpu.memref_slice %arg8[%run_scoped3A_131, %dma_wait3A_152] : memref<3x128xi32, #tpu.memory_space<vmem>> -> memref<1x128xi32, #tpu.memory_space<vmem>>
          %dma_wait3A_154 = tpu.memref_squeeze %dma_wait3A_153 : memref<1x128xi32, #tpu.memory_space<vmem>> -> memref<128xi32, #tpu.memory_space<vmem>>
          %dma_wait3A_155 = arith.constant 0 : i32
          %dma_wait3A_156 = arith.constant 0 : i32
          %dma_wait3A_157 = tpu.memref_slice %arg10[%dma_wait3A_155, %dma_wait3A_156] : memref<10112x128xf32, #tpu.memory_space<vmem_shared>> -> memref<10112x128xf32, #tpu.memory_space<vmem_shared>>
          tpu.wait_indirect_dma semaphore(%run_scoped3A_138 : memref<!tpu.dma_semaphore, #tpu.memory_space<semaphore_mem>>) src(%dma_wait3A_151 : memref<128x128xf32, #tpu.memory_space<vmem>>) dst(%dma_wait3A_157 : memref<10112x128xf32, #tpu.memory_space<vmem_shared>>)
          tpu.yield
        }) : () -> ()
        %add3A_132 = arith.constant 3 : i32
        %add3A_133 = arith.addi %add3A_99, %add3A_132 : i32
        %lt3A_134 = arith.cmpi slt, %add3A_133, %select_n3A : i32
        %convert_element_type3A_135 = arith.extui %lt3A_134 : i1 to i32
        %cond3A_136 = arith.constant 0 : i32
        %cond3A_137 = arith.cmpi ne, %convert_element_type3A_135, %cond3A_136 : i32
        scf.if %cond3A_137 {
          %add3A_138 = arith.constant 3 : i32
          %add3A_139 = arith.addi %add3A_99, %add3A_138 : i32
          %mul3A_140 = arith.constant 1250 : i32
          %mul3A_141 = arith.muli %arg0, %mul3A_140 : i32
          %add3A_142 = arith.addi %mul3A_141, %arg1 : i32
          %mul3A_143 = arith.constant 16 : i32
          %mul3A_144 = arith.muli %add3A_139, %mul3A_143 : i32
          %add3A_145 = arith.addi %add3A_142, %mul3A_144 : i32
          %mul3A_146 = arith.constant 128 : i32
          %mul3A_147 = arith.muli %add3A_145, %mul3A_146 : i32
          %mul3A_148 = arith.constant 1250 : i32
          %mul3A_149 = arith.muli %arg0, %mul3A_148 : i32
          %add3A_150 = arith.addi %mul3A_149, %arg1 : i32
          %mul3A_151 = arith.constant 16 : i32
          %mul3A_152 = arith.muli %add3A_139, %mul3A_151 : i32
          %add3A_153 = arith.addi %add3A_150, %mul3A_152 : i32
          %mul3A_154 = arith.constant 128 : i32
          %mul3A_155 = arith.muli %add3A_153, %mul3A_154 : i32
          %dma_start3A = arith.constant 0 : i32
          %dma_start3A_156 = arith.constant 0 : i32
          %dma_start3A_157 = tpu.memref_slice %arg7[%dma_start3A, %dma_start3A_156] : memref<3x128xi32, #tpu.memory_space<vmem>> -> memref<1x128xi32, #tpu.memory_space<vmem>>
          %dma_start3A_158 = tpu.memref_squeeze %dma_start3A_157 : memref<1x128xi32, #tpu.memory_space<vmem>> -> memref<128xi32, #tpu.memory_space<vmem>>
          %dma_start3A_159 = tpu.memref_slice %arg3[%mul3A_147] : memref<320000xi32, #tpu.memory_space<hbm>> -> memref<128xi32, #tpu.memory_space<hbm>>
          %dma_start3A_160 = arith.constant 0 : i32
          %dma_start3A_161 = tpu.memref_slice %arg7[%dma_start3A, %dma_start3A_160] : memref<3x128xi32, #tpu.memory_space<vmem>> -> memref<1x128xi32, #tpu.memory_space<vmem>>
          %dma_start3A_162 = tpu.memref_squeeze %dma_start3A_161 : memref<1x128xi32, #tpu.memory_space<vmem>> -> memref<128xi32, #tpu.memory_space<vmem>>
          %dma_start3A_163 = tpu.memref_slice %arg3[%mul3A_147] : memref<320000xi32, #tpu.memory_space<hbm>> -> memref<128xi32, #tpu.memory_space<hbm>>
          tpu.enqueue_dma source(%dma_start3A_163 : memref<128xi32, #tpu.memory_space<hbm>>) target(%dma_start3A_162 : memref<128xi32, #tpu.memory_space<vmem>>) target_semaphore(%arg11 : memref<!tpu.dma_semaphore, #tpu.memory_space<semaphore_mem>>)
          %dma_start3A_164 = arith.constant 0 : i32
          %dma_start3A_165 = arith.constant 0 : i32
          %dma_start3A_166 = tpu.memref_slice %arg8[%dma_start3A_164, %dma_start3A_165] : memref<3x128xi32, #tpu.memory_space<vmem>> -> memref<1x128xi32, #tpu.memory_space<vmem>>
          %dma_start3A_167 = tpu.memref_squeeze %dma_start3A_166 : memref<1x128xi32, #tpu.memory_space<vmem>> -> memref<128xi32, #tpu.memory_space<vmem>>
          %dma_start3A_168 = tpu.memref_slice %arg4[%mul3A_155] : memref<320000xi32, #tpu.memory_space<hbm>> -> memref<128xi32, #tpu.memory_space<hbm>>
          %dma_start3A_169 = arith.constant 0 : i32
          %dma_start3A_170 = tpu.memref_slice %arg8[%dma_start3A_164, %dma_start3A_169] : memref<3x128xi32, #tpu.memory_space<vmem>> -> memref<1x128xi32, #tpu.memory_space<vmem>>
          %dma_start3A_171 = tpu.memref_squeeze %dma_start3A_170 : memref<1x128xi32, #tpu.memory_space<vmem>> -> memref<128xi32, #tpu.memory_space<vmem>>
          %dma_start3A_172 = tpu.memref_slice %arg4[%mul3A_155] : memref<320000xi32, #tpu.memory_space<hbm>> -> memref<128xi32, #tpu.memory_space<hbm>>
          tpu.enqueue_dma source(%dma_start3A_172 : memref<128xi32, #tpu.memory_space<hbm>>) target(%dma_start3A_171 : memref<128xi32, #tpu.memory_space<vmem>>) target_semaphore(%arg11 : memref<!tpu.dma_semaphore, #tpu.memory_space<semaphore_mem>>)
        } else {
        }
      } else {
      }
      %mul3A_104 = arith.constant 3 : i32
      %mul3A_105 = arith.muli %while3A_72, %mul3A_104 : i32
      %add3A_106 = arith.constant 1 : i32
      %add3A_107 = arith.addi %mul3A_105, %add3A_106 : i32
      %lt3A_108 = arith.cmpi slt, %add3A_107, %select_n3A : i32
      %convert_element_type3A_109 = arith.extui %lt3A_108 : i1 to i32
      %cond3A_110 = arith.constant 0 : i32
      %cond3A_111 = arith.cmpi ne, %convert_element_type3A_109, %cond3A_110 : i32
      scf.if %cond3A_111 {
        %dma_wait3A = arith.constant 1 : i32
        %dma_wait3A_120 = arith.constant 1 : i32
        %dma_wait3A_121 = arith.constant 0 : i32
        %dma_wait3A_122 = arith.constant 0 : i32
        %dma_wait3A_123 = tpu.memref_slice %arg9[%dma_wait3A_120, %dma_wait3A_121, %dma_wait3A_122] : memref<3x128x128xf32, #tpu.memory_space<vmem>> -> memref<1x128x128xf32, #tpu.memory_space<vmem>>
        %dma_wait3A_124 = tpu.memref_squeeze %dma_wait3A_123 : memref<1x128x128xf32, #tpu.memory_space<vmem>> -> memref<128x128xf32, #tpu.memory_space<vmem>>
        %dma_wait3A_125 = arith.constant 0 : i32
        %dma_wait3A_126 = tpu.memref_slice %arg7[%dma_wait3A, %dma_wait3A_125] : memref<3x128xi32, #tpu.memory_space<vmem>> -> memref<1x128xi32, #tpu.memory_space<vmem>>
        %dma_wait3A_127 = tpu.memref_squeeze %dma_wait3A_126 : memref<1x128xi32, #tpu.memory_space<vmem>> -> memref<128xi32, #tpu.memory_space<vmem>>
        %dma_wait3A_128 = arith.constant 0 : i32
        %dma_wait3A_129 = arith.constant 0 : i32
        %dma_wait3A_130 = tpu.memref_slice %arg2[%dma_wait3A_128, %dma_wait3A_129] : memref<10000x128xf32, #tpu.memory_space<hbm>> -> memref<10000x128xf32, #tpu.memory_space<hbm>>
        tpu.wait_indirect_dma semaphore(%arg15 : memref<!tpu.dma_semaphore, #tpu.memory_space<semaphore_mem>>) src(%dma_wait3A_130 : memref<10000x128xf32, #tpu.memory_space<hbm>>) dst(%dma_wait3A_124 : memref<128x128xf32, #tpu.memory_space<vmem>>)
        %run_scoped3A = arith.constant 1 : i32
        %run_scoped3A_131 = arith.constant 1 : i32
        "tpu.region"() ({
          %run_scoped3A_138 = tpu.sem_alloc : memref<!tpu.dma_semaphore, #tpu.memory_space<semaphore_mem>>
          %dma_start3A = arith.constant 0 : i32
          %dma_start3A_139 = arith.constant 0 : i32
          %dma_start3A_140 = tpu.memref_slice %arg9[%run_scoped3A, %dma_start3A, %dma_start3A_139] : memref<3x128x128xf32, #tpu.memory_space<vmem>> -> memref<1x128x128xf32, #tpu.memory_space<vmem>>
          %dma_start3A_141 = tpu.memref_squeeze %dma_start3A_140 : memref<1x128x128xf32, #tpu.memory_space<vmem>> -> memref<128x128xf32, #tpu.memory_space<vmem>>
          %dma_start3A_142 = arith.constant 0 : i32
          %dma_start3A_143 = tpu.memref_slice %arg8[%run_scoped3A_131, %dma_start3A_142] : memref<3x128xi32, #tpu.memory_space<vmem>> -> memref<1x128xi32, #tpu.memory_space<vmem>>
          %dma_start3A_144 = tpu.memref_squeeze %dma_start3A_143 : memref<1x128xi32, #tpu.memory_space<vmem>> -> memref<128xi32, #tpu.memory_space<vmem>>
          %dma_start3A_145 = arith.constant 0 : i32
          %dma_start3A_146 = arith.constant 0 : i32
          %dma_start3A_147 = tpu.memref_slice %arg10[%dma_start3A_145, %dma_start3A_146] : memref<10112x128xf32, #tpu.memory_space<vmem_shared>> -> memref<10112x128xf32, #tpu.memory_space<vmem_shared>>
          tpu.enqueue_indirect_dma source(%dma_start3A_141 : memref<128x128xf32, #tpu.memory_space<vmem>>) target(%dma_start3A_147 : memref<10112x128xf32, #tpu.memory_space<vmem_shared>>) offsets(%dma_start3A_144 : memref<128xi32, #tpu.memory_space<vmem>>) semaphore(%run_scoped3A_138 : memref<!tpu.dma_semaphore, #tpu.memory_space<semaphore_mem>>) {add = true}
          %dma_wait3A_148 = arith.constant 0 : i32
          %dma_wait3A_149 = arith.constant 0 : i32
          %dma_wait3A_150 = tpu.memref_slice %arg9[%run_scoped3A, %dma_wait3A_148, %dma_wait3A_149] : memref<3x128x128xf32, #tpu.memory_space<vmem>> -> memref<1x128x128xf32, #tpu.memory_space<vmem>>
          %dma_wait3A_151 = tpu.memref_squeeze %dma_wait3A_150 : memref<1x128x128xf32, #tpu.memory_space<vmem>> -> memref<128x128xf32, #tpu.memory_space<vmem>>
          %dma_wait3A_152 = arith.constant 0 : i32
          %dma_wait3A_153 = tpu.memref_slice %arg8[%run_scoped3A_131, %dma_wait3A_152] : memref<3x128xi32, #tpu.memory_space<vmem>> -> memref<1x128xi32, #tpu.memory_space<vmem>>
          %dma_wait3A_154 = tpu.memref_squeeze %dma_wait3A_153 : memref<1x128xi32, #tpu.memory_space<vmem>> -> memref<128xi32, #tpu.memory_space<vmem>>
          %dma_wait3A_155 = arith.constant 0 : i32
          %dma_wait3A_156 = arith.constant 0 : i32
          %dma_wait3A_157 = tpu.memref_slice %arg10[%dma_wait3A_155, %dma_wait3A_156] : memref<10112x128xf32, #tpu.memory_space<vmem_shared>> -> memref<10112x128xf32, #tpu.memory_space<vmem_shared>>
          tpu.wait_indirect_dma semaphore(%run_scoped3A_138 : memref<!tpu.dma_semaphore, #tpu.memory_space<semaphore_mem>>) src(%dma_wait3A_151 : memref<128x128xf32, #tpu.memory_space<vmem>>) dst(%dma_wait3A_157 : memref<10112x128xf32, #tpu.memory_space<vmem_shared>>)
          tpu.yield
        }) : () -> ()
        %add3A_132 = arith.constant 3 : i32
        %add3A_133 = arith.addi %add3A_107, %add3A_132 : i32
        %lt3A_134 = arith.cmpi slt, %add3A_133, %select_n3A : i32
        %convert_element_type3A_135 = arith.extui %lt3A_134 : i1 to i32
        %cond3A_136 = arith.constant 0 : i32
        %cond3A_137 = arith.cmpi ne, %convert_element_type3A_135, %cond3A_136 : i32
        scf.if %cond3A_137 {
          %add3A_138 = arith.constant 3 : i32
          %add3A_139 = arith.addi %add3A_107, %add3A_138 : i32
          %mul3A_140 = arith.constant 1250 : i32
          %mul3A_141 = arith.muli %arg0, %mul3A_140 : i32
          %add3A_142 = arith.addi %mul3A_141, %arg1 : i32
          %mul3A_143 = arith.constant 16 : i32
          %mul3A_144 = arith.muli %add3A_139, %mul3A_143 : i32
          %add3A_145 = arith.addi %add3A_142, %mul3A_144 : i32
          %mul3A_146 = arith.constant 128 : i32
          %mul3A_147 = arith.muli %add3A_145, %mul3A_146 : i32
          %mul3A_148 = arith.constant 1250 : i32
          %mul3A_149 = arith.muli %arg0, %mul3A_148 : i32
          %add3A_150 = arith.addi %mul3A_149, %arg1 : i32
          %mul3A_151 = arith.constant 16 : i32
          %mul3A_152 = arith.muli %add3A_139, %mul3A_151 : i32
          %add3A_153 = arith.addi %add3A_150, %mul3A_152 : i32
          %mul3A_154 = arith.constant 128 : i32
          %mul3A_155 = arith.muli %add3A_153, %mul3A_154 : i32
          %dma_start3A = arith.constant 1 : i32
          %dma_start3A_156 = arith.constant 0 : i32
          %dma_start3A_157 = tpu.memref_slice %arg7[%dma_start3A, %dma_start3A_156] : memref<3x128xi32, #tpu.memory_space<vmem>> -> memref<1x128xi32, #tpu.memory_space<vmem>>
          %dma_start3A_158 = tpu.memref_squeeze %dma_start3A_157 : memref<1x128xi32, #tpu.memory_space<vmem>> -> memref<128xi32, #tpu.memory_space<vmem>>
          %dma_start3A_159 = tpu.memref_slice %arg3[%mul3A_147] : memref<320000xi32, #tpu.memory_space<hbm>> -> memref<128xi32, #tpu.memory_space<hbm>>
          %dma_start3A_160 = arith.constant 0 : i32
          %dma_start3A_161 = tpu.memref_slice %arg7[%dma_start3A, %dma_start3A_160] : memref<3x128xi32, #tpu.memory_space<vmem>> -> memref<1x128xi32, #tpu.memory_space<vmem>>
          %dma_start3A_162 = tpu.memref_squeeze %dma_start3A_161 : memref<1x128xi32, #tpu.memory_space<vmem>> -> memref<128xi32, #tpu.memory_space<vmem>>
          %dma_start3A_163 = tpu.memref_slice %arg3[%mul3A_147] : memref<320000xi32, #tpu.memory_space<hbm>> -> memref<128xi32, #tpu.memory_space<hbm>>
          tpu.enqueue_dma source(%dma_start3A_163 : memref<128xi32, #tpu.memory_space<hbm>>) target(%dma_start3A_162 : memref<128xi32, #tpu.memory_space<vmem>>) target_semaphore(%arg12 : memref<!tpu.dma_semaphore, #tpu.memory_space<semaphore_mem>>)
          %dma_start3A_164 = arith.constant 1 : i32
          %dma_start3A_165 = arith.constant 0 : i32
          %dma_start3A_166 = tpu.memref_slice %arg8[%dma_start3A_164, %dma_start3A_165] : memref<3x128xi32, #tpu.memory_space<vmem>> -> memref<1x128xi32, #tpu.memory_space<vmem>>
          %dma_start3A_167 = tpu.memref_squeeze %dma_start3A_166 : memref<1x128xi32, #tpu.memory_space<vmem>> -> memref<128xi32, #tpu.memory_space<vmem>>
          %dma_start3A_168 = tpu.memref_slice %arg4[%mul3A_155] : memref<320000xi32, #tpu.memory_space<hbm>> -> memref<128xi32, #tpu.memory_space<hbm>>
          %dma_start3A_169 = arith.constant 0 : i32
          %dma_start3A_170 = tpu.memref_slice %arg8[%dma_start3A_164, %dma_start3A_169] : memref<3x128xi32, #tpu.memory_space<vmem>> -> memref<1x128xi32, #tpu.memory_space<vmem>>
          %dma_start3A_171 = tpu.memref_squeeze %dma_start3A_170 : memref<1x128xi32, #tpu.memory_space<vmem>> -> memref<128xi32, #tpu.memory_space<vmem>>
          %dma_start3A_172 = tpu.memref_slice %arg4[%mul3A_155] : memref<320000xi32, #tpu.memory_space<hbm>> -> memref<128xi32, #tpu.memory_space<hbm>>
          tpu.enqueue_dma source(%dma_start3A_172 : memref<128xi32, #tpu.memory_space<hbm>>) target(%dma_start3A_171 : memref<128xi32, #tpu.memory_space<vmem>>) target_semaphore(%arg12 : memref<!tpu.dma_semaphore, #tpu.memory_space<semaphore_mem>>)
        } else {
        }
      } else {
      }
      %mul3A_112 = arith.constant 3 : i32
      %mul3A_113 = arith.muli %while3A_72, %mul3A_112 : i32
      %add3A_114 = arith.constant 2 : i32
      %add3A_115 = arith.addi %mul3A_113, %add3A_114 : i32
      %lt3A_116 = arith.cmpi slt, %add3A_115, %select_n3A : i32
      %convert_element_type3A_117 = arith.extui %lt3A_116 : i1 to i32
      %cond3A_118 = arith.constant 0 : i32
      %cond3A_119 = arith.cmpi ne, %convert_element_type3A_117, %cond3A_118 : i32
      scf.if %cond3A_119 {
        %dma_wait3A = arith.constant 2 : i32
        %dma_wait3A_120 = arith.constant 2 : i32
        %dma_wait3A_121 = arith.constant 0 : i32
        %dma_wait3A_122 = arith.constant 0 : i32
        %dma_wait3A_123 = tpu.memref_slice %arg9[%dma_wait3A_120, %dma_wait3A_121, %dma_wait3A_122] : memref<3x128x128xf32, #tpu.memory_space<vmem>> -> memref<1x128x128xf32, #tpu.memory_space<vmem>>
        %dma_wait3A_124 = tpu.memref_squeeze %dma_wait3A_123 : memref<1x128x128xf32, #tpu.memory_space<vmem>> -> memref<128x128xf32, #tpu.memory_space<vmem>>
        %dma_wait3A_125 = arith.constant 0 : i32
        %dma_wait3A_126 = tpu.memref_slice %arg7[%dma_wait3A, %dma_wait3A_125] : memref<3x128xi32, #tpu.memory_space<vmem>> -> memref<1x128xi32, #tpu.memory_space<vmem>>
        %dma_wait3A_127 = tpu.memref_squeeze %dma_wait3A_126 : memref<1x128xi32, #tpu.memory_space<vmem>> -> memref<128xi32, #tpu.memory_space<vmem>>
        %dma_wait3A_128 = arith.constant 0 : i32
        %dma_wait3A_129 = arith.constant 0 : i32
        %dma_wait3A_130 = tpu.memref_slice %arg2[%dma_wait3A_128, %dma_wait3A_129] : memref<10000x128xf32, #tpu.memory_space<hbm>> -> memref<10000x128xf32, #tpu.memory_space<hbm>>
        tpu.wait_indirect_dma semaphore(%arg16 : memref<!tpu.dma_semaphore, #tpu.memory_space<semaphore_mem>>) src(%dma_wait3A_130 : memref<10000x128xf32, #tpu.memory_space<hbm>>) dst(%dma_wait3A_124 : memref<128x128xf32, #tpu.memory_space<vmem>>)
        %run_scoped3A = arith.constant 2 : i32
        %run_scoped3A_131 = arith.constant 2 : i32
        "tpu.region"() ({
          %run_scoped3A_138 = tpu.sem_alloc : memref<!tpu.dma_semaphore, #tpu.memory_space<semaphore_mem>>
          %dma_start3A = arith.constant 0 : i32
          %dma_start3A_139 = arith.constant 0 : i32
          %dma_start3A_140 = tpu.memref_slice %arg9[%run_scoped3A, %dma_start3A, %dma_start3A_139] : memref<3x128x128xf32, #tpu.memory_space<vmem>> -> memref<1x128x128xf32, #tpu.memory_space<vmem>>
          %dma_start3A_141 = tpu.memref_squeeze %dma_start3A_140 : memref<1x128x128xf32, #tpu.memory_space<vmem>> -> memref<128x128xf32, #tpu.memory_space<vmem>>
          %dma_start3A_142 = arith.constant 0 : i32
          %dma_start3A_143 = tpu.memref_slice %arg8[%run_scoped3A_131, %dma_start3A_142] : memref<3x128xi32, #tpu.memory_space<vmem>> -> memref<1x128xi32, #tpu.memory_space<vmem>>
          %dma_start3A_144 = tpu.memref_squeeze %dma_start3A_143 : memref<1x128xi32, #tpu.memory_space<vmem>> -> memref<128xi32, #tpu.memory_space<vmem>>
          %dma_start3A_145 = arith.constant 0 : i32
          %dma_start3A_146 = arith.constant 0 : i32
          %dma_start3A_147 = tpu.memref_slice %arg10[%dma_start3A_145, %dma_start3A_146] : memref<10112x128xf32, #tpu.memory_space<vmem_shared>> -> memref<10112x128xf32, #tpu.memory_space<vmem_shared>>
          tpu.enqueue_indirect_dma source(%dma_start3A_141 : memref<128x128xf32, #tpu.memory_space<vmem>>) target(%dma_start3A_147 : memref<10112x128xf32, #tpu.memory_space<vmem_shared>>) offsets(%dma_start3A_144 : memref<128xi32, #tpu.memory_space<vmem>>) semaphore(%run_scoped3A_138 : memref<!tpu.dma_semaphore, #tpu.memory_space<semaphore_mem>>) {add = true}
          %dma_wait3A_148 = arith.constant 0 : i32
          %dma_wait3A_149 = arith.constant 0 : i32
          %dma_wait3A_150 = tpu.memref_slice %arg9[%run_scoped3A, %dma_wait3A_148, %dma_wait3A_149] : memref<3x128x128xf32, #tpu.memory_space<vmem>> -> memref<1x128x128xf32, #tpu.memory_space<vmem>>
          %dma_wait3A_151 = tpu.memref_squeeze %dma_wait3A_150 : memref<1x128x128xf32, #tpu.memory_space<vmem>> -> memref<128x128xf32, #tpu.memory_space<vmem>>
          %dma_wait3A_152 = arith.constant 0 : i32
          %dma_wait3A_153 = tpu.memref_slice %arg8[%run_scoped3A_131, %dma_wait3A_152] : memref<3x128xi32, #tpu.memory_space<vmem>> -> memref<1x128xi32, #tpu.memory_space<vmem>>
          %dma_wait3A_154 = tpu.memref_squeeze %dma_wait3A_153 : memref<1x128xi32, #tpu.memory_space<vmem>> -> memref<128xi32, #tpu.memory_space<vmem>>
          %dma_wait3A_155 = arith.constant 0 : i32
          %dma_wait3A_156 = arith.constant 0 : i32
          %dma_wait3A_157 = tpu.memref_slice %arg10[%dma_wait3A_155, %dma_wait3A_156] : memref<10112x128xf32, #tpu.memory_space<vmem_shared>> -> memref<10112x128xf32, #tpu.memory_space<vmem_shared>>
          tpu.wait_indirect_dma semaphore(%run_scoped3A_138 : memref<!tpu.dma_semaphore, #tpu.memory_space<semaphore_mem>>) src(%dma_wait3A_151 : memref<128x128xf32, #tpu.memory_space<vmem>>) dst(%dma_wait3A_157 : memref<10112x128xf32, #tpu.memory_space<vmem_shared>>)
          tpu.yield
        }) : () -> ()
        %add3A_132 = arith.constant 3 : i32
        %add3A_133 = arith.addi %add3A_115, %add3A_132 : i32
        %lt3A_134 = arith.cmpi slt, %add3A_133, %select_n3A : i32
        %convert_element_type3A_135 = arith.extui %lt3A_134 : i1 to i32
        %cond3A_136 = arith.constant 0 : i32
        %cond3A_137 = arith.cmpi ne, %convert_element_type3A_135, %cond3A_136 : i32
        scf.if %cond3A_137 {
          %add3A_138 = arith.constant 3 : i32
          %add3A_139 = arith.addi %add3A_115, %add3A_138 : i32
          %mul3A_140 = arith.constant 1250 : i32
          %mul3A_141 = arith.muli %arg0, %mul3A_140 : i32
          %add3A_142 = arith.addi %mul3A_141, %arg1 : i32
          %mul3A_143 = arith.constant 16 : i32
          %mul3A_144 = arith.muli %add3A_139, %mul3A_143 : i32
          %add3A_145 = arith.addi %add3A_142, %mul3A_144 : i32
          %mul3A_146 = arith.constant 128 : i32
          %mul3A_147 = arith.muli %add3A_145, %mul3A_146 : i32
          %mul3A_148 = arith.constant 1250 : i32
          %mul3A_149 = arith.muli %arg0, %mul3A_148 : i32
          %add3A_150 = arith.addi %mul3A_149, %arg1 : i32
          %mul3A_151 = arith.constant 16 : i32
          %mul3A_152 = arith.muli %add3A_139, %mul3A_151 : i32
          %add3A_153 = arith.addi %add3A_150, %mul3A_152 : i32
          %mul3A_154 = arith.constant 128 : i32
          %mul3A_155 = arith.muli %add3A_153, %mul3A_154 : i32
          %dma_start3A = arith.constant 2 : i32
          %dma_start3A_156 = arith.constant 0 : i32
          %dma_start3A_157 = tpu.memref_slice %arg7[%dma_start3A, %dma_start3A_156] : memref<3x128xi32, #tpu.memory_space<vmem>> -> memref<1x128xi32, #tpu.memory_space<vmem>>
          %dma_start3A_158 = tpu.memref_squeeze %dma_start3A_157 : memref<1x128xi32, #tpu.memory_space<vmem>> -> memref<128xi32, #tpu.memory_space<vmem>>
          %dma_start3A_159 = tpu.memref_slice %arg3[%mul3A_147] : memref<320000xi32, #tpu.memory_space<hbm>> -> memref<128xi32, #tpu.memory_space<hbm>>
          %dma_start3A_160 = arith.constant 0 : i32
          %dma_start3A_161 = tpu.memref_slice %arg7[%dma_start3A, %dma_start3A_160] : memref<3x128xi32, #tpu.memory_space<vmem>> -> memref<1x128xi32, #tpu.memory_space<vmem>>
          %dma_start3A_162 = tpu.memref_squeeze %dma_start3A_161 : memref<1x128xi32, #tpu.memory_space<vmem>> -> memref<128xi32, #tpu.memory_space<vmem>>
          %dma_start3A_163 = tpu.memref_slice %arg3[%mul3A_147] : memref<320000xi32, #tpu.memory_space<hbm>> -> memref<128xi32, #tpu.memory_space<hbm>>
          tpu.enqueue_dma source(%dma_start3A_163 : memref<128xi32, #tpu.memory_space<hbm>>) target(%dma_start3A_162 : memref<128xi32, #tpu.memory_space<vmem>>) target_semaphore(%arg13 : memref<!tpu.dma_semaphore, #tpu.memory_space<semaphore_mem>>)
          %dma_start3A_164 = arith.constant 2 : i32
          %dma_start3A_165 = arith.constant 0 : i32
          %dma_start3A_166 = tpu.memref_slice %arg8[%dma_start3A_164, %dma_start3A_165] : memref<3x128xi32, #tpu.memory_space<vmem>> -> memref<1x128xi32, #tpu.memory_space<vmem>>
          %dma_start3A_167 = tpu.memref_squeeze %dma_start3A_166 : memref<1x128xi32, #tpu.memory_space<vmem>> -> memref<128xi32, #tpu.memory_space<vmem>>
          %dma_start3A_168 = tpu.memref_slice %arg4[%mul3A_155] : memref<320000xi32, #tpu.memory_space<hbm>> -> memref<128xi32, #tpu.memory_space<hbm>>
          %dma_start3A_169 = arith.constant 0 : i32
          %dma_start3A_170 = tpu.memref_slice %arg8[%dma_start3A_164, %dma_start3A_169] : memref<3x128xi32, #tpu.memory_space<vmem>> -> memref<1x128xi32, #tpu.memory_space<vmem>>
          %dma_start3A_171 = tpu.memref_squeeze %dma_start3A_170 : memref<1x128xi32, #tpu.memory_space<vmem>> -> memref<128xi32, #tpu.memory_space<vmem>>
          %dma_start3A_172 = tpu.memref_slice %arg4[%mul3A_155] : memref<320000xi32, #tpu.memory_space<hbm>> -> memref<128xi32, #tpu.memory_space<hbm>>
          tpu.enqueue_dma source(%dma_start3A_172 : memref<128xi32, #tpu.memory_space<hbm>>) target(%dma_start3A_171 : memref<128xi32, #tpu.memory_space<vmem>>) target_semaphore(%arg13 : memref<!tpu.dma_semaphore, #tpu.memory_space<semaphore_mem>>)
        } else {
        }
      } else {
      }
    }
    %while3A_70 = arith.constant 1 : i32
    scf.for %while3A_72 = %while3A_68 to %while3A_64 step %while3A_70  : i32 {
      %mul3A_73 = arith.constant 3 : i32
      %mul3A_74 = arith.muli %while3A_72, %mul3A_73 : i32
      %add3A_75 = arith.constant 0 : i32
      %add3A_76 = arith.addi %mul3A_74, %add3A_75 : i32
      %lt3A = arith.cmpi slt, %add3A_76, %select_n3A : i32
      %convert_element_type3A_77 = arith.extui %lt3A : i1 to i32
      %cond3A_78 = arith.constant 0 : i32
      %cond3A_79 = arith.cmpi ne, %convert_element_type3A_77, %cond3A_78 : i32
      scf.if %cond3A_79 {
        %mul3A_120 = arith.constant 1250 : i32
        %mul3A_121 = arith.muli %arg0, %mul3A_120 : i32
        %add3A_122 = arith.addi %mul3A_121, %arg1 : i32
        %mul3A_123 = arith.constant 16 : i32
        %mul3A_124 = arith.muli %add3A_76, %mul3A_123 : i32
        %add3A_125 = arith.addi %add3A_122, %mul3A_124 : i32
        %mul3A_126 = arith.constant 128 : i32
        %mul3A_127 = arith.muli %add3A_125, %mul3A_126 : i32
        %mul3A_128 = arith.constant 1250 : i32
        %mul3A_129 = arith.muli %arg0, %mul3A_128 : i32
        %add3A_130 = arith.addi %mul3A_129, %arg1 : i32
        %mul3A_131 = arith.constant 16 : i32
        %mul3A_132 = arith.muli %add3A_76, %mul3A_131 : i32
        %add3A_133 = arith.addi %add3A_130, %mul3A_132 : i32
        %mul3A_134 = arith.constant 128 : i32
        %mul3A_135 = arith.muli %add3A_133, %mul3A_134 : i32
        %dma_wait3A = arith.constant 0 : i32
        %dma_wait3A_136 = arith.constant 0 : i32
        %dma_wait3A_137 = tpu.memref_slice %arg7[%dma_wait3A, %dma_wait3A_136] : memref<3x128xi32, #tpu.memory_space<vmem>> -> memref<1x128xi32, #tpu.memory_space<vmem>>
        %dma_wait3A_138 = tpu.memref_squeeze %dma_wait3A_137 : memref<1x128xi32, #tpu.memory_space<vmem>> -> memref<128xi32, #tpu.memory_space<vmem>>
        %dma_wait3A_139 = tpu.memref_slice %arg3[%mul3A_127] : memref<320000xi32, #tpu.memory_space<hbm>> -> memref<128xi32, #tpu.memory_space<hbm>>
        %dma_wait3A_140 = arith.constant 0 : i32
        %dma_wait3A_141 = tpu.memref_slice %arg7[%dma_wait3A, %dma_wait3A_140] : memref<3x128xi32, #tpu.memory_space<vmem>> -> memref<1x128xi32, #tpu.memory_space<vmem>>
        %dma_wait3A_142 = tpu.memref_squeeze %dma_wait3A_141 : memref<1x128xi32, #tpu.memory_space<vmem>> -> memref<128xi32, #tpu.memory_space<vmem>>
        %dma_wait3A_143 = tpu.memref_slice %arg3[%mul3A_127] : memref<320000xi32, #tpu.memory_space<hbm>> -> memref<128xi32, #tpu.memory_space<hbm>>
        tpu.wait_dma2 semaphore(%arg11 : memref<!tpu.dma_semaphore, #tpu.memory_space<semaphore_mem>>) src(%dma_wait3A_143 : memref<128xi32, #tpu.memory_space<hbm>>) dst(%dma_wait3A_142 : memref<128xi32, #tpu.memory_space<vmem>>)
        %dma_wait3A_144 = arith.constant 0 : i32
        %dma_wait3A_145 = arith.constant 0 : i32
        %dma_wait3A_146 = tpu.memref_slice %arg8[%dma_wait3A_144, %dma_wait3A_145] : memref<3x128xi32, #tpu.memory_space<vmem>> -> memref<1x128xi32, #tpu.memory_space<vmem>>
        %dma_wait3A_147 = tpu.memref_squeeze %dma_wait3A_146 : memref<1x128xi32, #tpu.memory_space<vmem>> -> memref<128xi32, #tpu.memory_space<vmem>>
        %dma_wait3A_148 = tpu.memref_slice %arg4[%mul3A_135] : memref<320000xi32, #tpu.memory_space<hbm>> -> memref<128xi32, #tpu.memory_space<hbm>>
        %dma_wait3A_149 = arith.constant 0 : i32
        %dma_wait3A_150 = tpu.memref_slice %arg8[%dma_wait3A_144, %dma_wait3A_149] : memref<3x128xi32, #tpu.memory_space<vmem>> -> memref<1x128xi32, #tpu.memory_space<vmem>>
        %dma_wait3A_151 = tpu.memref_squeeze %dma_wait3A_150 : memref<1x128xi32, #tpu.memory_space<vmem>> -> memref<128xi32, #tpu.memory_space<vmem>>
        %dma_wait3A_152 = tpu.memref_slice %arg4[%mul3A_135] : memref<320000xi32, #tpu.memory_space<hbm>> -> memref<128xi32, #tpu.memory_space<hbm>>
        tpu.wait_dma2 semaphore(%arg11 : memref<!tpu.dma_semaphore, #tpu.memory_space<semaphore_mem>>) src(%dma_wait3A_152 : memref<128xi32, #tpu.memory_space<hbm>>) dst(%dma_wait3A_151 : memref<128xi32, #tpu.memory_space<vmem>>)
        %dma_start3A = arith.constant 0 : i32
        %dma_start3A_153 = arith.constant 0 : i32
        %dma_start3A_154 = arith.constant 0 : i32
        %dma_start3A_155 = arith.constant 0 : i32
        %dma_start3A_156 = tpu.memref_slice %arg9[%dma_start3A_153, %dma_start3A_154, %dma_start3A_155] : memref<3x128x128xf32, #tpu.memory_space<vmem>> -> memref<1x128x128xf32, #tpu.memory_space<vmem>>
        %dma_start3A_157 = tpu.memref_squeeze %dma_start3A_156 : memref<1x128x128xf32, #tpu.memory_space<vmem>> -> memref<128x128xf32, #tpu.memory_space<vmem>>
        %dma_start3A_158 = arith.constant 0 : i32
        %dma_start3A_159 = tpu.memref_slice %arg7[%dma_start3A, %dma_start3A_158] : memref<3x128xi32, #tpu.memory_space<vmem>> -> memref<1x128xi32, #tpu.memory_space<vmem>>
        %dma_start3A_160 = tpu.memref_squeeze %dma_start3A_159 : memref<1x128xi32, #tpu.memory_space<vmem>> -> memref<128xi32, #tpu.memory_space<vmem>>
        %dma_start3A_161 = arith.constant 0 : i32
        %dma_start3A_162 = arith.constant 0 : i32
        %dma_start3A_163 = tpu.memref_slice %arg2[%dma_start3A_161, %dma_start3A_162] : memref<10000x128xf32, #tpu.memory_space<hbm>> -> memref<10000x128xf32, #tpu.memory_space<hbm>>
        tpu.enqueue_indirect_dma source(%dma_start3A_163 : memref<10000x128xf32, #tpu.memory_space<hbm>>) target(%dma_start3A_157 : memref<128x128xf32, #tpu.memory_space<vmem>>) offsets(%dma_start3A_160 : memref<128xi32, #tpu.memory_space<vmem>>) semaphore(%arg14 : memref<!tpu.dma_semaphore, #tpu.memory_space<semaphore_mem>>)
      } else {
      }
      %mul3A_80 = arith.constant 3 : i32
      %mul3A_81 = arith.muli %while3A_72, %mul3A_80 : i32
      %add3A_82 = arith.constant 1 : i32
      %add3A_83 = arith.addi %mul3A_81, %add3A_82 : i32
      %lt3A_84 = arith.cmpi slt, %add3A_83, %select_n3A : i32
      %convert_element_type3A_85 = arith.extui %lt3A_84 : i1 to i32
      %cond3A_86 = arith.constant 0 : i32
      %cond3A_87 = arith.cmpi ne, %convert_element_type3A_85, %cond3A_86 : i32
      scf.if %cond3A_87 {
        %mul3A_120 = arith.constant 1250 : i32
        %mul3A_121 = arith.muli %arg0, %mul3A_120 : i32
        %add3A_122 = arith.addi %mul3A_121, %arg1 : i32
        %mul3A_123 = arith.constant 16 : i32
        %mul3A_124 = arith.muli %add3A_83, %mul3A_123 : i32
        %add3A_125 = arith.addi %add3A_122, %mul3A_124 : i32
        %mul3A_126 = arith.constant 128 : i32
        %mul3A_127 = arith.muli %add3A_125, %mul3A_126 : i32
        %mul3A_128 = arith.constant 1250 : i32
        %mul3A_129 = arith.muli %arg0, %mul3A_128 : i32
        %add3A_130 = arith.addi %mul3A_129, %arg1 : i32
        %mul3A_131 = arith.constant 16 : i32
        %mul3A_132 = arith.muli %add3A_83, %mul3A_131 : i32
        %add3A_133 = arith.addi %add3A_130, %mul3A_132 : i32
        %mul3A_134 = arith.constant 128 : i32
        %mul3A_135 = arith.muli %add3A_133, %mul3A_134 : i32
        %dma_wait3A = arith.constant 1 : i32
        %dma_wait3A_136 = arith.constant 0 : i32
        %dma_wait3A_137 = tpu.memref_slice %arg7[%dma_wait3A, %dma_wait3A_136] : memref<3x128xi32, #tpu.memory_space<vmem>> -> memref<1x128xi32, #tpu.memory_space<vmem>>
        %dma_wait3A_138 = tpu.memref_squeeze %dma_wait3A_137 : memref<1x128xi32, #tpu.memory_space<vmem>> -> memref<128xi32, #tpu.memory_space<vmem>>
        %dma_wait3A_139 = tpu.memref_slice %arg3[%mul3A_127] : memref<320000xi32, #tpu.memory_space<hbm>> -> memref<128xi32, #tpu.memory_space<hbm>>
        %dma_wait3A_140 = arith.constant 0 : i32
        %dma_wait3A_141 = tpu.memref_slice %arg7[%dma_wait3A, %dma_wait3A_140] : memref<3x128xi32, #tpu.memory_space<vmem>> -> memref<1x128xi32, #tpu.memory_space<vmem>>
        %dma_wait3A_142 = tpu.memref_squeeze %dma_wait3A_141 : memref<1x128xi32, #tpu.memory_space<vmem>> -> memref<128xi32, #tpu.memory_space<vmem>>
        %dma_wait3A_143 = tpu.memref_slice %arg3[%mul3A_127] : memref<320000xi32, #tpu.memory_space<hbm>> -> memref<128xi32, #tpu.memory_space<hbm>>
        tpu.wait_dma2 semaphore(%arg12 : memref<!tpu.dma_semaphore, #tpu.memory_space<semaphore_mem>>) src(%dma_wait3A_143 : memref<128xi32, #tpu.memory_space<hbm>>) dst(%dma_wait3A_142 : memref<128xi32, #tpu.memory_space<vmem>>)
        %dma_wait3A_144 = arith.constant 1 : i32
        %dma_wait3A_145 = arith.constant 0 : i32
        %dma_wait3A_146 = tpu.memref_slice %arg8[%dma_wait3A_144, %dma_wait3A_145] : memref<3x128xi32, #tpu.memory_space<vmem>> -> memref<1x128xi32, #tpu.memory_space<vmem>>
        %dma_wait3A_147 = tpu.memref_squeeze %dma_wait3A_146 : memref<1x128xi32, #tpu.memory_space<vmem>> -> memref<128xi32, #tpu.memory_space<vmem>>
        %dma_wait3A_148 = tpu.memref_slice %arg4[%mul3A_135] : memref<320000xi32, #tpu.memory_space<hbm>> -> memref<128xi32, #tpu.memory_space<hbm>>
        %dma_wait3A_149 = arith.constant 0 : i32
        %dma_wait3A_150 = tpu.memref_slice %arg8[%dma_wait3A_144, %dma_wait3A_149] : memref<3x128xi32, #tpu.memory_space<vmem>> -> memref<1x128xi32, #tpu.memory_space<vmem>>
        %dma_wait3A_151 = tpu.memref_squeeze %dma_wait3A_150 : memref<1x128xi32, #tpu.memory_space<vmem>> -> memref<128xi32, #tpu.memory_space<vmem>>
        %dma_wait3A_152 = tpu.memref_slice %arg4[%mul3A_135] : memref<320000xi32, #tpu.memory_space<hbm>> -> memref<128xi32, #tpu.memory_space<hbm>>
        tpu.wait_dma2 semaphore(%arg12 : memref<!tpu.dma_semaphore, #tpu.memory_space<semaphore_mem>>) src(%dma_wait3A_152 : memref<128xi32, #tpu.memory_space<hbm>>) dst(%dma_wait3A_151 : memref<128xi32, #tpu.memory_space<vmem>>)
        %dma_start3A = arith.constant 1 : i32
        %dma_start3A_153 = arith.constant 1 : i32
        %dma_start3A_154 = arith.constant 0 : i32
        %dma_start3A_155 = arith.constant 0 : i32
        %dma_start3A_156 = tpu.memref_slice %arg9[%dma_start3A_153, %dma_start3A_154, %dma_start3A_155] : memref<3x128x128xf32, #tpu.memory_space<vmem>> -> memref<1x128x128xf32, #tpu.memory_space<vmem>>
        %dma_start3A_157 = tpu.memref_squeeze %dma_start3A_156 : memref<1x128x128xf32, #tpu.memory_space<vmem>> -> memref<128x128xf32, #tpu.memory_space<vmem>>
        %dma_start3A_158 = arith.constant 0 : i32
        %dma_start3A_159 = tpu.memref_slice %arg7[%dma_start3A, %dma_start3A_158] : memref<3x128xi32, #tpu.memory_space<vmem>> -> memref<1x128xi32, #tpu.memory_space<vmem>>
        %dma_start3A_160 = tpu.memref_squeeze %dma_start3A_159 : memref<1x128xi32, #tpu.memory_space<vmem>> -> memref<128xi32, #tpu.memory_space<vmem>>
        %dma_start3A_161 = arith.constant 0 : i32
        %dma_start3A_162 = arith.constant 0 : i32
        %dma_start3A_163 = tpu.memref_slice %arg2[%dma_start3A_161, %dma_start3A_162] : memref<10000x128xf32, #tpu.memory_space<hbm>> -> memref<10000x128xf32, #tpu.memory_space<hbm>>
        tpu.enqueue_indirect_dma source(%dma_start3A_163 : memref<10000x128xf32, #tpu.memory_space<hbm>>) target(%dma_start3A_157 : memref<128x128xf32, #tpu.memory_space<vmem>>) offsets(%dma_start3A_160 : memref<128xi32, #tpu.memory_space<vmem>>) semaphore(%arg15 : memref<!tpu.dma_semaphore, #tpu.memory_space<semaphore_mem>>)
      } else {
      }
      %mul3A_88 = arith.constant 3 : i32
      %mul3A_89 = arith.muli %while3A_72, %mul3A_88 : i32
      %add3A_90 = arith.constant 2 : i32
      %add3A_91 = arith.addi %mul3A_89, %add3A_90 : i32
      %lt3A_92 = arith.cmpi slt, %add3A_91, %select_n3A : i32
      %convert_element_type3A_93 = arith.extui %lt3A_92 : i1 to i32
      %cond3A_94 = arith.constant 0 : i32
      %cond3A_95 = arith.cmpi ne, %convert_element_type3A_93, %cond3A_94 : i32
      scf.if %cond3A_95 {
        %mul3A_120 = arith.constant 1250 : i32
        %mul3A_121 = arith.muli %arg0, %mul3A_120 : i32
        %add3A_122 = arith.addi %mul3A_121, %arg1 : i32
        %mul3A_123 = arith.constant 16 : i32
        %mul3A_124 = arith.muli %add3A_91, %mul3A_123 : i32
        %add3A_125 = arith.addi %add3A_122, %mul3A_124 : i32
        %mul3A_126 = arith.constant 128 : i32
        %mul3A_127 = arith.muli %add3A_125, %mul3A_126 : i32
        %mul3A_128 = arith.constant 1250 : i32
        %mul3A_129 = arith.muli %arg0, %mul3A_128 : i32
        %add3A_130 = arith.addi %mul3A_129, %arg1 : i32
        %mul3A_131 = arith.constant 16 : i32
        %mul3A_132 = arith.muli %add3A_91, %mul3A_131 : i32
        %add3A_133 = arith.addi %add3A_130, %mul3A_132 : i32
        %mul3A_134 = arith.constant 128 : i32
        %mul3A_135 = arith.muli %add3A_133, %mul3A_134 : i32
        %dma_wait3A = arith.constant 2 : i32
        %dma_wait3A_136 = arith.constant 0 : i32
        %dma_wait3A_137 = tpu.memref_slice %arg7[%dma_wait3A, %dma_wait3A_136] : memref<3x128xi32, #tpu.memory_space<vmem>> -> memref<1x128xi32, #tpu.memory_space<vmem>>
        %dma_wait3A_138 = tpu.memref_squeeze %dma_wait3A_137 : memref<1x128xi32, #tpu.memory_space<vmem>> -> memref<128xi32, #tpu.memory_space<vmem>>
        %dma_wait3A_139 = tpu.memref_slice %arg3[%mul3A_127] : memref<320000xi32, #tpu.memory_space<hbm>> -> memref<128xi32, #tpu.memory_space<hbm>>
        %dma_wait3A_140 = arith.constant 0 : i32
        %dma_wait3A_141 = tpu.memref_slice %arg7[%dma_wait3A, %dma_wait3A_140] : memref<3x128xi32, #tpu.memory_space<vmem>> -> memref<1x128xi32, #tpu.memory_space<vmem>>
        %dma_wait3A_142 = tpu.memref_squeeze %dma_wait3A_141 : memref<1x128xi32, #tpu.memory_space<vmem>> -> memref<128xi32, #tpu.memory_space<vmem>>
        %dma_wait3A_143 = tpu.memref_slice %arg3[%mul3A_127] : memref<320000xi32, #tpu.memory_space<hbm>> -> memref<128xi32, #tpu.memory_space<hbm>>
        tpu.wait_dma2 semaphore(%arg13 : memref<!tpu.dma_semaphore, #tpu.memory_space<semaphore_mem>>) src(%dma_wait3A_143 : memref<128xi32, #tpu.memory_space<hbm>>) dst(%dma_wait3A_142 : memref<128xi32, #tpu.memory_space<vmem>>)
        %dma_wait3A_144 = arith.constant 2 : i32
        %dma_wait3A_145 = arith.constant 0 : i32
        %dma_wait3A_146 = tpu.memref_slice %arg8[%dma_wait3A_144, %dma_wait3A_145] : memref<3x128xi32, #tpu.memory_space<vmem>> -> memref<1x128xi32, #tpu.memory_space<vmem>>
        %dma_wait3A_147 = tpu.memref_squeeze %dma_wait3A_146 : memref<1x128xi32, #tpu.memory_space<vmem>> -> memref<128xi32, #tpu.memory_space<vmem>>
        %dma_wait3A_148 = tpu.memref_slice %arg4[%mul3A_135] : memref<320000xi32, #tpu.memory_space<hbm>> -> memref<128xi32, #tpu.memory_space<hbm>>
        %dma_wait3A_149 = arith.constant 0 : i32
        %dma_wait3A_150 = tpu.memref_slice %arg8[%dma_wait3A_144, %dma_wait3A_149] : memref<3x128xi32, #tpu.memory_space<vmem>> -> memref<1x128xi32, #tpu.memory_space<vmem>>
        %dma_wait3A_151 = tpu.memref_squeeze %dma_wait3A_150 : memref<1x128xi32, #tpu.memory_space<vmem>> -> memref<128xi32, #tpu.memory_space<vmem>>
        %dma_wait3A_152 = tpu.memref_slice %arg4[%mul3A_135] : memref<320000xi32, #tpu.memory_space<hbm>> -> memref<128xi32, #tpu.memory_space<hbm>>
        tpu.wait_dma2 semaphore(%arg13 : memref<!tpu.dma_semaphore, #tpu.memory_space<semaphore_mem>>) src(%dma_wait3A_152 : memref<128xi32, #tpu.memory_space<hbm>>) dst(%dma_wait3A_151 : memref<128xi32, #tpu.memory_space<vmem>>)
        %dma_start3A = arith.constant 2 : i32
        %dma_start3A_153 = arith.constant 2 : i32
        %dma_start3A_154 = arith.constant 0 : i32
        %dma_start3A_155 = arith.constant 0 : i32
        %dma_start3A_156 = tpu.memref_slice %arg9[%dma_start3A_153, %dma_start3A_154, %dma_start3A_155] : memref<3x128x128xf32, #tpu.memory_space<vmem>> -> memref<1x128x128xf32, #tpu.memory_space<vmem>>
        %dma_start3A_157 = tpu.memref_squeeze %dma_start3A_156 : memref<1x128x128xf32, #tpu.memory_space<vmem>> -> memref<128x128xf32, #tpu.memory_space<vmem>>
        %dma_start3A_158 = arith.constant 0 : i32
        %dma_start3A_159 = tpu.memref_slice %arg7[%dma_start3A, %dma_start3A_158] : memref<3x128xi32, #tpu.memory_space<vmem>> -> memref<1x128xi32, #tpu.memory_space<vmem>>
        %dma_start3A_160 = tpu.memref_squeeze %dma_start3A_159 : memref<1x128xi32, #tpu.memory_space<vmem>> -> memref<128xi32, #tpu.memory_space<vmem>>
        %dma_start3A_161 = arith.constant 0 : i32
        %dma_start3A_162 = arith.constant 0 : i32
        %dma_start3A_163 = tpu.memref_slice %arg2[%dma_start3A_161, %dma_start3A_162] : memref<10000x128xf32, #tpu.memory_space<hbm>> -> memref<10000x128xf32, #tpu.memory_space<hbm>>
        tpu.enqueue_indirect_dma source(%dma_start3A_163 : memref<10000x128xf32, #tpu.memory_space<hbm>>) target(%dma_start3A_157 : memref<128x128xf32, #tpu.memory_space<vmem>>) offsets(%dma_start3A_160 : memref<128xi32, #tpu.memory_space<vmem>>) semaphore(%arg16 : memref<!tpu.dma_semaphore, #tpu.memory_space<semaphore_mem>>)
      } else {
      }
      %mul3A_96 = arith.constant 3 : i32
      %mul3A_97 = arith.muli %while3A_72, %mul3A_96 : i32
      %add3A_98 = arith.constant 0 : i32
      %add3A_99 = arith.addi %mul3A_97, %add3A_98 : i32
      %lt3A_100 = arith.cmpi slt, %add3A_99, %select_n3A : i32
      %convert_element_type3A_101 = arith.extui %lt3A_100 : i1 to i32
      %cond3A_102 = arith.constant 0 : i32
      %cond3A_103 = arith.cmpi ne, %convert_element_type3A_101, %cond3A_102 : i32
      scf.if %cond3A_103 {
        %dma_wait3A = arith.constant 0 : i32
        %dma_wait3A_120 = arith.constant 0 : i32
        %dma_wait3A_121 = arith.constant 0 : i32
        %dma_wait3A_122 = arith.constant 0 : i32
        %dma_wait3A_123 = tpu.memref_slice %arg9[%dma_wait3A_120, %dma_wait3A_121, %dma_wait3A_122] : memref<3x128x128xf32, #tpu.memory_space<vmem>> -> memref<1x128x128xf32, #tpu.memory_space<vmem>>
        %dma_wait3A_124 = tpu.memref_squeeze %dma_wait3A_123 : memref<1x128x128xf32, #tpu.memory_space<vmem>> -> memref<128x128xf32, #tpu.memory_space<vmem>>
        %dma_wait3A_125 = arith.constant 0 : i32
        %dma_wait3A_126 = tpu.memref_slice %arg7[%dma_wait3A, %dma_wait3A_125] : memref<3x128xi32, #tpu.memory_space<vmem>> -> memref<1x128xi32, #tpu.memory_space<vmem>>
        %dma_wait3A_127 = tpu.memref_squeeze %dma_wait3A_126 : memref<1x128xi32, #tpu.memory_space<vmem>> -> memref<128xi32, #tpu.memory_space<vmem>>
        %dma_wait3A_128 = arith.constant 0 : i32
        %dma_wait3A_129 = arith.constant 0 : i32
        %dma_wait3A_130 = tpu.memref_slice %arg2[%dma_wait3A_128, %dma_wait3A_129] : memref<10000x128xf32, #tpu.memory_space<hbm>> -> memref<10000x128xf32, #tpu.memory_space<hbm>>
        tpu.wait_indirect_dma semaphore(%arg14 : memref<!tpu.dma_semaphore, #tpu.memory_space<semaphore_mem>>) src(%dma_wait3A_130 : memref<10000x128xf32, #tpu.memory_space<hbm>>) dst(%dma_wait3A_124 : memref<128x128xf32, #tpu.memory_space<vmem>>)
        %run_scoped3A = arith.constant 0 : i32
        %run_scoped3A_131 = arith.constant 0 : i32
        "tpu.region"() ({
          %run_scoped3A_138 = tpu.sem_alloc : memref<!tpu.dma_semaphore, #tpu.memory_space<semaphore_mem>>
          %dma_start3A = arith.constant 0 : i32
          %dma_start3A_139 = arith.constant 0 : i32
          %dma_start3A_140 = tpu.memref_slice %arg9[%run_scoped3A, %dma_start3A, %dma_start3A_139] : memref<3x128x128xf32, #tpu.memory_space<vmem>> -> memref<1x128x128xf32, #tpu.memory_space<vmem>>
          %dma_start3A_141 = tpu.memref_squeeze %dma_start3A_140 : memref<1x128x128xf32, #tpu.memory_space<vmem>> -> memref<128x128xf32, #tpu.memory_space<vmem>>
          %dma_start3A_142 = arith.constant 0 : i32
          %dma_start3A_143 = tpu.memref_slice %arg8[%run_scoped3A_131, %dma_start3A_142] : memref<3x128xi32, #tpu.memory_space<vmem>> -> memref<1x128xi32, #tpu.memory_space<vmem>>
          %dma_start3A_144 = tpu.memref_squeeze %dma_start3A_143 : memref<1x128xi32, #tpu.memory_space<vmem>> -> memref<128xi32, #tpu.memory_space<vmem>>
          %dma_start3A_145 = arith.constant 0 : i32
          %dma_start3A_146 = arith.constant 0 : i32
          %dma_start3A_147 = tpu.memref_slice %arg10[%dma_start3A_145, %dma_start3A_146] : memref<10112x128xf32, #tpu.memory_space<vmem_shared>> -> memref<10112x128xf32, #tpu.memory_space<vmem_shared>>
          tpu.enqueue_indirect_dma source(%dma_start3A_141 : memref<128x128xf32, #tpu.memory_space<vmem>>) target(%dma_start3A_147 : memref<10112x128xf32, #tpu.memory_space<vmem_shared>>) offsets(%dma_start3A_144 : memref<128xi32, #tpu.memory_space<vmem>>) semaphore(%run_scoped3A_138 : memref<!tpu.dma_semaphore, #tpu.memory_space<semaphore_mem>>) {add = true}
          %dma_wait3A_148 = arith.constant 0 : i32
          %dma_wait3A_149 = arith.constant 0 : i32
          %dma_wait3A_150 = tpu.memref_slice %arg9[%run_scoped3A, %dma_wait3A_148, %dma_wait3A_149] : memref<3x128x128xf32, #tpu.memory_space<vmem>> -> memref<1x128x128xf32, #tpu.memory_space<vmem>>
          %dma_wait3A_151 = tpu.memref_squeeze %dma_wait3A_150 : memref<1x128x128xf32, #tpu.memory_space<vmem>> -> memref<128x128xf32, #tpu.memory_space<vmem>>
          %dma_wait3A_152 = arith.constant 0 : i32
          %dma_wait3A_153 = tpu.memref_slice %arg8[%run_scoped3A_131, %dma_wait3A_152] : memref<3x128xi32, #tpu.memory_space<vmem>> -> memref<1x128xi32, #tpu.memory_space<vmem>>
          %dma_wait3A_154 = tpu.memref_squeeze %dma_wait3A_153 : memref<1x128xi32, #tpu.memory_space<vmem>> -> memref<128xi32, #tpu.memory_space<vmem>>
          %dma_wait3A_155 = arith.constant 0 : i32
          %dma_wait3A_156 = arith.constant 0 : i32
          %dma_wait3A_157 = tpu.memref_slice %arg10[%dma_wait3A_155, %dma_wait3A_156] : memref<10112x128xf32, #tpu.memory_space<vmem_shared>> -> memref<10112x128xf32, #tpu.memory_space<vmem_shared>>
          tpu.wait_indirect_dma semaphore(%run_scoped3A_138 : memref<!tpu.dma_semaphore, #tpu.memory_space<semaphore_mem>>) src(%dma_wait3A_151 : memref<128x128xf32, #tpu.memory_space<vmem>>) dst(%dma_wait3A_157 : memref<10112x128xf32, #tpu.memory_space<vmem_shared>>)
          tpu.yield
        }) : () -> ()
        %add3A_132 = arith.constant 3 : i32
        %add3A_133 = arith.addi %add3A_99, %add3A_132 : i32
        %lt3A_134 = arith.cmpi slt, %add3A_133, %select_n3A : i32
        %convert_element_type3A_135 = arith.extui %lt3A_134 : i1 to i32
        %cond3A_136 = arith.constant 0 : i32
        %cond3A_137 = arith.cmpi ne, %convert_element_type3A_135, %cond3A_136 : i32
        scf.if %cond3A_137 {
          %add3A_138 = arith.constant 3 : i32
          %add3A_139 = arith.addi %add3A_99, %add3A_138 : i32
          %mul3A_140 = arith.constant 1250 : i32
          %mul3A_141 = arith.muli %arg0, %mul3A_140 : i32
          %add3A_142 = arith.addi %mul3A_141, %arg1 : i32
          %mul3A_143 = arith.constant 16 : i32
          %mul3A_144 = arith.muli %add3A_139, %mul3A_143 : i32
          %add3A_145 = arith.addi %add3A_142, %mul3A_144 : i32
          %mul3A_146 = arith.constant 128 : i32
          %mul3A_147 = arith.muli %add3A_145, %mul3A_146 : i32
          %mul3A_148 = arith.constant 1250 : i32
          %mul3A_149 = arith.muli %arg0, %mul3A_148 : i32
          %add3A_150 = arith.addi %mul3A_149, %arg1 : i32
          %mul3A_151 = arith.constant 16 : i32
          %mul3A_152 = arith.muli %add3A_139, %mul3A_151 : i32
          %add3A_153 = arith.addi %add3A_150, %mul3A_152 : i32
          %mul3A_154 = arith.constant 128 : i32
          %mul3A_155 = arith.muli %add3A_153, %mul3A_154 : i32
          %dma_start3A = arith.constant 0 : i32
          %dma_start3A_156 = arith.constant 0 : i32
          %dma_start3A_157 = tpu.memref_slice %arg7[%dma_start3A, %dma_start3A_156] : memref<3x128xi32, #tpu.memory_space<vmem>> -> memref<1x128xi32, #tpu.memory_space<vmem>>
          %dma_start3A_158 = tpu.memref_squeeze %dma_start3A_157 : memref<1x128xi32, #tpu.memory_space<vmem>> -> memref<128xi32, #tpu.memory_space<vmem>>
          %dma_start3A_159 = tpu.memref_slice %arg3[%mul3A_147] : memref<320000xi32, #tpu.memory_space<hbm>> -> memref<128xi32, #tpu.memory_space<hbm>>
          %dma_start3A_160 = arith.constant 0 : i32
          %dma_start3A_161 = tpu.memref_slice %arg7[%dma_start3A, %dma_start3A_160] : memref<3x128xi32, #tpu.memory_space<vmem>> -> memref<1x128xi32, #tpu.memory_space<vmem>>
          %dma_start3A_162 = tpu.memref_squeeze %dma_start3A_161 : memref<1x128xi32, #tpu.memory_space<vmem>> -> memref<128xi32, #tpu.memory_space<vmem>>
          %dma_start3A_163 = tpu.memref_slice %arg3[%mul3A_147] : memref<320000xi32, #tpu.memory_space<hbm>> -> memref<128xi32, #tpu.memory_space<hbm>>
          tpu.enqueue_dma source(%dma_start3A_163 : memref<128xi32, #tpu.memory_space<hbm>>) target(%dma_start3A_162 : memref<128xi32, #tpu.memory_space<vmem>>) target_semaphore(%arg11 : memref<!tpu.dma_semaphore, #tpu.memory_space<semaphore_mem>>)
          %dma_start3A_164 = arith.constant 0 : i32
          %dma_start3A_165 = arith.constant 0 : i32
          %dma_start3A_166 = tpu.memref_slice %arg8[%dma_start3A_164, %dma_start3A_165] : memref<3x128xi32, #tpu.memory_space<vmem>> -> memref<1x128xi32, #tpu.memory_space<vmem>>
          %dma_start3A_167 = tpu.memref_squeeze %dma_start3A_166 : memref<1x128xi32, #tpu.memory_space<vmem>> -> memref<128xi32, #tpu.memory_space<vmem>>
          %dma_start3A_168 = tpu.memref_slice %arg4[%mul3A_155] : memref<320000xi32, #tpu.memory_space<hbm>> -> memref<128xi32, #tpu.memory_space<hbm>>
          %dma_start3A_169 = arith.constant 0 : i32
          %dma_start3A_170 = tpu.memref_slice %arg8[%dma_start3A_164, %dma_start3A_169] : memref<3x128xi32, #tpu.memory_space<vmem>> -> memref<1x128xi32, #tpu.memory_space<vmem>>
          %dma_start3A_171 = tpu.memref_squeeze %dma_start3A_170 : memref<1x128xi32, #tpu.memory_space<vmem>> -> memref<128xi32, #tpu.memory_space<vmem>>
          %dma_start3A_172 = tpu.memref_slice %arg4[%mul3A_155] : memref<320000xi32, #tpu.memory_space<hbm>> -> memref<128xi32, #tpu.memory_space<hbm>>
          tpu.enqueue_dma source(%dma_start3A_172 : memref<128xi32, #tpu.memory_space<hbm>>) target(%dma_start3A_171 : memref<128xi32, #tpu.memory_space<vmem>>) target_semaphore(%arg11 : memref<!tpu.dma_semaphore, #tpu.memory_space<semaphore_mem>>)
        } else {
        }
      } else {
      }
      %mul3A_104 = arith.constant 3 : i32
      %mul3A_105 = arith.muli %while3A_72, %mul3A_104 : i32
      %add3A_106 = arith.constant 1 : i32
      %add3A_107 = arith.addi %mul3A_105, %add3A_106 : i32
      %lt3A_108 = arith.cmpi slt, %add3A_107, %select_n3A : i32
      %convert_element_type3A_109 = arith.extui %lt3A_108 : i1 to i32
      %cond3A_110 = arith.constant 0 : i32
      %cond3A_111 = arith.cmpi ne, %convert_element_type3A_109, %cond3A_110 : i32
      scf.if %cond3A_111 {
        %dma_wait3A = arith.constant 1 : i32
        %dma_wait3A_120 = arith.constant 1 : i32
        %dma_wait3A_121 = arith.constant 0 : i32
        %dma_wait3A_122 = arith.constant 0 : i32
        %dma_wait3A_123 = tpu.memref_slice %arg9[%dma_wait3A_120, %dma_wait3A_121, %dma_wait3A_122] : memref<3x128x128xf32, #tpu.memory_space<vmem>> -> memref<1x128x128xf32, #tpu.memory_space<vmem>>
        %dma_wait3A_124 = tpu.memref_squeeze %dma_wait3A_123 : memref<1x128x128xf32, #tpu.memory_space<vmem>> -> memref<128x128xf32, #tpu.memory_space<vmem>>
        %dma_wait3A_125 = arith.constant 0 : i32
        %dma_wait3A_126 = tpu.memref_slice %arg7[%dma_wait3A, %dma_wait3A_125] : memref<3x128xi32, #tpu.memory_space<vmem>> -> memref<1x128xi32, #tpu.memory_space<vmem>>
        %dma_wait3A_127 = tpu.memref_squeeze %dma_wait3A_126 : memref<1x128xi32, #tpu.memory_space<vmem>> -> memref<128xi32, #tpu.memory_space<vmem>>
        %dma_wait3A_128 = arith.constant 0 : i32
        %dma_wait3A_129 = arith.constant 0 : i32
        %dma_wait3A_130 = tpu.memref_slice %arg2[%dma_wait3A_128, %dma_wait3A_129] : memref<10000x128xf32, #tpu.memory_space<hbm>> -> memref<10000x128xf32, #tpu.memory_space<hbm>>
        tpu.wait_indirect_dma semaphore(%arg15 : memref<!tpu.dma_semaphore, #tpu.memory_space<semaphore_mem>>) src(%dma_wait3A_130 : memref<10000x128xf32, #tpu.memory_space<hbm>>) dst(%dma_wait3A_124 : memref<128x128xf32, #tpu.memory_space<vmem>>)
        %run_scoped3A = arith.constant 1 : i32
        %run_scoped3A_131 = arith.constant 1 : i32
        "tpu.region"() ({
          %run_scoped3A_138 = tpu.sem_alloc : memref<!tpu.dma_semaphore, #tpu.memory_space<semaphore_mem>>
          %dma_start3A = arith.constant 0 : i32
          %dma_start3A_139 = arith.constant 0 : i32
          %dma_start3A_140 = tpu.memref_slice %arg9[%run_scoped3A, %dma_start3A, %dma_start3A_139] : memref<3x128x128xf32, #tpu.memory_space<vmem>> -> memref<1x128x128xf32, #tpu.memory_space<vmem>>
          %dma_start3A_141 = tpu.memref_squeeze %dma_start3A_140 : memref<1x128x128xf32, #tpu.memory_space<vmem>> -> memref<128x128xf32, #tpu.memory_space<vmem>>
          %dma_start3A_142 = arith.constant 0 : i32
          %dma_start3A_143 = tpu.memref_slice %arg8[%run_scoped3A_131, %dma_start3A_142] : memref<3x128xi32, #tpu.memory_space<vmem>> -> memref<1x128xi32, #tpu.memory_space<vmem>>
          %dma_start3A_144 = tpu.memref_squeeze %dma_start3A_143 : memref<1x128xi32, #tpu.memory_space<vmem>> -> memref<128xi32, #tpu.memory_space<vmem>>
          %dma_start3A_145 = arith.constant 0 : i32
          %dma_start3A_146 = arith.constant 0 : i32
          %dma_start3A_147 = tpu.memref_slice %arg10[%dma_start3A_145, %dma_start3A_146] : memref<10112x128xf32, #tpu.memory_space<vmem_shared>> -> memref<10112x128xf32, #tpu.memory_space<vmem_shared>>
          tpu.enqueue_indirect_dma source(%dma_start3A_141 : memref<128x128xf32, #tpu.memory_space<vmem>>) target(%dma_start3A_147 : memref<10112x128xf32, #tpu.memory_space<vmem_shared>>) offsets(%dma_start3A_144 : memref<128xi32, #tpu.memory_space<vmem>>) semaphore(%run_scoped3A_138 : memref<!tpu.dma_semaphore, #tpu.memory_space<semaphore_mem>>) {add = true}
          %dma_wait3A_148 = arith.constant 0 : i32
          %dma_wait3A_149 = arith.constant 0 : i32
          %dma_wait3A_150 = tpu.memref_slice %arg9[%run_scoped3A, %dma_wait3A_148, %dma_wait3A_149] : memref<3x128x128xf32, #tpu.memory_space<vmem>> -> memref<1x128x128xf32, #tpu.memory_space<vmem>>
          %dma_wait3A_151 = tpu.memref_squeeze %dma_wait3A_150 : memref<1x128x128xf32, #tpu.memory_space<vmem>> -> memref<128x128xf32, #tpu.memory_space<vmem>>
          %dma_wait3A_152 = arith.constant 0 : i32
          %dma_wait3A_153 = tpu.memref_slice %arg8[%run_scoped3A_131, %dma_wait3A_152] : memref<3x128xi32, #tpu.memory_space<vmem>> -> memref<1x128xi32, #tpu.memory_space<vmem>>
          %dma_wait3A_154 = tpu.memref_squeeze %dma_wait3A_153 : memref<1x128xi32, #tpu.memory_space<vmem>> -> memref<128xi32, #tpu.memory_space<vmem>>
          %dma_wait3A_155 = arith.constant 0 : i32
          %dma_wait3A_156 = arith.constant 0 : i32
          %dma_wait3A_157 = tpu.memref_slice %arg10[%dma_wait3A_155, %dma_wait3A_156] : memref<10112x128xf32, #tpu.memory_space<vmem_shared>> -> memref<10112x128xf32, #tpu.memory_space<vmem_shared>>
          tpu.wait_indirect_dma semaphore(%run_scoped3A_138 : memref<!tpu.dma_semaphore, #tpu.memory_space<semaphore_mem>>) src(%dma_wait3A_151 : memref<128x128xf32, #tpu.memory_space<vmem>>) dst(%dma_wait3A_157 : memref<10112x128xf32, #tpu.memory_space<vmem_shared>>)
          tpu.yield
        }) : () -> ()
        %add3A_132 = arith.constant 3 : i32
        %add3A_133 = arith.addi %add3A_107, %add3A_132 : i32
        %lt3A_134 = arith.cmpi slt, %add3A_133, %select_n3A : i32
        %convert_element_type3A_135 = arith.extui %lt3A_134 : i1 to i32
        %cond3A_136 = arith.constant 0 : i32
        %cond3A_137 = arith.cmpi ne, %convert_element_type3A_135, %cond3A_136 : i32
        scf.if %cond3A_137 {
          %add3A_138 = arith.constant 3 : i32
          %add3A_139 = arith.addi %add3A_107, %add3A_138 : i32
          %mul3A_140 = arith.constant 1250 : i32
          %mul3A_141 = arith.muli %arg0, %mul3A_140 : i32
          %add3A_142 = arith.addi %mul3A_141, %arg1 : i32
          %mul3A_143 = arith.constant 16 : i32
          %mul3A_144 = arith.muli %add3A_139, %mul3A_143 : i32
          %add3A_145 = arith.addi %add3A_142, %mul3A_144 : i32
          %mul3A_146 = arith.constant 128 : i32
          %mul3A_147 = arith.muli %add3A_145, %mul3A_146 : i32
          %mul3A_148 = arith.constant 1250 : i32
          %mul3A_149 = arith.muli %arg0, %mul3A_148 : i32
          %add3A_150 = arith.addi %mul3A_149, %arg1 : i32
          %mul3A_151 = arith.constant 16 : i32
          %mul3A_152 = arith.muli %add3A_139, %mul3A_151 : i32
          %add3A_153 = arith.addi %add3A_150, %mul3A_152 : i32
          %mul3A_154 = arith.constant 128 : i32
          %mul3A_155 = arith.muli %add3A_153, %mul3A_154 : i32
          %dma_start3A = arith.constant 1 : i32
          %dma_start3A_156 = arith.constant 0 : i32
          %dma_start3A_157 = tpu.memref_slice %arg7[%dma_start3A, %dma_start3A_156] : memref<3x128xi32, #tpu.memory_space<vmem>> -> memref<1x128xi32, #tpu.memory_space<vmem>>
          %dma_start3A_158 = tpu.memref_squeeze %dma_start3A_157 : memref<1x128xi32, #tpu.memory_space<vmem>> -> memref<128xi32, #tpu.memory_space<vmem>>
          %dma_start3A_159 = tpu.memref_slice %arg3[%mul3A_147] : memref<320000xi32, #tpu.memory_space<hbm>> -> memref<128xi32, #tpu.memory_space<hbm>>
          %dma_start3A_160 = arith.constant 0 : i32
          %dma_start3A_161 = tpu.memref_slice %arg7[%dma_start3A, %dma_start3A_160] : memref<3x128xi32, #tpu.memory_space<vmem>> -> memref<1x128xi32, #tpu.memory_space<vmem>>
          %dma_start3A_162 = tpu.memref_squeeze %dma_start3A_161 : memref<1x128xi32, #tpu.memory_space<vmem>> -> memref<128xi32, #tpu.memory_space<vmem>>
          %dma_start3A_163 = tpu.memref_slice %arg3[%mul3A_147] : memref<320000xi32, #tpu.memory_space<hbm>> -> memref<128xi32, #tpu.memory_space<hbm>>
          tpu.enqueue_dma source(%dma_start3A_163 : memref<128xi32, #tpu.memory_space<hbm>>) target(%dma_start3A_162 : memref<128xi32, #tpu.memory_space<vmem>>) target_semaphore(%arg12 : memref<!tpu.dma_semaphore, #tpu.memory_space<semaphore_mem>>)
          %dma_start3A_164 = arith.constant 1 : i32
          %dma_start3A_165 = arith.constant 0 : i32
          %dma_start3A_166 = tpu.memref_slice %arg8[%dma_start3A_164, %dma_start3A_165] : memref<3x128xi32, #tpu.memory_space<vmem>> -> memref<1x128xi32, #tpu.memory_space<vmem>>
          %dma_start3A_167 = tpu.memref_squeeze %dma_start3A_166 : memref<1x128xi32, #tpu.memory_space<vmem>> -> memref<128xi32, #tpu.memory_space<vmem>>
          %dma_start3A_168 = tpu.memref_slice %arg4[%mul3A_155] : memref<320000xi32, #tpu.memory_space<hbm>> -> memref<128xi32, #tpu.memory_space<hbm>>
          %dma_start3A_169 = arith.constant 0 : i32
          %dma_start3A_170 = tpu.memref_slice %arg8[%dma_start3A_164, %dma_start3A_169] : memref<3x128xi32, #tpu.memory_space<vmem>> -> memref<1x128xi32, #tpu.memory_space<vmem>>
          %dma_start3A_171 = tpu.memref_squeeze %dma_start3A_170 : memref<1x128xi32, #tpu.memory_space<vmem>> -> memref<128xi32, #tpu.memory_space<vmem>>
          %dma_start3A_172 = tpu.memref_slice %arg4[%mul3A_155] : memref<320000xi32, #tpu.memory_space<hbm>> -> memref<128xi32, #tpu.memory_space<hbm>>
          tpu.enqueue_dma source(%dma_start3A_172 : memref<128xi32, #tpu.memory_space<hbm>>) target(%dma_start3A_171 : memref<128xi32, #tpu.memory_space<vmem>>) target_semaphore(%arg12 : memref<!tpu.dma_semaphore, #tpu.memory_space<semaphore_mem>>)
        } else {
        }
      } else {
      }
      %mul3A_112 = arith.constant 3 : i32
      %mul3A_113 = arith.muli %while3A_72, %mul3A_112 : i32
      %add3A_114 = arith.constant 2 : i32
      %add3A_115 = arith.addi %mul3A_113, %add3A_114 : i32
      %lt3A_116 = arith.cmpi slt, %add3A_115, %select_n3A : i32
      %convert_element_type3A_117 = arith.extui %lt3A_116 : i1 to i32
      %cond3A_118 = arith.constant 0 : i32
      %cond3A_119 = arith.cmpi ne, %convert_element_type3A_117, %cond3A_118 : i32
      scf.if %cond3A_119 {
        %dma_wait3A = arith.constant 2 : i32
        %dma_wait3A_120 = arith.constant 2 : i32
        %dma_wait3A_121 = arith.constant 0 : i32
        %dma_wait3A_122 = arith.constant 0 : i32
        %dma_wait3A_123 = tpu.memref_slice %arg9[%dma_wait3A_120, %dma_wait3A_121, %dma_wait3A_122] : memref<3x128x128xf32, #tpu.memory_space<vmem>> -> memref<1x128x128xf32, #tpu.memory_space<vmem>>
        %dma_wait3A_124 = tpu.memref_squeeze %dma_wait3A_123 : memref<1x128x128xf32, #tpu.memory_space<vmem>> -> memref<128x128xf32, #tpu.memory_space<vmem>>
        %dma_wait3A_125 = arith.constant 0 : i32
        %dma_wait3A_126 = tpu.memref_slice %arg7[%dma_wait3A, %dma_wait3A_125] : memref<3x128xi32, #tpu.memory_space<vmem>> -> memref<1x128xi32, #tpu.memory_space<vmem>>
        %dma_wait3A_127 = tpu.memref_squeeze %dma_wait3A_126 : memref<1x128xi32, #tpu.memory_space<vmem>> -> memref<128xi32, #tpu.memory_space<vmem>>
        %dma_wait3A_128 = arith.constant 0 : i32
        %dma_wait3A_129 = arith.constant 0 : i32
        %dma_wait3A_130 = tpu.memref_slice %arg2[%dma_wait3A_128, %dma_wait3A_129] : memref<10000x128xf32, #tpu.memory_space<hbm>> -> memref<10000x128xf32, #tpu.memory_space<hbm>>
        tpu.wait_indirect_dma semaphore(%arg16 : memref<!tpu.dma_semaphore, #tpu.memory_space<semaphore_mem>>) src(%dma_wait3A_130 : memref<10000x128xf32, #tpu.memory_space<hbm>>) dst(%dma_wait3A_124 : memref<128x128xf32, #tpu.memory_space<vmem>>)
        %run_scoped3A = arith.constant 2 : i32
        %run_scoped3A_131 = arith.constant 2 : i32
        "tpu.region"() ({
          %run_scoped3A_138 = tpu.sem_alloc : memref<!tpu.dma_semaphore, #tpu.memory_space<semaphore_mem>>
          %dma_start3A = arith.constant 0 : i32
          %dma_start3A_139 = arith.constant 0 : i32
          %dma_start3A_140 = tpu.memref_slice %arg9[%run_scoped3A, %dma_start3A, %dma_start3A_139] : memref<3x128x128xf32, #tpu.memory_space<vmem>> -> memref<1x128x128xf32, #tpu.memory_space<vmem>>
          %dma_start3A_141 = tpu.memref_squeeze %dma_start3A_140 : memref<1x128x128xf32, #tpu.memory_space<vmem>> -> memref<128x128xf32, #tpu.memory_space<vmem>>
          %dma_start3A_142 = arith.constant 0 : i32
          %dma_start3A_143 = tpu.memref_slice %arg8[%run_scoped3A_131, %dma_start3A_142] : memref<3x128xi32, #tpu.memory_space<vmem>> -> memref<1x128xi32, #tpu.memory_space<vmem>>
          %dma_start3A_144 = tpu.memref_squeeze %dma_start3A_143 : memref<1x128xi32, #tpu.memory_space<vmem>> -> memref<128xi32, #tpu.memory_space<vmem>>
          %dma_start3A_145 = arith.constant 0 : i32
          %dma_start3A_146 = arith.constant 0 : i32
          %dma_start3A_147 = tpu.memref_slice %arg10[%dma_start3A_145, %dma_start3A_146] : memref<10112x128xf32, #tpu.memory_space<vmem_shared>> -> memref<10112x128xf32, #tpu.memory_space<vmem_shared>>
          tpu.enqueue_indirect_dma source(%dma_start3A_141 : memref<128x128xf32, #tpu.memory_space<vmem>>) target(%dma_start3A_147 : memref<10112x128xf32, #tpu.memory_space<vmem_shared>>) offsets(%dma_start3A_144 : memref<128xi32, #tpu.memory_space<vmem>>) semaphore(%run_scoped3A_138 : memref<!tpu.dma_semaphore, #tpu.memory_space<semaphore_mem>>) {add = true}
          %dma_wait3A_148 = arith.constant 0 : i32
          %dma_wait3A_149 = arith.constant 0 : i32
          %dma_wait3A_150 = tpu.memref_slice %arg9[%run_scoped3A, %dma_wait3A_148, %dma_wait3A_149] : memref<3x128x128xf32, #tpu.memory_space<vmem>> -> memref<1x128x128xf32, #tpu.memory_space<vmem>>
          %dma_wait3A_151 = tpu.memref_squeeze %dma_wait3A_150 : memref<1x128x128xf32, #tpu.memory_space<vmem>> -> memref<128x128xf32, #tpu.memory_space<vmem>>
          %dma_wait3A_152 = arith.constant 0 : i32
          %dma_wait3A_153 = tpu.memref_slice %arg8[%run_scoped3A_131, %dma_wait3A_152] : memref<3x128xi32, #tpu.memory_space<vmem>> -> memref<1x128xi32, #tpu.memory_space<vmem>>
          %dma_wait3A_154 = tpu.memref_squeeze %dma_wait3A_153 : memref<1x128xi32, #tpu.memory_space<vmem>> -> memref<128xi32, #tpu.memory_space<vmem>>
          %dma_wait3A_155 = arith.constant 0 : i32
          %dma_wait3A_156 = arith.constant 0 : i32
          %dma_wait3A_157 = tpu.memref_slice %arg10[%dma_wait3A_155, %dma_wait3A_156] : memref<10112x128xf32, #tpu.memory_space<vmem_shared>> -> memref<10112x128xf32, #tpu.memory_space<vmem_shared>>
          tpu.wait_indirect_dma semaphore(%run_scoped3A_138 : memref<!tpu.dma_semaphore, #tpu.memory_space<semaphore_mem>>) src(%dma_wait3A_151 : memref<128x128xf32, #tpu.memory_space<vmem>>) dst(%dma_wait3A_157 : memref<10112x128xf32, #tpu.memory_space<vmem_shared>>)
          tpu.yield
        }) : () -> ()
        %add3A_132 = arith.constant 3 : i32
        %add3A_133 = arith.addi %add3A_115, %add3A_132 : i32
        %lt3A_134 = arith.cmpi slt, %add3A_133, %select_n3A : i32
        %convert_element_type3A_135 = arith.extui %lt3A_134 : i1 to i32
        %cond3A_136 = arith.constant 0 : i32
        %cond3A_137 = arith.cmpi ne, %convert_element_type3A_135, %cond3A_136 : i32
        scf.if %cond3A_137 {
          %add3A_138 = arith.constant 3 : i32
          %add3A_139 = arith.addi %add3A_115, %add3A_138 : i32
          %mul3A_140 = arith.constant 1250 : i32
          %mul3A_141 = arith.muli %arg0, %mul3A_140 : i32
          %add3A_142 = arith.addi %mul3A_141, %arg1 : i32
          %mul3A_143 = arith.constant 16 : i32
          %mul3A_144 = arith.muli %add3A_139, %mul3A_143 : i32
          %add3A_145 = arith.addi %add3A_142, %mul3A_144 : i32
          %mul3A_146 = arith.constant 128 : i32
          %mul3A_147 = arith.muli %add3A_145, %mul3A_146 : i32
          %mul3A_148 = arith.constant 1250 : i32
          %mul3A_149 = arith.muli %arg0, %mul3A_148 : i32
          %add3A_150 = arith.addi %mul3A_149, %arg1 : i32
          %mul3A_151 = arith.constant 16 : i32
          %mul3A_152 = arith.muli %add3A_139, %mul3A_151 : i32
          %add3A_153 = arith.addi %add3A_150, %mul3A_152 : i32
          %mul3A_154 = arith.constant 128 : i32
          %mul3A_155 = arith.muli %add3A_153, %mul3A_154 : i32
          %dma_start3A = arith.constant 2 : i32
          %dma_start3A_156 = arith.constant 0 : i32
          %dma_start3A_157 = tpu.memref_slice %arg7[%dma_start3A, %dma_start3A_156] : memref<3x128xi32, #tpu.memory_space<vmem>> -> memref<1x128xi32, #tpu.memory_space<vmem>>
          %dma_start3A_158 = tpu.memref_squeeze %dma_start3A_157 : memref<1x128xi32, #tpu.memory_space<vmem>> -> memref<128xi32, #tpu.memory_space<vmem>>
          %dma_start3A_159 = tpu.memref_slice %arg3[%mul3A_147] : memref<320000xi32, #tpu.memory_space<hbm>> -> memref<128xi32, #tpu.memory_space<hbm>>
          %dma_start3A_160 = arith.constant 0 : i32
          %dma_start3A_161 = tpu.memref_slice %arg7[%dma_start3A, %dma_start3A_160] : memref<3x128xi32, #tpu.memory_space<vmem>> -> memref<1x128xi32, #tpu.memory_space<vmem>>
          %dma_start3A_162 = tpu.memref_squeeze %dma_start3A_161 : memref<1x128xi32, #tpu.memory_space<vmem>> -> memref<128xi32, #tpu.memory_space<vmem>>
          %dma_start3A_163 = tpu.memref_slice %arg3[%mul3A_147] : memref<320000xi32, #tpu.memory_space<hbm>> -> memref<128xi32, #tpu.memory_space<hbm>>
          tpu.enqueue_dma source(%dma_start3A_163 : memref<128xi32, #tpu.memory_space<hbm>>) target(%dma_start3A_162 : memref<128xi32, #tpu.memory_space<vmem>>) target_semaphore(%arg13 : memref<!tpu.dma_semaphore, #tpu.memory_space<semaphore_mem>>)
          %dma_start3A_164 = arith.constant 2 : i32
          %dma_start3A_165 = arith.constant 0 : i32
          %dma_start3A_166 = tpu.memref_slice %arg8[%dma_start3A_164, %dma_start3A_165] : memref<3x128xi32, #tpu.memory_space<vmem>> -> memref<1x128xi32, #tpu.memory_space<vmem>>
          %dma_start3A_167 = tpu.memref_squeeze %dma_start3A_166 : memref<1x128xi32, #tpu.memory_space<vmem>> -> memref<128xi32, #tpu.memory_space<vmem>>
          %dma_start3A_168 = tpu.memref_slice %arg4[%mul3A_155] : memref<320000xi32, #tpu.memory_space<hbm>> -> memref<128xi32, #tpu.memory_space<hbm>>
          %dma_start3A_169 = arith.constant 0 : i32
          %dma_start3A_170 = tpu.memref_slice %arg8[%dma_start3A_164, %dma_start3A_169] : memref<3x128xi32, #tpu.memory_space<vmem>> -> memref<1x128xi32, #tpu.memory_space<vmem>>
          %dma_start3A_171 = tpu.memref_squeeze %dma_start3A_170 : memref<1x128xi32, #tpu.memory_space<vmem>> -> memref<128xi32, #tpu.memory_space<vmem>>
          %dma_start3A_172 = tpu.memref_slice %arg4[%mul3A_155] : memref<320000xi32, #tpu.memory_space<hbm>> -> memref<128xi32, #tpu.memory_space<hbm>>
          tpu.enqueue_dma source(%dma_start3A_172 : memref<128xi32, #tpu.memory_space<hbm>>) target(%dma_start3A_171 : memref<128xi32, #tpu.memory_space<vmem>>) target_semaphore(%arg13 : memref<!tpu.dma_semaphore, #tpu.memory_space<semaphore_mem>>)
        } else {
        }
      } else {
      }
    }
    %barrier3A_71 = arith.constant 0 : index
    tpu.barrier barrier_id(%barrier3A_71)
    "tpu.region"() ({
      %run_scoped3A = tpu.sem_alloc : memref<!tpu.dma_semaphore, #tpu.memory_space<semaphore_mem>>
      %dma_start3A = arith.constant 0 : i32
      %dma_start3A_72 = tpu.memref_slice %arg6[%arg0, %mul3A_0, %dma_start3A] : memref<2x10112x128xf32, #tpu.memory_space<hbm>> -> memref<1x632x128xf32, #tpu.memory_space<hbm>>
      %dma_start3A_73 = tpu.memref_squeeze %dma_start3A_72 : memref<1x632x128xf32, #tpu.memory_space<hbm>> -> memref<632x128xf32, #tpu.memory_space<hbm>>
      %dma_start3A_74 = arith.constant 0 : i32
      %dma_start3A_75 = tpu.memref_slice %arg10[%mul3A_0, %dma_start3A_74] : memref<10112x128xf32, #tpu.memory_space<vmem_shared>> -> memref<632x128xf32, #tpu.memory_space<vmem_shared>>
      tpu.enqueue_dma source(%dma_start3A_75 : memref<632x128xf32, #tpu.memory_space<vmem_shared>>) target(%dma_start3A_73 : memref<632x128xf32, #tpu.memory_space<hbm>>) target_semaphore(%run_scoped3A : memref<!tpu.dma_semaphore, #tpu.memory_space<semaphore_mem>>)
      %dma_wait3A = arith.constant 0 : i32
      %dma_wait3A_76 = tpu.memref_slice %arg6[%arg0, %mul3A_0, %dma_wait3A] : memref<2x10112x128xf32, #tpu.memory_space<hbm>> -> memref<1x632x128xf32, #tpu.memory_space<hbm>>
      %dma_wait3A_77 = tpu.memref_squeeze %dma_wait3A_76 : memref<1x632x128xf32, #tpu.memory_space<hbm>> -> memref<632x128xf32, #tpu.memory_space<hbm>>
      %dma_wait3A_78 = arith.constant 0 : i32
      %dma_wait3A_79 = tpu.memref_slice %arg10[%mul3A_0, %dma_wait3A_78] : memref<10112x128xf32, #tpu.memory_space<vmem_shared>> -> memref<632x128xf32, #tpu.memory_space<vmem_shared>>
      tpu.wait_dma2 semaphore(%run_scoped3A : memref<!tpu.dma_semaphore, #tpu.memory_space<semaphore_mem>>) src(%dma_wait3A_79 : memref<632x128xf32, #tpu.memory_space<vmem_shared>>) dst(%dma_wait3A_77 : memref<632x128xf32, #tpu.memory_space<hbm>>)
      tpu.yield
    }) : () -> ()
    return
  }
}

#map = affine_map<(d0, d1) -> (0, 0)>
#map1 = affine_map<(d0, d1) -> (0)>
#map2 = affine_map<(d0, d1) -> (0, 0, 0)>
module attributes {stable_mosaic.version = 14 : i64} {
  func.func @k(%arg0: i32, %arg1: i32, %arg2: memref<10000x128xf32, #tpu.memory_space<hbm>>, %arg3: memref<320000xi32, #tpu.memory_space<hbm>>, %arg4: memref<320000xi32, #tpu.memory_space<hbm>>, %arg5: memref<10112x128xf32, #tpu.memory_space<hbm>>, %arg6: memref<2x10112x128xf32, #tpu.memory_space<hbm>>, %arg7: memref<3x128xi32, #tpu.memory_space<vmem>>, %arg8: memref<3x128xi32, #tpu.memory_space<vmem>>, %arg9: memref<3x128x128xf32, #tpu.memory_space<vmem>>, %arg10: memref<10112x128xf32, #tpu.memory_space<vmem_shared>>, %arg11: memref<!tpu.dma_semaphore, #tpu.memory_space<semaphore_mem>>, %arg12: memref<!tpu.dma_semaphore, #tpu.memory_space<semaphore_mem>>, %arg13: memref<!tpu.dma_semaphore, #tpu.memory_space<semaphore_mem>>, %arg14: memref<!tpu.dma_semaphore, #tpu.memory_space<semaphore_mem>>, %arg15: memref<!tpu.dma_semaphore, #tpu.memory_space<semaphore_mem>>, %arg16: memref<!tpu.dma_semaphore, #tpu.memory_space<semaphore_mem>>) attributes {dimension_semantics = [#tpu.dimension_semantics<core_parallel>, #tpu.dimension_semantics<subcore_parallel>], iteration_bounds = array<i64: 2, 16>, scalar_prefetch = 0 : i64, scratch_operands = 10 : i64, tpu.core_type = #tpu.core_type<sc_vector_subcore>, window_params = [{transform_indices = #map}, {transform_indices = #map1}, {transform_indices = #map1}, {transform_indices = #map}, {transform_indices = #map2}]} {
    %mul3A = arith.constant 632 : i32
    %mul3A_0 = arith.muli %arg1, %mul3A : i32
    "tpu.region"() ({
      %run_scoped3A = tpu.sem_alloc : memref<!tpu.dma_semaphore, #tpu.memory_space<semaphore_mem>>
      %dma_start3A = arith.constant 0 : i32
      %dma_start3A_72 = tpu.memref_slice %arg10[%mul3A_0, %dma_start3A] : memref<10112x128xf32, #tpu.memory_space<vmem_shared>> -> memref<632x128xf32, #tpu.memory_space<vmem_shared>>
      %dma_start3A_73 = arith.constant 0 : i32
      %dma_start3A_74 = tpu.memref_slice %arg5[%mul3A_0, %dma_start3A_73] : memref<10112x128xf32, #tpu.memory_space<hbm>> -> memref<632x128xf32, #tpu.memory_space<hbm>>
      tpu.enqueue_dma source(%dma_start3A_74 : memref<632x128xf32, #tpu.memory_space<hbm>>) target(%dma_start3A_72 : memref<632x128xf32, #tpu.memory_space<vmem_shared>>) target_semaphore(%run_scoped3A : memref<!tpu.dma_semaphore, #tpu.memory_space<semaphore_mem>>)
      %dma_wait3A = arith.constant 0 : i32
      %dma_wait3A_75 = tpu.memref_slice %arg10[%mul3A_0, %dma_wait3A] : memref<10112x128xf32, #tpu.memory_space<vmem_shared>> -> memref<632x128xf32, #tpu.memory_space<vmem_shared>>
      %dma_wait3A_76 = arith.constant 0 : i32
      %dma_wait3A_77 = tpu.memref_slice %arg5[%mul3A_0, %dma_wait3A_76] : memref<10112x128xf32, #tpu.memory_space<hbm>> -> memref<632x128xf32, #tpu.memory_space<hbm>>
      tpu.wait_dma2 semaphore(%run_scoped3A : memref<!tpu.dma_semaphore, #tpu.memory_space<semaphore_mem>>) src(%dma_wait3A_77 : memref<632x128xf32, #tpu.memory_space<hbm>>) dst(%dma_wait3A_75 : memref<632x128xf32, #tpu.memory_space<vmem_shared>>)
      tpu.yield
    }) : () -> ()
    %sub3A = arith.constant 1250 : i32
    %sub3A_1 = arith.subi %sub3A, %arg1 : i32
    %add3A = arith.constant 16 : i32
    %add3A_2 = arith.addi %sub3A_1, %add3A : i32
    %sub3A_3 = arith.constant 1 : i32
    %sub3A_4 = arith.subi %add3A_2, %sub3A_3 : i32
    %jit3A = arith.constant 16 : i32
    %div3A = arith.divsi %sub3A_4, %jit3A : i32
    %sign3A = arith.constant 0 : i32
    %sign3A_5 = arith.cmpi sgt, %sub3A_4, %sign3A : i32
    %sign3A_6 = arith.extui %sign3A_5 : i1 to i32
    %sign3A_7 = arith.constant 0 : i32
    %sign3A_8 = arith.cmpi slt, %sub3A_4, %sign3A_7 : i32
    %sign3A_9 = arith.extui %sign3A_8 : i1 to i32
    %sign3A_10 = arith.subi %sign3A_6, %sign3A_9 : i32
    %sign3A_11 = arith.constant 0 : i32
    %sign3A_12 = arith.cmpi sgt, %jit3A, %sign3A_11 : i32
    %sign3A_13 = arith.extui %sign3A_12 : i1 to i32
    %sign3A_14 = arith.constant 0 : i32
    %sign3A_15 = arith.cmpi slt, %jit3A, %sign3A_14 : i32
    %sign3A_16 = arith.extui %sign3A_15 : i1 to i32
    %sign3A_17 = arith.subi %sign3A_13, %sign3A_16 : i32
    %ne3A = arith.cmpi ne, %sign3A_10, %sign3A_17 : i32
    %rem3A = arith.remsi %sub3A_4, %jit3A : i32
    %ne3A_18 = arith.constant 0 : i32
    %ne3A_19 = arith.cmpi ne, %rem3A, %ne3A_18 : i32
    %and3A = arith.andi %ne3A, %ne3A_19 : i1
    %sub3A_20 = arith.constant 1 : i32
    %sub3A_21 = arith.subi %div3A, %sub3A_20 : i32
    %select_n3A = arith.select %and3A, %sub3A_21, %div3A : i32
    %gt3A = arith.constant 0 : i32
    %gt3A_22 = arith.cmpi sgt, %select_n3A, %gt3A : i32
    %convert_element_type3A = arith.extui %gt3A_22 : i1 to i32
    %cond3A = arith.constant 0 : i32
    %cond3A_23 = arith.cmpi ne, %convert_element_type3A, %cond3A : i32
    scf.if %cond3A_23 {
      %mul3A_72 = arith.constant 1250 : i32
      %mul3A_73 = arith.muli %arg0, %mul3A_72 : i32
      %add3A_74 = arith.addi %mul3A_73, %arg1 : i32
      %add3A_75 = arith.constant 0 : i32
      %add3A_76 = arith.addi %add3A_74, %add3A_75 : i32
      %mul3A_77 = arith.constant 128 : i32
      %mul3A_78 = arith.muli %add3A_76, %mul3A_77 : i32
      %mul3A_79 = arith.constant 1250 : i32
      %mul3A_80 = arith.muli %arg0, %mul3A_79 : i32
      %add3A_81 = arith.addi %mul3A_80, %arg1 : i32
      %add3A_82 = arith.constant 0 : i32
      %add3A_83 = arith.addi %add3A_81, %add3A_82 : i32
      %mul3A_84 = arith.constant 128 : i32
      %mul3A_85 = arith.muli %add3A_83, %mul3A_84 : i32
      %dma_start3A = arith.constant 0 : i32
      %dma_start3A_86 = arith.constant 0 : i32
      %dma_start3A_87 = tpu.memref_slice %arg7[%dma_start3A, %dma_start3A_86] : memref<3x128xi32, #tpu.memory_space<vmem>> -> memref<1x128xi32, #tpu.memory_space<vmem>>
      %dma_start3A_88 = tpu.memref_squeeze %dma_start3A_87 : memref<1x128xi32, #tpu.memory_space<vmem>> -> memref<128xi32, #tpu.memory_space<vmem>>
      %dma_start3A_89 = tpu.memref_slice %arg3[%mul3A_78] : memref<320000xi32, #tpu.memory_space<hbm>> -> memref<128xi32, #tpu.memory_space<hbm>>
      %dma_start3A_90 = arith.constant 0 : i32
      %dma_start3A_91 = tpu.memref_slice %arg7[%dma_start3A, %dma_start3A_90] : memref<3x128xi32, #tpu.memory_space<vmem>> -> memref<1x128xi32, #tpu.memory_space<vmem>>
      %dma_start3A_92 = tpu.memref_squeeze %dma_start3A_91 : memref<1x128xi32, #tpu.memory_space<vmem>> -> memref<128xi32, #tpu.memory_space<vmem>>
      %dma_start3A_93 = tpu.memref_slice %arg3[%mul3A_78] : memref<320000xi32, #tpu.memory_space<hbm>> -> memref<128xi32, #tpu.memory_space<hbm>>
      tpu.enqueue_dma source(%dma_start3A_93 : memref<128xi32, #tpu.memory_space<hbm>>) target(%dma_start3A_92 : memref<128xi32, #tpu.memory_space<vmem>>) target_semaphore(%arg11 : memref<!tpu.dma_semaphore, #tpu.memory_space<semaphore_mem>>)
      %dma_start3A_94 = arith.constant 0 : i32
      %dma_start3A_95 = arith.constant 0 : i32
      %dma_start3A_96 = tpu.memref_slice %arg8[%dma_start3A_94, %dma_start3A_95] : memref<3x128xi32, #tpu.memory_space<vmem>> -> memref<1x128xi32, #tpu.memory_space<vmem>>
      %dma_start3A_97 = tpu.memref_squeeze %dma_start3A_96 : memref<1x128xi32, #tpu.memory_space<vmem>> -> memref<128xi32, #tpu.memory_space<vmem>>
      %dma_start3A_98 = tpu.memref_slice %arg4[%mul3A_85] : memref<320000xi32, #tpu.memory_space<hbm>> -> memref<128xi32, #tpu.memory_space<hbm>>
      %dma_start3A_99 = arith.constant 0 : i32
      %dma_start3A_100 = tpu.memref_slice %arg8[%dma_start3A_94, %dma_start3A_99] : memref<3x128xi32, #tpu.memory_space<vmem>> -> memref<1x128xi32, #tpu.memory_space<vmem>>
      %dma_start3A_101 = tpu.memref_squeeze %dma_start3A_100 : memref<1x128xi32, #tpu.memory_space<vmem>> -> memref<128xi32, #tpu.memory_space<vmem>>
      %dma_start3A_102 = tpu.memref_slice %arg4[%mul3A_85] : memref<320000xi32, #tpu.memory_space<hbm>> -> memref<128xi32, #tpu.memory_space<hbm>>
      tpu.enqueue_dma source(%dma_start3A_102 : memref<128xi32, #tpu.memory_space<hbm>>) target(%dma_start3A_101 : memref<128xi32, #tpu.memory_space<vmem>>) target_semaphore(%arg11 : memref<!tpu.dma_semaphore, #tpu.memory_space<semaphore_mem>>)
    } else {
    }
    %gt3A_24 = arith.constant 1 : i32
    %gt3A_25 = arith.cmpi sgt, %select_n3A, %gt3A_24 : i32
    %convert_element_type3A_26 = arith.extui %gt3A_25 : i1 to i32
    %cond3A_27 = arith.constant 0 : i32
    %cond3A_28 = arith.cmpi ne, %convert_element_type3A_26, %cond3A_27 : i32
    scf.if %cond3A_28 {
      %mul3A_72 = arith.constant 1250 : i32
      %mul3A_73 = arith.muli %arg0, %mul3A_72 : i32
      %add3A_74 = arith.addi %mul3A_73, %arg1 : i32
      %add3A_75 = arith.constant 16 : i32
      %add3A_76 = arith.addi %add3A_74, %add3A_75 : i32
      %mul3A_77 = arith.constant 128 : i32
      %mul3A_78 = arith.muli %add3A_76, %mul3A_77 : i32
      %mul3A_79 = arith.constant 1250 : i32
      %mul3A_80 = arith.muli %arg0, %mul3A_79 : i32
      %add3A_81 = arith.addi %mul3A_80, %arg1 : i32
      %add3A_82 = arith.constant 16 : i32
      %add3A_83 = arith.addi %add3A_81, %add3A_82 : i32
      %mul3A_84 = arith.constant 128 : i32
      %mul3A_85 = arith.muli %add3A_83, %mul3A_84 : i32
      %dma_start3A = arith.constant 1 : i32
      %dma_start3A_86 = arith.constant 0 : i32
      %dma_start3A_87 = tpu.memref_slice %arg7[%dma_start3A, %dma_start3A_86] : memref<3x128xi32, #tpu.memory_space<vmem>> -> memref<1x128xi32, #tpu.memory_space<vmem>>
      %dma_start3A_88 = tpu.memref_squeeze %dma_start3A_87 : memref<1x128xi32, #tpu.memory_space<vmem>> -> memref<128xi32, #tpu.memory_space<vmem>>
      %dma_start3A_89 = tpu.memref_slice %arg3[%mul3A_78] : memref<320000xi32, #tpu.memory_space<hbm>> -> memref<128xi32, #tpu.memory_space<hbm>>
      %dma_start3A_90 = arith.constant 0 : i32
      %dma_start3A_91 = tpu.memref_slice %arg7[%dma_start3A, %dma_start3A_90] : memref<3x128xi32, #tpu.memory_space<vmem>> -> memref<1x128xi32, #tpu.memory_space<vmem>>
      %dma_start3A_92 = tpu.memref_squeeze %dma_start3A_91 : memref<1x128xi32, #tpu.memory_space<vmem>> -> memref<128xi32, #tpu.memory_space<vmem>>
      %dma_start3A_93 = tpu.memref_slice %arg3[%mul3A_78] : memref<320000xi32, #tpu.memory_space<hbm>> -> memref<128xi32, #tpu.memory_space<hbm>>
      tpu.enqueue_dma source(%dma_start3A_93 : memref<128xi32, #tpu.memory_space<hbm>>) target(%dma_start3A_92 : memref<128xi32, #tpu.memory_space<vmem>>) target_semaphore(%arg12 : memref<!tpu.dma_semaphore, #tpu.memory_space<semaphore_mem>>)
      %dma_start3A_94 = arith.constant 1 : i32
      %dma_start3A_95 = arith.constant 0 : i32
      %dma_start3A_96 = tpu.memref_slice %arg8[%dma_start3A_94, %dma_start3A_95] : memref<3x128xi32, #tpu.memory_space<vmem>> -> memref<1x128xi32, #tpu.memory_space<vmem>>
      %dma_start3A_97 = tpu.memref_squeeze %dma_start3A_96 : memref<1x128xi32, #tpu.memory_space<vmem>> -> memref<128xi32, #tpu.memory_space<vmem>>
      %dma_start3A_98 = tpu.memref_slice %arg4[%mul3A_85] : memref<320000xi32, #tpu.memory_space<hbm>> -> memref<128xi32, #tpu.memory_space<hbm>>
      %dma_start3A_99 = arith.constant 0 : i32
      %dma_start3A_100 = tpu.memref_slice %arg8[%dma_start3A_94, %dma_start3A_99] : memref<3x128xi32, #tpu.memory_space<vmem>> -> memref<1x128xi32, #tpu.memory_space<vmem>>
      %dma_start3A_101 = tpu.memref_squeeze %dma_start3A_100 : memref<1x128xi32, #tpu.memory_space<vmem>> -> memref<128xi32, #tpu.memory_space<vmem>>
      %dma_start3A_102 = tpu.memref_slice %arg4[%mul3A_85] : memref<320000xi32, #tpu.memory_space<hbm>> -> memref<128xi32, #tpu.memory_space<hbm>>
      tpu.enqueue_dma source(%dma_start3A_102 : memref<128xi32, #tpu.memory_space<hbm>>) target(%dma_start3A_101 : memref<128xi32, #tpu.memory_space<vmem>>) target_semaphore(%arg12 : memref<!tpu.dma_semaphore, #tpu.memory_space<semaphore_mem>>)
    } else {
    }
    %gt3A_29 = arith.constant 2 : i32
    %gt3A_30 = arith.cmpi sgt, %select_n3A, %gt3A_29 : i32
    %convert_element_type3A_31 = arith.extui %gt3A_30 : i1 to i32
    %cond3A_32 = arith.constant 0 : i32
    %cond3A_33 = arith.cmpi ne, %convert_element_type3A_31, %cond3A_32 : i32
    scf.if %cond3A_33 {
      %mul3A_72 = arith.constant 1250 : i32
      %mul3A_73 = arith.muli %arg0, %mul3A_72 : i32
      %add3A_74 = arith.addi %mul3A_73, %arg1 : i32
      %add3A_75 = arith.constant 32 : i32
      %add3A_76 = arith.addi %add3A_74, %add3A_75 : i32
      %mul3A_77 = arith.constant 128 : i32
      %mul3A_78 = arith.muli %add3A_76, %mul3A_77 : i32
      %mul3A_79 = arith.constant 1250 : i32
      %mul3A_80 = arith.muli %arg0, %mul3A_79 : i32
      %add3A_81 = arith.addi %mul3A_80, %arg1 : i32
      %add3A_82 = arith.constant 32 : i32
      %add3A_83 = arith.addi %add3A_81, %add3A_82 : i32
      %mul3A_84 = arith.constant 128 : i32
      %mul3A_85 = arith.muli %add3A_83, %mul3A_84 : i32
      %dma_start3A = arith.constant 2 : i32
      %dma_start3A_86 = arith.constant 0 : i32
      %dma_start3A_87 = tpu.memref_slice %arg7[%dma_start3A, %dma_start3A_86] : memref<3x128xi32, #tpu.memory_space<vmem>> -> memref<1x128xi32, #tpu.memory_space<vmem>>
      %dma_start3A_88 = tpu.memref_squeeze %dma_start3A_87 : memref<1x128xi32, #tpu.memory_space<vmem>> -> memref<128xi32, #tpu.memory_space<vmem>>
      %dma_start3A_89 = tpu.memref_slice %arg3[%mul3A_78] : memref<320000xi32, #tpu.memory_space<hbm>> -> memref<128xi32, #tpu.memory_space<hbm>>
      %dma_start3A_90 = arith.constant 0 : i32
      %dma_start3A_91 = tpu.memref_slice %arg7[%dma_start3A, %dma_start3A_90] : memref<3x128xi32, #tpu.memory_space<vmem>> -> memref<1x128xi32, #tpu.memory_space<vmem>>
      %dma_start3A_92 = tpu.memref_squeeze %dma_start3A_91 : memref<1x128xi32, #tpu.memory_space<vmem>> -> memref<128xi32, #tpu.memory_space<vmem>>
      %dma_start3A_93 = tpu.memref_slice %arg3[%mul3A_78] : memref<320000xi32, #tpu.memory_space<hbm>> -> memref<128xi32, #tpu.memory_space<hbm>>
      tpu.enqueue_dma source(%dma_start3A_93 : memref<128xi32, #tpu.memory_space<hbm>>) target(%dma_start3A_92 : memref<128xi32, #tpu.memory_space<vmem>>) target_semaphore(%arg13 : memref<!tpu.dma_semaphore, #tpu.memory_space<semaphore_mem>>)
      %dma_start3A_94 = arith.constant 2 : i32
      %dma_start3A_95 = arith.constant 0 : i32
      %dma_start3A_96 = tpu.memref_slice %arg8[%dma_start3A_94, %dma_start3A_95] : memref<3x128xi32, #tpu.memory_space<vmem>> -> memref<1x128xi32, #tpu.memory_space<vmem>>
      %dma_start3A_97 = tpu.memref_squeeze %dma_start3A_96 : memref<1x128xi32, #tpu.memory_space<vmem>> -> memref<128xi32, #tpu.memory_space<vmem>>
      %dma_start3A_98 = tpu.memref_slice %arg4[%mul3A_85] : memref<320000xi32, #tpu.memory_space<hbm>> -> memref<128xi32, #tpu.memory_space<hbm>>
      %dma_start3A_99 = arith.constant 0 : i32
      %dma_start3A_100 = tpu.memref_slice %arg8[%dma_start3A_94, %dma_start3A_99] : memref<3x128xi32, #tpu.memory_space<vmem>> -> memref<1x128xi32, #tpu.memory_space<vmem>>
      %dma_start3A_101 = tpu.memref_squeeze %dma_start3A_100 : memref<1x128xi32, #tpu.memory_space<vmem>> -> memref<128xi32, #tpu.memory_space<vmem>>
      %dma_start3A_102 = tpu.memref_slice %arg4[%mul3A_85] : memref<320000xi32, #tpu.memory_space<hbm>> -> memref<128xi32, #tpu.memory_space<hbm>>
      tpu.enqueue_dma source(%dma_start3A_102 : memref<128xi32, #tpu.memory_space<hbm>>) target(%dma_start3A_101 : memref<128xi32, #tpu.memory_space<vmem>>) target_semaphore(%arg13 : memref<!tpu.dma_semaphore, #tpu.memory_space<semaphore_mem>>)
    } else {
    }
    %barrier3A = arith.constant 0 : index
    tpu.barrier barrier_id(%barrier3A)
    %add3A_34 = arith.constant 3 : i32
    %add3A_35 = arith.addi %select_n3A, %add3A_34 : i32
    %sub3A_36 = arith.constant 1 : i32
    %sub3A_37 = arith.subi %add3A_35, %sub3A_36 : i32
    %jit3A_38 = arith.constant 3 : i32
    %div3A_39 = arith.divsi %sub3A_37, %jit3A_38 : i32
    %sign3A_40 = arith.constant 0 : i32
    %sign3A_41 = arith.cmpi sgt, %sub3A_37, %sign3A_40 : i32
    %sign3A_42 = arith.extui %sign3A_41 : i1 to i32
    %sign3A_43 = arith.constant 0 : i32
    %sign3A_44 = arith.cmpi slt, %sub3A_37, %sign3A_43 : i32
    %sign3A_45 = arith.extui %sign3A_44 : i1 to i32
    %sign3A_46 = arith.subi %sign3A_42, %sign3A_45 : i32
    %sign3A_47 = arith.constant 0 : i32
    %sign3A_48 = arith.cmpi sgt, %jit3A_38, %sign3A_47 : i32
    %sign3A_49 = arith.extui %sign3A_48 : i1 to i32
    %sign3A_50 = arith.constant 0 : i32
    %sign3A_51 = arith.cmpi slt, %jit3A_38, %sign3A_50 : i32
    %sign3A_52 = arith.extui %sign3A_51 : i1 to i32
    %sign3A_53 = arith.subi %sign3A_49, %sign3A_52 : i32
    %ne3A_54 = arith.cmpi ne, %sign3A_46, %sign3A_53 : i32
    %rem3A_55 = arith.remsi %sub3A_37, %jit3A_38 : i32
    %ne3A_56 = arith.constant 0 : i32
    %ne3A_57 = arith.cmpi ne, %rem3A_55, %ne3A_56 : i32
    %and3A_58 = arith.andi %ne3A_54, %ne3A_57 : i1
    %sub3A_59 = arith.constant 1 : i32
    %sub3A_60 = arith.subi %div3A_39, %sub3A_59 : i32
    %select_n3A_61 = arith.select %and3A_58, %sub3A_60, %div3A_39 : i32
    %while3A = arith.constant 0 : i32
    %while3A_62 = arith.constant 0 : i32
    %while3A_63 = arith.subi %select_n3A_61, %while3A_62 : i32
    %while3A_64 = arith.addi %while3A_62, %while3A_63 : i32
    %while3A_65 = arith.constant 1 : i32
    %while3A_66 = arith.divsi %while3A_63, %while3A_65 : i32
    %while3A_67 = arith.muli %while3A_66, %while3A_65 : i32
    %while3A_68 = arith.addi %while3A_62, %while3A_67 : i32
    %while3A_69 = arith.constant 1 : i32
    scf.for %while3A_72 = %while3A_62 to %while3A_68 step %while3A_69  : i32 {
      %mul3A_73 = arith.constant 3 : i32
      %mul3A_74 = arith.muli %while3A_72, %mul3A_73 : i32
      %add3A_75 = arith.constant 0 : i32
      %add3A_76 = arith.addi %mul3A_74, %add3A_75 : i32
      %lt3A = arith.cmpi slt, %add3A_76, %select_n3A : i32
      %convert_element_type3A_77 = arith.extui %lt3A : i1 to i32
      %cond3A_78 = arith.constant 0 : i32
      %cond3A_79 = arith.cmpi ne, %convert_element_type3A_77, %cond3A_78 : i32
      scf.if %cond3A_79 {
        %mul3A_120 = arith.constant 1250 : i32
        %mul3A_121 = arith.muli %arg0, %mul3A_120 : i32
        %add3A_122 = arith.addi %mul3A_121, %arg1 : i32
        %mul3A_123 = arith.constant 16 : i32
        %mul3A_124 = arith.muli %add3A_76, %mul3A_123 : i32
        %add3A_125 = arith.addi %add3A_122, %mul3A_124 : i32
        %mul3A_126 = arith.constant 128 : i32
        %mul3A_127 = arith.muli %add3A_125, %mul3A_126 : i32
        %mul3A_128 = arith.constant 1250 : i32
        %mul3A_129 = arith.muli %arg0, %mul3A_128 : i32
        %add3A_130 = arith.addi %mul3A_129, %arg1 : i32
        %mul3A_131 = arith.constant 16 : i32
        %mul3A_132 = arith.muli %add3A_76, %mul3A_131 : i32
        %add3A_133 = arith.addi %add3A_130, %mul3A_132 : i32
        %mul3A_134 = arith.constant 128 : i32
        %mul3A_135 = arith.muli %add3A_133, %mul3A_134 : i32
        %dma_wait3A = arith.constant 0 : i32
        %dma_wait3A_136 = arith.constant 0 : i32
        %dma_wait3A_137 = tpu.memref_slice %arg7[%dma_wait3A, %dma_wait3A_136] : memref<3x128xi32, #tpu.memory_space<vmem>> -> memref<1x128xi32, #tpu.memory_space<vmem>>
        %dma_wait3A_138 = tpu.memref_squeeze %dma_wait3A_137 : memref<1x128xi32, #tpu.memory_space<vmem>> -> memref<128xi32, #tpu.memory_space<vmem>>
        %dma_wait3A_139 = tpu.memref_slice %arg3[%mul3A_127] : memref<320000xi32, #tpu.memory_space<hbm>> -> memref<128xi32, #tpu.memory_space<hbm>>
        %dma_wait3A_140 = arith.constant 0 : i32
        %dma_wait3A_141 = tpu.memref_slice %arg7[%dma_wait3A, %dma_wait3A_140] : memref<3x128xi32, #tpu.memory_space<vmem>> -> memref<1x128xi32, #tpu.memory_space<vmem>>
        %dma_wait3A_142 = tpu.memref_squeeze %dma_wait3A_141 : memref<1x128xi32, #tpu.memory_space<vmem>> -> memref<128xi32, #tpu.memory_space<vmem>>
        %dma_wait3A_143 = tpu.memref_slice %arg3[%mul3A_127] : memref<320000xi32, #tpu.memory_space<hbm>> -> memref<128xi32, #tpu.memory_space<hbm>>
        tpu.wait_dma2 semaphore(%arg11 : memref<!tpu.dma_semaphore, #tpu.memory_space<semaphore_mem>>) src(%dma_wait3A_143 : memref<128xi32, #tpu.memory_space<hbm>>) dst(%dma_wait3A_142 : memref<128xi32, #tpu.memory_space<vmem>>)
        %dma_wait3A_144 = arith.constant 0 : i32
        %dma_wait3A_145 = arith.constant 0 : i32
        %dma_wait3A_146 = tpu.memref_slice %arg8[%dma_wait3A_144, %dma_wait3A_145] : memref<3x128xi32, #tpu.memory_space<vmem>> -> memref<1x128xi32, #tpu.memory_space<vmem>>
        %dma_wait3A_147 = tpu.memref_squeeze %dma_wait3A_146 : memref<1x128xi32, #tpu.memory_space<vmem>> -> memref<128xi32, #tpu.memory_space<vmem>>
        %dma_wait3A_148 = tpu.memref_slice %arg4[%mul3A_135] : memref<320000xi32, #tpu.memory_space<hbm>> -> memref<128xi32, #tpu.memory_space<hbm>>
        %dma_wait3A_149 = arith.constant 0 : i32
        %dma_wait3A_150 = tpu.memref_slice %arg8[%dma_wait3A_144, %dma_wait3A_149] : memref<3x128xi32, #tpu.memory_space<vmem>> -> memref<1x128xi32, #tpu.memory_space<vmem>>
        %dma_wait3A_151 = tpu.memref_squeeze %dma_wait3A_150 : memref<1x128xi32, #tpu.memory_space<vmem>> -> memref<128xi32, #tpu.memory_space<vmem>>
        %dma_wait3A_152 = tpu.memref_slice %arg4[%mul3A_135] : memref<320000xi32, #tpu.memory_space<hbm>> -> memref<128xi32, #tpu.memory_space<hbm>>
        tpu.wait_dma2 semaphore(%arg11 : memref<!tpu.dma_semaphore, #tpu.memory_space<semaphore_mem>>) src(%dma_wait3A_152 : memref<128xi32, #tpu.memory_space<hbm>>) dst(%dma_wait3A_151 : memref<128xi32, #tpu.memory_space<vmem>>)
        %dma_start3A = arith.constant 0 : i32
        %dma_start3A_153 = arith.constant 0 : i32
        %dma_start3A_154 = arith.constant 0 : i32
        %dma_start3A_155 = arith.constant 0 : i32
        %dma_start3A_156 = tpu.memref_slice %arg9[%dma_start3A_153, %dma_start3A_154, %dma_start3A_155] : memref<3x128x128xf32, #tpu.memory_space<vmem>> -> memref<1x128x128xf32, #tpu.memory_space<vmem>>
        %dma_start3A_157 = tpu.memref_squeeze %dma_start3A_156 : memref<1x128x128xf32, #tpu.memory_space<vmem>> -> memref<128x128xf32, #tpu.memory_space<vmem>>
        %dma_start3A_158 = arith.constant 0 : i32
        %dma_start3A_159 = tpu.memref_slice %arg7[%dma_start3A, %dma_start3A_158] : memref<3x128xi32, #tpu.memory_space<vmem>> -> memref<1x128xi32, #tpu.memory_space<vmem>>
        %dma_start3A_160 = tpu.memref_squeeze %dma_start3A_159 : memref<1x128xi32, #tpu.memory_space<vmem>> -> memref<128xi32, #tpu.memory_space<vmem>>
        %dma_start3A_161 = arith.constant 0 : i32
        %dma_start3A_162 = arith.constant 0 : i32
        %dma_start3A_163 = tpu.memref_slice %arg2[%dma_start3A_161, %dma_start3A_162] : memref<10000x128xf32, #tpu.memory_space<hbm>> -> memref<10000x128xf32, #tpu.memory_space<hbm>>
        tpu.enqueue_indirect_dma source(%dma_start3A_163 : memref<10000x128xf32, #tpu.memory_space<hbm>>) target(%dma_start3A_157 : memref<128x128xf32, #tpu.memory_space<vmem>>) offsets(%dma_start3A_160 : memref<128xi32, #tpu.memory_space<vmem>>) semaphore(%arg14 : memref<!tpu.dma_semaphore, #tpu.memory_space<semaphore_mem>>)
      } else {
      }
      %mul3A_80 = arith.constant 3 : i32
      %mul3A_81 = arith.muli %while3A_72, %mul3A_80 : i32
      %add3A_82 = arith.constant 1 : i32
      %add3A_83 = arith.addi %mul3A_81, %add3A_82 : i32
      %lt3A_84 = arith.cmpi slt, %add3A_83, %select_n3A : i32
      %convert_element_type3A_85 = arith.extui %lt3A_84 : i1 to i32
      %cond3A_86 = arith.constant 0 : i32
      %cond3A_87 = arith.cmpi ne, %convert_element_type3A_85, %cond3A_86 : i32
      scf.if %cond3A_87 {
        %mul3A_120 = arith.constant 1250 : i32
        %mul3A_121 = arith.muli %arg0, %mul3A_120 : i32
        %add3A_122 = arith.addi %mul3A_121, %arg1 : i32
        %mul3A_123 = arith.constant 16 : i32
        %mul3A_124 = arith.muli %add3A_83, %mul3A_123 : i32
        %add3A_125 = arith.addi %add3A_122, %mul3A_124 : i32
        %mul3A_126 = arith.constant 128 : i32
        %mul3A_127 = arith.muli %add3A_125, %mul3A_126 : i32
        %mul3A_128 = arith.constant 1250 : i32
        %mul3A_129 = arith.muli %arg0, %mul3A_128 : i32
        %add3A_130 = arith.addi %mul3A_129, %arg1 : i32
        %mul3A_131 = arith.constant 16 : i32
        %mul3A_132 = arith.muli %add3A_83, %mul3A_131 : i32
        %add3A_133 = arith.addi %add3A_130, %mul3A_132 : i32
        %mul3A_134 = arith.constant 128 : i32
        %mul3A_135 = arith.muli %add3A_133, %mul3A_134 : i32
        %dma_wait3A = arith.constant 1 : i32
        %dma_wait3A_136 = arith.constant 0 : i32
        %dma_wait3A_137 = tpu.memref_slice %arg7[%dma_wait3A, %dma_wait3A_136] : memref<3x128xi32, #tpu.memory_space<vmem>> -> memref<1x128xi32, #tpu.memory_space<vmem>>
        %dma_wait3A_138 = tpu.memref_squeeze %dma_wait3A_137 : memref<1x128xi32, #tpu.memory_space<vmem>> -> memref<128xi32, #tpu.memory_space<vmem>>
        %dma_wait3A_139 = tpu.memref_slice %arg3[%mul3A_127] : memref<320000xi32, #tpu.memory_space<hbm>> -> memref<128xi32, #tpu.memory_space<hbm>>
        %dma_wait3A_140 = arith.constant 0 : i32
        %dma_wait3A_141 = tpu.memref_slice %arg7[%dma_wait3A, %dma_wait3A_140] : memref<3x128xi32, #tpu.memory_space<vmem>> -> memref<1x128xi32, #tpu.memory_space<vmem>>
        %dma_wait3A_142 = tpu.memref_squeeze %dma_wait3A_141 : memref<1x128xi32, #tpu.memory_space<vmem>> -> memref<128xi32, #tpu.memory_space<vmem>>
        %dma_wait3A_143 = tpu.memref_slice %arg3[%mul3A_127] : memref<320000xi32, #tpu.memory_space<hbm>> -> memref<128xi32, #tpu.memory_space<hbm>>
        tpu.wait_dma2 semaphore(%arg12 : memref<!tpu.dma_semaphore, #tpu.memory_space<semaphore_mem>>) src(%dma_wait3A_143 : memref<128xi32, #tpu.memory_space<hbm>>) dst(%dma_wait3A_142 : memref<128xi32, #tpu.memory_space<vmem>>)
        %dma_wait3A_144 = arith.constant 1 : i32
        %dma_wait3A_145 = arith.constant 0 : i32
        %dma_wait3A_146 = tpu.memref_slice %arg8[%dma_wait3A_144, %dma_wait3A_145] : memref<3x128xi32, #tpu.memory_space<vmem>> -> memref<1x128xi32, #tpu.memory_space<vmem>>
        %dma_wait3A_147 = tpu.memref_squeeze %dma_wait3A_146 : memref<1x128xi32, #tpu.memory_space<vmem>> -> memref<128xi32, #tpu.memory_space<vmem>>
        %dma_wait3A_148 = tpu.memref_slice %arg4[%mul3A_135] : memref<320000xi32, #tpu.memory_space<hbm>> -> memref<128xi32, #tpu.memory_space<hbm>>
        %dma_wait3A_149 = arith.constant 0 : i32
        %dma_wait3A_150 = tpu.memref_slice %arg8[%dma_wait3A_144, %dma_wait3A_149] : memref<3x128xi32, #tpu.memory_space<vmem>> -> memref<1x128xi32, #tpu.memory_space<vmem>>
        %dma_wait3A_151 = tpu.memref_squeeze %dma_wait3A_150 : memref<1x128xi32, #tpu.memory_space<vmem>> -> memref<128xi32, #tpu.memory_space<vmem>>
        %dma_wait3A_152 = tpu.memref_slice %arg4[%mul3A_135] : memref<320000xi32, #tpu.memory_space<hbm>> -> memref<128xi32, #tpu.memory_space<hbm>>
        tpu.wait_dma2 semaphore(%arg12 : memref<!tpu.dma_semaphore, #tpu.memory_space<semaphore_mem>>) src(%dma_wait3A_152 : memref<128xi32, #tpu.memory_space<hbm>>) dst(%dma_wait3A_151 : memref<128xi32, #tpu.memory_space<vmem>>)
        %dma_start3A = arith.constant 1 : i32
        %dma_start3A_153 = arith.constant 1 : i32
        %dma_start3A_154 = arith.constant 0 : i32
        %dma_start3A_155 = arith.constant 0 : i32
        %dma_start3A_156 = tpu.memref_slice %arg9[%dma_start3A_153, %dma_start3A_154, %dma_start3A_155] : memref<3x128x128xf32, #tpu.memory_space<vmem>> -> memref<1x128x128xf32, #tpu.memory_space<vmem>>
        %dma_start3A_157 = tpu.memref_squeeze %dma_start3A_156 : memref<1x128x128xf32, #tpu.memory_space<vmem>> -> memref<128x128xf32, #tpu.memory_space<vmem>>
        %dma_start3A_158 = arith.constant 0 : i32
        %dma_start3A_159 = tpu.memref_slice %arg7[%dma_start3A, %dma_start3A_158] : memref<3x128xi32, #tpu.memory_space<vmem>> -> memref<1x128xi32, #tpu.memory_space<vmem>>
        %dma_start3A_160 = tpu.memref_squeeze %dma_start3A_159 : memref<1x128xi32, #tpu.memory_space<vmem>> -> memref<128xi32, #tpu.memory_space<vmem>>
        %dma_start3A_161 = arith.constant 0 : i32
        %dma_start3A_162 = arith.constant 0 : i32
        %dma_start3A_163 = tpu.memref_slice %arg2[%dma_start3A_161, %dma_start3A_162] : memref<10000x128xf32, #tpu.memory_space<hbm>> -> memref<10000x128xf32, #tpu.memory_space<hbm>>
        tpu.enqueue_indirect_dma source(%dma_start3A_163 : memref<10000x128xf32, #tpu.memory_space<hbm>>) target(%dma_start3A_157 : memref<128x128xf32, #tpu.memory_space<vmem>>) offsets(%dma_start3A_160 : memref<128xi32, #tpu.memory_space<vmem>>) semaphore(%arg15 : memref<!tpu.dma_semaphore, #tpu.memory_space<semaphore_mem>>)
      } else {
      }
      %mul3A_88 = arith.constant 3 : i32
      %mul3A_89 = arith.muli %while3A_72, %mul3A_88 : i32
      %add3A_90 = arith.constant 2 : i32
      %add3A_91 = arith.addi %mul3A_89, %add3A_90 : i32
      %lt3A_92 = arith.cmpi slt, %add3A_91, %select_n3A : i32
      %convert_element_type3A_93 = arith.extui %lt3A_92 : i1 to i32
      %cond3A_94 = arith.constant 0 : i32
      %cond3A_95 = arith.cmpi ne, %convert_element_type3A_93, %cond3A_94 : i32
      scf.if %cond3A_95 {
        %mul3A_120 = arith.constant 1250 : i32
        %mul3A_121 = arith.muli %arg0, %mul3A_120 : i32
        %add3A_122 = arith.addi %mul3A_121, %arg1 : i32
        %mul3A_123 = arith.constant 16 : i32
        %mul3A_124 = arith.muli %add3A_91, %mul3A_123 : i32
        %add3A_125 = arith.addi %add3A_122, %mul3A_124 : i32
        %mul3A_126 = arith.constant 128 : i32
        %mul3A_127 = arith.muli %add3A_125, %mul3A_126 : i32
        %mul3A_128 = arith.constant 1250 : i32
        %mul3A_129 = arith.muli %arg0, %mul3A_128 : i32
        %add3A_130 = arith.addi %mul3A_129, %arg1 : i32
        %mul3A_131 = arith.constant 16 : i32
        %mul3A_132 = arith.muli %add3A_91, %mul3A_131 : i32
        %add3A_133 = arith.addi %add3A_130, %mul3A_132 : i32
        %mul3A_134 = arith.constant 128 : i32
        %mul3A_135 = arith.muli %add3A_133, %mul3A_134 : i32
        %dma_wait3A = arith.constant 2 : i32
        %dma_wait3A_136 = arith.constant 0 : i32
        %dma_wait3A_137 = tpu.memref_slice %arg7[%dma_wait3A, %dma_wait3A_136] : memref<3x128xi32, #tpu.memory_space<vmem>> -> memref<1x128xi32, #tpu.memory_space<vmem>>
        %dma_wait3A_138 = tpu.memref_squeeze %dma_wait3A_137 : memref<1x128xi32, #tpu.memory_space<vmem>> -> memref<128xi32, #tpu.memory_space<vmem>>
        %dma_wait3A_139 = tpu.memref_slice %arg3[%mul3A_127] : memref<320000xi32, #tpu.memory_space<hbm>> -> memref<128xi32, #tpu.memory_space<hbm>>
        %dma_wait3A_140 = arith.constant 0 : i32
        %dma_wait3A_141 = tpu.memref_slice %arg7[%dma_wait3A, %dma_wait3A_140] : memref<3x128xi32, #tpu.memory_space<vmem>> -> memref<1x128xi32, #tpu.memory_space<vmem>>
        %dma_wait3A_142 = tpu.memref_squeeze %dma_wait3A_141 : memref<1x128xi32, #tpu.memory_space<vmem>> -> memref<128xi32, #tpu.memory_space<vmem>>
        %dma_wait3A_143 = tpu.memref_slice %arg3[%mul3A_127] : memref<320000xi32, #tpu.memory_space<hbm>> -> memref<128xi32, #tpu.memory_space<hbm>>
        tpu.wait_dma2 semaphore(%arg13 : memref<!tpu.dma_semaphore, #tpu.memory_space<semaphore_mem>>) src(%dma_wait3A_143 : memref<128xi32, #tpu.memory_space<hbm>>) dst(%dma_wait3A_142 : memref<128xi32, #tpu.memory_space<vmem>>)
        %dma_wait3A_144 = arith.constant 2 : i32
        %dma_wait3A_145 = arith.constant 0 : i32
        %dma_wait3A_146 = tpu.memref_slice %arg8[%dma_wait3A_144, %dma_wait3A_145] : memref<3x128xi32, #tpu.memory_space<vmem>> -> memref<1x128xi32, #tpu.memory_space<vmem>>
        %dma_wait3A_147 = tpu.memref_squeeze %dma_wait3A_146 : memref<1x128xi32, #tpu.memory_space<vmem>> -> memref<128xi32, #tpu.memory_space<vmem>>
        %dma_wait3A_148 = tpu.memref_slice %arg4[%mul3A_135] : memref<320000xi32, #tpu.memory_space<hbm>> -> memref<128xi32, #tpu.memory_space<hbm>>
        %dma_wait3A_149 = arith.constant 0 : i32
        %dma_wait3A_150 = tpu.memref_slice %arg8[%dma_wait3A_144, %dma_wait3A_149] : memref<3x128xi32, #tpu.memory_space<vmem>> -> memref<1x128xi32, #tpu.memory_space<vmem>>
        %dma_wait3A_151 = tpu.memref_squeeze %dma_wait3A_150 : memref<1x128xi32, #tpu.memory_space<vmem>> -> memref<128xi32, #tpu.memory_space<vmem>>
        %dma_wait3A_152 = tpu.memref_slice %arg4[%mul3A_135] : memref<320000xi32, #tpu.memory_space<hbm>> -> memref<128xi32, #tpu.memory_space<hbm>>
        tpu.wait_dma2 semaphore(%arg13 : memref<!tpu.dma_semaphore, #tpu.memory_space<semaphore_mem>>) src(%dma_wait3A_152 : memref<128xi32, #tpu.memory_space<hbm>>) dst(%dma_wait3A_151 : memref<128xi32, #tpu.memory_space<vmem>>)
        %dma_start3A = arith.constant 2 : i32
        %dma_start3A_153 = arith.constant 2 : i32
        %dma_start3A_154 = arith.constant 0 : i32
        %dma_start3A_155 = arith.constant 0 : i32
        %dma_start3A_156 = tpu.memref_slice %arg9[%dma_start3A_153, %dma_start3A_154, %dma_start3A_155] : memref<3x128x128xf32, #tpu.memory_space<vmem>> -> memref<1x128x128xf32, #tpu.memory_space<vmem>>
        %dma_start3A_157 = tpu.memref_squeeze %dma_start3A_156 : memref<1x128x128xf32, #tpu.memory_space<vmem>> -> memref<128x128xf32, #tpu.memory_space<vmem>>
        %dma_start3A_158 = arith.constant 0 : i32
        %dma_start3A_159 = tpu.memref_slice %arg7[%dma_start3A, %dma_start3A_158] : memref<3x128xi32, #tpu.memory_space<vmem>> -> memref<1x128xi32, #tpu.memory_space<vmem>>
        %dma_start3A_160 = tpu.memref_squeeze %dma_start3A_159 : memref<1x128xi32, #tpu.memory_space<vmem>> -> memref<128xi32, #tpu.memory_space<vmem>>
        %dma_start3A_161 = arith.constant 0 : i32
        %dma_start3A_162 = arith.constant 0 : i32
        %dma_start3A_163 = tpu.memref_slice %arg2[%dma_start3A_161, %dma_start3A_162] : memref<10000x128xf32, #tpu.memory_space<hbm>> -> memref<10000x128xf32, #tpu.memory_space<hbm>>
        tpu.enqueue_indirect_dma source(%dma_start3A_163 : memref<10000x128xf32, #tpu.memory_space<hbm>>) target(%dma_start3A_157 : memref<128x128xf32, #tpu.memory_space<vmem>>) offsets(%dma_start3A_160 : memref<128xi32, #tpu.memory_space<vmem>>) semaphore(%arg16 : memref<!tpu.dma_semaphore, #tpu.memory_space<semaphore_mem>>)
      } else {
      }
      %mul3A_96 = arith.constant 3 : i32
      %mul3A_97 = arith.muli %while3A_72, %mul3A_96 : i32
      %add3A_98 = arith.constant 0 : i32
      %add3A_99 = arith.addi %mul3A_97, %add3A_98 : i32
      %lt3A_100 = arith.cmpi slt, %add3A_99, %select_n3A : i32
      %convert_element_type3A_101 = arith.extui %lt3A_100 : i1 to i32
      %cond3A_102 = arith.constant 0 : i32
      %cond3A_103 = arith.cmpi ne, %convert_element_type3A_101, %cond3A_102 : i32
      scf.if %cond3A_103 {
        %dma_wait3A = arith.constant 0 : i32
        %dma_wait3A_120 = arith.constant 0 : i32
        %dma_wait3A_121 = arith.constant 0 : i32
        %dma_wait3A_122 = arith.constant 0 : i32
        %dma_wait3A_123 = tpu.memref_slice %arg9[%dma_wait3A_120, %dma_wait3A_121, %dma_wait3A_122] : memref<3x128x128xf32, #tpu.memory_space<vmem>> -> memref<1x128x128xf32, #tpu.memory_space<vmem>>
        %dma_wait3A_124 = tpu.memref_squeeze %dma_wait3A_123 : memref<1x128x128xf32, #tpu.memory_space<vmem>> -> memref<128x128xf32, #tpu.memory_space<vmem>>
        %dma_wait3A_125 = arith.constant 0 : i32
        %dma_wait3A_126 = tpu.memref_slice %arg7[%dma_wait3A, %dma_wait3A_125] : memref<3x128xi32, #tpu.memory_space<vmem>> -> memref<1x128xi32, #tpu.memory_space<vmem>>
        %dma_wait3A_127 = tpu.memref_squeeze %dma_wait3A_126 : memref<1x128xi32, #tpu.memory_space<vmem>> -> memref<128xi32, #tpu.memory_space<vmem>>
        %dma_wait3A_128 = arith.constant 0 : i32
        %dma_wait3A_129 = arith.constant 0 : i32
        %dma_wait3A_130 = tpu.memref_slice %arg2[%dma_wait3A_128, %dma_wait3A_129] : memref<10000x128xf32, #tpu.memory_space<hbm>> -> memref<10000x128xf32, #tpu.memory_space<hbm>>
        tpu.wait_indirect_dma semaphore(%arg14 : memref<!tpu.dma_semaphore, #tpu.memory_space<semaphore_mem>>) src(%dma_wait3A_130 : memref<10000x128xf32, #tpu.memory_space<hbm>>) dst(%dma_wait3A_124 : memref<128x128xf32, #tpu.memory_space<vmem>>)
        %run_scoped3A = arith.constant 0 : i32
        %run_scoped3A_131 = arith.constant 0 : i32
        "tpu.region"() ({
          %run_scoped3A_138 = tpu.sem_alloc : memref<!tpu.dma_semaphore, #tpu.memory_space<semaphore_mem>>
          %dma_start3A = arith.constant 0 : i32
          %dma_start3A_139 = arith.constant 0 : i32
          %dma_start3A_140 = tpu.memref_slice %arg9[%run_scoped3A, %dma_start3A, %dma_start3A_139] : memref<3x128x128xf32, #tpu.memory_space<vmem>> -> memref<1x128x128xf32, #tpu.memory_space<vmem>>
          %dma_start3A_141 = tpu.memref_squeeze %dma_start3A_140 : memref<1x128x128xf32, #tpu.memory_space<vmem>> -> memref<128x128xf32, #tpu.memory_space<vmem>>
          %dma_start3A_142 = arith.constant 0 : i32
          %dma_start3A_143 = tpu.memref_slice %arg8[%run_scoped3A_131, %dma_start3A_142] : memref<3x128xi32, #tpu.memory_space<vmem>> -> memref<1x128xi32, #tpu.memory_space<vmem>>
          %dma_start3A_144 = tpu.memref_squeeze %dma_start3A_143 : memref<1x128xi32, #tpu.memory_space<vmem>> -> memref<128xi32, #tpu.memory_space<vmem>>
          %dma_start3A_145 = arith.constant 0 : i32
          %dma_start3A_146 = arith.constant 0 : i32
          %dma_start3A_147 = tpu.memref_slice %arg10[%dma_start3A_145, %dma_start3A_146] : memref<10112x128xf32, #tpu.memory_space<vmem_shared>> -> memref<10112x128xf32, #tpu.memory_space<vmem_shared>>
          tpu.enqueue_indirect_dma source(%dma_start3A_141 : memref<128x128xf32, #tpu.memory_space<vmem>>) target(%dma_start3A_147 : memref<10112x128xf32, #tpu.memory_space<vmem_shared>>) offsets(%dma_start3A_144 : memref<128xi32, #tpu.memory_space<vmem>>) semaphore(%run_scoped3A_138 : memref<!tpu.dma_semaphore, #tpu.memory_space<semaphore_mem>>) {add = true}
          %dma_wait3A_148 = arith.constant 0 : i32
          %dma_wait3A_149 = arith.constant 0 : i32
          %dma_wait3A_150 = tpu.memref_slice %arg9[%run_scoped3A, %dma_wait3A_148, %dma_wait3A_149] : memref<3x128x128xf32, #tpu.memory_space<vmem>> -> memref<1x128x128xf32, #tpu.memory_space<vmem>>
          %dma_wait3A_151 = tpu.memref_squeeze %dma_wait3A_150 : memref<1x128x128xf32, #tpu.memory_space<vmem>> -> memref<128x128xf32, #tpu.memory_space<vmem>>
          %dma_wait3A_152 = arith.constant 0 : i32
          %dma_wait3A_153 = tpu.memref_slice %arg8[%run_scoped3A_131, %dma_wait3A_152] : memref<3x128xi32, #tpu.memory_space<vmem>> -> memref<1x128xi32, #tpu.memory_space<vmem>>
          %dma_wait3A_154 = tpu.memref_squeeze %dma_wait3A_153 : memref<1x128xi32, #tpu.memory_space<vmem>> -> memref<128xi32, #tpu.memory_space<vmem>>
          %dma_wait3A_155 = arith.constant 0 : i32
          %dma_wait3A_156 = arith.constant 0 : i32
          %dma_wait3A_157 = tpu.memref_slice %arg10[%dma_wait3A_155, %dma_wait3A_156] : memref<10112x128xf32, #tpu.memory_space<vmem_shared>> -> memref<10112x128xf32, #tpu.memory_space<vmem_shared>>
          tpu.wait_indirect_dma semaphore(%run_scoped3A_138 : memref<!tpu.dma_semaphore, #tpu.memory_space<semaphore_mem>>) src(%dma_wait3A_151 : memref<128x128xf32, #tpu.memory_space<vmem>>) dst(%dma_wait3A_157 : memref<10112x128xf32, #tpu.memory_space<vmem_shared>>)
          tpu.yield
        }) : () -> ()
        %add3A_132 = arith.constant 3 : i32
        %add3A_133 = arith.addi %add3A_99, %add3A_132 : i32
        %lt3A_134 = arith.cmpi slt, %add3A_133, %select_n3A : i32
        %convert_element_type3A_135 = arith.extui %lt3A_134 : i1 to i32
        %cond3A_136 = arith.constant 0 : i32
        %cond3A_137 = arith.cmpi ne, %convert_element_type3A_135, %cond3A_136 : i32
        scf.if %cond3A_137 {
          %add3A_138 = arith.constant 3 : i32
          %add3A_139 = arith.addi %add3A_99, %add3A_138 : i32
          %mul3A_140 = arith.constant 1250 : i32
          %mul3A_141 = arith.muli %arg0, %mul3A_140 : i32
          %add3A_142 = arith.addi %mul3A_141, %arg1 : i32
          %mul3A_143 = arith.constant 16 : i32
          %mul3A_144 = arith.muli %add3A_139, %mul3A_143 : i32
          %add3A_145 = arith.addi %add3A_142, %mul3A_144 : i32
          %mul3A_146 = arith.constant 128 : i32
          %mul3A_147 = arith.muli %add3A_145, %mul3A_146 : i32
          %mul3A_148 = arith.constant 1250 : i32
          %mul3A_149 = arith.muli %arg0, %mul3A_148 : i32
          %add3A_150 = arith.addi %mul3A_149, %arg1 : i32
          %mul3A_151 = arith.constant 16 : i32
          %mul3A_152 = arith.muli %add3A_139, %mul3A_151 : i32
          %add3A_153 = arith.addi %add3A_150, %mul3A_152 : i32
          %mul3A_154 = arith.constant 128 : i32
          %mul3A_155 = arith.muli %add3A_153, %mul3A_154 : i32
          %dma_start3A = arith.constant 0 : i32
          %dma_start3A_156 = arith.constant 0 : i32
          %dma_start3A_157 = tpu.memref_slice %arg7[%dma_start3A, %dma_start3A_156] : memref<3x128xi32, #tpu.memory_space<vmem>> -> memref<1x128xi32, #tpu.memory_space<vmem>>
          %dma_start3A_158 = tpu.memref_squeeze %dma_start3A_157 : memref<1x128xi32, #tpu.memory_space<vmem>> -> memref<128xi32, #tpu.memory_space<vmem>>
          %dma_start3A_159 = tpu.memref_slice %arg3[%mul3A_147] : memref<320000xi32, #tpu.memory_space<hbm>> -> memref<128xi32, #tpu.memory_space<hbm>>
          %dma_start3A_160 = arith.constant 0 : i32
          %dma_start3A_161 = tpu.memref_slice %arg7[%dma_start3A, %dma_start3A_160] : memref<3x128xi32, #tpu.memory_space<vmem>> -> memref<1x128xi32, #tpu.memory_space<vmem>>
          %dma_start3A_162 = tpu.memref_squeeze %dma_start3A_161 : memref<1x128xi32, #tpu.memory_space<vmem>> -> memref<128xi32, #tpu.memory_space<vmem>>
          %dma_start3A_163 = tpu.memref_slice %arg3[%mul3A_147] : memref<320000xi32, #tpu.memory_space<hbm>> -> memref<128xi32, #tpu.memory_space<hbm>>
          tpu.enqueue_dma source(%dma_start3A_163 : memref<128xi32, #tpu.memory_space<hbm>>) target(%dma_start3A_162 : memref<128xi32, #tpu.memory_space<vmem>>) target_semaphore(%arg11 : memref<!tpu.dma_semaphore, #tpu.memory_space<semaphore_mem>>)
          %dma_start3A_164 = arith.constant 0 : i32
          %dma_start3A_165 = arith.constant 0 : i32
          %dma_start3A_166 = tpu.memref_slice %arg8[%dma_start3A_164, %dma_start3A_165] : memref<3x128xi32, #tpu.memory_space<vmem>> -> memref<1x128xi32, #tpu.memory_space<vmem>>
          %dma_start3A_167 = tpu.memref_squeeze %dma_start3A_166 : memref<1x128xi32, #tpu.memory_space<vmem>> -> memref<128xi32, #tpu.memory_space<vmem>>
          %dma_start3A_168 = tpu.memref_slice %arg4[%mul3A_155] : memref<320000xi32, #tpu.memory_space<hbm>> -> memref<128xi32, #tpu.memory_space<hbm>>
          %dma_start3A_169 = arith.constant 0 : i32
          %dma_start3A_170 = tpu.memref_slice %arg8[%dma_start3A_164, %dma_start3A_169] : memref<3x128xi32, #tpu.memory_space<vmem>> -> memref<1x128xi32, #tpu.memory_space<vmem>>
          %dma_start3A_171 = tpu.memref_squeeze %dma_start3A_170 : memref<1x128xi32, #tpu.memory_space<vmem>> -> memref<128xi32, #tpu.memory_space<vmem>>
          %dma_start3A_172 = tpu.memref_slice %arg4[%mul3A_155] : memref<320000xi32, #tpu.memory_space<hbm>> -> memref<128xi32, #tpu.memory_space<hbm>>
          tpu.enqueue_dma source(%dma_start3A_172 : memref<128xi32, #tpu.memory_space<hbm>>) target(%dma_start3A_171 : memref<128xi32, #tpu.memory_space<vmem>>) target_semaphore(%arg11 : memref<!tpu.dma_semaphore, #tpu.memory_space<semaphore_mem>>)
        } else {
        }
      } else {
      }
      %mul3A_104 = arith.constant 3 : i32
      %mul3A_105 = arith.muli %while3A_72, %mul3A_104 : i32
      %add3A_106 = arith.constant 1 : i32
      %add3A_107 = arith.addi %mul3A_105, %add3A_106 : i32
      %lt3A_108 = arith.cmpi slt, %add3A_107, %select_n3A : i32
      %convert_element_type3A_109 = arith.extui %lt3A_108 : i1 to i32
      %cond3A_110 = arith.constant 0 : i32
      %cond3A_111 = arith.cmpi ne, %convert_element_type3A_109, %cond3A_110 : i32
      scf.if %cond3A_111 {
        %dma_wait3A = arith.constant 1 : i32
        %dma_wait3A_120 = arith.constant 1 : i32
        %dma_wait3A_121 = arith.constant 0 : i32
        %dma_wait3A_122 = arith.constant 0 : i32
        %dma_wait3A_123 = tpu.memref_slice %arg9[%dma_wait3A_120, %dma_wait3A_121, %dma_wait3A_122] : memref<3x128x128xf32, #tpu.memory_space<vmem>> -> memref<1x128x128xf32, #tpu.memory_space<vmem>>
        %dma_wait3A_124 = tpu.memref_squeeze %dma_wait3A_123 : memref<1x128x128xf32, #tpu.memory_space<vmem>> -> memref<128x128xf32, #tpu.memory_space<vmem>>
        %dma_wait3A_125 = arith.constant 0 : i32
        %dma_wait3A_126 = tpu.memref_slice %arg7[%dma_wait3A, %dma_wait3A_125] : memref<3x128xi32, #tpu.memory_space<vmem>> -> memref<1x128xi32, #tpu.memory_space<vmem>>
        %dma_wait3A_127 = tpu.memref_squeeze %dma_wait3A_126 : memref<1x128xi32, #tpu.memory_space<vmem>> -> memref<128xi32, #tpu.memory_space<vmem>>
        %dma_wait3A_128 = arith.constant 0 : i32
        %dma_wait3A_129 = arith.constant 0 : i32
        %dma_wait3A_130 = tpu.memref_slice %arg2[%dma_wait3A_128, %dma_wait3A_129] : memref<10000x128xf32, #tpu.memory_space<hbm>> -> memref<10000x128xf32, #tpu.memory_space<hbm>>
        tpu.wait_indirect_dma semaphore(%arg15 : memref<!tpu.dma_semaphore, #tpu.memory_space<semaphore_mem>>) src(%dma_wait3A_130 : memref<10000x128xf32, #tpu.memory_space<hbm>>) dst(%dma_wait3A_124 : memref<128x128xf32, #tpu.memory_space<vmem>>)
        %run_scoped3A = arith.constant 1 : i32
        %run_scoped3A_131 = arith.constant 1 : i32
        "tpu.region"() ({
          %run_scoped3A_138 = tpu.sem_alloc : memref<!tpu.dma_semaphore, #tpu.memory_space<semaphore_mem>>
          %dma_start3A = arith.constant 0 : i32
          %dma_start3A_139 = arith.constant 0 : i32
          %dma_start3A_140 = tpu.memref_slice %arg9[%run_scoped3A, %dma_start3A, %dma_start3A_139] : memref<3x128x128xf32, #tpu.memory_space<vmem>> -> memref<1x128x128xf32, #tpu.memory_space<vmem>>
          %dma_start3A_141 = tpu.memref_squeeze %dma_start3A_140 : memref<1x128x128xf32, #tpu.memory_space<vmem>> -> memref<128x128xf32, #tpu.memory_space<vmem>>
          %dma_start3A_142 = arith.constant 0 : i32
          %dma_start3A_143 = tpu.memref_slice %arg8[%run_scoped3A_131, %dma_start3A_142] : memref<3x128xi32, #tpu.memory_space<vmem>> -> memref<1x128xi32, #tpu.memory_space<vmem>>
          %dma_start3A_144 = tpu.memref_squeeze %dma_start3A_143 : memref<1x128xi32, #tpu.memory_space<vmem>> -> memref<128xi32, #tpu.memory_space<vmem>>
          %dma_start3A_145 = arith.constant 0 : i32
          %dma_start3A_146 = arith.constant 0 : i32
          %dma_start3A_147 = tpu.memref_slice %arg10[%dma_start3A_145, %dma_start3A_146] : memref<10112x128xf32, #tpu.memory_space<vmem_shared>> -> memref<10112x128xf32, #tpu.memory_space<vmem_shared>>
          tpu.enqueue_indirect_dma source(%dma_start3A_141 : memref<128x128xf32, #tpu.memory_space<vmem>>) target(%dma_start3A_147 : memref<10112x128xf32, #tpu.memory_space<vmem_shared>>) offsets(%dma_start3A_144 : memref<128xi32, #tpu.memory_space<vmem>>) semaphore(%run_scoped3A_138 : memref<!tpu.dma_semaphore, #tpu.memory_space<semaphore_mem>>) {add = true}
          %dma_wait3A_148 = arith.constant 0 : i32
          %dma_wait3A_149 = arith.constant 0 : i32
          %dma_wait3A_150 = tpu.memref_slice %arg9[%run_scoped3A, %dma_wait3A_148, %dma_wait3A_149] : memref<3x128x128xf32, #tpu.memory_space<vmem>> -> memref<1x128x128xf32, #tpu.memory_space<vmem>>
          %dma_wait3A_151 = tpu.memref_squeeze %dma_wait3A_150 : memref<1x128x128xf32, #tpu.memory_space<vmem>> -> memref<128x128xf32, #tpu.memory_space<vmem>>
          %dma_wait3A_152 = arith.constant 0 : i32
          %dma_wait3A_153 = tpu.memref_slice %arg8[%run_scoped3A_131, %dma_wait3A_152] : memref<3x128xi32, #tpu.memory_space<vmem>> -> memref<1x128xi32, #tpu.memory_space<vmem>>
          %dma_wait3A_154 = tpu.memref_squeeze %dma_wait3A_153 : memref<1x128xi32, #tpu.memory_space<vmem>> -> memref<128xi32, #tpu.memory_space<vmem>>
          %dma_wait3A_155 = arith.constant 0 : i32
          %dma_wait3A_156 = arith.constant 0 : i32
          %dma_wait3A_157 = tpu.memref_slice %arg10[%dma_wait3A_155, %dma_wait3A_156] : memref<10112x128xf32, #tpu.memory_space<vmem_shared>> -> memref<10112x128xf32, #tpu.memory_space<vmem_shared>>
          tpu.wait_indirect_dma semaphore(%run_scoped3A_138 : memref<!tpu.dma_semaphore, #tpu.memory_space<semaphore_mem>>) src(%dma_wait3A_151 : memref<128x128xf32, #tpu.memory_space<vmem>>) dst(%dma_wait3A_157 : memref<10112x128xf32, #tpu.memory_space<vmem_shared>>)
          tpu.yield
        }) : () -> ()
        %add3A_132 = arith.constant 3 : i32
        %add3A_133 = arith.addi %add3A_107, %add3A_132 : i32
        %lt3A_134 = arith.cmpi slt, %add3A_133, %select_n3A : i32
        %convert_element_type3A_135 = arith.extui %lt3A_134 : i1 to i32
        %cond3A_136 = arith.constant 0 : i32
        %cond3A_137 = arith.cmpi ne, %convert_element_type3A_135, %cond3A_136 : i32
        scf.if %cond3A_137 {
          %add3A_138 = arith.constant 3 : i32
          %add3A_139 = arith.addi %add3A_107, %add3A_138 : i32
          %mul3A_140 = arith.constant 1250 : i32
          %mul3A_141 = arith.muli %arg0, %mul3A_140 : i32
          %add3A_142 = arith.addi %mul3A_141, %arg1 : i32
          %mul3A_143 = arith.constant 16 : i32
          %mul3A_144 = arith.muli %add3A_139, %mul3A_143 : i32
          %add3A_145 = arith.addi %add3A_142, %mul3A_144 : i32
          %mul3A_146 = arith.constant 128 : i32
          %mul3A_147 = arith.muli %add3A_145, %mul3A_146 : i32
          %mul3A_148 = arith.constant 1250 : i32
          %mul3A_149 = arith.muli %arg0, %mul3A_148 : i32
          %add3A_150 = arith.addi %mul3A_149, %arg1 : i32
          %mul3A_151 = arith.constant 16 : i32
          %mul3A_152 = arith.muli %add3A_139, %mul3A_151 : i32
          %add3A_153 = arith.addi %add3A_150, %mul3A_152 : i32
          %mul3A_154 = arith.constant 128 : i32
          %mul3A_155 = arith.muli %add3A_153, %mul3A_154 : i32
          %dma_start3A = arith.constant 1 : i32
          %dma_start3A_156 = arith.constant 0 : i32
          %dma_start3A_157 = tpu.memref_slice %arg7[%dma_start3A, %dma_start3A_156] : memref<3x128xi32, #tpu.memory_space<vmem>> -> memref<1x128xi32, #tpu.memory_space<vmem>>
          %dma_start3A_158 = tpu.memref_squeeze %dma_start3A_157 : memref<1x128xi32, #tpu.memory_space<vmem>> -> memref<128xi32, #tpu.memory_space<vmem>>
          %dma_start3A_159 = tpu.memref_slice %arg3[%mul3A_147] : memref<320000xi32, #tpu.memory_space<hbm>> -> memref<128xi32, #tpu.memory_space<hbm>>
          %dma_start3A_160 = arith.constant 0 : i32
          %dma_start3A_161 = tpu.memref_slice %arg7[%dma_start3A, %dma_start3A_160] : memref<3x128xi32, #tpu.memory_space<vmem>> -> memref<1x128xi32, #tpu.memory_space<vmem>>
          %dma_start3A_162 = tpu.memref_squeeze %dma_start3A_161 : memref<1x128xi32, #tpu.memory_space<vmem>> -> memref<128xi32, #tpu.memory_space<vmem>>
          %dma_start3A_163 = tpu.memref_slice %arg3[%mul3A_147] : memref<320000xi32, #tpu.memory_space<hbm>> -> memref<128xi32, #tpu.memory_space<hbm>>
          tpu.enqueue_dma source(%dma_start3A_163 : memref<128xi32, #tpu.memory_space<hbm>>) target(%dma_start3A_162 : memref<128xi32, #tpu.memory_space<vmem>>) target_semaphore(%arg12 : memref<!tpu.dma_semaphore, #tpu.memory_space<semaphore_mem>>)
          %dma_start3A_164 = arith.constant 1 : i32
          %dma_start3A_165 = arith.constant 0 : i32
          %dma_start3A_166 = tpu.memref_slice %arg8[%dma_start3A_164, %dma_start3A_165] : memref<3x128xi32, #tpu.memory_space<vmem>> -> memref<1x128xi32, #tpu.memory_space<vmem>>
          %dma_start3A_167 = tpu.memref_squeeze %dma_start3A_166 : memref<1x128xi32, #tpu.memory_space<vmem>> -> memref<128xi32, #tpu.memory_space<vmem>>
          %dma_start3A_168 = tpu.memref_slice %arg4[%mul3A_155] : memref<320000xi32, #tpu.memory_space<hbm>> -> memref<128xi32, #tpu.memory_space<hbm>>
          %dma_start3A_169 = arith.constant 0 : i32
          %dma_start3A_170 = tpu.memref_slice %arg8[%dma_start3A_164, %dma_start3A_169] : memref<3x128xi32, #tpu.memory_space<vmem>> -> memref<1x128xi32, #tpu.memory_space<vmem>>
          %dma_start3A_171 = tpu.memref_squeeze %dma_start3A_170 : memref<1x128xi32, #tpu.memory_space<vmem>> -> memref<128xi32, #tpu.memory_space<vmem>>
          %dma_start3A_172 = tpu.memref_slice %arg4[%mul3A_155] : memref<320000xi32, #tpu.memory_space<hbm>> -> memref<128xi32, #tpu.memory_space<hbm>>
          tpu.enqueue_dma source(%dma_start3A_172 : memref<128xi32, #tpu.memory_space<hbm>>) target(%dma_start3A_171 : memref<128xi32, #tpu.memory_space<vmem>>) target_semaphore(%arg12 : memref<!tpu.dma_semaphore, #tpu.memory_space<semaphore_mem>>)
        } else {
        }
      } else {
      }
      %mul3A_112 = arith.constant 3 : i32
      %mul3A_113 = arith.muli %while3A_72, %mul3A_112 : i32
      %add3A_114 = arith.constant 2 : i32
      %add3A_115 = arith.addi %mul3A_113, %add3A_114 : i32
      %lt3A_116 = arith.cmpi slt, %add3A_115, %select_n3A : i32
      %convert_element_type3A_117 = arith.extui %lt3A_116 : i1 to i32
      %cond3A_118 = arith.constant 0 : i32
      %cond3A_119 = arith.cmpi ne, %convert_element_type3A_117, %cond3A_118 : i32
      scf.if %cond3A_119 {
        %dma_wait3A = arith.constant 2 : i32
        %dma_wait3A_120 = arith.constant 2 : i32
        %dma_wait3A_121 = arith.constant 0 : i32
        %dma_wait3A_122 = arith.constant 0 : i32
        %dma_wait3A_123 = tpu.memref_slice %arg9[%dma_wait3A_120, %dma_wait3A_121, %dma_wait3A_122] : memref<3x128x128xf32, #tpu.memory_space<vmem>> -> memref<1x128x128xf32, #tpu.memory_space<vmem>>
        %dma_wait3A_124 = tpu.memref_squeeze %dma_wait3A_123 : memref<1x128x128xf32, #tpu.memory_space<vmem>> -> memref<128x128xf32, #tpu.memory_space<vmem>>
        %dma_wait3A_125 = arith.constant 0 : i32
        %dma_wait3A_126 = tpu.memref_slice %arg7[%dma_wait3A, %dma_wait3A_125] : memref<3x128xi32, #tpu.memory_space<vmem>> -> memref<1x128xi32, #tpu.memory_space<vmem>>
        %dma_wait3A_127 = tpu.memref_squeeze %dma_wait3A_126 : memref<1x128xi32, #tpu.memory_space<vmem>> -> memref<128xi32, #tpu.memory_space<vmem>>
        %dma_wait3A_128 = arith.constant 0 : i32
        %dma_wait3A_129 = arith.constant 0 : i32
        %dma_wait3A_130 = tpu.memref_slice %arg2[%dma_wait3A_128, %dma_wait3A_129] : memref<10000x128xf32, #tpu.memory_space<hbm>> -> memref<10000x128xf32, #tpu.memory_space<hbm>>
        tpu.wait_indirect_dma semaphore(%arg16 : memref<!tpu.dma_semaphore, #tpu.memory_space<semaphore_mem>>) src(%dma_wait3A_130 : memref<10000x128xf32, #tpu.memory_space<hbm>>) dst(%dma_wait3A_124 : memref<128x128xf32, #tpu.memory_space<vmem>>)
        %run_scoped3A = arith.constant 2 : i32
        %run_scoped3A_131 = arith.constant 2 : i32
        "tpu.region"() ({
          %run_scoped3A_138 = tpu.sem_alloc : memref<!tpu.dma_semaphore, #tpu.memory_space<semaphore_mem>>
          %dma_start3A = arith.constant 0 : i32
          %dma_start3A_139 = arith.constant 0 : i32
          %dma_start3A_140 = tpu.memref_slice %arg9[%run_scoped3A, %dma_start3A, %dma_start3A_139] : memref<3x128x128xf32, #tpu.memory_space<vmem>> -> memref<1x128x128xf32, #tpu.memory_space<vmem>>
          %dma_start3A_141 = tpu.memref_squeeze %dma_start3A_140 : memref<1x128x128xf32, #tpu.memory_space<vmem>> -> memref<128x128xf32, #tpu.memory_space<vmem>>
          %dma_start3A_142 = arith.constant 0 : i32
          %dma_start3A_143 = tpu.memref_slice %arg8[%run_scoped3A_131, %dma_start3A_142] : memref<3x128xi32, #tpu.memory_space<vmem>> -> memref<1x128xi32, #tpu.memory_space<vmem>>
          %dma_start3A_144 = tpu.memref_squeeze %dma_start3A_143 : memref<1x128xi32, #tpu.memory_space<vmem>> -> memref<128xi32, #tpu.memory_space<vmem>>
          %dma_start3A_145 = arith.constant 0 : i32
          %dma_start3A_146 = arith.constant 0 : i32
          %dma_start3A_147 = tpu.memref_slice %arg10[%dma_start3A_145, %dma_start3A_146] : memref<10112x128xf32, #tpu.memory_space<vmem_shared>> -> memref<10112x128xf32, #tpu.memory_space<vmem_shared>>
          tpu.enqueue_indirect_dma source(%dma_start3A_141 : memref<128x128xf32, #tpu.memory_space<vmem>>) target(%dma_start3A_147 : memref<10112x128xf32, #tpu.memory_space<vmem_shared>>) offsets(%dma_start3A_144 : memref<128xi32, #tpu.memory_space<vmem>>) semaphore(%run_scoped3A_138 : memref<!tpu.dma_semaphore, #tpu.memory_space<semaphore_mem>>) {add = true}
          %dma_wait3A_148 = arith.constant 0 : i32
          %dma_wait3A_149 = arith.constant 0 : i32
          %dma_wait3A_150 = tpu.memref_slice %arg9[%run_scoped3A, %dma_wait3A_148, %dma_wait3A_149] : memref<3x128x128xf32, #tpu.memory_space<vmem>> -> memref<1x128x128xf32, #tpu.memory_space<vmem>>
          %dma_wait3A_151 = tpu.memref_squeeze %dma_wait3A_150 : memref<1x128x128xf32, #tpu.memory_space<vmem>> -> memref<128x128xf32, #tpu.memory_space<vmem>>
          %dma_wait3A_152 = arith.constant 0 : i32
          %dma_wait3A_153 = tpu.memref_slice %arg8[%run_scoped3A_131, %dma_wait3A_152] : memref<3x128xi32, #tpu.memory_space<vmem>> -> memref<1x128xi32, #tpu.memory_space<vmem>>
          %dma_wait3A_154 = tpu.memref_squeeze %dma_wait3A_153 : memref<1x128xi32, #tpu.memory_space<vmem>> -> memref<128xi32, #tpu.memory_space<vmem>>
          %dma_wait3A_155 = arith.constant 0 : i32
          %dma_wait3A_156 = arith.constant 0 : i32
          %dma_wait3A_157 = tpu.memref_slice %arg10[%dma_wait3A_155, %dma_wait3A_156] : memref<10112x128xf32, #tpu.memory_space<vmem_shared>> -> memref<10112x128xf32, #tpu.memory_space<vmem_shared>>
          tpu.wait_indirect_dma semaphore(%run_scoped3A_138 : memref<!tpu.dma_semaphore, #tpu.memory_space<semaphore_mem>>) src(%dma_wait3A_151 : memref<128x128xf32, #tpu.memory_space<vmem>>) dst(%dma_wait3A_157 : memref<10112x128xf32, #tpu.memory_space<vmem_shared>>)
          tpu.yield
        }) : () -> ()
        %add3A_132 = arith.constant 3 : i32
        %add3A_133 = arith.addi %add3A_115, %add3A_132 : i32
        %lt3A_134 = arith.cmpi slt, %add3A_133, %select_n3A : i32
        %convert_element_type3A_135 = arith.extui %lt3A_134 : i1 to i32
        %cond3A_136 = arith.constant 0 : i32
        %cond3A_137 = arith.cmpi ne, %convert_element_type3A_135, %cond3A_136 : i32
        scf.if %cond3A_137 {
          %add3A_138 = arith.constant 3 : i32
          %add3A_139 = arith.addi %add3A_115, %add3A_138 : i32
          %mul3A_140 = arith.constant 1250 : i32
          %mul3A_141 = arith.muli %arg0, %mul3A_140 : i32
          %add3A_142 = arith.addi %mul3A_141, %arg1 : i32
          %mul3A_143 = arith.constant 16 : i32
          %mul3A_144 = arith.muli %add3A_139, %mul3A_143 : i32
          %add3A_145 = arith.addi %add3A_142, %mul3A_144 : i32
          %mul3A_146 = arith.constant 128 : i32
          %mul3A_147 = arith.muli %add3A_145, %mul3A_146 : i32
          %mul3A_148 = arith.constant 1250 : i32
          %mul3A_149 = arith.muli %arg0, %mul3A_148 : i32
          %add3A_150 = arith.addi %mul3A_149, %arg1 : i32
          %mul3A_151 = arith.constant 16 : i32
          %mul3A_152 = arith.muli %add3A_139, %mul3A_151 : i32
          %add3A_153 = arith.addi %add3A_150, %mul3A_152 : i32
          %mul3A_154 = arith.constant 128 : i32
          %mul3A_155 = arith.muli %add3A_153, %mul3A_154 : i32
          %dma_start3A = arith.constant 2 : i32
          %dma_start3A_156 = arith.constant 0 : i32
          %dma_start3A_157 = tpu.memref_slice %arg7[%dma_start3A, %dma_start3A_156] : memref<3x128xi32, #tpu.memory_space<vmem>> -> memref<1x128xi32, #tpu.memory_space<vmem>>
          %dma_start3A_158 = tpu.memref_squeeze %dma_start3A_157 : memref<1x128xi32, #tpu.memory_space<vmem>> -> memref<128xi32, #tpu.memory_space<vmem>>
          %dma_start3A_159 = tpu.memref_slice %arg3[%mul3A_147] : memref<320000xi32, #tpu.memory_space<hbm>> -> memref<128xi32, #tpu.memory_space<hbm>>
          %dma_start3A_160 = arith.constant 0 : i32
          %dma_start3A_161 = tpu.memref_slice %arg7[%dma_start3A, %dma_start3A_160] : memref<3x128xi32, #tpu.memory_space<vmem>> -> memref<1x128xi32, #tpu.memory_space<vmem>>
          %dma_start3A_162 = tpu.memref_squeeze %dma_start3A_161 : memref<1x128xi32, #tpu.memory_space<vmem>> -> memref<128xi32, #tpu.memory_space<vmem>>
          %dma_start3A_163 = tpu.memref_slice %arg3[%mul3A_147] : memref<320000xi32, #tpu.memory_space<hbm>> -> memref<128xi32, #tpu.memory_space<hbm>>
          tpu.enqueue_dma source(%dma_start3A_163 : memref<128xi32, #tpu.memory_space<hbm>>) target(%dma_start3A_162 : memref<128xi32, #tpu.memory_space<vmem>>) target_semaphore(%arg13 : memref<!tpu.dma_semaphore, #tpu.memory_space<semaphore_mem>>)
          %dma_start3A_164 = arith.constant 2 : i32
          %dma_start3A_165 = arith.constant 0 : i32
          %dma_start3A_166 = tpu.memref_slice %arg8[%dma_start3A_164, %dma_start3A_165] : memref<3x128xi32, #tpu.memory_space<vmem>> -> memref<1x128xi32, #tpu.memory_space<vmem>>
          %dma_start3A_167 = tpu.memref_squeeze %dma_start3A_166 : memref<1x128xi32, #tpu.memory_space<vmem>> -> memref<128xi32, #tpu.memory_space<vmem>>
          %dma_start3A_168 = tpu.memref_slice %arg4[%mul3A_155] : memref<320000xi32, #tpu.memory_space<hbm>> -> memref<128xi32, #tpu.memory_space<hbm>>
          %dma_start3A_169 = arith.constant 0 : i32
          %dma_start3A_170 = tpu.memref_slice %arg8[%dma_start3A_164, %dma_start3A_169] : memref<3x128xi32, #tpu.memory_space<vmem>> -> memref<1x128xi32, #tpu.memory_space<vmem>>
          %dma_start3A_171 = tpu.memref_squeeze %dma_start3A_170 : memref<1x128xi32, #tpu.memory_space<vmem>> -> memref<128xi32, #tpu.memory_space<vmem>>
          %dma_start3A_172 = tpu.memref_slice %arg4[%mul3A_155] : memref<320000xi32, #tpu.memory_space<hbm>> -> memref<128xi32, #tpu.memory_space<hbm>>
          tpu.enqueue_dma source(%dma_start3A_172 : memref<128xi32, #tpu.memory_space<hbm>>) target(%dma_start3A_171 : memref<128xi32, #tpu.memory_space<vmem>>) target_semaphore(%arg13 : memref<!tpu.dma_semaphore, #tpu.memory_space<semaphore_mem>>)
        } else {
        }
      } else {
      }
    }
    %while3A_70 = arith.constant 1 : i32
    scf.for %while3A_72 = %while3A_68 to %while3A_64 step %while3A_70  : i32 {
      %mul3A_73 = arith.constant 3 : i32
      %mul3A_74 = arith.muli %while3A_72, %mul3A_73 : i32
      %add3A_75 = arith.constant 0 : i32
      %add3A_76 = arith.addi %mul3A_74, %add3A_75 : i32
      %lt3A = arith.cmpi slt, %add3A_76, %select_n3A : i32
      %convert_element_type3A_77 = arith.extui %lt3A : i1 to i32
      %cond3A_78 = arith.constant 0 : i32
      %cond3A_79 = arith.cmpi ne, %convert_element_type3A_77, %cond3A_78 : i32
      scf.if %cond3A_79 {
        %mul3A_120 = arith.constant 1250 : i32
        %mul3A_121 = arith.muli %arg0, %mul3A_120 : i32
        %add3A_122 = arith.addi %mul3A_121, %arg1 : i32
        %mul3A_123 = arith.constant 16 : i32
        %mul3A_124 = arith.muli %add3A_76, %mul3A_123 : i32
        %add3A_125 = arith.addi %add3A_122, %mul3A_124 : i32
        %mul3A_126 = arith.constant 128 : i32
        %mul3A_127 = arith.muli %add3A_125, %mul3A_126 : i32
        %mul3A_128 = arith.constant 1250 : i32
        %mul3A_129 = arith.muli %arg0, %mul3A_128 : i32
        %add3A_130 = arith.addi %mul3A_129, %arg1 : i32
        %mul3A_131 = arith.constant 16 : i32
        %mul3A_132 = arith.muli %add3A_76, %mul3A_131 : i32
        %add3A_133 = arith.addi %add3A_130, %mul3A_132 : i32
        %mul3A_134 = arith.constant 128 : i32
        %mul3A_135 = arith.muli %add3A_133, %mul3A_134 : i32
        %dma_wait3A = arith.constant 0 : i32
        %dma_wait3A_136 = arith.constant 0 : i32
        %dma_wait3A_137 = tpu.memref_slice %arg7[%dma_wait3A, %dma_wait3A_136] : memref<3x128xi32, #tpu.memory_space<vmem>> -> memref<1x128xi32, #tpu.memory_space<vmem>>
        %dma_wait3A_138 = tpu.memref_squeeze %dma_wait3A_137 : memref<1x128xi32, #tpu.memory_space<vmem>> -> memref<128xi32, #tpu.memory_space<vmem>>
        %dma_wait3A_139 = tpu.memref_slice %arg3[%mul3A_127] : memref<320000xi32, #tpu.memory_space<hbm>> -> memref<128xi32, #tpu.memory_space<hbm>>
        %dma_wait3A_140 = arith.constant 0 : i32
        %dma_wait3A_141 = tpu.memref_slice %arg7[%dma_wait3A, %dma_wait3A_140] : memref<3x128xi32, #tpu.memory_space<vmem>> -> memref<1x128xi32, #tpu.memory_space<vmem>>
        %dma_wait3A_142 = tpu.memref_squeeze %dma_wait3A_141 : memref<1x128xi32, #tpu.memory_space<vmem>> -> memref<128xi32, #tpu.memory_space<vmem>>
        %dma_wait3A_143 = tpu.memref_slice %arg3[%mul3A_127] : memref<320000xi32, #tpu.memory_space<hbm>> -> memref<128xi32, #tpu.memory_space<hbm>>
        tpu.wait_dma2 semaphore(%arg11 : memref<!tpu.dma_semaphore, #tpu.memory_space<semaphore_mem>>) src(%dma_wait3A_143 : memref<128xi32, #tpu.memory_space<hbm>>) dst(%dma_wait3A_142 : memref<128xi32, #tpu.memory_space<vmem>>)
        %dma_wait3A_144 = arith.constant 0 : i32
        %dma_wait3A_145 = arith.constant 0 : i32
        %dma_wait3A_146 = tpu.memref_slice %arg8[%dma_wait3A_144, %dma_wait3A_145] : memref<3x128xi32, #tpu.memory_space<vmem>> -> memref<1x128xi32, #tpu.memory_space<vmem>>
        %dma_wait3A_147 = tpu.memref_squeeze %dma_wait3A_146 : memref<1x128xi32, #tpu.memory_space<vmem>> -> memref<128xi32, #tpu.memory_space<vmem>>
        %dma_wait3A_148 = tpu.memref_slice %arg4[%mul3A_135] : memref<320000xi32, #tpu.memory_space<hbm>> -> memref<128xi32, #tpu.memory_space<hbm>>
        %dma_wait3A_149 = arith.constant 0 : i32
        %dma_wait3A_150 = tpu.memref_slice %arg8[%dma_wait3A_144, %dma_wait3A_149] : memref<3x128xi32, #tpu.memory_space<vmem>> -> memref<1x128xi32, #tpu.memory_space<vmem>>
        %dma_wait3A_151 = tpu.memref_squeeze %dma_wait3A_150 : memref<1x128xi32, #tpu.memory_space<vmem>> -> memref<128xi32, #tpu.memory_space<vmem>>
        %dma_wait3A_152 = tpu.memref_slice %arg4[%mul3A_135] : memref<320000xi32, #tpu.memory_space<hbm>> -> memref<128xi32, #tpu.memory_space<hbm>>
        tpu.wait_dma2 semaphore(%arg11 : memref<!tpu.dma_semaphore, #tpu.memory_space<semaphore_mem>>) src(%dma_wait3A_152 : memref<128xi32, #tpu.memory_space<hbm>>) dst(%dma_wait3A_151 : memref<128xi32, #tpu.memory_space<vmem>>)
        %dma_start3A = arith.constant 0 : i32
        %dma_start3A_153 = arith.constant 0 : i32
        %dma_start3A_154 = arith.constant 0 : i32
        %dma_start3A_155 = arith.constant 0 : i32
        %dma_start3A_156 = tpu.memref_slice %arg9[%dma_start3A_153, %dma_start3A_154, %dma_start3A_155] : memref<3x128x128xf32, #tpu.memory_space<vmem>> -> memref<1x128x128xf32, #tpu.memory_space<vmem>>
        %dma_start3A_157 = tpu.memref_squeeze %dma_start3A_156 : memref<1x128x128xf32, #tpu.memory_space<vmem>> -> memref<128x128xf32, #tpu.memory_space<vmem>>
        %dma_start3A_158 = arith.constant 0 : i32
        %dma_start3A_159 = tpu.memref_slice %arg7[%dma_start3A, %dma_start3A_158] : memref<3x128xi32, #tpu.memory_space<vmem>> -> memref<1x128xi32, #tpu.memory_space<vmem>>
        %dma_start3A_160 = tpu.memref_squeeze %dma_start3A_159 : memref<1x128xi32, #tpu.memory_space<vmem>> -> memref<128xi32, #tpu.memory_space<vmem>>
        %dma_start3A_161 = arith.constant 0 : i32
        %dma_start3A_162 = arith.constant 0 : i32
        %dma_start3A_163 = tpu.memref_slice %arg2[%dma_start3A_161, %dma_start3A_162] : memref<10000x128xf32, #tpu.memory_space<hbm>> -> memref<10000x128xf32, #tpu.memory_space<hbm>>
        tpu.enqueue_indirect_dma source(%dma_start3A_163 : memref<10000x128xf32, #tpu.memory_space<hbm>>) target(%dma_start3A_157 : memref<128x128xf32, #tpu.memory_space<vmem>>) offsets(%dma_start3A_160 : memref<128xi32, #tpu.memory_space<vmem>>) semaphore(%arg14 : memref<!tpu.dma_semaphore, #tpu.memory_space<semaphore_mem>>)
      } else {
      }
      %mul3A_80 = arith.constant 3 : i32
      %mul3A_81 = arith.muli %while3A_72, %mul3A_80 : i32
      %add3A_82 = arith.constant 1 : i32
      %add3A_83 = arith.addi %mul3A_81, %add3A_82 : i32
      %lt3A_84 = arith.cmpi slt, %add3A_83, %select_n3A : i32
      %convert_element_type3A_85 = arith.extui %lt3A_84 : i1 to i32
      %cond3A_86 = arith.constant 0 : i32
      %cond3A_87 = arith.cmpi ne, %convert_element_type3A_85, %cond3A_86 : i32
      scf.if %cond3A_87 {
        %mul3A_120 = arith.constant 1250 : i32
        %mul3A_121 = arith.muli %arg0, %mul3A_120 : i32
        %add3A_122 = arith.addi %mul3A_121, %arg1 : i32
        %mul3A_123 = arith.constant 16 : i32
        %mul3A_124 = arith.muli %add3A_83, %mul3A_123 : i32
        %add3A_125 = arith.addi %add3A_122, %mul3A_124 : i32
        %mul3A_126 = arith.constant 128 : i32
        %mul3A_127 = arith.muli %add3A_125, %mul3A_126 : i32
        %mul3A_128 = arith.constant 1250 : i32
        %mul3A_129 = arith.muli %arg0, %mul3A_128 : i32
        %add3A_130 = arith.addi %mul3A_129, %arg1 : i32
        %mul3A_131 = arith.constant 16 : i32
        %mul3A_132 = arith.muli %add3A_83, %mul3A_131 : i32
        %add3A_133 = arith.addi %add3A_130, %mul3A_132 : i32
        %mul3A_134 = arith.constant 128 : i32
        %mul3A_135 = arith.muli %add3A_133, %mul3A_134 : i32
        %dma_wait3A = arith.constant 1 : i32
        %dma_wait3A_136 = arith.constant 0 : i32
        %dma_wait3A_137 = tpu.memref_slice %arg7[%dma_wait3A, %dma_wait3A_136] : memref<3x128xi32, #tpu.memory_space<vmem>> -> memref<1x128xi32, #tpu.memory_space<vmem>>
        %dma_wait3A_138 = tpu.memref_squeeze %dma_wait3A_137 : memref<1x128xi32, #tpu.memory_space<vmem>> -> memref<128xi32, #tpu.memory_space<vmem>>
        %dma_wait3A_139 = tpu.memref_slice %arg3[%mul3A_127] : memref<320000xi32, #tpu.memory_space<hbm>> -> memref<128xi32, #tpu.memory_space<hbm>>
        %dma_wait3A_140 = arith.constant 0 : i32
        %dma_wait3A_141 = tpu.memref_slice %arg7[%dma_wait3A, %dma_wait3A_140] : memref<3x128xi32, #tpu.memory_space<vmem>> -> memref<1x128xi32, #tpu.memory_space<vmem>>
        %dma_wait3A_142 = tpu.memref_squeeze %dma_wait3A_141 : memref<1x128xi32, #tpu.memory_space<vmem>> -> memref<128xi32, #tpu.memory_space<vmem>>
        %dma_wait3A_143 = tpu.memref_slice %arg3[%mul3A_127] : memref<320000xi32, #tpu.memory_space<hbm>> -> memref<128xi32, #tpu.memory_space<hbm>>
        tpu.wait_dma2 semaphore(%arg12 : memref<!tpu.dma_semaphore, #tpu.memory_space<semaphore_mem>>) src(%dma_wait3A_143 : memref<128xi32, #tpu.memory_space<hbm>>) dst(%dma_wait3A_142 : memref<128xi32, #tpu.memory_space<vmem>>)
        %dma_wait3A_144 = arith.constant 1 : i32
        %dma_wait3A_145 = arith.constant 0 : i32
        %dma_wait3A_146 = tpu.memref_slice %arg8[%dma_wait3A_144, %dma_wait3A_145] : memref<3x128xi32, #tpu.memory_space<vmem>> -> memref<1x128xi32, #tpu.memory_space<vmem>>
        %dma_wait3A_147 = tpu.memref_squeeze %dma_wait3A_146 : memref<1x128xi32, #tpu.memory_space<vmem>> -> memref<128xi32, #tpu.memory_space<vmem>>
        %dma_wait3A_148 = tpu.memref_slice %arg4[%mul3A_135] : memref<320000xi32, #tpu.memory_space<hbm>> -> memref<128xi32, #tpu.memory_space<hbm>>
        %dma_wait3A_149 = arith.constant 0 : i32
        %dma_wait3A_150 = tpu.memref_slice %arg8[%dma_wait3A_144, %dma_wait3A_149] : memref<3x128xi32, #tpu.memory_space<vmem>> -> memref<1x128xi32, #tpu.memory_space<vmem>>
        %dma_wait3A_151 = tpu.memref_squeeze %dma_wait3A_150 : memref<1x128xi32, #tpu.memory_space<vmem>> -> memref<128xi32, #tpu.memory_space<vmem>>
        %dma_wait3A_152 = tpu.memref_slice %arg4[%mul3A_135] : memref<320000xi32, #tpu.memory_space<hbm>> -> memref<128xi32, #tpu.memory_space<hbm>>
        tpu.wait_dma2 semaphore(%arg12 : memref<!tpu.dma_semaphore, #tpu.memory_space<semaphore_mem>>) src(%dma_wait3A_152 : memref<128xi32, #tpu.memory_space<hbm>>) dst(%dma_wait3A_151 : memref<128xi32, #tpu.memory_space<vmem>>)
        %dma_start3A = arith.constant 1 : i32
        %dma_start3A_153 = arith.constant 1 : i32
        %dma_start3A_154 = arith.constant 0 : i32
        %dma_start3A_155 = arith.constant 0 : i32
        %dma_start3A_156 = tpu.memref_slice %arg9[%dma_start3A_153, %dma_start3A_154, %dma_start3A_155] : memref<3x128x128xf32, #tpu.memory_space<vmem>> -> memref<1x128x128xf32, #tpu.memory_space<vmem>>
        %dma_start3A_157 = tpu.memref_squeeze %dma_start3A_156 : memref<1x128x128xf32, #tpu.memory_space<vmem>> -> memref<128x128xf32, #tpu.memory_space<vmem>>
        %dma_start3A_158 = arith.constant 0 : i32
        %dma_start3A_159 = tpu.memref_slice %arg7[%dma_start3A, %dma_start3A_158] : memref<3x128xi32, #tpu.memory_space<vmem>> -> memref<1x128xi32, #tpu.memory_space<vmem>>
        %dma_start3A_160 = tpu.memref_squeeze %dma_start3A_159 : memref<1x128xi32, #tpu.memory_space<vmem>> -> memref<128xi32, #tpu.memory_space<vmem>>
        %dma_start3A_161 = arith.constant 0 : i32
        %dma_start3A_162 = arith.constant 0 : i32
        %dma_start3A_163 = tpu.memref_slice %arg2[%dma_start3A_161, %dma_start3A_162] : memref<10000x128xf32, #tpu.memory_space<hbm>> -> memref<10000x128xf32, #tpu.memory_space<hbm>>
        tpu.enqueue_indirect_dma source(%dma_start3A_163 : memref<10000x128xf32, #tpu.memory_space<hbm>>) target(%dma_start3A_157 : memref<128x128xf32, #tpu.memory_space<vmem>>) offsets(%dma_start3A_160 : memref<128xi32, #tpu.memory_space<vmem>>) semaphore(%arg15 : memref<!tpu.dma_semaphore, #tpu.memory_space<semaphore_mem>>)
      } else {
      }
      %mul3A_88 = arith.constant 3 : i32
      %mul3A_89 = arith.muli %while3A_72, %mul3A_88 : i32
      %add3A_90 = arith.constant 2 : i32
      %add3A_91 = arith.addi %mul3A_89, %add3A_90 : i32
      %lt3A_92 = arith.cmpi slt, %add3A_91, %select_n3A : i32
      %convert_element_type3A_93 = arith.extui %lt3A_92 : i1 to i32
      %cond3A_94 = arith.constant 0 : i32
      %cond3A_95 = arith.cmpi ne, %convert_element_type3A_93, %cond3A_94 : i32
      scf.if %cond3A_95 {
        %mul3A_120 = arith.constant 1250 : i32
        %mul3A_121 = arith.muli %arg0, %mul3A_120 : i32
        %add3A_122 = arith.addi %mul3A_121, %arg1 : i32
        %mul3A_123 = arith.constant 16 : i32
        %mul3A_124 = arith.muli %add3A_91, %mul3A_123 : i32
        %add3A_125 = arith.addi %add3A_122, %mul3A_124 : i32
        %mul3A_126 = arith.constant 128 : i32
        %mul3A_127 = arith.muli %add3A_125, %mul3A_126 : i32
        %mul3A_128 = arith.constant 1250 : i32
        %mul3A_129 = arith.muli %arg0, %mul3A_128 : i32
        %add3A_130 = arith.addi %mul3A_129, %arg1 : i32
        %mul3A_131 = arith.constant 16 : i32
        %mul3A_132 = arith.muli %add3A_91, %mul3A_131 : i32
        %add3A_133 = arith.addi %add3A_130, %mul3A_132 : i32
        %mul3A_134 = arith.constant 128 : i32
        %mul3A_135 = arith.muli %add3A_133, %mul3A_134 : i32
        %dma_wait3A = arith.constant 2 : i32
        %dma_wait3A_136 = arith.constant 0 : i32
        %dma_wait3A_137 = tpu.memref_slice %arg7[%dma_wait3A, %dma_wait3A_136] : memref<3x128xi32, #tpu.memory_space<vmem>> -> memref<1x128xi32, #tpu.memory_space<vmem>>
        %dma_wait3A_138 = tpu.memref_squeeze %dma_wait3A_137 : memref<1x128xi32, #tpu.memory_space<vmem>> -> memref<128xi32, #tpu.memory_space<vmem>>
        %dma_wait3A_139 = tpu.memref_slice %arg3[%mul3A_127] : memref<320000xi32, #tpu.memory_space<hbm>> -> memref<128xi32, #tpu.memory_space<hbm>>
        %dma_wait3A_140 = arith.constant 0 : i32
        %dma_wait3A_141 = tpu.memref_slice %arg7[%dma_wait3A, %dma_wait3A_140] : memref<3x128xi32, #tpu.memory_space<vmem>> -> memref<1x128xi32, #tpu.memory_space<vmem>>
        %dma_wait3A_142 = tpu.memref_squeeze %dma_wait3A_141 : memref<1x128xi32, #tpu.memory_space<vmem>> -> memref<128xi32, #tpu.memory_space<vmem>>
        %dma_wait3A_143 = tpu.memref_slice %arg3[%mul3A_127] : memref<320000xi32, #tpu.memory_space<hbm>> -> memref<128xi32, #tpu.memory_space<hbm>>
        tpu.wait_dma2 semaphore(%arg13 : memref<!tpu.dma_semaphore, #tpu.memory_space<semaphore_mem>>) src(%dma_wait3A_143 : memref<128xi32, #tpu.memory_space<hbm>>) dst(%dma_wait3A_142 : memref<128xi32, #tpu.memory_space<vmem>>)
        %dma_wait3A_144 = arith.constant 2 : i32
        %dma_wait3A_145 = arith.constant 0 : i32
        %dma_wait3A_146 = tpu.memref_slice %arg8[%dma_wait3A_144, %dma_wait3A_145] : memref<3x128xi32, #tpu.memory_space<vmem>> -> memref<1x128xi32, #tpu.memory_space<vmem>>
        %dma_wait3A_147 = tpu.memref_squeeze %dma_wait3A_146 : memref<1x128xi32, #tpu.memory_space<vmem>> -> memref<128xi32, #tpu.memory_space<vmem>>
        %dma_wait3A_148 = tpu.memref_slice %arg4[%mul3A_135] : memref<320000xi32, #tpu.memory_space<hbm>> -> memref<128xi32, #tpu.memory_space<hbm>>
        %dma_wait3A_149 = arith.constant 0 : i32
        %dma_wait3A_150 = tpu.memref_slice %arg8[%dma_wait3A_144, %dma_wait3A_149] : memref<3x128xi32, #tpu.memory_space<vmem>> -> memref<1x128xi32, #tpu.memory_space<vmem>>
        %dma_wait3A_151 = tpu.memref_squeeze %dma_wait3A_150 : memref<1x128xi32, #tpu.memory_space<vmem>> -> memref<128xi32, #tpu.memory_space<vmem>>
        %dma_wait3A_152 = tpu.memref_slice %arg4[%mul3A_135] : memref<320000xi32, #tpu.memory_space<hbm>> -> memref<128xi32, #tpu.memory_space<hbm>>
        tpu.wait_dma2 semaphore(%arg13 : memref<!tpu.dma_semaphore, #tpu.memory_space<semaphore_mem>>) src(%dma_wait3A_152 : memref<128xi32, #tpu.memory_space<hbm>>) dst(%dma_wait3A_151 : memref<128xi32, #tpu.memory_space<vmem>>)
        %dma_start3A = arith.constant 2 : i32
        %dma_start3A_153 = arith.constant 2 : i32
        %dma_start3A_154 = arith.constant 0 : i32
        %dma_start3A_155 = arith.constant 0 : i32
        %dma_start3A_156 = tpu.memref_slice %arg9[%dma_start3A_153, %dma_start3A_154, %dma_start3A_155] : memref<3x128x128xf32, #tpu.memory_space<vmem>> -> memref<1x128x128xf32, #tpu.memory_space<vmem>>
        %dma_start3A_157 = tpu.memref_squeeze %dma_start3A_156 : memref<1x128x128xf32, #tpu.memory_space<vmem>> -> memref<128x128xf32, #tpu.memory_space<vmem>>
        %dma_start3A_158 = arith.constant 0 : i32
        %dma_start3A_159 = tpu.memref_slice %arg7[%dma_start3A, %dma_start3A_158] : memref<3x128xi32, #tpu.memory_space<vmem>> -> memref<1x128xi32, #tpu.memory_space<vmem>>
        %dma_start3A_160 = tpu.memref_squeeze %dma_start3A_159 : memref<1x128xi32, #tpu.memory_space<vmem>> -> memref<128xi32, #tpu.memory_space<vmem>>
        %dma_start3A_161 = arith.constant 0 : i32
        %dma_start3A_162 = arith.constant 0 : i32
        %dma_start3A_163 = tpu.memref_slice %arg2[%dma_start3A_161, %dma_start3A_162] : memref<10000x128xf32, #tpu.memory_space<hbm>> -> memref<10000x128xf32, #tpu.memory_space<hbm>>
        tpu.enqueue_indirect_dma source(%dma_start3A_163 : memref<10000x128xf32, #tpu.memory_space<hbm>>) target(%dma_start3A_157 : memref<128x128xf32, #tpu.memory_space<vmem>>) offsets(%dma_start3A_160 : memref<128xi32, #tpu.memory_space<vmem>>) semaphore(%arg16 : memref<!tpu.dma_semaphore, #tpu.memory_space<semaphore_mem>>)
      } else {
      }
      %mul3A_96 = arith.constant 3 : i32
      %mul3A_97 = arith.muli %while3A_72, %mul3A_96 : i32
      %add3A_98 = arith.constant 0 : i32
      %add3A_99 = arith.addi %mul3A_97, %add3A_98 : i32
      %lt3A_100 = arith.cmpi slt, %add3A_99, %select_n3A : i32
      %convert_element_type3A_101 = arith.extui %lt3A_100 : i1 to i32
      %cond3A_102 = arith.constant 0 : i32
      %cond3A_103 = arith.cmpi ne, %convert_element_type3A_101, %cond3A_102 : i32
      scf.if %cond3A_103 {
        %dma_wait3A = arith.constant 0 : i32
        %dma_wait3A_120 = arith.constant 0 : i32
        %dma_wait3A_121 = arith.constant 0 : i32
        %dma_wait3A_122 = arith.constant 0 : i32
        %dma_wait3A_123 = tpu.memref_slice %arg9[%dma_wait3A_120, %dma_wait3A_121, %dma_wait3A_122] : memref<3x128x128xf32, #tpu.memory_space<vmem>> -> memref<1x128x128xf32, #tpu.memory_space<vmem>>
        %dma_wait3A_124 = tpu.memref_squeeze %dma_wait3A_123 : memref<1x128x128xf32, #tpu.memory_space<vmem>> -> memref<128x128xf32, #tpu.memory_space<vmem>>
        %dma_wait3A_125 = arith.constant 0 : i32
        %dma_wait3A_126 = tpu.memref_slice %arg7[%dma_wait3A, %dma_wait3A_125] : memref<3x128xi32, #tpu.memory_space<vmem>> -> memref<1x128xi32, #tpu.memory_space<vmem>>
        %dma_wait3A_127 = tpu.memref_squeeze %dma_wait3A_126 : memref<1x128xi32, #tpu.memory_space<vmem>> -> memref<128xi32, #tpu.memory_space<vmem>>
        %dma_wait3A_128 = arith.constant 0 : i32
        %dma_wait3A_129 = arith.constant 0 : i32
        %dma_wait3A_130 = tpu.memref_slice %arg2[%dma_wait3A_128, %dma_wait3A_129] : memref<10000x128xf32, #tpu.memory_space<hbm>> -> memref<10000x128xf32, #tpu.memory_space<hbm>>
        tpu.wait_indirect_dma semaphore(%arg14 : memref<!tpu.dma_semaphore, #tpu.memory_space<semaphore_mem>>) src(%dma_wait3A_130 : memref<10000x128xf32, #tpu.memory_space<hbm>>) dst(%dma_wait3A_124 : memref<128x128xf32, #tpu.memory_space<vmem>>)
        %run_scoped3A = arith.constant 0 : i32
        %run_scoped3A_131 = arith.constant 0 : i32
        "tpu.region"() ({
          %run_scoped3A_138 = tpu.sem_alloc : memref<!tpu.dma_semaphore, #tpu.memory_space<semaphore_mem>>
          %dma_start3A = arith.constant 0 : i32
          %dma_start3A_139 = arith.constant 0 : i32
          %dma_start3A_140 = tpu.memref_slice %arg9[%run_scoped3A, %dma_start3A, %dma_start3A_139] : memref<3x128x128xf32, #tpu.memory_space<vmem>> -> memref<1x128x128xf32, #tpu.memory_space<vmem>>
          %dma_start3A_141 = tpu.memref_squeeze %dma_start3A_140 : memref<1x128x128xf32, #tpu.memory_space<vmem>> -> memref<128x128xf32, #tpu.memory_space<vmem>>
          %dma_start3A_142 = arith.constant 0 : i32
          %dma_start3A_143 = tpu.memref_slice %arg8[%run_scoped3A_131, %dma_start3A_142] : memref<3x128xi32, #tpu.memory_space<vmem>> -> memref<1x128xi32, #tpu.memory_space<vmem>>
          %dma_start3A_144 = tpu.memref_squeeze %dma_start3A_143 : memref<1x128xi32, #tpu.memory_space<vmem>> -> memref<128xi32, #tpu.memory_space<vmem>>
          %dma_start3A_145 = arith.constant 0 : i32
          %dma_start3A_146 = arith.constant 0 : i32
          %dma_start3A_147 = tpu.memref_slice %arg10[%dma_start3A_145, %dma_start3A_146] : memref<10112x128xf32, #tpu.memory_space<vmem_shared>> -> memref<10112x128xf32, #tpu.memory_space<vmem_shared>>
          tpu.enqueue_indirect_dma source(%dma_start3A_141 : memref<128x128xf32, #tpu.memory_space<vmem>>) target(%dma_start3A_147 : memref<10112x128xf32, #tpu.memory_space<vmem_shared>>) offsets(%dma_start3A_144 : memref<128xi32, #tpu.memory_space<vmem>>) semaphore(%run_scoped3A_138 : memref<!tpu.dma_semaphore, #tpu.memory_space<semaphore_mem>>) {add = true}
          %dma_wait3A_148 = arith.constant 0 : i32
          %dma_wait3A_149 = arith.constant 0 : i32
          %dma_wait3A_150 = tpu.memref_slice %arg9[%run_scoped3A, %dma_wait3A_148, %dma_wait3A_149] : memref<3x128x128xf32, #tpu.memory_space<vmem>> -> memref<1x128x128xf32, #tpu.memory_space<vmem>>
          %dma_wait3A_151 = tpu.memref_squeeze %dma_wait3A_150 : memref<1x128x128xf32, #tpu.memory_space<vmem>> -> memref<128x128xf32, #tpu.memory_space<vmem>>
          %dma_wait3A_152 = arith.constant 0 : i32
          %dma_wait3A_153 = tpu.memref_slice %arg8[%run_scoped3A_131, %dma_wait3A_152] : memref<3x128xi32, #tpu.memory_space<vmem>> -> memref<1x128xi32, #tpu.memory_space<vmem>>
          %dma_wait3A_154 = tpu.memref_squeeze %dma_wait3A_153 : memref<1x128xi32, #tpu.memory_space<vmem>> -> memref<128xi32, #tpu.memory_space<vmem>>
          %dma_wait3A_155 = arith.constant 0 : i32
          %dma_wait3A_156 = arith.constant 0 : i32
          %dma_wait3A_157 = tpu.memref_slice %arg10[%dma_wait3A_155, %dma_wait3A_156] : memref<10112x128xf32, #tpu.memory_space<vmem_shared>> -> memref<10112x128xf32, #tpu.memory_space<vmem_shared>>
          tpu.wait_indirect_dma semaphore(%run_scoped3A_138 : memref<!tpu.dma_semaphore, #tpu.memory_space<semaphore_mem>>) src(%dma_wait3A_151 : memref<128x128xf32, #tpu.memory_space<vmem>>) dst(%dma_wait3A_157 : memref<10112x128xf32, #tpu.memory_space<vmem_shared>>)
          tpu.yield
        }) : () -> ()
        %add3A_132 = arith.constant 3 : i32
        %add3A_133 = arith.addi %add3A_99, %add3A_132 : i32
        %lt3A_134 = arith.cmpi slt, %add3A_133, %select_n3A : i32
        %convert_element_type3A_135 = arith.extui %lt3A_134 : i1 to i32
        %cond3A_136 = arith.constant 0 : i32
        %cond3A_137 = arith.cmpi ne, %convert_element_type3A_135, %cond3A_136 : i32
        scf.if %cond3A_137 {
          %add3A_138 = arith.constant 3 : i32
          %add3A_139 = arith.addi %add3A_99, %add3A_138 : i32
          %mul3A_140 = arith.constant 1250 : i32
          %mul3A_141 = arith.muli %arg0, %mul3A_140 : i32
          %add3A_142 = arith.addi %mul3A_141, %arg1 : i32
          %mul3A_143 = arith.constant 16 : i32
          %mul3A_144 = arith.muli %add3A_139, %mul3A_143 : i32
          %add3A_145 = arith.addi %add3A_142, %mul3A_144 : i32
          %mul3A_146 = arith.constant 128 : i32
          %mul3A_147 = arith.muli %add3A_145, %mul3A_146 : i32
          %mul3A_148 = arith.constant 1250 : i32
          %mul3A_149 = arith.muli %arg0, %mul3A_148 : i32
          %add3A_150 = arith.addi %mul3A_149, %arg1 : i32
          %mul3A_151 = arith.constant 16 : i32
          %mul3A_152 = arith.muli %add3A_139, %mul3A_151 : i32
          %add3A_153 = arith.addi %add3A_150, %mul3A_152 : i32
          %mul3A_154 = arith.constant 128 : i32
          %mul3A_155 = arith.muli %add3A_153, %mul3A_154 : i32
          %dma_start3A = arith.constant 0 : i32
          %dma_start3A_156 = arith.constant 0 : i32
          %dma_start3A_157 = tpu.memref_slice %arg7[%dma_start3A, %dma_start3A_156] : memref<3x128xi32, #tpu.memory_space<vmem>> -> memref<1x128xi32, #tpu.memory_space<vmem>>
          %dma_start3A_158 = tpu.memref_squeeze %dma_start3A_157 : memref<1x128xi32, #tpu.memory_space<vmem>> -> memref<128xi32, #tpu.memory_space<vmem>>
          %dma_start3A_159 = tpu.memref_slice %arg3[%mul3A_147] : memref<320000xi32, #tpu.memory_space<hbm>> -> memref<128xi32, #tpu.memory_space<hbm>>
          %dma_start3A_160 = arith.constant 0 : i32
          %dma_start3A_161 = tpu.memref_slice %arg7[%dma_start3A, %dma_start3A_160] : memref<3x128xi32, #tpu.memory_space<vmem>> -> memref<1x128xi32, #tpu.memory_space<vmem>>
          %dma_start3A_162 = tpu.memref_squeeze %dma_start3A_161 : memref<1x128xi32, #tpu.memory_space<vmem>> -> memref<128xi32, #tpu.memory_space<vmem>>
          %dma_start3A_163 = tpu.memref_slice %arg3[%mul3A_147] : memref<320000xi32, #tpu.memory_space<hbm>> -> memref<128xi32, #tpu.memory_space<hbm>>
          tpu.enqueue_dma source(%dma_start3A_163 : memref<128xi32, #tpu.memory_space<hbm>>) target(%dma_start3A_162 : memref<128xi32, #tpu.memory_space<vmem>>) target_semaphore(%arg11 : memref<!tpu.dma_semaphore, #tpu.memory_space<semaphore_mem>>)
          %dma_start3A_164 = arith.constant 0 : i32
          %dma_start3A_165 = arith.constant 0 : i32
          %dma_start3A_166 = tpu.memref_slice %arg8[%dma_start3A_164, %dma_start3A_165] : memref<3x128xi32, #tpu.memory_space<vmem>> -> memref<1x128xi32, #tpu.memory_space<vmem>>
          %dma_start3A_167 = tpu.memref_squeeze %dma_start3A_166 : memref<1x128xi32, #tpu.memory_space<vmem>> -> memref<128xi32, #tpu.memory_space<vmem>>
          %dma_start3A_168 = tpu.memref_slice %arg4[%mul3A_155] : memref<320000xi32, #tpu.memory_space<hbm>> -> memref<128xi32, #tpu.memory_space<hbm>>
          %dma_start3A_169 = arith.constant 0 : i32
          %dma_start3A_170 = tpu.memref_slice %arg8[%dma_start3A_164, %dma_start3A_169] : memref<3x128xi32, #tpu.memory_space<vmem>> -> memref<1x128xi32, #tpu.memory_space<vmem>>
          %dma_start3A_171 = tpu.memref_squeeze %dma_start3A_170 : memref<1x128xi32, #tpu.memory_space<vmem>> -> memref<128xi32, #tpu.memory_space<vmem>>
          %dma_start3A_172 = tpu.memref_slice %arg4[%mul3A_155] : memref<320000xi32, #tpu.memory_space<hbm>> -> memref<128xi32, #tpu.memory_space<hbm>>
          tpu.enqueue_dma source(%dma_start3A_172 : memref<128xi32, #tpu.memory_space<hbm>>) target(%dma_start3A_171 : memref<128xi32, #tpu.memory_space<vmem>>) target_semaphore(%arg11 : memref<!tpu.dma_semaphore, #tpu.memory_space<semaphore_mem>>)
        } else {
        }
      } else {
      }
      %mul3A_104 = arith.constant 3 : i32
      %mul3A_105 = arith.muli %while3A_72, %mul3A_104 : i32
      %add3A_106 = arith.constant 1 : i32
      %add3A_107 = arith.addi %mul3A_105, %add3A_106 : i32
      %lt3A_108 = arith.cmpi slt, %add3A_107, %select_n3A : i32
      %convert_element_type3A_109 = arith.extui %lt3A_108 : i1 to i32
      %cond3A_110 = arith.constant 0 : i32
      %cond3A_111 = arith.cmpi ne, %convert_element_type3A_109, %cond3A_110 : i32
      scf.if %cond3A_111 {
        %dma_wait3A = arith.constant 1 : i32
        %dma_wait3A_120 = arith.constant 1 : i32
        %dma_wait3A_121 = arith.constant 0 : i32
        %dma_wait3A_122 = arith.constant 0 : i32
        %dma_wait3A_123 = tpu.memref_slice %arg9[%dma_wait3A_120, %dma_wait3A_121, %dma_wait3A_122] : memref<3x128x128xf32, #tpu.memory_space<vmem>> -> memref<1x128x128xf32, #tpu.memory_space<vmem>>
        %dma_wait3A_124 = tpu.memref_squeeze %dma_wait3A_123 : memref<1x128x128xf32, #tpu.memory_space<vmem>> -> memref<128x128xf32, #tpu.memory_space<vmem>>
        %dma_wait3A_125 = arith.constant 0 : i32
        %dma_wait3A_126 = tpu.memref_slice %arg7[%dma_wait3A, %dma_wait3A_125] : memref<3x128xi32, #tpu.memory_space<vmem>> -> memref<1x128xi32, #tpu.memory_space<vmem>>
        %dma_wait3A_127 = tpu.memref_squeeze %dma_wait3A_126 : memref<1x128xi32, #tpu.memory_space<vmem>> -> memref<128xi32, #tpu.memory_space<vmem>>
        %dma_wait3A_128 = arith.constant 0 : i32
        %dma_wait3A_129 = arith.constant 0 : i32
        %dma_wait3A_130 = tpu.memref_slice %arg2[%dma_wait3A_128, %dma_wait3A_129] : memref<10000x128xf32, #tpu.memory_space<hbm>> -> memref<10000x128xf32, #tpu.memory_space<hbm>>
        tpu.wait_indirect_dma semaphore(%arg15 : memref<!tpu.dma_semaphore, #tpu.memory_space<semaphore_mem>>) src(%dma_wait3A_130 : memref<10000x128xf32, #tpu.memory_space<hbm>>) dst(%dma_wait3A_124 : memref<128x128xf32, #tpu.memory_space<vmem>>)
        %run_scoped3A = arith.constant 1 : i32
        %run_scoped3A_131 = arith.constant 1 : i32
        "tpu.region"() ({
          %run_scoped3A_138 = tpu.sem_alloc : memref<!tpu.dma_semaphore, #tpu.memory_space<semaphore_mem>>
          %dma_start3A = arith.constant 0 : i32
          %dma_start3A_139 = arith.constant 0 : i32
          %dma_start3A_140 = tpu.memref_slice %arg9[%run_scoped3A, %dma_start3A, %dma_start3A_139] : memref<3x128x128xf32, #tpu.memory_space<vmem>> -> memref<1x128x128xf32, #tpu.memory_space<vmem>>
          %dma_start3A_141 = tpu.memref_squeeze %dma_start3A_140 : memref<1x128x128xf32, #tpu.memory_space<vmem>> -> memref<128x128xf32, #tpu.memory_space<vmem>>
          %dma_start3A_142 = arith.constant 0 : i32
          %dma_start3A_143 = tpu.memref_slice %arg8[%run_scoped3A_131, %dma_start3A_142] : memref<3x128xi32, #tpu.memory_space<vmem>> -> memref<1x128xi32, #tpu.memory_space<vmem>>
          %dma_start3A_144 = tpu.memref_squeeze %dma_start3A_143 : memref<1x128xi32, #tpu.memory_space<vmem>> -> memref<128xi32, #tpu.memory_space<vmem>>
          %dma_start3A_145 = arith.constant 0 : i32
          %dma_start3A_146 = arith.constant 0 : i32
          %dma_start3A_147 = tpu.memref_slice %arg10[%dma_start3A_145, %dma_start3A_146] : memref<10112x128xf32, #tpu.memory_space<vmem_shared>> -> memref<10112x128xf32, #tpu.memory_space<vmem_shared>>
          tpu.enqueue_indirect_dma source(%dma_start3A_141 : memref<128x128xf32, #tpu.memory_space<vmem>>) target(%dma_start3A_147 : memref<10112x128xf32, #tpu.memory_space<vmem_shared>>) offsets(%dma_start3A_144 : memref<128xi32, #tpu.memory_space<vmem>>) semaphore(%run_scoped3A_138 : memref<!tpu.dma_semaphore, #tpu.memory_space<semaphore_mem>>) {add = true}
          %dma_wait3A_148 = arith.constant 0 : i32
          %dma_wait3A_149 = arith.constant 0 : i32
          %dma_wait3A_150 = tpu.memref_slice %arg9[%run_scoped3A, %dma_wait3A_148, %dma_wait3A_149] : memref<3x128x128xf32, #tpu.memory_space<vmem>> -> memref<1x128x128xf32, #tpu.memory_space<vmem>>
          %dma_wait3A_151 = tpu.memref_squeeze %dma_wait3A_150 : memref<1x128x128xf32, #tpu.memory_space<vmem>> -> memref<128x128xf32, #tpu.memory_space<vmem>>
          %dma_wait3A_152 = arith.constant 0 : i32
          %dma_wait3A_153 = tpu.memref_slice %arg8[%run_scoped3A_131, %dma_wait3A_152] : memref<3x128xi32, #tpu.memory_space<vmem>> -> memref<1x128xi32, #tpu.memory_space<vmem>>
          %dma_wait3A_154 = tpu.memref_squeeze %dma_wait3A_153 : memref<1x128xi32, #tpu.memory_space<vmem>> -> memref<128xi32, #tpu.memory_space<vmem>>
          %dma_wait3A_155 = arith.constant 0 : i32
          %dma_wait3A_156 = arith.constant 0 : i32
          %dma_wait3A_157 = tpu.memref_slice %arg10[%dma_wait3A_155, %dma_wait3A_156] : memref<10112x128xf32, #tpu.memory_space<vmem_shared>> -> memref<10112x128xf32, #tpu.memory_space<vmem_shared>>
          tpu.wait_indirect_dma semaphore(%run_scoped3A_138 : memref<!tpu.dma_semaphore, #tpu.memory_space<semaphore_mem>>) src(%dma_wait3A_151 : memref<128x128xf32, #tpu.memory_space<vmem>>) dst(%dma_wait3A_157 : memref<10112x128xf32, #tpu.memory_space<vmem_shared>>)
          tpu.yield
        }) : () -> ()
        %add3A_132 = arith.constant 3 : i32
        %add3A_133 = arith.addi %add3A_107, %add3A_132 : i32
        %lt3A_134 = arith.cmpi slt, %add3A_133, %select_n3A : i32
        %convert_element_type3A_135 = arith.extui %lt3A_134 : i1 to i32
        %cond3A_136 = arith.constant 0 : i32
        %cond3A_137 = arith.cmpi ne, %convert_element_type3A_135, %cond3A_136 : i32
        scf.if %cond3A_137 {
          %add3A_138 = arith.constant 3 : i32
          %add3A_139 = arith.addi %add3A_107, %add3A_138 : i32
          %mul3A_140 = arith.constant 1250 : i32
          %mul3A_141 = arith.muli %arg0, %mul3A_140 : i32
          %add3A_142 = arith.addi %mul3A_141, %arg1 : i32
          %mul3A_143 = arith.constant 16 : i32
          %mul3A_144 = arith.muli %add3A_139, %mul3A_143 : i32
          %add3A_145 = arith.addi %add3A_142, %mul3A_144 : i32
          %mul3A_146 = arith.constant 128 : i32
          %mul3A_147 = arith.muli %add3A_145, %mul3A_146 : i32
          %mul3A_148 = arith.constant 1250 : i32
          %mul3A_149 = arith.muli %arg0, %mul3A_148 : i32
          %add3A_150 = arith.addi %mul3A_149, %arg1 : i32
          %mul3A_151 = arith.constant 16 : i32
          %mul3A_152 = arith.muli %add3A_139, %mul3A_151 : i32
          %add3A_153 = arith.addi %add3A_150, %mul3A_152 : i32
          %mul3A_154 = arith.constant 128 : i32
          %mul3A_155 = arith.muli %add3A_153, %mul3A_154 : i32
          %dma_start3A = arith.constant 1 : i32
          %dma_start3A_156 = arith.constant 0 : i32
          %dma_start3A_157 = tpu.memref_slice %arg7[%dma_start3A, %dma_start3A_156] : memref<3x128xi32, #tpu.memory_space<vmem>> -> memref<1x128xi32, #tpu.memory_space<vmem>>
          %dma_start3A_158 = tpu.memref_squeeze %dma_start3A_157 : memref<1x128xi32, #tpu.memory_space<vmem>> -> memref<128xi32, #tpu.memory_space<vmem>>
          %dma_start3A_159 = tpu.memref_slice %arg3[%mul3A_147] : memref<320000xi32, #tpu.memory_space<hbm>> -> memref<128xi32, #tpu.memory_space<hbm>>
          %dma_start3A_160 = arith.constant 0 : i32
          %dma_start3A_161 = tpu.memref_slice %arg7[%dma_start3A, %dma_start3A_160] : memref<3x128xi32, #tpu.memory_space<vmem>> -> memref<1x128xi32, #tpu.memory_space<vmem>>
          %dma_start3A_162 = tpu.memref_squeeze %dma_start3A_161 : memref<1x128xi32, #tpu.memory_space<vmem>> -> memref<128xi32, #tpu.memory_space<vmem>>
          %dma_start3A_163 = tpu.memref_slice %arg3[%mul3A_147] : memref<320000xi32, #tpu.memory_space<hbm>> -> memref<128xi32, #tpu.memory_space<hbm>>
          tpu.enqueue_dma source(%dma_start3A_163 : memref<128xi32, #tpu.memory_space<hbm>>) target(%dma_start3A_162 : memref<128xi32, #tpu.memory_space<vmem>>) target_semaphore(%arg12 : memref<!tpu.dma_semaphore, #tpu.memory_space<semaphore_mem>>)
          %dma_start3A_164 = arith.constant 1 : i32
          %dma_start3A_165 = arith.constant 0 : i32
          %dma_start3A_166 = tpu.memref_slice %arg8[%dma_start3A_164, %dma_start3A_165] : memref<3x128xi32, #tpu.memory_space<vmem>> -> memref<1x128xi32, #tpu.memory_space<vmem>>
          %dma_start3A_167 = tpu.memref_squeeze %dma_start3A_166 : memref<1x128xi32, #tpu.memory_space<vmem>> -> memref<128xi32, #tpu.memory_space<vmem>>
          %dma_start3A_168 = tpu.memref_slice %arg4[%mul3A_155] : memref<320000xi32, #tpu.memory_space<hbm>> -> memref<128xi32, #tpu.memory_space<hbm>>
          %dma_start3A_169 = arith.constant 0 : i32
          %dma_start3A_170 = tpu.memref_slice %arg8[%dma_start3A_164, %dma_start3A_169] : memref<3x128xi32, #tpu.memory_space<vmem>> -> memref<1x128xi32, #tpu.memory_space<vmem>>
          %dma_start3A_171 = tpu.memref_squeeze %dma_start3A_170 : memref<1x128xi32, #tpu.memory_space<vmem>> -> memref<128xi32, #tpu.memory_space<vmem>>
          %dma_start3A_172 = tpu.memref_slice %arg4[%mul3A_155] : memref<320000xi32, #tpu.memory_space<hbm>> -> memref<128xi32, #tpu.memory_space<hbm>>
          tpu.enqueue_dma source(%dma_start3A_172 : memref<128xi32, #tpu.memory_space<hbm>>) target(%dma_start3A_171 : memref<128xi32, #tpu.memory_space<vmem>>) target_semaphore(%arg12 : memref<!tpu.dma_semaphore, #tpu.memory_space<semaphore_mem>>)
        } else {
        }
      } else {
      }
      %mul3A_112 = arith.constant 3 : i32
      %mul3A_113 = arith.muli %while3A_72, %mul3A_112 : i32
      %add3A_114 = arith.constant 2 : i32
      %add3A_115 = arith.addi %mul3A_113, %add3A_114 : i32
      %lt3A_116 = arith.cmpi slt, %add3A_115, %select_n3A : i32
      %convert_element_type3A_117 = arith.extui %lt3A_116 : i1 to i32
      %cond3A_118 = arith.constant 0 : i32
      %cond3A_119 = arith.cmpi ne, %convert_element_type3A_117, %cond3A_118 : i32
      scf.if %cond3A_119 {
        %dma_wait3A = arith.constant 2 : i32
        %dma_wait3A_120 = arith.constant 2 : i32
        %dma_wait3A_121 = arith.constant 0 : i32
        %dma_wait3A_122 = arith.constant 0 : i32
        %dma_wait3A_123 = tpu.memref_slice %arg9[%dma_wait3A_120, %dma_wait3A_121, %dma_wait3A_122] : memref<3x128x128xf32, #tpu.memory_space<vmem>> -> memref<1x128x128xf32, #tpu.memory_space<vmem>>
        %dma_wait3A_124 = tpu.memref_squeeze %dma_wait3A_123 : memref<1x128x128xf32, #tpu.memory_space<vmem>> -> memref<128x128xf32, #tpu.memory_space<vmem>>
        %dma_wait3A_125 = arith.constant 0 : i32
        %dma_wait3A_126 = tpu.memref_slice %arg7[%dma_wait3A, %dma_wait3A_125] : memref<3x128xi32, #tpu.memory_space<vmem>> -> memref<1x128xi32, #tpu.memory_space<vmem>>
        %dma_wait3A_127 = tpu.memref_squeeze %dma_wait3A_126 : memref<1x128xi32, #tpu.memory_space<vmem>> -> memref<128xi32, #tpu.memory_space<vmem>>
        %dma_wait3A_128 = arith.constant 0 : i32
        %dma_wait3A_129 = arith.constant 0 : i32
        %dma_wait3A_130 = tpu.memref_slice %arg2[%dma_wait3A_128, %dma_wait3A_129] : memref<10000x128xf32, #tpu.memory_space<hbm>> -> memref<10000x128xf32, #tpu.memory_space<hbm>>
        tpu.wait_indirect_dma semaphore(%arg16 : memref<!tpu.dma_semaphore, #tpu.memory_space<semaphore_mem>>) src(%dma_wait3A_130 : memref<10000x128xf32, #tpu.memory_space<hbm>>) dst(%dma_wait3A_124 : memref<128x128xf32, #tpu.memory_space<vmem>>)
        %run_scoped3A = arith.constant 2 : i32
        %run_scoped3A_131 = arith.constant 2 : i32
        "tpu.region"() ({
          %run_scoped3A_138 = tpu.sem_alloc : memref<!tpu.dma_semaphore, #tpu.memory_space<semaphore_mem>>
          %dma_start3A = arith.constant 0 : i32
          %dma_start3A_139 = arith.constant 0 : i32
          %dma_start3A_140 = tpu.memref_slice %arg9[%run_scoped3A, %dma_start3A, %dma_start3A_139] : memref<3x128x128xf32, #tpu.memory_space<vmem>> -> memref<1x128x128xf32, #tpu.memory_space<vmem>>
          %dma_start3A_141 = tpu.memref_squeeze %dma_start3A_140 : memref<1x128x128xf32, #tpu.memory_space<vmem>> -> memref<128x128xf32, #tpu.memory_space<vmem>>
          %dma_start3A_142 = arith.constant 0 : i32
          %dma_start3A_143 = tpu.memref_slice %arg8[%run_scoped3A_131, %dma_start3A_142] : memref<3x128xi32, #tpu.memory_space<vmem>> -> memref<1x128xi32, #tpu.memory_space<vmem>>
          %dma_start3A_144 = tpu.memref_squeeze %dma_start3A_143 : memref<1x128xi32, #tpu.memory_space<vmem>> -> memref<128xi32, #tpu.memory_space<vmem>>
          %dma_start3A_145 = arith.constant 0 : i32
          %dma_start3A_146 = arith.constant 0 : i32
          %dma_start3A_147 = tpu.memref_slice %arg10[%dma_start3A_145, %dma_start3A_146] : memref<10112x128xf32, #tpu.memory_space<vmem_shared>> -> memref<10112x128xf32, #tpu.memory_space<vmem_shared>>
          tpu.enqueue_indirect_dma source(%dma_start3A_141 : memref<128x128xf32, #tpu.memory_space<vmem>>) target(%dma_start3A_147 : memref<10112x128xf32, #tpu.memory_space<vmem_shared>>) offsets(%dma_start3A_144 : memref<128xi32, #tpu.memory_space<vmem>>) semaphore(%run_scoped3A_138 : memref<!tpu.dma_semaphore, #tpu.memory_space<semaphore_mem>>) {add = true}
          %dma_wait3A_148 = arith.constant 0 : i32
          %dma_wait3A_149 = arith.constant 0 : i32
          %dma_wait3A_150 = tpu.memref_slice %arg9[%run_scoped3A, %dma_wait3A_148, %dma_wait3A_149] : memref<3x128x128xf32, #tpu.memory_space<vmem>> -> memref<1x128x128xf32, #tpu.memory_space<vmem>>
          %dma_wait3A_151 = tpu.memref_squeeze %dma_wait3A_150 : memref<1x128x128xf32, #tpu.memory_space<vmem>> -> memref<128x128xf32, #tpu.memory_space<vmem>>
          %dma_wait3A_152 = arith.constant 0 : i32
          %dma_wait3A_153 = tpu.memref_slice %arg8[%run_scoped3A_131, %dma_wait3A_152] : memref<3x128xi32, #tpu.memory_space<vmem>> -> memref<1x128xi32, #tpu.memory_space<vmem>>
          %dma_wait3A_154 = tpu.memref_squeeze %dma_wait3A_153 : memref<1x128xi32, #tpu.memory_space<vmem>> -> memref<128xi32, #tpu.memory_space<vmem>>
          %dma_wait3A_155 = arith.constant 0 : i32
          %dma_wait3A_156 = arith.constant 0 : i32
          %dma_wait3A_157 = tpu.memref_slice %arg10[%dma_wait3A_155, %dma_wait3A_156] : memref<10112x128xf32, #tpu.memory_space<vmem_shared>> -> memref<10112x128xf32, #tpu.memory_space<vmem_shared>>
          tpu.wait_indirect_dma semaphore(%run_scoped3A_138 : memref<!tpu.dma_semaphore, #tpu.memory_space<semaphore_mem>>) src(%dma_wait3A_151 : memref<128x128xf32, #tpu.memory_space<vmem>>) dst(%dma_wait3A_157 : memref<10112x128xf32, #tpu.memory_space<vmem_shared>>)
          tpu.yield
        }) : () -> ()
        %add3A_132 = arith.constant 3 : i32
        %add3A_133 = arith.addi %add3A_115, %add3A_132 : i32
        %lt3A_134 = arith.cmpi slt, %add3A_133, %select_n3A : i32
        %convert_element_type3A_135 = arith.extui %lt3A_134 : i1 to i32
        %cond3A_136 = arith.constant 0 : i32
        %cond3A_137 = arith.cmpi ne, %convert_element_type3A_135, %cond3A_136 : i32
        scf.if %cond3A_137 {
          %add3A_138 = arith.constant 3 : i32
          %add3A_139 = arith.addi %add3A_115, %add3A_138 : i32
          %mul3A_140 = arith.constant 1250 : i32
          %mul3A_141 = arith.muli %arg0, %mul3A_140 : i32
          %add3A_142 = arith.addi %mul3A_141, %arg1 : i32
          %mul3A_143 = arith.constant 16 : i32
          %mul3A_144 = arith.muli %add3A_139, %mul3A_143 : i32
          %add3A_145 = arith.addi %add3A_142, %mul3A_144 : i32
          %mul3A_146 = arith.constant 128 : i32
          %mul3A_147 = arith.muli %add3A_145, %mul3A_146 : i32
          %mul3A_148 = arith.constant 1250 : i32
          %mul3A_149 = arith.muli %arg0, %mul3A_148 : i32
          %add3A_150 = arith.addi %mul3A_149, %arg1 : i32
          %mul3A_151 = arith.constant 16 : i32
          %mul3A_152 = arith.muli %add3A_139, %mul3A_151 : i32
          %add3A_153 = arith.addi %add3A_150, %mul3A_152 : i32
          %mul3A_154 = arith.constant 128 : i32
          %mul3A_155 = arith.muli %add3A_153, %mul3A_154 : i32
          %dma_start3A = arith.constant 2 : i32
          %dma_start3A_156 = arith.constant 0 : i32
          %dma_start3A_157 = tpu.memref_slice %arg7[%dma_start3A, %dma_start3A_156] : memref<3x128xi32, #tpu.memory_space<vmem>> -> memref<1x128xi32, #tpu.memory_space<vmem>>
          %dma_start3A_158 = tpu.memref_squeeze %dma_start3A_157 : memref<1x128xi32, #tpu.memory_space<vmem>> -> memref<128xi32, #tpu.memory_space<vmem>>
          %dma_start3A_159 = tpu.memref_slice %arg3[%mul3A_147] : memref<320000xi32, #tpu.memory_space<hbm>> -> memref<128xi32, #tpu.memory_space<hbm>>
          %dma_start3A_160 = arith.constant 0 : i32
          %dma_start3A_161 = tpu.memref_slice %arg7[%dma_start3A, %dma_start3A_160] : memref<3x128xi32, #tpu.memory_space<vmem>> -> memref<1x128xi32, #tpu.memory_space<vmem>>
          %dma_start3A_162 = tpu.memref_squeeze %dma_start3A_161 : memref<1x128xi32, #tpu.memory_space<vmem>> -> memref<128xi32, #tpu.memory_space<vmem>>
          %dma_start3A_163 = tpu.memref_slice %arg3[%mul3A_147] : memref<320000xi32, #tpu.memory_space<hbm>> -> memref<128xi32, #tpu.memory_space<hbm>>
          tpu.enqueue_dma source(%dma_start3A_163 : memref<128xi32, #tpu.memory_space<hbm>>) target(%dma_start3A_162 : memref<128xi32, #tpu.memory_space<vmem>>) target_semaphore(%arg13 : memref<!tpu.dma_semaphore, #tpu.memory_space<semaphore_mem>>)
          %dma_start3A_164 = arith.constant 2 : i32
          %dma_start3A_165 = arith.constant 0 : i32
          %dma_start3A_166 = tpu.memref_slice %arg8[%dma_start3A_164, %dma_start3A_165] : memref<3x128xi32, #tpu.memory_space<vmem>> -> memref<1x128xi32, #tpu.memory_space<vmem>>
          %dma_start3A_167 = tpu.memref_squeeze %dma_start3A_166 : memref<1x128xi32, #tpu.memory_space<vmem>> -> memref<128xi32, #tpu.memory_space<vmem>>
          %dma_start3A_168 = tpu.memref_slice %arg4[%mul3A_155] : memref<320000xi32, #tpu.memory_space<hbm>> -> memref<128xi32, #tpu.memory_space<hbm>>
          %dma_start3A_169 = arith.constant 0 : i32
          %dma_start3A_170 = tpu.memref_slice %arg8[%dma_start3A_164, %dma_start3A_169] : memref<3x128xi32, #tpu.memory_space<vmem>> -> memref<1x128xi32, #tpu.memory_space<vmem>>
          %dma_start3A_171 = tpu.memref_squeeze %dma_start3A_170 : memref<1x128xi32, #tpu.memory_space<vmem>> -> memref<128xi32, #tpu.memory_space<vmem>>
          %dma_start3A_172 = tpu.memref_slice %arg4[%mul3A_155] : memref<320000xi32, #tpu.memory_space<hbm>> -> memref<128xi32, #tpu.memory_space<hbm>>
          tpu.enqueue_dma source(%dma_start3A_172 : memref<128xi32, #tpu.memory_space<hbm>>) target(%dma_start3A_171 : memref<128xi32, #tpu.memory_space<vmem>>) target_semaphore(%arg13 : memref<!tpu.dma_semaphore, #tpu.memory_space<semaphore_mem>>)
        } else {
        }
      } else {
      }
    }
    %barrier3A_71 = arith.constant 0 : index
    tpu.barrier barrier_id(%barrier3A_71)
    "tpu.region"() ({
      %run_scoped3A = tpu.sem_alloc : memref<!tpu.dma_semaphore, #tpu.memory_space<semaphore_mem>>
      %dma_start3A = arith.constant 0 : i32
      %dma_start3A_72 = tpu.memref_slice %arg6[%arg0, %mul3A_0, %dma_start3A] : memref<2x10112x128xf32, #tpu.memory_space<hbm>> -> memref<1x632x128xf32, #tpu.memory_space<hbm>>
      %dma_start3A_73 = tpu.memref_squeeze %dma_start3A_72 : memref<1x632x128xf32, #tpu.memory_space<hbm>> -> memref<632x128xf32, #tpu.memory_space<hbm>>
      %dma_start3A_74 = arith.constant 0 : i32
      %dma_start3A_75 = tpu.memref_slice %arg10[%mul3A_0, %dma_start3A_74] : memref<10112x128xf32, #tpu.memory_space<vmem_shared>> -> memref<632x128xf32, #tpu.memory_space<vmem_shared>>
      tpu.enqueue_dma source(%dma_start3A_75 : memref<632x128xf32, #tpu.memory_space<vmem_shared>>) target(%dma_start3A_73 : memref<632x128xf32, #tpu.memory_space<hbm>>) target_semaphore(%run_scoped3A : memref<!tpu.dma_semaphore, #tpu.memory_space<semaphore_mem>>)
      %dma_wait3A = arith.constant 0 : i32
      %dma_wait3A_76 = tpu.memref_slice %arg6[%arg0, %mul3A_0, %dma_wait3A] : memref<2x10112x128xf32, #tpu.memory_space<hbm>> -> memref<1x632x128xf32, #tpu.memory_space<hbm>>
      %dma_wait3A_77 = tpu.memref_squeeze %dma_wait3A_76 : memref<1x632x128xf32, #tpu.memory_space<hbm>> -> memref<632x128xf32, #tpu.memory_space<hbm>>
      %dma_wait3A_78 = arith.constant 0 : i32
      %dma_wait3A_79 = tpu.memref_slice %arg10[%mul3A_0, %dma_wait3A_78] : memref<10112x128xf32, #tpu.memory_space<vmem_shared>> -> memref<632x128xf32, #tpu.memory_space<vmem_shared>>
      tpu.wait_dma2 semaphore(%run_scoped3A : memref<!tpu.dma_semaphore, #tpu.memory_space<semaphore_mem>>) src(%dma_wait3A_79 : memref<632x128xf32, #tpu.memory_space<vmem_shared>>) dst(%dma_wait3A_77 : memref<632x128xf32, #tpu.memory_space<hbm>>)
      tpu.yield
    }) : () -> ()
    return
  }
}

module attributes {stable_mosaic.version = 14 : i64} {
  func.func @_tc_pre_body(%arg0: memref<10000x128xf32, #tpu.memory_space<vmem>>, %arg1: memref<128x128xf32, #tpu.memory_space<vmem>>, %arg2: memref<10000x2xf32, #tpu.memory_space<vmem>>, %arg3: memref<10000x128xf32, #tpu.memory_space<vmem>>) attributes {dimension_semantics = [], scalar_prefetch = 0 : i64, scratch_operands = 0 : i64, tpu.core_type = #tpu.core_type<tc>} {
    %get3A = arith.constant 0 : index
    %get3A_0 = arith.constant 0 : index
    %get3A_1 = vector.load %arg2[%get3A, %get3A_0] : memref<10000x2xf32, #tpu.memory_space<vmem>>, vector<10000x2xf32>
    %slice3A = vector.extract_strided_slice %get3A_1 {offsets = [0, 0], sizes = [10000, 1], strides = [1, 1]} : vector<10000x2xf32> to vector<10000x1xf32>
    %slice3A_2 = vector.extract_strided_slice %get3A_1 {offsets = [0, 1], sizes = [10000, 1], strides = [1, 1]} : vector<10000x2xf32> to vector<10000x1xf32>
    %add3A = arith.addf %slice3A, %slice3A_2 : vector<10000x1xf32>
    %add3A_3 = arith.constant 1.000000e+00 : f32
    %add3A_4 = vector.broadcast %add3A_3 : f32 to vector<10000x1xf32>
    %add3A_5 = arith.addf %add3A, %add3A_4 : vector<10000x1xf32>
    %max3A = arith.constant 9.99999996E-13 : f32
    %max3A_6 = vector.broadcast %max3A : f32 to vector<10000x1xf32>
    %max3A_7 = arith.maximumf %add3A_5, %max3A_6 : vector<10000x1xf32>
    %rsqrt3A = math.rsqrt %max3A_7 : vector<10000x1xf32>
    %get3A_8 = arith.constant 0 : index
    %get3A_9 = arith.constant 0 : index
    %get3A_10 = vector.load %arg0[%get3A_8, %get3A_9] : memref<10000x128xf32, #tpu.memory_space<vmem>>, vector<10000x128xf32>
    %get3A_11 = arith.constant 0 : index
    %get3A_12 = arith.constant 0 : index
    %get3A_13 = vector.load %arg1[%get3A_11, %get3A_12] : memref<128x128xf32, #tpu.memory_space<vmem>>, vector<128x128xf32>
    %dot_general3A = arith.constant dense<0.000000e+00> : vector<10000x128xf32>
    %dot_general3A_14 = tpu.matmul %get3A_10, %get3A_13, %dot_general3A {dimension_numbers = #tpu.dot_dimension_numbers<[1], [0], [0], [1], [0, 0, 1, 1], [], []>, transpose_lhs_hint = false} : vector<10000x128xf32>, vector<128x128xf32>, vector<10000x128xf32> -> vector<10000x128xf32>
    %mul3A = vector.broadcast %rsqrt3A : vector<10000x1xf32> to vector<10000x128xf32>
    %mul3A_15 = arith.mulf %dot_general3A_14, %mul3A : vector<10000x128xf32>
    %swap3A = arith.constant 0 : index
    %swap3A_16 = arith.constant 0 : index
    %swap3A_17 = vector.load %arg3[%swap3A, %swap3A_16] : memref<10000x128xf32, #tpu.memory_space<vmem>>, vector<10000x128xf32>
    tpu.vector_store %arg3[%swap3A, %swap3A_16], %mul3A_15 {strides = array<i32>} : memref<10000x128xf32, #tpu.memory_space<vmem>>, vector<10000x128xf32>,
    return
  }
}

module attributes {stable_mosaic.version = 14 : i64} {
  func.func @_tc_mid_body(%arg0: memref<10000x128xf32, #tpu.memory_space<vmem>>, %arg1: memref<10000x128xf32, #tpu.memory_space<vmem>>, %arg2: memref<10000x128xf32, #tpu.memory_space<vmem>>, %arg3: memref<10000x2xf32, #tpu.memory_space<vmem>>, %arg4: memref<1x128xf32, #tpu.memory_space<vmem>>, %arg5: memref<1x128xf32, #tpu.memory_space<vmem>>, %arg6: memref<1x128xf32, #tpu.memory_space<vmem>>, %arg7: memref<128x128xf32, #tpu.memory_space<vmem>>, %arg8: memref<10000x128xf32, #tpu.memory_space<vmem>>) attributes {dimension_semantics = [], scalar_prefetch = 0 : i64, scratch_operands = 0 : i64, tpu.core_type = #tpu.core_type<tc>} {
    %get3A = arith.constant 0 : index
    %get3A_0 = arith.constant 0 : index
    %get3A_1 = vector.load %arg3[%get3A, %get3A_0] : memref<10000x2xf32, #tpu.memory_space<vmem>>, vector<10000x2xf32>
    %slice3A = vector.extract_strided_slice %get3A_1 {offsets = [0, 0], sizes = [10000, 1], strides = [1, 1]} : vector<10000x2xf32> to vector<10000x1xf32>
    %slice3A_2 = vector.extract_strided_slice %get3A_1 {offsets = [0, 1], sizes = [10000, 1], strides = [1, 1]} : vector<10000x2xf32> to vector<10000x1xf32>
    %add3A = arith.addf %slice3A, %slice3A_2 : vector<10000x1xf32>
    %add3A_3 = arith.constant 1.000000e+00 : f32
    %add3A_4 = vector.broadcast %add3A_3 : f32 to vector<10000x1xf32>
    %add3A_5 = arith.addf %add3A, %add3A_4 : vector<10000x1xf32>
    %max3A = arith.constant 9.99999996E-13 : f32
    %max3A_6 = vector.broadcast %max3A : f32 to vector<10000x1xf32>
    %max3A_7 = arith.maximumf %add3A_5, %max3A_6 : vector<10000x1xf32>
    %rsqrt3A = math.rsqrt %max3A_7 : vector<10000x1xf32>
    %get3A_8 = arith.constant 0 : index
    %get3A_9 = arith.constant 0 : index
    %get3A_10 = vector.load %arg0[%get3A_8, %get3A_9] : memref<10000x128xf32, #tpu.memory_space<vmem>>, vector<10000x128xf32>
    %get3A_11 = arith.constant 0 : index
    %get3A_12 = arith.constant 0 : index
    %get3A_13 = vector.load %arg1[%get3A_11, %get3A_12] : memref<10000x128xf32, #tpu.memory_space<vmem>>, vector<10000x128xf32>
    %add3A_14 = arith.addf %get3A_10, %get3A_13 : vector<10000x128xf32>
    %get3A_15 = arith.constant 0 : index
    %get3A_16 = arith.constant 0 : index
    %get3A_17 = vector.load %arg2[%get3A_15, %get3A_16] : memref<10000x128xf32, #tpu.memory_space<vmem>>, vector<10000x128xf32>
    %add3A_18 = arith.addf %add3A_14, %get3A_17 : vector<10000x128xf32>
    %mul3A = vector.broadcast %rsqrt3A : vector<10000x1xf32> to vector<10000x128xf32>
    %mul3A_19 = arith.mulf %mul3A, %add3A_18 : vector<10000x128xf32>
    %get3A_20 = arith.constant 0 : index
    %get3A_21 = arith.constant 0 : index
    %get3A_22 = vector.load %arg4[%get3A_20, %get3A_21] : memref<1x128xf32, #tpu.memory_space<vmem>>, vector<1x128xf32>
    %add3A_23 = vector.broadcast %get3A_22 : vector<1x128xf32> to vector<10000x128xf32>
    %add3A_24 = arith.addf %mul3A_19, %add3A_23 : vector<10000x128xf32>
    %reduce_sum3A = arith.constant dense<0.000000e+00> : vector<128xf32>
    %reduce_sum3A_25 = vector.multi_reduction <add>, %add3A_24, %reduce_sum3A [0] : vector<10000x128xf32> to vector<128xf32>
    %broadcast_in_dim3A = vector.shape_cast %reduce_sum3A_25 : vector<128xf32> to vector<1x128xf32>
    %div3A = arith.constant 1.000000e+04 : f32
    %div3A_26 = vector.broadcast %div3A : f32 to vector<1x128xf32>
    %div3A_27 = arith.divf %broadcast_in_dim3A, %div3A_26 : vector<1x128xf32>
    %sub3A = vector.broadcast %div3A_27 : vector<1x128xf32> to vector<10000x128xf32>
    %sub3A_28 = arith.subf %add3A_24, %sub3A : vector<10000x128xf32>
    %integer_pow3A = arith.mulf %sub3A_28, %sub3A_28 : vector<10000x128xf32>
    %reduce_sum3A_29 = arith.constant dense<0.000000e+00> : vector<128xf32>
    %reduce_sum3A_30 = vector.multi_reduction <add>, %integer_pow3A, %reduce_sum3A_29 [0] : vector<10000x128xf32> to vector<128xf32>
    %broadcast_in_dim3A_31 = vector.shape_cast %reduce_sum3A_30 : vector<128xf32> to vector<1x128xf32>
    %div3A_32 = arith.constant 1.000000e+04 : f32
    %div3A_33 = vector.broadcast %div3A_32 : f32 to vector<1x128xf32>
    %div3A_34 = arith.divf %broadcast_in_dim3A_31, %div3A_33 : vector<1x128xf32>
    %sub3A_35 = vector.broadcast %div3A_27 : vector<1x128xf32> to vector<10000x128xf32>
    %sub3A_36 = arith.subf %add3A_24, %sub3A_35 : vector<10000x128xf32>
    %add3A_37 = arith.constant 9.99999974E-6 : f32
    %add3A_38 = vector.broadcast %add3A_37 : f32 to vector<1x128xf32>
    %add3A_39 = arith.addf %div3A_34, %add3A_38 : vector<1x128xf32>
    %rsqrt3A_40 = math.rsqrt %add3A_39 : vector<1x128xf32>
    %mul3A_41 = vector.broadcast %rsqrt3A_40 : vector<1x128xf32> to vector<10000x128xf32>
    %mul3A_42 = arith.mulf %sub3A_36, %mul3A_41 : vector<10000x128xf32>
    %get3A_43 = arith.constant 0 : index
    %get3A_44 = arith.constant 0 : index
    %get3A_45 = vector.load %arg5[%get3A_43, %get3A_44] : memref<1x128xf32, #tpu.memory_space<vmem>>, vector<1x128xf32>
    %mul3A_46 = vector.broadcast %get3A_45 : vector<1x128xf32> to vector<10000x128xf32>
    %mul3A_47 = arith.mulf %mul3A_42, %mul3A_46 : vector<10000x128xf32>
    %get3A_48 = arith.constant 0 : index
    %get3A_49 = arith.constant 0 : index
    %get3A_50 = vector.load %arg6[%get3A_48, %get3A_49] : memref<1x128xf32, #tpu.memory_space<vmem>>, vector<1x128xf32>
    %add3A_51 = vector.broadcast %get3A_50 : vector<1x128xf32> to vector<10000x128xf32>
    %add3A_52 = arith.addf %mul3A_47, %add3A_51 : vector<10000x128xf32>
    %max3A_53 = arith.constant 0.000000e+00 : f32
    %max3A_54 = vector.broadcast %max3A_53 : f32 to vector<10000x128xf32>
    %max3A_55 = arith.maximumf %add3A_52, %max3A_54 : vector<10000x128xf32>
    %get3A_56 = arith.constant 0 : index
    %get3A_57 = arith.constant 0 : index
    %get3A_58 = vector.load %arg7[%get3A_56, %get3A_57] : memref<128x128xf32, #tpu.memory_space<vmem>>, vector<128x128xf32>
    %dot_general3A = arith.constant dense<0.000000e+00> : vector<10000x128xf32>
    %dot_general3A_59 = tpu.matmul %max3A_55, %get3A_58, %dot_general3A {dimension_numbers = #tpu.dot_dimension_numbers<[1], [0], [0], [1], [0, 0, 1, 1], [], []>, transpose_lhs_hint = false} : vector<10000x128xf32>, vector<128x128xf32>, vector<10000x128xf32> -> vector<10000x128xf32>
    %mul3A_60 = vector.broadcast %rsqrt3A : vector<10000x1xf32> to vector<10000x128xf32>
    %mul3A_61 = arith.mulf %dot_general3A_59, %mul3A_60 : vector<10000x128xf32>
    %swap3A = arith.constant 0 : index
    %swap3A_62 = arith.constant 0 : index
    %swap3A_63 = vector.load %arg8[%swap3A, %swap3A_62] : memref<10000x128xf32, #tpu.memory_space<vmem>>, vector<10000x128xf32>
    tpu.vector_store %arg8[%swap3A, %swap3A_62], %mul3A_61 {strides = array<i32>} : memref<10000x128xf32, #tpu.memory_space<vmem>>, vector<10000x128xf32>,
    return
  }
}

module attributes {stable_mosaic.version = 14 : i64} {
  func.func @_tc_post_body(%arg0: memref<10000x128xf32, #tpu.memory_space<vmem>>, %arg1: memref<10000x128xf32, #tpu.memory_space<vmem>>, %arg2: memref<10000x128xf32, #tpu.memory_space<vmem>>, %arg3: memref<10000x2xf32, #tpu.memory_space<vmem>>, %arg4: memref<1x128xf32, #tpu.memory_space<vmem>>, %arg5: memref<1x128xf32, #tpu.memory_space<vmem>>, %arg6: memref<1x128xf32, #tpu.memory_space<vmem>>, %arg7: memref<10000x128xf32, #tpu.memory_space<vmem>>, %arg8: memref<1x10000xi32, #tpu.memory_space<vmem>>, %arg9: memref<256x64xf32, #tpu.memory_space<vmem>>, %arg10: memref<1x64xf32, #tpu.memory_space<vmem>>, %arg11: memref<64x10xf32, #tpu.memory_space<vmem>>, %arg12: memref<1x10xf32, #tpu.memory_space<vmem>>, %arg13: memref<128x10xf32, #tpu.memory_space<vmem>>) attributes {dimension_semantics = [], scalar_prefetch = 0 : i64, scratch_operands = 0 : i64, tpu.core_type = #tpu.core_type<tc>} {
    %get3A = arith.constant 0 : index
    %get3A_0 = arith.constant 0 : index
    %get3A_1 = vector.load %arg3[%get3A, %get3A_0] : memref<10000x2xf32, #tpu.memory_space<vmem>>, vector<10000x2xf32>
    %slice3A = vector.extract_strided_slice %get3A_1 {offsets = [0, 0], sizes = [10000, 1], strides = [1, 1]} : vector<10000x2xf32> to vector<10000x1xf32>
    %slice3A_2 = vector.extract_strided_slice %get3A_1 {offsets = [0, 1], sizes = [10000, 1], strides = [1, 1]} : vector<10000x2xf32> to vector<10000x1xf32>
    %add3A = arith.addf %slice3A, %slice3A_2 : vector<10000x1xf32>
    %add3A_3 = arith.constant 1.000000e+00 : f32
    %add3A_4 = vector.broadcast %add3A_3 : f32 to vector<10000x1xf32>
    %add3A_5 = arith.addf %add3A, %add3A_4 : vector<10000x1xf32>
    %max3A = arith.constant 9.99999996E-13 : f32
    %max3A_6 = vector.broadcast %max3A : f32 to vector<10000x1xf32>
    %max3A_7 = arith.maximumf %add3A_5, %max3A_6 : vector<10000x1xf32>
    %rsqrt3A = math.rsqrt %max3A_7 : vector<10000x1xf32>
    %get3A_8 = arith.constant 0 : index
    %get3A_9 = arith.constant 0 : index
    %get3A_10 = vector.load %arg0[%get3A_8, %get3A_9] : memref<10000x128xf32, #tpu.memory_space<vmem>>, vector<10000x128xf32>
    %get3A_11 = arith.constant 0 : index
    %get3A_12 = arith.constant 0 : index
    %get3A_13 = vector.load %arg1[%get3A_11, %get3A_12] : memref<10000x128xf32, #tpu.memory_space<vmem>>, vector<10000x128xf32>
    %add3A_14 = arith.addf %get3A_10, %get3A_13 : vector<10000x128xf32>
    %get3A_15 = arith.constant 0 : index
    %get3A_16 = arith.constant 0 : index
    %get3A_17 = vector.load %arg2[%get3A_15, %get3A_16] : memref<10000x128xf32, #tpu.memory_space<vmem>>, vector<10000x128xf32>
    %add3A_18 = arith.addf %add3A_14, %get3A_17 : vector<10000x128xf32>
    %mul3A = vector.broadcast %rsqrt3A : vector<10000x1xf32> to vector<10000x128xf32>
    %mul3A_19 = arith.mulf %mul3A, %add3A_18 : vector<10000x128xf32>
    %get3A_20 = arith.constant 0 : index
    %get3A_21 = arith.constant 0 : index
    %get3A_22 = vector.load %arg4[%get3A_20, %get3A_21] : memref<1x128xf32, #tpu.memory_space<vmem>>, vector<1x128xf32>
    %add3A_23 = vector.broadcast %get3A_22 : vector<1x128xf32> to vector<10000x128xf32>
    %add3A_24 = arith.addf %mul3A_19, %add3A_23 : vector<10000x128xf32>
    %reduce_sum3A = arith.constant dense<0.000000e+00> : vector<128xf32>
    %reduce_sum3A_25 = vector.multi_reduction <add>, %add3A_24, %reduce_sum3A [0] : vector<10000x128xf32> to vector<128xf32>
    %broadcast_in_dim3A = vector.shape_cast %reduce_sum3A_25 : vector<128xf32> to vector<1x128xf32>
    %div3A = arith.constant 1.000000e+04 : f32
    %div3A_26 = vector.broadcast %div3A : f32 to vector<1x128xf32>
    %div3A_27 = arith.divf %broadcast_in_dim3A, %div3A_26 : vector<1x128xf32>
    %sub3A = vector.broadcast %div3A_27 : vector<1x128xf32> to vector<10000x128xf32>
    %sub3A_28 = arith.subf %add3A_24, %sub3A : vector<10000x128xf32>
    %integer_pow3A = arith.mulf %sub3A_28, %sub3A_28 : vector<10000x128xf32>
    %reduce_sum3A_29 = arith.constant dense<0.000000e+00> : vector<128xf32>
    %reduce_sum3A_30 = vector.multi_reduction <add>, %integer_pow3A, %reduce_sum3A_29 [0] : vector<10000x128xf32> to vector<128xf32>
    %broadcast_in_dim3A_31 = vector.shape_cast %reduce_sum3A_30 : vector<128xf32> to vector<1x128xf32>
    %div3A_32 = arith.constant 1.000000e+04 : f32
    %div3A_33 = vector.broadcast %div3A_32 : f32 to vector<1x128xf32>
    %div3A_34 = arith.divf %broadcast_in_dim3A_31, %div3A_33 : vector<1x128xf32>
    %sub3A_35 = vector.broadcast %div3A_27 : vector<1x128xf32> to vector<10000x128xf32>
    %sub3A_36 = arith.subf %add3A_24, %sub3A_35 : vector<10000x128xf32>
    %add3A_37 = arith.constant 9.99999974E-6 : f32
    %add3A_38 = vector.broadcast %add3A_37 : f32 to vector<1x128xf32>
    %add3A_39 = arith.addf %div3A_34, %add3A_38 : vector<1x128xf32>
    %rsqrt3A_40 = math.rsqrt %add3A_39 : vector<1x128xf32>
    %mul3A_41 = vector.broadcast %rsqrt3A_40 : vector<1x128xf32> to vector<10000x128xf32>
    %mul3A_42 = arith.mulf %sub3A_36, %mul3A_41 : vector<10000x128xf32>
    %get3A_43 = arith.constant 0 : index
    %get3A_44 = arith.constant 0 : index
    %get3A_45 = vector.load %arg5[%get3A_43, %get3A_44] : memref<1x128xf32, #tpu.memory_space<vmem>>, vector<1x128xf32>
    %mul3A_46 = vector.broadcast %get3A_45 : vector<1x128xf32> to vector<10000x128xf32>
    %mul3A_47 = arith.mulf %mul3A_42, %mul3A_46 : vector<10000x128xf32>
    %get3A_48 = arith.constant 0 : index
    %get3A_49 = arith.constant 0 : index
    %get3A_50 = vector.load %arg6[%get3A_48, %get3A_49] : memref<1x128xf32, #tpu.memory_space<vmem>>, vector<1x128xf32>
    %add3A_51 = vector.broadcast %get3A_50 : vector<1x128xf32> to vector<10000x128xf32>
    %add3A_52 = arith.addf %mul3A_47, %add3A_51 : vector<10000x128xf32>
    %iota3A = tpu.iota {dimensions = array<i32: 0>} : vector<128x10000xi32>
    %get3A_53 = arith.constant 0 : index
    %get3A_54 = arith.constant 0 : index
    %get3A_55 = vector.load %arg8[%get3A_53, %get3A_54] : memref<1x10000xi32, #tpu.memory_space<vmem>>, vector<1x10000xi32>
    %eq3A = vector.broadcast %get3A_55 : vector<1x10000xi32> to vector<128x10000xi32>
    %eq3A_56 = arith.cmpi eq, %iota3A, %eq3A : vector<128x10000xi32>
    %convert_element_type3A = arith.extui %eq3A_56 : vector<128x10000xi1> to vector<128x10000xi32>
    %convert_element_type3A_57 = arith.sitofp %convert_element_type3A : vector<128x10000xi32> to vector<128x10000xf32>
    %reduce_sum3A_58 = arith.constant dense<0.000000e+00> : vector<128xf32>
    %reduce_sum3A_59 = vector.multi_reduction <add>, %convert_element_type3A_57, %reduce_sum3A_58 [1] : vector<128x10000xf32> to vector<128xf32>
    %broadcast_in_dim3A_60 = vector.shape_cast %reduce_sum3A_59 : vector<128xf32> to vector<128x1xf32>
    %max3A_61 = arith.constant 1.000000e+00 : f32
    %max3A_62 = vector.broadcast %max3A_61 : f32 to vector<128x1xf32>
    %max3A_63 = arith.maximumf %broadcast_in_dim3A_60, %max3A_62 : vector<128x1xf32>
    %div3A_64 = arith.constant 1.000000e+00 : f32
    %div3A_65 = vector.broadcast %div3A_64 : f32 to vector<128x1xf32>
    %div3A_66 = arith.divf %div3A_65, %max3A_63 : vector<128x1xf32>
    %dot_general3A = arith.constant dense<0.000000e+00> : vector<128x128xf32>
    %dot_general3A_67 = tpu.matmul %convert_element_type3A_57, %add3A_52, %dot_general3A {dimension_numbers = #tpu.dot_dimension_numbers<[1], [0], [0], [1], [0, 0, 1, 1], [], []>, transpose_lhs_hint = false} : vector<128x10000xf32>, vector<10000x128xf32>, vector<128x128xf32> -> vector<128x128xf32>
    %mul3A_68 = vector.broadcast %div3A_66 : vector<128x1xf32> to vector<128x128xf32>
    %mul3A_69 = arith.mulf %dot_general3A_67, %mul3A_68 : vector<128x128xf32>
    %get3A_70 = arith.constant 0 : index
    %get3A_71 = arith.constant 0 : index
    %get3A_72 = vector.load %arg7[%get3A_70, %get3A_71] : memref<10000x128xf32, #tpu.memory_space<vmem>>, vector<10000x128xf32>
    %dot_general3A_73 = arith.constant dense<0.000000e+00> : vector<128x128xf32>
    %dot_general3A_74 = tpu.matmul %convert_element_type3A_57, %get3A_72, %dot_general3A_73 {dimension_numbers = #tpu.dot_dimension_numbers<[1], [0], [0], [1], [0, 0, 1, 1], [], []>, transpose_lhs_hint = false} : vector<128x10000xf32>, vector<10000x128xf32>, vector<128x128xf32> -> vector<128x128xf32>
    %mul3A_75 = vector.broadcast %div3A_66 : vector<128x1xf32> to vector<128x128xf32>
    %mul3A_76 = arith.mulf %dot_general3A_74, %mul3A_75 : vector<128x128xf32>
    %concatenate3A = tpu.concatenate %mul3A_69, %mul3A_76 in 1 : vector<128x128xf32>, vector<128x128xf32> -> vector<128x256xf32>
    %get3A_77 = arith.constant 0 : index
    %get3A_78 = arith.constant 0 : index
    %get3A_79 = vector.load %arg9[%get3A_77, %get3A_78] : memref<256x64xf32, #tpu.memory_space<vmem>>, vector<256x64xf32>
    %dot_general3A_80 = arith.constant dense<0.000000e+00> : vector<128x64xf32>
    %dot_general3A_81 = tpu.matmul %concatenate3A, %get3A_79, %dot_general3A_80 {dimension_numbers = #tpu.dot_dimension_numbers<[1], [0], [0], [1], [0, 0, 1, 1], [], []>, transpose_lhs_hint = false} : vector<128x256xf32>, vector<256x64xf32>, vector<128x64xf32> -> vector<128x64xf32>
    %get3A_82 = arith.constant 0 : index
    %get3A_83 = arith.constant 0 : index
    %get3A_84 = vector.load %arg10[%get3A_82, %get3A_83] : memref<1x64xf32, #tpu.memory_space<vmem>>, vector<1x64xf32>
    %add3A_85 = vector.broadcast %get3A_84 : vector<1x64xf32> to vector<128x64xf32>
    %add3A_86 = arith.addf %dot_general3A_81, %add3A_85 : vector<128x64xf32>
    %max3A_87 = arith.constant 0.000000e+00 : f32
    %max3A_88 = vector.broadcast %max3A_87 : f32 to vector<128x64xf32>
    %max3A_89 = arith.maximumf %add3A_86, %max3A_88 : vector<128x64xf32>
    %get3A_90 = arith.constant 0 : index
    %get3A_91 = arith.constant 0 : index
    %get3A_92 = vector.load %arg11[%get3A_90, %get3A_91] : memref<64x10xf32, #tpu.memory_space<vmem>>, vector<64x10xf32>
    %dot_general3A_93 = arith.constant dense<0.000000e+00> : vector<128x10xf32>
    %dot_general3A_94 = tpu.matmul %max3A_89, %get3A_92, %dot_general3A_93 {dimension_numbers = #tpu.dot_dimension_numbers<[1], [0], [0], [1], [0, 0, 1, 1], [], []>, transpose_lhs_hint = false} : vector<128x64xf32>, vector<64x10xf32>, vector<128x10xf32> -> vector<128x10xf32>
    %get3A_95 = arith.constant 0 : index
    %get3A_96 = arith.constant 0 : index
    %get3A_97 = vector.load %arg12[%get3A_95, %get3A_96] : memref<1x10xf32, #tpu.memory_space<vmem>>, vector<1x10xf32>
    %add3A_98 = vector.broadcast %get3A_97 : vector<1x10xf32> to vector<128x10xf32>
    %add3A_99 = arith.addf %dot_general3A_94, %add3A_98 : vector<128x10xf32>
    %swap3A = arith.constant 0 : index
    %swap3A_100 = arith.constant 0 : index
    %swap3A_101 = vector.load %arg13[%swap3A, %swap3A_100] : memref<128x10xf32, #tpu.memory_space<vmem>>, vector<128x10xf32>
    tpu.vector_store %arg13[%swap3A, %swap3A_100], %add3A_99 {strides = array<i32>} : memref<128x10xf32, #tpu.memory_space<vmem>>, vector<128x10xf32>,
    return
  }
}

</mosaic_0001>

<sc_bundles>
// kernel: kernel.10.cloned.1.call-start
scs
__scs_entry_jumppad:
0x0: {  	(pc) =	sbr.rel $0x88, $3  }
0x1: {  	(tag) =	ssettag $0x0;
	lr =	simm.s32 $0x1  }
0x2: {  	[smem:$0x3F8E] =	sst lr;
	_ =	strace $0xD0000000  }
0x3: {  	_ = 	snop  }
0x4: {  	_ = 	snop  }
0x5: {  	_ = 	snop  }
0x6: {  	_ = 	snop  }
0x7: {  	_ = 	snop  }
__scs_overlays_trampoline_lowered:
0x8: {  	[smem:$0x3F9D] =	sst s0  }
0x9: {  	[smem:$0x3F9E] =	sst s1  }
0xa: {  	[smem:$0x3F9F] =	sst s2  }
0xb: {  	[smem:$0x3FA0] =	sst s3  }
0xc: {  	[smem:$0x3FA1] =	sst s4  }
0xd: {  	[smem:$0x3FA2] =	sst s5  }
0xe: {  	[smem:$0x3FA3] =	sst s6  }
0xf: {  	[smem:$0x3FA4] =	sst s7  }
0x10: {  	[smem:$0x3FA5] =	sst s8  }
0x11: {  	[smem:$0x3FA6] =	sst s9;
	s0 =	simm.s32 @!p0 $0x0  }
0x12: {  	s1 =	sld [smem:$0x3F8C];
	s0 =	simm.s32 @p0 $0x1  }
0x13: {  	[smem:$0x3FA7] =	sst s0;
	s0 =	simm.s32 @!p1 $0x0  }
0x14: {  	s2 =	sld [smem:$0x3F8B];
	s0 =	simm.s32 @p1 $0x1  }
0x15: {  	[smem:$0x3FA8] =	sst s0;
	s0 =	simm.s32 @!p2 $0x0  }
0x16: {  	s3 =	sld [smem:$0x3FDB];
	s0 =	simm.s32 @p2 $0x1  }
0x17: {  	s4 =	simm.s32 $0x1BF5;
	[smem:$0x3FAA] =	sst s0  }
0x18: {  	s0 =	sld [smem:$0x3F8D];
	_ =	swait.ge [sflag:s4], $0x0  }
0x19: {  	s7 =	sld [smem:$0x3F8E]  }
0x1a: {  	s8 =	sadd.s32 $0xFFFFE003, lr  }
0x1b: {  	s9 =	sadd.s32 $0xFFFFFEF7, lr;
	s5 =	simm.s32 $0xFFFFFFFF;
	p2 =	slt.u32 s8, $0xFFFFF086  }
0x1c: {  	p1 =	slt.u32 s9, $0xF7A;
	s5 =	simm.s32 @!p2 $0x0  }
0x1d: {  	s5 =	simm.s32 @p1 $0x1;
	p0 =	seq.s32 s7, s2  }
0x1e: {  	s7 =	smul.u32 @!p0 $0xF7A, s2;
	p2 =	seq.s32 @!p0 s5, $0x0  }
0x1f: {  	s9 =	smul.u32 $0xF7A, s1;
	s8 =	simm.s32 @!p0 $0x1BF5;
	p2 =	por !p2, p0  }
0x20: {  	[sflag:s8] =	ssyncset.s32 @!p0 $0xFFFFF086;
	s6 =	sadd.s32 @!p0 s3, s7;
	s7 =	simm.s32 @!p0 $0x108  }
0x21: {  	s3 =	sadd.s32 s3, s9;
	s6 =	sadd.s32 @!p0 $0x88, s6;
	s7 =	simm.s32 @p2 $0x1082  }
0x22: {  	[simem:s7], [sflag:s8] =	dma.local @!p0 [hbm:s6], $0xF7A  }
0x23: {  	s9 =	sor.u32 $0xD0000000, s2;
	s6 =	simm.s32 $0x108;
	_ =	swait.ge @!p0 [sflag:s8], $0x0  }
0x24: {  	s3 =	sadd.s32 $0x88, s3;
	s6 =	simm.s32 @!p1 $0x1082;
	[sflag:s4] =	ssyncset.s32 $0xFFFFF086  }
0x25: {  	[simem:s6], [sflag:s4] =	dma.local [hbm:s3], $0xF7A  }
0x26: {  	[smem:$0x3F8E] =	sst s1;
	(tag) =	ssettag s2;
	_ =	strace s9  }
0x27: {  	s1 =	sld [smem:$0x3F9E]  }
0x28: {  	s2 =	sld [smem:$0x3F9F]  }
0x29: {  	s4 =	sld [smem:$0x3FA1]  }
0x2a: {  	p0 =	seq.s32 s5, $0x0;
	s5 =	sld [smem:$0x3FA2]  }
0x2b: {  	s6 =	sld [smem:$0x3FA3]  }
0x2c: {  	s7 =	sld [smem:$0x3FA4]  }
0x2d: {  	s3 =	simm.s32 $0x108;
	s8 =	sld [smem:$0x3FA5]  }
0x2e: {  	s3 =	simm.s32 @!p0 $0x1082;
	s9 =	sld [smem:$0x3FA6]  }
0x2f: {  	lr =	sadd.s32 s0, s3;
	s0 =	sld [smem:$0x3F9D]  }
0x30: {  	s3 =	sld [smem:$0x3FA0]  }
0x31: {  	[smem:$0x3FA9] =	sst s10  }
0x32: {  	s10 =	sld [smem:$0x3FA7];
	_ =	sdelay $0x3  }
0x33: {  	p0 =	seq.s32 s10, $0x1;
	s10 =	sld [smem:$0x3FA9];
	_ =	sdelay $0x3  }
0x34: {  	[smem:$0x3FA9] =	sst s10  }
0x35: {  	s10 =	sld [smem:$0x3FA8];
	_ =	sdelay $0x3  }
0x36: {  	p1 =	seq.s32 s10, $0x1;
	s10 =	sld [smem:$0x3FA9];
	_ =	sdelay $0x3  }
0x37: {  	[smem:$0x3FA9] =	sst s10  }
0x38: {  	s10 =	sld [smem:$0x3FAA]  }
0x39: {  	_ = 	snop;
	(pc) =	sbr.ind lr, $3  }
0x3a: {  	_ = 	snop  }
0x3b: {  	_ = 	snop  }
0x3c: {  	p2 =	seq.s32 s10, $0x1;
	s10 =	sld [smem:$0x3FA9]  }
0x3d: {  	_ =	shalt  }
0x3e: {  	_ =	shalt  }
0x3f: {  	_ =	shalt  }
0x40: {  	_ =	shalt  }
0x41: {  	_ =	shalt  }
0x42: {  	_ =	shalt  }
0x43: {  	_ =	shalt  }
0x44: {  	_ =	shalt  }
0x45: {  	_ =	shalt  }
0x46: {  	_ =	shalt  }
0x47: {  	_ =	shalt  }
0x48: {  	_ =	shalt  }
0x49: {  	_ =	shalt  }
0x4a: {  	_ =	shalt  }
0x4b: {  	_ =	shalt  }
0x4c: {  	_ =	shalt  }
0x4d: {  	_ =	shalt  }
0x4e: {  	_ =	shalt  }
0x4f: {  	_ =	shalt  }
0x50: {  	_ =	shalt  }
0x51: {  	_ =	shalt  }
0x52: {  	_ =	shalt  }
0x53: {  	_ =	shalt  }
0x54: {  	_ =	shalt  }
0x55: {  	_ =	shalt  }
0x56: {  	_ =	shalt  }
0x57: {  	_ =	shalt  }
0x58: {  	_ =	shalt  }
0x59: {  	_ =	shalt  }
0x5a: {  	_ =	shalt  }
0x5b: {  	_ =	shalt  }
0x5c: {  	_ =	shalt  }
0x5d: {  	_ =	shalt  }
0x5e: {  	_ =	shalt  }
0x5f: {  	_ =	shalt  }
0x60: {  	_ =	shalt  }
0x61: {  	_ =	shalt  }
0x62: {  	_ =	shalt  }
0x63: {  	_ =	shalt  }
0x64: {  	_ =	shalt  }
0x65: {  	_ =	shalt  }
0x66: {  	_ =	shalt  }
0x67: {  	_ =	shalt  }
0x68: {  	_ =	shalt  }
0x69: {  	_ =	shalt  }
0x6a: {  	_ =	shalt  }
0x6b: {  	_ =	shalt  }
0x6c: {  	_ =	shalt  }
0x6d: {  	_ =	shalt  }
0x6e: {  	_ =	shalt  }
0x6f: {  	_ =	shalt  }
0x70: {  	_ =	shalt  }
0x71: {  	_ =	shalt  }
0x72: {  	_ =	shalt  }
0x73: {  	_ =	shalt  }
0x74: {  	_ =	shalt  }
0x75: {  	_ =	shalt  }
0x76: {  	_ =	shalt  }
0x77: {  	_ =	shalt  }
0x78: {  	_ =	shalt  }
0x79: {  	_ =	shalt  }
0x7a: {  	_ =	shalt  }
0x7b: {  	_ =	shalt  }
0x7c: {  	_ =	shalt  }
0x7d: {  	_ =	shalt  }
0x7e: {  	_ =	shalt  }
0x7f: {  	_ =	shalt  }
0x80: {  	_ =	shalt  }
0x81: {  	_ =	shalt  }
0x82: {  	_ =	shalt  }
0x83: {  	_ =	shalt  }
0x84: {  	_ =	shalt  }
0x85: {  	_ =	shalt  }
0x86: {  	_ =	shalt  }
0x87: {  	_ =	shalt  }
.Lfunc_end0:
.L_simem_size_0:
called_computation_lowered:
.L_overlay_start_0:
0x88: {  	s2 =	sld [smem:$0x3FD9]  }
0x89: {  	s3 =	sld [smem:$0x3FFE];
	_ =	sdelay $0x1  }
0x8a: {  	s1 =	srdreg.scid  }
0x8b: {  	s0 =	sand.u32 $0x1, s1  }
0x8c: {  	s16 =	sshll.u32 s0, $0xA;
	s2 =	sadd.s32 s3, s2  }
0x8d: {  	s2 =	sadd.s32 s2, s16  }
0x8e: {  	[smem:$0x3FB5] =	sst s2  }
0x8f: {  	_ = 	snop  }
0x90: {  	(tm) =	ssettm $0x1  }
0x91: {  	s17 =	sld [smem:$0x3FFB];
	_ =	sdelay $0x3  }
0x92: {  	_ =	strace s17  }
0x93: {  	s2 =	sld [smem:$0x3FFC];
	_ =	sdelay $0x3  }
0x94: {  	_ =	strace s2  }
0x95: {  	s2 =	sld [smem:$0x3FFD];
	_ =	sdelay $0x3  }
0x96: {  	_ =	strace s2  }
0x97: {  	_ =	strace $0x8FFFFFFF  }
0x98: {  	s18 =	sld [smem:$0x3FDB];
	_ =	sdelay $0x1  }
0x99: {  	s19 =	simm.s32 $_scs_section_size  }
0x9a: {  	s4 =	simm.s32 $_size__tile_overlayer_lowered;
	s5 =	simm.s32 $_tile_overlayer_lowered  }
0x9b: {  	s22 =	simm.s32 $0x1BFF;
	s21 =	sshll.u32 s5, $0x1;
	s2 =	sadd.s32 s19, s18  }
0x9c: {  	s6 =	simm.s32 $0x0;
	s20 =	sshll.u32 s4, $0x1;
	s4 =	sadd.s32 s21, s2  }
0x9d: {  	[timem:s6], [sflag:s22] =	dma.local [hbm:s4], s20  }
0x9e: {  	_ =	swait.ge [sflag:s22], s20  }
0x9f: {  	s3 =	ssub.s32 $0x0, s20;
	[sflag:s22] =	ssyncset.done $0x0  }
0xa0: {  	[sflag:s22] =	ssyncadd.s32 s3;
	_ =	sdelay $0x1  }
0xa1: {  	s23 =	simm.s32 $0x1B8B  }
0xa2: {  	_ =	swait.ge [sflag:s23], $0x1  }
0xa3: {  	[sflag:s23] =	ssyncset.done $0x0  }
0xa4: {  	s25 =	simm.s32 $0x1B8E;
	s24 =	sld [smem:$0x3FFE];
	[sflag:s23] =	ssyncadd.s32 $0xFFFFFFFF  }
0xa5: {  	s26 =	simm.s32 $execute0_lowered;
	[smem:$0x3FD2] =	sst s25  }
0xa6: {  	s4 =	sshll.u32 s26, $0x1;
	_ =	strace $0x80000046;
	[dreg:$0x1] =	wrdreg $0xFFFFFFFF  }
0xa7: {  	s28 =	simm.s32 $_size_execute0_lowered;
	s2 =	sadd.s32 s2, s4;
	[dreg:$0x0] =	wrdreg $0x0  }
0xa8: {  	s4 =	sshll.u32 s28, $0x1;
	[dreg:$0x2] =	wrdreg s2  }
0xa9: {  	[dreg:$0x3] =	wrdreg s4  }
0xaa: {  	[dreg:$0x4] =	wrdreg $0xC0  }
0xab: {  	_ =	task [dreg:s6], $0x5FFFF  }
0xac: {  	[dreg:$0x1] =	wrdreg $0xFFFFFFFF  }
0xad: {  	[dreg:$0x0] =	wrdreg $0x60  }
0xae: {  	[dreg:$0x2] =	wrdreg s24  }
0xaf: {  	[dreg:$0x3] =	wrdreg $0x2800  }
0xb0: {  	[dreg:$0x4] =	wrdreg $0x9  }
0xb1: {  	_ =	task.clear_ibuf [dreg:s6], $0x5FFFF;
	_ =	strace $0x90000046  }
0xb2: {  	s29 =	simm.s32 $0x9;
	_ =	strace $0x80000048  }
0xb3: {  	_ =	swait.ge [sflag:s29], $0x1  }
0xb4: {  	[sflag:s29] =	ssyncadd.s32 $0xFFFFFFFF  }
0xb5: {  	_ =	strace $0x90000048  }
0xb6: {  	_ =	sfence  }
0xb7: {  	s30 =	sld [smem:$0x0];
	_ =	sdelay $0x2  }
0xb8: {  	s31 =	sshll.u32 s1, $0xD;
	s1 =	sshrl.u32 s1, $0x2  }
0xb9: {  	s3 =	sand.u32 $0x4000, s31;
	s1 =	sadd.s32 s1, s30  }
0xba: {  	s0 =	sor.u32 s3, s0;
	s1 =	sshll.u32 s1, $0x11  }
0xbb: {  	s0 =	sor.u32 s1, s0  }
0xbc: {  	s0 =	sadd.s32 $0x8F2B, s0  }
0xbd: {  	[sflag:s0] =	ssyncadd.remote.s32 $0x1  }
0xbe: {  	_ =	sfence.sel $0xFFFF  }
0xbf: {  	[dreg:$0x0] =	wrdreg $0xFFFFFFFF;
	(pc) =	sbr.abs _section_cstart, $3  }
0xc0: {  	[dreg:$0x1] =	wrdreg $0xFFFFFFFF  }
0xc1: {  	_ =	task.clear_ibuf [dreg:s6], $0x2FFFF;
	_ =	strace $0x9FFFFFFF  }
0xc2: {  	(tm) =	ssettm $0x7FFFFFFF  }
0xc3: {  	_ =	shalt  }
tec
execute0_lowered:
.L_overlay_start_1:
0x0: {  	(tag) =	ssettag $0x1  }
0x1: {  	s4 =	rddreg [dreg:$0x0]  }
0x2: {  	s2 =	rddreg [dreg:$0x1]  }
0x3: {  	s3 =	simm.s32 $0x0;
	s0 =	stileid.u32;
	s6 =	srdreg.scid  }
0x4: {  	s19 =	simm.s32 $0x1;
	s20 =	simm.s32 $0x200;
	s5 =	smul.u32 $0x280, s0  }
0x5: {  	[smem:$0x7FF] =	sst s3;
	s10 =	sand.u32 $0x1, s6;
	s21 =	smul.u32 $0x500, s0  }
0x6: {  	s11 =	sadd.s32 $0xFE00, s4;
	s25 =	sshll.u32 s0, $0x6;
	s26 =	ssub.s32 $0x4F1, s0  }
0x7: {  	s30 =	sshll.u32 s0, $0x4;
	_ =	strace $0x80000047;
	s9 =	smul.u32 $0x4E2, s10  }
0x8: {  	s8 =	sshll.u32 s10, $0x7;
	s22 =	ssub.s32 $0x2, s10;
	s16 =	smul.u32 $0x4E20, s10  }
0x9: {  	s7 =	sshrl.u32 s5, $0x3;
	s6 =	sor.u32 s8, s21;
	s12 =	sshrl.u32 s22, $0x1  }
0xa: {  	s14 =	sadd.s32 s5, s2;
	s21 =	simm.s32 $0x2;
	s7 =	sadd.s32 s7, s4  }
0xb: {  	s6 =	sshrl.u32 s6, $0x3;
	s12 =	ssub.s32 s22, s12;
	s23 =	sadd.s32 s0, s9  }
0xc: {  	s29 =	sadd.s32 s16, s11;
	s14 =	sshrl.u32 s14, $0x3;
	s16 =	simm.s32 $0x80  }
0xd: {  	s22 =	simm.s32 $0x20;
	s13 =	sadd.s32 s6, s4;
	s4 =	sadd.s32 $0x19C00, s7  }
0xe: {  	s24 =	sshll.u32 s23, $0x4;
	s6 =	sor.u32 $0x1C05, s25;
	s7 =	sshrl.u32 s26, $0x4  }
0xf: {  	s12 =	smax.u32 s12, $0x1;
	s31 =	sadd.s32 s30, s29;
	s23 =	simm.s32 $0x10  }
0x10: {  	s5 =	sadd.s32 s11, s24;
	s15 =	sadd.s32 $0xFFFFFFFE, s7;
	s28 =	sadd.s32 $0xFFFFFFFD, s7  }
0x11: {  	s11 =	sadd.s32 $0x1A200, s13;
	s13 =	sadd.s32 $0x700, s31;
	s24 =	simm.s32 $0x0  }
0x12: {  	s8 =	sadd.s32 $0x100, s5;
	s9 =	sadd.s32 $0x200, s5;
	[dreg:$0x3] =	wrdreg s15  }
0x13: {  	v0 =	vimm.f32 $1.000000000e+00;
	s10 =	sadd.s32 $0x300, s5;
	[dreg:$0x4] =	wrdreg s28;
	s15 =	simm.s32 $0x5  }
.LBB2_1:
0x14: {  	[spmem:s14], [sflag:s6] =	dma.local [hbm:s4], $0x50  }
0x15: {  	_ =	swait.ge [sflag:s15], $0x50  }
0x16: {  	[sflag:s15] =	ssyncset.done $0x0  }
0x17: {  	[sflag:s15] =	ssyncadd.s32 $0xFFFFFFB0  }
0x18: {  	[tilespmem:$0x200] =	vst v0  }
0x19: {  	[tilespmem:$0x210] =	vst v0  }
0x1a: {  	[tilespmem:$0x220] =	vst v0  }
0x1b: {  	[tilespmem:$0x230] =	vst v0  }
0x1c: {  	[tilespmem:$0x240] =	vst v0  }
0x1d: {  	[tilespmem:$0x250] =	vst v0  }
0x1e: {  	[tilespmem:$0x260] =	vst v0  }
0x1f: {  	[tilespmem:$0x270] =	vst v0  }
0x20: {  	[tilespmem:s3], [sflag:$0x1] =	stream.linear.gather [hbm4b:s5+s3], $0x80, $0x38;
	[tilespmem:$0x500] =	vst v63  }
0x21: {  	_ = 	snop  }
0x22: {  	[tilespmem:s16], [sflag:$0x2] =	stream.linear.gather [hbm4b:s8+s3], $0x80, $0x38;
	[tilespmem:$0x500] =	vst v63  }
0x23: {  	s0 =	simm.s32 $0x100  }
0x24: {  	[tilespmem:s0], [sflag:$0x3] =	stream.linear.gather [hbm4b:s9+s3], $0x80, $0x38;
	[tilespmem:$0x500] =	vst v63  }
0x25: {  	s17 =	simm.s32 $0x180  }
0x26: {  	[tilespmem:s17], [sflag:$0x4] =	stream.linear.gather [hbm4b:s10+s3], $0x80, $0x38;
	[tilespmem:$0x500] =	vst v63  }
0x27: {  	[bflag:$0x0] =	sbarrier.arrive $0xFFFF  }
0x28: {  	_ =	swait.ge [sflag:s19], $0x80  }
0x29: {  	[sflag:s19] =	ssyncset.done $0x0  }
0x2a: {  	[sflag:s19] =	ssyncadd.s32 $0xFFFFFF80  }
0x2b: {  	[spmem:s2] =	stream.indirect.scatter.add.f32 [tilespmem:s20], [sflag:$0x5], $0x1, s3, s16, $0xb8;
	[tilespmem:$0x500] =	vst v63  }
0x2c: {  	_ =	swait.ge [sflag:s15], $0x80  }
0x2d: {  	p0 =	sle.u32 s7, $0x4;
	[sflag:s15] =	ssyncset.done $0x0  }
0x2e: {  	s25 =	sadd.s32 @!p0 $0xFFFFFD00, s13;
	s26 =	simm.s32 @!p0 $0x0;
	[sflag:s15] =	ssyncadd.s32 $0xFFFFFF80  }
0x2f: {  	[tilespmem:s26], [sflag:$0x1] =	stream.linear.gather @!p0 [hbm4b:s25+s26], $0x80, $0x38;
	[tilespmem:$0x500] =	vst v63  }
0x30: {  	_ =	swait.ge [sflag:s21], $0x80  }
0x31: {  	[sflag:s21] =	ssyncset.done $0x0  }
0x32: {  	[sflag:s21] =	ssyncadd.s32 $0xFFFFFF80  }
0x33: {  	[spmem:s2] =	stream.indirect.scatter.add.f32 [tilespmem:s20], [sflag:$0x5], $0x1, s16, s16, $0xb8;
	[tilespmem:$0x500] =	vst v63  }
0x34: {  	p1 =	sle.u32 s7, $0x5;
	_ =	swait.ge [sflag:s15], $0x80  }
0x35: {  	s28 =	simm.s32 @!p1 $0x80;
	s18 =	rddreg [dreg:$0x3]  }
0x36: {  	s26 =	sadd.s32 @!p1 $0xFFFFFE00, s13;
	[sflag:s15] =	ssyncset.done $0x0;
	p0 =	sle.u32 s18, $0x0  }
0x37: {  	s25 =	simm.s32 @!p1 $0x0;
	[sflag:s15] =	ssyncadd.s32 $0xFFFFFF80;
	s29 =	simm.s32 @!p0 $0x3  }
0x38: {  	[tilespmem:s28], [sflag:$0x2] =	stream.linear.gather @!p1 [hbm4b:s26+s25], $0x80, $0x38;
	[tilespmem:$0x500] =	vst v63  }
0x39: {  	p1 =	sle.u32 @!p0 s7, $0x6;
	_ =	swait.ge @!p0 [sflag:s29], $0x80  }
0x3a: {  	s25 =	simm.s32 @!p0 $0x200;
	s26 =	simm.s32 @!p0 $0x5;
	[sflag:s29] =	ssyncset.done @!p0 $0x0  }
0x3b: {  	s28 =	simm.s32 @!p0 $0x80;
	[sflag:s29] =	ssyncadd.s32 @!p0 $0xFFFFFF80;
	s29 =	simm.s32 @!p0 $0x100  }
0x3c: {  	[spmem:s2] =	stream.indirect.scatter.add.f32 @!p0 [tilespmem:s25], [sflag:$0x5], $0x1, s29, s28, $0xb8;
	[tilespmem:$0x500] =	vst v63  }
0x3d: {  	p1 =	por p1, p0;
	_ =	swait.ge @!p0 [sflag:s26], $0x80  }
0x3e: {  	s25 =	simm.s32 @!p1 $0x100;
	s29 =	simm.s32 @!p1 $0x0;
	[sflag:s26] =	ssyncset.done @!p0 $0x0  }
0x3f: {  	s28 =	rddreg [dreg:$0x4];
	[sflag:s26] =	ssyncadd.s32 @!p0 $0xFFFFFF80;
	s26 =	sadd.s32 @!p1 $0xFFFFFF00, s13  }
0x40: {  	[tilespmem:s25], [sflag:$0x3] =	stream.linear.gather @!p1 [hbm4b:s26+s29], $0x80, $0x38;
	[tilespmem:$0x500] =	vst v63  }
0x41: {  	p1 =	sle.u32 s28, $0x0  }
0x42: {  	s25 =	simm.s32 @!p1 $0x4;
	p0 =	sle.u32 @!p1 s7, $0x7  }
0x43: {  	s26 =	simm.s32 @!p1 $0x200;
	s29 =	simm.s32 @!p1 $0x5;
	_ =	swait.ge @!p1 [sflag:s25], $0x80  }
0x44: {  	s28 =	simm.s32 @!p1 $0x180;
	p2 =	por p0, p1;
	[sflag:s25] =	ssyncset.done @!p1 $0x0  }
0x45: {  	s30 =	simm.s32 @!p2 $0x0;
	[sflag:s25] =	ssyncadd.s32 @!p1 $0xFFFFFF80;
	s25 =	simm.s32 @!p1 $0x80  }
0x46: {  	[spmem:s2] =	stream.indirect.scatter.add.f32 @!p1 [tilespmem:s26], [sflag:$0x5], $0x1, s28, s25, $0xb8;
	[tilespmem:$0x500] =	vst v63  }
0x47: {  	s31 =	simm.s32 @!p2 $0x180;
	s25 =	simm.s32 $0xB;
	_ =	swait.ge @!p1 [sflag:s29], $0x80  }
0x48: {  	s26 =	smov.u32 s13;
	s28 =	smov.u32 s13;
	[sflag:s29] =	ssyncset.done @!p1 $0x0  }
.LBB2_2:
0x49: {  	[sflag:s29] =	ssyncadd.s32 @!p1 $0xFFFFFF80  }
0x4a: {  	[tilespmem:s31], [sflag:$0x4] =	stream.linear.gather @!p2 [hbm4b:s28+s30], $0x80, $0x38;
	[tilespmem:$0x500] =	vst v63  }
0x4b: {  	_ =	swait.ge [sflag:s19], $0x80  }
0x4c: {  	[sflag:s19] =	ssyncset.done $0x0  }
0x4d: {  	s29 =	smov.u32 s25;
	[sflag:s19] =	ssyncadd.s32 $0xFFFFFF80  }
0x4e: {  	[spmem:s2] =	stream.indirect.scatter.add.f32 [tilespmem:s20], [sflag:$0x5], $0x1, s3, s16, $0xb8;
	[tilespmem:$0x500] =	vst v63  }
0x4f: {  	s30 =	sadd.s32 $0xFFFFFFFD, s29;
	_ =	swait.ge [sflag:s15], $0x80  }
0x50: {  	s26 =	sadd.s32 $0x400, s26;
	p1 =	sge.u32 s30, s7;
	[sflag:s15] =	ssyncset.done $0x0  }
0x51: {  	s30 =	sadd.s32 @!p1 $0xFFFFFD00, s26;
	s31 =	simm.s32 @!p1 $0x0;
	[sflag:s15] =	ssyncadd.s32 $0xFFFFFF80  }
0x52: {  	[tilespmem:s31], [sflag:$0x1] =	stream.linear.gather @!p1 [hbm4b:s30+s31], $0x80, $0x38;
	[tilespmem:$0x500] =	vst v63  }
0x53: {  	_ =	swait.ge [sflag:s21], $0x80  }
0x54: {  	[sflag:s21] =	ssyncset.done $0x0  }
0x55: {  	s30 =	sadd.s32 $0xFFFFFFFE, s29;
	[sflag:s21] =	ssyncadd.s32 $0xFFFFFF80  }
0x56: {  	[spmem:s2] =	stream.indirect.scatter.add.f32 [tilespmem:s20], [sflag:$0x5], $0x1, s16, s16, $0xb8;
	[tilespmem:$0x500] =	vst v63  }
0x57: {  	s1 =	sadd.s32 $0xFFFFFFF9, s29;
	p2 =	sge.u32 s30, s7;
	_ =	swait.ge [sflag:s15], $0x80  }
0x58: {  	s31 =	sadd.s32 @!p2 $0xFFFFFE00, s26;
	s0 =	simm.s32 @!p2 $0x0;
	s30 =	rddreg [dreg:$0x3]  }
0x59: {  	s17 =	simm.s32 @!p2 $0x80;
	[sflag:s15] =	ssyncset.done $0x0;
	p1 =	sge.u32 s1, s30  }
0x5a: {  	[sflag:s15] =	ssyncadd.s32 $0xFFFFFF80;
	s30 =	simm.s32 @!p1 $0x3;
	s18 =	sadd.s32 @!p1 $0xFFFFFFFF, s29  }
0x5b: {  	[tilespmem:s17], [sflag:$0x2] =	stream.linear.gather @!p2 [hbm4b:s31+s0], $0x80, $0x38;
	[tilespmem:$0x500] =	vst v63  }
0x5c: {  	s0 =	simm.s32 @!p1 $0x200;
	s17 =	simm.s32 @!p1 $0x5;
	_ =	swait.ge @!p1 [sflag:s30], $0x80  }
0x5d: {  	p2 =	sge.u32 @!p1 s18, s7;
	s18 =	simm.s32 @!p1 $0x80;
	[sflag:s30] =	ssyncset.done @!p1 $0x0  }
0x5e: {  	p2 =	por p2, p1;
	[sflag:s30] =	ssyncadd.s32 @!p1 $0xFFFFFF80;
	s30 =	simm.s32 @!p1 $0x100  }
0x5f: {  	[spmem:s2] =	stream.indirect.scatter.add.f32 @!p1 [tilespmem:s0], [sflag:$0x5], $0x1, s30, s18, $0xb8;
	[tilespmem:$0x500] =	vst v63  }
0x60: {  	s25 =	sadd.s32 $0x4, s25;
	s0 =	simm.s32 @!p2 $0x100;
	_ =	swait.ge @!p1 [sflag:s17], $0x80  }
0x61: {  	s30 =	simm.s32 @!p2 $0x0;
	[sflag:s17] =	ssyncset.done @!p1 $0x0;
	s18 =	rddreg [dreg:$0x4]  }
0x62: {  	[sflag:s17] =	ssyncadd.s32 @!p1 $0xFFFFFF80;
	s17 =	sadd.s32 @!p2 $0xFFFFFF00, s26;
	p1 =	sge.u32 s1, s18  }
0x63: {  	[tilespmem:s0], [sflag:$0x3] =	stream.linear.gather @!p2 [hbm4b:s17+s30], $0x80, $0x38;
	[tilespmem:$0x500] =	vst v63  }
0x64: {  	p0 =	sne.s32 s25, $0x57;
	s0 =	simm.s32 @!p1 $0x4  }
0x65: {  	p2 =	sge.u32 @!p1 s29, s7;
	s1 =	simm.s32 @!p1 $0x200;
	_ =	swait.ge @!p1 [sflag:s0], $0x80  }
.Ltmp0:
0x66: {  	s29 =	simm.s32 @!p1 $0x5;
	[sflag:s0] =	ssyncset.done @!p1 $0x0;
	(pc) =	sbr.rel @p0 .LBB2_2-.Ltmp0, $4  }
0x67: {  	s17 =	simm.s32 @!p1 $0x180;
	[sflag:s0] =	ssyncadd.s32 @!p1 $0xFFFFFF80;
	s0 =	simm.s32 @!p1 $0x80  }
0x68: {  	[spmem:s2] =	stream.indirect.scatter.add.f32 @!p1 [tilespmem:s1], [sflag:$0x5], $0x1, s17, s0, $0xb8;
	[tilespmem:$0x500] =	vst v63  }
0x69: {  	s28 =	smov.u32 s26;
	p2 =	por p2, p1;
	_ =	swait.ge @!p1 [sflag:s29], $0x80  }
0x6a: {  	s30 =	simm.s32 @!p2 $0x0;
	s31 =	simm.s32 @!p2 $0x180;
	[sflag:s29] =	ssyncset.done @!p1 $0x0  }
0x6b: {  	[sflag:s29] =	ssyncadd.s32 @!p1 $0xFFFFFF80;
	s24 =	sadd.s32 $0x1, s24  }
0x6c: {  	[tilespmem:s31], [sflag:$0x4] =	stream.linear.gather @!p2 [hbm4b:s28+s30], $0x80, $0x38;
	[tilespmem:$0x500] =	vst v63  }
0x6d: {  	p0 =	sne.s32 s24, s12  }
.Ltmp1:
0x6e: {  	[bflag:$0x0] =	sbarrier.arrive $0xFFFF;
	(pc) =	sbr.rel @p0 .LBB2_1-.Ltmp1, $4  }
0x6f: {  	[hbm:s11@s22], [sflag:s6] =	dma.strided [spmem:s14@s23], $0x50, s19, $0x10   }
0x70: {  	_ =	swait.ge [sflag:s15], $0x50  }
0x71: {  	[sflag:s15] =	ssyncset.done $0x0  }
0x72: {  	[sflag:s15] =	ssyncadd.s32 $0xFFFFFFB0  }
0x73: {  	_ =	sfence.sel $0x180000  }
0x74: {  	[bflag:$0x0] =	sbarrier.arrive $0xFFFF  }
0x75: {  	_ =	strace $0x90000047  }
0x76: {  	s0 =	stileid.u32;
	[bflag:$0x2] =	sbarrier.arrive $0xFFFF  }
0x77: {  	p0 =	sne.s32 s0, $0x0;
	s0 =	rddreg [dreg:$0x2]  }
0x78: {  	s0 =	sadd.s32 @!p0 $0x100000, s0  }
0x79: {  	[sflag:s0] =	ssyncadd.tile.s32 @!p0 $0x1;
	_ =	shalt  }
.Lfunc_end2:
_tile_overlayer_lowered:
.L_overlay_start_2:
0x7a: {  	(tag) =	ssettag $0x2  }
0x7b: {  	s0 =	rddreg [dreg:$0x0];
	s2 =	stileid.u32  }
0x7c: {  	s1 =	rddreg [dreg:$0x1];
	p0 =	sne.s32 s2, $0x0  }
0x7d: {  	s3 =	rddreg [dreg:$0x2];
	[bflag:$0x3] =	sbarrier.arrive $0xFFFF;
	s2 =	simm.s32 @!p0 $0x1C05  }
0x7e: {  	[timem:s3], [sflag:s2] =	dma.local @!p0 [hbm:s0], s1  }
0x7f: {  	s0 =	simm.s32 @!p0 $0x5  }
0x80: {  	_ =	swait.ge @!p0 [sflag:s0], s1  }
0x81: {  	s1 =	ssub.s32 @!p0 $0x0, s1;
	[sflag:s0] =	ssyncset.done @!p0 $0x0  }
0x82: {  	[sflag:s0] =	ssyncadd.s32 @!p0 s1  }
0x83: {  	[bflag:$0x3] =	sbarrier.arrive $0xFFFF  }
0x84: {  	_ =	shalt  }

// kernel: kernel.13.cloned.1.call-start
scs
__scs_entry_jumppad:
0x0: {  	(pc) =	sbr.rel $0x88, $3  }
0x1: {  	(tag) =	ssettag $0x0;
	lr =	simm.s32 $0x1  }
0x2: {  	[smem:$0x3F8E] =	sst lr;
	_ =	strace $0xD0000000  }
0x3: {  	_ = 	snop  }
0x4: {  	_ = 	snop  }
0x5: {  	_ = 	snop  }
0x6: {  	_ = 	snop  }
0x7: {  	_ = 	snop  }
__scs_overlays_trampoline_lowered:
0x8: {  	[smem:$0x3F9D] =	sst s0  }
0x9: {  	[smem:$0x3F9E] =	sst s1  }
0xa: {  	[smem:$0x3F9F] =	sst s2  }
0xb: {  	[smem:$0x3FA0] =	sst s3  }
0xc: {  	[smem:$0x3FA1] =	sst s4  }
0xd: {  	[smem:$0x3FA2] =	sst s5  }
0xe: {  	[smem:$0x3FA3] =	sst s6  }
0xf: {  	[smem:$0x3FA4] =	sst s7  }
0x10: {  	[smem:$0x3FA5] =	sst s8  }
0x11: {  	[smem:$0x3FA6] =	sst s9;
	s0 =	simm.s32 @!p0 $0x0  }
0x12: {  	s1 =	sld [smem:$0x3F8C];
	s0 =	simm.s32 @p0 $0x1  }
0x13: {  	[smem:$0x3FA7] =	sst s0;
	s0 =	simm.s32 @!p1 $0x0  }
0x14: {  	s2 =	sld [smem:$0x3F8B];
	s0 =	simm.s32 @p1 $0x1  }
0x15: {  	[smem:$0x3FA8] =	sst s0;
	s0 =	simm.s32 @!p2 $0x0  }
0x16: {  	s3 =	sld [smem:$0x3FDB];
	s0 =	simm.s32 @p2 $0x1  }
0x17: {  	s4 =	simm.s32 $0x1BF5;
	[smem:$0x3FAA] =	sst s0  }
0x18: {  	s0 =	sld [smem:$0x3F8D];
	_ =	swait.ge [sflag:s4], $0x0  }
0x19: {  	s7 =	sld [smem:$0x3F8E]  }
0x1a: {  	s8 =	sadd.s32 $0xFFFFE003, lr  }
0x1b: {  	s9 =	sadd.s32 $0xFFFFFEF7, lr;
	s5 =	simm.s32 $0xFFFFFFFF;
	p2 =	slt.u32 s8, $0xFFFFF086  }
0x1c: {  	p1 =	slt.u32 s9, $0xF7A;
	s5 =	simm.s32 @!p2 $0x0  }
0x1d: {  	s5 =	simm.s32 @p1 $0x1;
	p0 =	seq.s32 s7, s2  }
0x1e: {  	s7 =	smul.u32 @!p0 $0xF7A, s2;
	p2 =	seq.s32 @!p0 s5, $0x0  }
0x1f: {  	s9 =	smul.u32 $0xF7A, s1;
	s8 =	simm.s32 @!p0 $0x1BF5;
	p2 =	por !p2, p0  }
0x20: {  	[sflag:s8] =	ssyncset.s32 @!p0 $0xFFFFF086;
	s6 =	sadd.s32 @!p0 s3, s7;
	s7 =	simm.s32 @!p0 $0x108  }
0x21: {  	s3 =	sadd.s32 s3, s9;
	s6 =	sadd.s32 @!p0 $0x88, s6;
	s7 =	simm.s32 @p2 $0x1082  }
0x22: {  	[simem:s7], [sflag:s8] =	dma.local @!p0 [hbm:s6], $0xF7A  }
0x23: {  	s9 =	sor.u32 $0xD0000000, s2;
	s6 =	simm.s32 $0x108;
	_ =	swait.ge @!p0 [sflag:s8], $0x0  }
0x24: {  	s3 =	sadd.s32 $0x88, s3;
	s6 =	simm.s32 @!p1 $0x1082;
	[sflag:s4] =	ssyncset.s32 $0xFFFFF086  }
0x25: {  	[simem:s6], [sflag:s4] =	dma.local [hbm:s3], $0xF7A  }
0x26: {  	[smem:$0x3F8E] =	sst s1;
	(tag) =	ssettag s2;
	_ =	strace s9  }
0x27: {  	s1 =	sld [smem:$0x3F9E]  }
0x28: {  	s2 =	sld [smem:$0x3F9F]  }
0x29: {  	s4 =	sld [smem:$0x3FA1]  }
0x2a: {  	p0 =	seq.s32 s5, $0x0;
	s5 =	sld [smem:$0x3FA2]  }
0x2b: {  	s6 =	sld [smem:$0x3FA3]  }
0x2c: {  	s7 =	sld [smem:$0x3FA4]  }
0x2d: {  	s3 =	simm.s32 $0x108;
	s8 =	sld [smem:$0x3FA5]  }
0x2e: {  	s3 =	simm.s32 @!p0 $0x1082;
	s9 =	sld [smem:$0x3FA6]  }
0x2f: {  	lr =	sadd.s32 s0, s3;
	s0 =	sld [smem:$0x3F9D]  }
0x30: {  	s3 =	sld [smem:$0x3FA0]  }
0x31: {  	[smem:$0x3FA9] =	sst s10  }
0x32: {  	s10 =	sld [smem:$0x3FA7];
	_ =	sdelay $0x3  }
0x33: {  	p0 =	seq.s32 s10, $0x1;
	s10 =	sld [smem:$0x3FA9];
	_ =	sdelay $0x3  }
0x34: {  	[smem:$0x3FA9] =	sst s10  }
0x35: {  	s10 =	sld [smem:$0x3FA8];
	_ =	sdelay $0x3  }
0x36: {  	p1 =	seq.s32 s10, $0x1;
	s10 =	sld [smem:$0x3FA9];
	_ =	sdelay $0x3  }
0x37: {  	[smem:$0x3FA9] =	sst s10  }
0x38: {  	s10 =	sld [smem:$0x3FAA]  }
0x39: {  	_ = 	snop;
	(pc) =	sbr.ind lr, $3  }
0x3a: {  	_ = 	snop  }
0x3b: {  	_ = 	snop  }
0x3c: {  	p2 =	seq.s32 s10, $0x1;
	s10 =	sld [smem:$0x3FA9]  }
0x3d: {  	_ =	shalt  }
0x3e: {  	_ =	shalt  }
0x3f: {  	_ =	shalt  }
0x40: {  	_ =	shalt  }
0x41: {  	_ =	shalt  }
0x42: {  	_ =	shalt  }
0x43: {  	_ =	shalt  }
0x44: {  	_ =	shalt  }
0x45: {  	_ =	shalt  }
0x46: {  	_ =	shalt  }
0x47: {  	_ =	shalt  }
0x48: {  	_ =	shalt  }
0x49: {  	_ =	shalt  }
0x4a: {  	_ =	shalt  }
0x4b: {  	_ =	shalt  }
0x4c: {  	_ =	shalt  }
0x4d: {  	_ =	shalt  }
0x4e: {  	_ =	shalt  }
0x4f: {  	_ =	shalt  }
0x50: {  	_ =	shalt  }
0x51: {  	_ =	shalt  }
0x52: {  	_ =	shalt  }
0x53: {  	_ =	shalt  }
0x54: {  	_ =	shalt  }
0x55: {  	_ =	shalt  }
0x56: {  	_ =	shalt  }
0x57: {  	_ =	shalt  }
0x58: {  	_ =	shalt  }
0x59: {  	_ =	shalt  }
0x5a: {  	_ =	shalt  }
0x5b: {  	_ =	shalt  }
0x5c: {  	_ =	shalt  }
0x5d: {  	_ =	shalt  }
0x5e: {  	_ =	shalt  }
0x5f: {  	_ =	shalt  }
0x60: {  	_ =	shalt  }
0x61: {  	_ =	shalt  }
0x62: {  	_ =	shalt  }
0x63: {  	_ =	shalt  }
0x64: {  	_ =	shalt  }
0x65: {  	_ =	shalt  }
0x66: {  	_ =	shalt  }
0x67: {  	_ =	shalt  }
0x68: {  	_ =	shalt  }
0x69: {  	_ =	shalt  }
0x6a: {  	_ =	shalt  }
0x6b: {  	_ =	shalt  }
0x6c: {  	_ =	shalt  }
0x6d: {  	_ =	shalt  }
0x6e: {  	_ =	shalt  }
0x6f: {  	_ =	shalt  }
0x70: {  	_ =	shalt  }
0x71: {  	_ =	shalt  }
0x72: {  	_ =	shalt  }
0x73: {  	_ =	shalt  }
0x74: {  	_ =	shalt  }
0x75: {  	_ =	shalt  }
0x76: {  	_ =	shalt  }
0x77: {  	_ =	shalt  }
0x78: {  	_ =	shalt  }
0x79: {  	_ =	shalt  }
0x7a: {  	_ =	shalt  }
0x7b: {  	_ =	shalt  }
0x7c: {  	_ =	shalt  }
0x7d: {  	_ =	shalt  }
0x7e: {  	_ =	shalt  }
0x7f: {  	_ =	shalt  }
0x80: {  	_ =	shalt  }
0x81: {  	_ =	shalt  }
0x82: {  	_ =	shalt  }
0x83: {  	_ =	shalt  }
0x84: {  	_ =	shalt  }
0x85: {  	_ =	shalt  }
0x86: {  	_ =	shalt  }
0x87: {  	_ =	shalt  }
.Lfunc_end0:
.L_simem_size_0:
called_computation.1_lowered:
.L_overlay_start_0:
0x88: {  	s2 =	sld [smem:$0x3FD9]  }
0x89: {  	s3 =	sld [smem:$0x3FFE];
	_ =	sdelay $0x1  }
0x8a: {  	s1 =	srdreg.scid  }
0x8b: {  	s0 =	sand.u32 $0x1, s1  }
0x8c: {  	s16 =	sshll.u32 s0, $0xA;
	s2 =	sadd.s32 s3, s2  }
0x8d: {  	s2 =	sadd.s32 s2, s16  }
0x8e: {  	[smem:$0x3FB5] =	sst s2  }
0x8f: {  	_ = 	snop  }
0x90: {  	(tm) =	ssettm $0x1  }
0x91: {  	s17 =	sld [smem:$0x3FFB];
	_ =	sdelay $0x3  }
0x92: {  	_ =	strace s17  }
0x93: {  	s2 =	sld [smem:$0x3FFC];
	_ =	sdelay $0x3  }
0x94: {  	_ =	strace s2  }
0x95: {  	s2 =	sld [smem:$0x3FFD];
	_ =	sdelay $0x3  }
0x96: {  	_ =	strace s2  }
0x97: {  	_ =	strace $0x8FFFFFFF  }
0x98: {  	s18 =	sld [smem:$0x3FDB];
	_ =	sdelay $0x1  }
0x99: {  	s19 =	simm.s32 $_scs_section_size  }
0x9a: {  	s4 =	simm.s32 $_size__tile_overlayer_lowered;
	s5 =	simm.s32 $_tile_overlayer_lowered  }
0x9b: {  	s22 =	simm.s32 $0x1BFF;
	s21 =	sshll.u32 s5, $0x1;
	s2 =	sadd.s32 s19, s18  }
0x9c: {  	s6 =	simm.s32 $0x0;
	s20 =	sshll.u32 s4, $0x1;
	s4 =	sadd.s32 s21, s2  }
0x9d: {  	[timem:s6], [sflag:s22] =	dma.local [hbm:s4], s20  }
0x9e: {  	_ =	swait.ge [sflag:s22], s20  }
0x9f: {  	s3 =	ssub.s32 $0x0, s20;
	[sflag:s22] =	ssyncset.done $0x0  }
0xa0: {  	[sflag:s22] =	ssyncadd.s32 s3;
	_ =	sdelay $0x1  }
0xa1: {  	s23 =	simm.s32 $0x1B8B  }
0xa2: {  	_ =	swait.ge [sflag:s23], $0x1  }
0xa3: {  	[sflag:s23] =	ssyncset.done $0x0  }
0xa4: {  	s25 =	simm.s32 $0x1B8E;
	s24 =	sld [smem:$0x3FFE];
	[sflag:s23] =	ssyncadd.s32 $0xFFFFFFFF  }
0xa5: {  	s26 =	simm.s32 $execute0_lowered;
	[smem:$0x3FD2] =	sst s25  }
0xa6: {  	s4 =	sshll.u32 s26, $0x1;
	_ =	strace $0x80000049;
	[dreg:$0x1] =	wrdreg $0xFFFFFFFF  }
0xa7: {  	s28 =	simm.s32 $_size_execute0_lowered;
	s2 =	sadd.s32 s2, s4;
	[dreg:$0x0] =	wrdreg $0x0  }
0xa8: {  	s4 =	sshll.u32 s28, $0x1;
	[dreg:$0x2] =	wrdreg s2  }
0xa9: {  	[dreg:$0x3] =	wrdreg s4  }
0xaa: {  	[dreg:$0x4] =	wrdreg $0xC0  }
0xab: {  	_ =	task [dreg:s6], $0x5FFFF  }
0xac: {  	[dreg:$0x1] =	wrdreg $0xFFFFFFFF  }
0xad: {  	[dreg:$0x0] =	wrdreg $0x60  }
0xae: {  	[dreg:$0x2] =	wrdreg s24  }
0xaf: {  	[dreg:$0x3] =	wrdreg $0xC4000  }
0xb0: {  	[dreg:$0x4] =	wrdreg $0x9  }
0xb1: {  	_ =	task.clear_ibuf [dreg:s6], $0x5FFFF;
	_ =	strace $0x90000049  }
0xb2: {  	s29 =	simm.s32 $0x9;
	_ =	strace $0x8000004B  }
0xb3: {  	_ =	swait.ge [sflag:s29], $0x1  }
0xb4: {  	[sflag:s29] =	ssyncadd.s32 $0xFFFFFFFF  }
0xb5: {  	_ =	strace $0x9000004B  }
0xb6: {  	_ =	sfence  }
0xb7: {  	s30 =	sld [smem:$0x0];
	_ =	sdelay $0x2  }
0xb8: {  	s31 =	sshll.u32 s1, $0xD;
	s1 =	sshrl.u32 s1, $0x2  }
0xb9: {  	s3 =	sand.u32 $0x4000, s31;
	s1 =	sadd.s32 s1, s30  }
0xba: {  	s0 =	sor.u32 s3, s0;
	s1 =	sshll.u32 s1, $0x11  }
0xbb: {  	s0 =	sor.u32 s1, s0  }
0xbc: {  	s0 =	sadd.s32 $0x8F2B, s0  }
0xbd: {  	[sflag:s0] =	ssyncadd.remote.s32 $0x1  }
0xbe: {  	_ =	sfence.sel $0xFFFF  }
0xbf: {  	[dreg:$0x0] =	wrdreg $0xFFFFFFFF;
	(pc) =	sbr.abs _section_cstart, $3  }
0xc0: {  	[dreg:$0x1] =	wrdreg $0xFFFFFFFF  }
0xc1: {  	_ =	task.clear_ibuf [dreg:s6], $0x2FFFF;
	_ =	strace $0x9FFFFFFF  }
0xc2: {  	(tm) =	ssettm $0x7FFFFFFF  }
0xc3: {  	_ =	shalt  }
tec
execute0_lowered:
.L_overlay_start_1:
0x0: {  	(tag) =	ssettag $0x1  }
0x1: {  	s1 =	rddreg [dreg:$0x0]  }
0x2: {  	s2 =	rddreg [dreg:$0x1]  }
0x3: {  	s21 =	stileid.u32;
	s0 =	srdreg.scid  }
0x4: {  	s3 =	simm.s32 $0x0;
	s29 =	simm.s32 $0x0;
	s6 =	smul.u32 $0x13C00, s21  }
0x5: {  	s17 =	sand.u32 $0x1, s0;
	[smem:$0x7FF] =	sst s3;
	s4 =	sadd.s32 $0x40E00, s1  }
0x6: {  	s5 =	sadd.s32 $0x6000, s1;
	s0 =	sadd.s32 $0xFE00, s1;
	s9 =	smul.u32 $0x4F000, s21  }
0x7: {  	s23 =	ssub.s32 $0x4F1, s21;
	s11 =	sshll.u32 s21, $0x6;
	s28 =	sshll.u32 s21, $0x7  }
0x8: {  	s7 =	smul.u32 $0x13C000, s17;
	_ =	strace $0x8000004A;
	s18 =	ssub.s32 $0x2, s17  }
0x9: {  	s10 =	smul.u32 $0x4E2, s17;
	s8 =	sshrl.u32 s6, $0x3;
	s19 =	sshrl.u32 s18, $0x1  }
0xa: {  	s20 =	sshrl.u32 s9, $0x2;
	s9 =	sshrl.u32 s23, $0x4;
	s6 =	sadd.s32 s6, s7  }
0xb: {  	s8 =	sadd.s32 s8, s1;
	s7 =	sadd.s32 s20, s2;
	s12 =	sadd.s32 s21, s10  }
0xc: {  	s10 =	sor.u32 $0x1C07, s11;
	s15 =	smul.u32 $0x56, s9;
	s25 =	sadd.s32 $0xFFFFFFFF, s9  }
0xd: {  	s26 =	sadd.s32 $0xFFFFFFFE, s9;
	s20 =	smul.u32 $0x27100, s17;
	[dreg:$0x6] =	wrdreg s7  }
0xe: {  	s6 =	sshrl.u32 s6, $0x3;
	s22 =	sadd.s32 $0x68000, s8;
	[dreg:$0x3] =	wrdreg s25  }
0xf: {  	s14 =	sshll.u32 s12, $0x4;
	[dreg:$0x4] =	wrdreg s26;
	s1 =	sadd.s32 s6, s1  }
0x10: {  	s6 =	ssub.s32 s18, s19;
	[dreg:$0x7] =	wrdreg s22;
	s24 =	sadd.s32 s5, s14  }
0x11: {  	s12 =	sadd.s32 s0, s14;
	s16 =	sadd.s32 $0x100, s14;
	s18 =	sadd.s32 $0x200, s14  }
0x12: {  	s19 =	sadd.s32 $0xAC, s15;
	s30 =	sadd.s32 s28, s20;
	s22 =	simm.s32 $0x7  }
0x13: {  	[dreg:$0x8] =	wrdreg s24;
	s13 =	sadd.s32 s5, s16;
	s14 =	sadd.s32 s0, s16  }
0x14: {  	s15 =	sadd.s32 s5, s18;
	s19 =	sshrl.u32 s19, $0x8;
	s16 =	sadd.s32 s0, s18  }
0x15: {  	s17 =	sadd.s32 $0x8F800, s1;
	s18 =	smax.u32 s6, $0x1;
	s19 =	smul.u32 $0x3, s19  }
0x16: {  	s1 =	sadd.s32 $0x1800, s30;
	s31 =	sadd.s32 $0x2800, s30;
	s6 =	sadd.s32 $0x2000, s30  }
0x17: {  	s20 =	sshrl.u32 s31, $0x3;
	s21 =	sshrl.u32 s6, $0x3;
	[dreg:$0x5] =	wrdreg s19  }
.LBB2_1:
0x18: {  	s6 =	rddreg [dreg:$0x6]  }
0x19: {  	s11 =	rddreg [dreg:$0x7];
	s30 =	sshrl.u32 s6, $0x3  }
0x1a: {  	[spmem:s30], [sflag:s10] =	dma.local [hbm:s11], $0x2780  }
0x1b: {  	_ =	swait.ge [sflag:s22], $0x2780  }
0x1c: {  	[sflag:s22] =	ssyncset.done $0x0  }
0x1d: {  	s19 =	rddreg [dreg:$0x8];
	[sflag:s22] =	ssyncadd.s32 $0xFFFFD880  }
0x1e: {  	[tilespmem:s3], [sflag:$0x1] =	stream.linear.gather [hbm4b:s19+s3], $0x80, $0x38;
	v63 =	vld [tilespmem:$0x0]  }
0x1f: {  	s23 =	simm.s32 $0x200  }
0x20: {  	[tilespmem:s23], [sflag:$0x1] =	stream.linear.gather [hbm4b:s12+s3], $0x80, $0x38;
	v63 =	vld [tilespmem:$0x0]  }
0x21: {  	s24 =	simm.s32 $0x80  }
0x22: {  	[tilespmem:s24], [sflag:$0x2] =	stream.linear.gather [hbm4b:s13+s3], $0x80, $0x38;
	v63 =	vld [tilespmem:$0x0]  }
0x23: {  	s25 =	simm.s32 $0x280  }
0x24: {  	[tilespmem:s25], [sflag:$0x2] =	stream.linear.gather [hbm4b:s14+s3], $0x80, $0x38;
	v63 =	vld [tilespmem:$0x0]  }
0x25: {  	s26 =	simm.s32 $0x100  }
0x26: {  	[tilespmem:s26], [sflag:$0x3] =	stream.linear.gather [hbm4b:s15+s3], $0x80, $0x38;
	v63 =	vld [tilespmem:$0x0]  }
0x27: {  	s28 =	simm.s32 $0x300;
	s31 =	smov.u32 s5;
	s6 =	smov.u32 s0  }
0x28: {  	[tilespmem:s28], [sflag:$0x3] =	stream.linear.gather [hbm4b:s16+s3], $0x80, $0x38;
	v63 =	vld [tilespmem:$0x0]  }
0x29: {  	s19 =	smov.u32 s1;
	s23 =	simm.s32 $0x0;
	[bflag:$0x0] =	sbarrier.arrive $0xFFFF  }
.LBB2_2:
0x2a: {  	p2 =	sge.u32 s23, s9  }
0x2b: {  	s24 =	simm.s32 @!p2 $0x1  }
0x2c: {  	_ =	swait.ge @!p2 [sflag:s24], $0x80  }
0x2d: {  	[sflag:s24] =	ssyncset.done @!p2 $0x0  }
0x2e: {  	[sflag:s24] =	ssyncadd.s32 @!p2 $0xFFFFFF80  }
0x2f: {  	s25 =	simm.s32 @!p2 $0x80;
	_ =	swait.ge @!p2 [sflag:s24], $0x80  }
0x30: {  	s26 =	simm.s32 @!p2 $0x0;
	[sflag:s24] =	ssyncset.done @!p2 $0x0;
	s8 =	rddreg [dreg:$0x3]  }
0x31: {  	s28 =	simm.s32 @!p2 $0x400;
	[sflag:s24] =	ssyncadd.s32 @!p2 $0xFFFFFF80;
	p1 =	sge.u32 s23, s8  }
0x32: {  	[tilespmem:s28], [sflag:$0x4] =	stream.indirect.gather @!p2 [hbm4b:s4+s25], $0x80, s26, s25, $0xb8;
	v63 =	vld [tilespmem:$0x0]  }
0x33: {  	s24 =	simm.s32 @!p1 $0x2  }
0x34: {  	_ =	swait.ge @!p1 [sflag:s24], $0x80  }
0x35: {  	[sflag:s24] =	ssyncset.done @!p1 $0x0  }
0x36: {  	[sflag:s24] =	ssyncadd.s32 @!p1 $0xFFFFFF80  }
0x37: {  	_ =	swait.ge @!p1 [sflag:s24], $0x80  }
0x38: {  	s7 =	simm.s32 @!p1 $0x4400;
	[sflag:s24] =	ssyncset.done @!p1 $0x0;
	s11 =	rddreg [dreg:$0x4]  }
0x39: {  	[sflag:s24] =	ssyncadd.s32 @!p1 $0xFFFFFF80;
	s24 =	simm.s32 @!p1 $0x80;
	p0 =	sge.u32 s23, s11  }
0x3a: {  	[tilespmem:s7], [sflag:$0x5] =	stream.indirect.gather @!p1 [hbm4b:s4+s24], $0x80, s24, s24, $0xb8;
	v63 =	vld [tilespmem:$0x0]  }
0x3b: {  	s26 =	simm.s32 @!p0 $0x3  }
0x3c: {  	_ =	swait.ge @!p0 [sflag:s26], $0x80  }
0x3d: {  	[sflag:s26] =	ssyncset.done @!p0 $0x0  }
0x3e: {  	[sflag:s26] =	ssyncadd.s32 @!p0 $0xFFFFFF80  }
0x3f: {  	_ =	swait.ge @!p0 [sflag:s26], $0x80  }
0x40: {  	s8 =	simm.s32 @!p0 $0x100;
	[sflag:s26] =	ssyncset.done @!p0 $0x0  }
0x41: {  	s11 =	simm.s32 @!p0 $0x8400;
	[sflag:s26] =	ssyncadd.s32 @!p0 $0xFFFFFF80;
	s26 =	simm.s32 @!p0 $0x80  }
0x42: {  	[tilespmem:s11], [sflag:$0x6] =	stream.indirect.gather @!p0 [hbm4b:s4+s26], $0x80, s8, s26, $0xb8;
	v63 =	vld [tilespmem:$0x0]  }
0x43: {  	s8 =	simm.s32 @!p2 $0x4  }
0x44: {  	_ =	swait.ge @!p2 [sflag:s8], $0x4000  }
0x45: {  	[sflag:s8] =	ssyncset.done @!p2 $0x0  }
0x46: {  	[sflag:s8] =	ssyncadd.s32 @!p2 $0xFFFFC000;
	s8 =	simm.s32 @!p2 $0x200  }
0x47: {  	[spmem:s2] =	stream.indirect.scatter.add.f32 @!p2 [tilespmem:s28], [sflag:$0x7], $0x80, s8, s25, $0xb8;
	v63 =	vld [tilespmem:$0x0]  }
0x48: {  	s8 =	sadd.s32 @!p2 $0x3, s23  }
0x49: {  	s25 =	simm.s32 @!p2 $0x7;
	p3 =	sge.u32 @!p2 s8, s9  }
0x4a: {  	_ =	swait.ge @!p2 [sflag:s25], $0x4000;
	p3 =	por p3, p2  }
0x4b: {  	[sflag:s25] =	ssyncset.done @!p2 $0x0;
	s8 =	sshrl.u32 @!p3 s19, $0x3  }
0x4c: {  	[sflag:s25] =	ssyncadd.s32 @!p2 $0xFFFFC000;
	s28 =	simm.s32 @!p3 $0x0;
	s25 =	sadd.s32 @!p3 s5, s8  }
0x4d: {  	[tilespmem:s28], [sflag:$0x1] =	stream.linear.gather @!p3 [hbm4b:s25+s28], $0x80, $0x38;
	v63 =	vld [tilespmem:$0x0]  }
0x4e: {  	s8 =	sadd.s32 @!p3 s0, s8;
	s25 =	simm.s32 @!p3 $0x200  }
0x4f: {  	[tilespmem:s25], [sflag:$0x1] =	stream.linear.gather @!p3 [hbm4b:s8+s28], $0x80, $0x38;
	v63 =	vld [tilespmem:$0x0]  }
0x50: {  	s8 =	simm.s32 @!p1 $0x5  }
0x51: {  	_ =	swait.ge @!p1 [sflag:s8], $0x4000  }
0x52: {  	[sflag:s8] =	ssyncset.done @!p1 $0x0  }
0x53: {  	[sflag:s8] =	ssyncadd.s32 @!p1 $0xFFFFC000;
	s8 =	simm.s32 @!p1 $0x280  }
0x54: {  	[spmem:s2] =	stream.indirect.scatter.add.f32 @!p1 [tilespmem:s7], [sflag:$0x7], $0x80, s8, s24, $0xb8;
	v63 =	vld [tilespmem:$0x0]  }
0x55: {  	s7 =	simm.s32 @!p1 $0x7  }
0x56: {  	s8 =	sadd.s32 @!p1 $0x4, s23;
	_ =	swait.ge @!p1 [sflag:s7], $0x4000  }
0x57: {  	p2 =	sge.u32 @!p1 s8, s9;
	[sflag:s7] =	ssyncset.done @!p1 $0x0  }
0x58: {  	[sflag:s7] =	ssyncadd.s32 @!p1 $0xFFFFC000;
	p1 =	por p2, p1  }
0x59: {  	s7 =	sadd.s32 @!p1 s31, s21;
	s8 =	simm.s32 @!p1 $0x0;
	s24 =	simm.s32 @!p1 $0x80  }
0x5a: {  	[tilespmem:s24], [sflag:$0x2] =	stream.linear.gather @!p1 [hbm4b:s7+s8], $0x80, $0x38;
	v63 =	vld [tilespmem:$0x0]  }
0x5b: {  	s7 =	sadd.s32 @!p1 s6, s21;
	s24 =	simm.s32 @!p1 $0x280  }
0x5c: {  	[tilespmem:s24], [sflag:$0x2] =	stream.linear.gather @!p1 [hbm4b:s7+s8], $0x80, $0x38;
	v63 =	vld [tilespmem:$0x0]  }
0x5d: {  	s7 =	simm.s32 @!p0 $0x6  }
0x5e: {  	_ =	swait.ge @!p0 [sflag:s7], $0x4000  }
0x5f: {  	[sflag:s7] =	ssyncset.done @!p0 $0x0  }
0x60: {  	[sflag:s7] =	ssyncadd.s32 @!p0 $0xFFFFC000;
	s7 =	simm.s32 @!p0 $0x300  }
0x61: {  	[spmem:s2] =	stream.indirect.scatter.add.f32 @!p0 [tilespmem:s11], [sflag:$0x7], $0x80, s7, s26, $0xb8;
	v63 =	vld [tilespmem:$0x0]  }
0x62: {  	s7 =	simm.s32 @!p0 $0x7  }
0x63: {  	s8 =	sadd.s32 @!p0 $0x5, s23;
	_ =	swait.ge @!p0 [sflag:s7], $0x4000  }
0x64: {  	p1 =	sge.u32 @!p0 s8, s9;
	[sflag:s7] =	ssyncset.done @!p0 $0x0  }
0x65: {  	s23 =	sadd.s32 $0x3, s23;
	[sflag:s7] =	ssyncadd.s32 @!p0 $0xFFFFC000;
	p0 =	por p1, p0  }
0x66: {  	s7 =	sadd.s32 @!p0 s31, s20;
	s8 =	simm.s32 @!p0 $0x0;
	s11 =	simm.s32 @!p0 $0x100  }
0x67: {  	[tilespmem:s11], [sflag:$0x3] =	stream.linear.gather @!p0 [hbm4b:s7+s8], $0x80, $0x38;
	v63 =	vld [tilespmem:$0x0]  }
0x68: {  	s28 =	rddreg [dreg:$0x5];
	s7 =	sadd.s32 @!p0 s6, s20;
	s11 =	simm.s32 @!p0 $0x300  }
0x69: {  	[tilespmem:s11], [sflag:$0x3] =	stream.linear.gather @!p0 [hbm4b:s7+s8], $0x80, $0x38;
	v63 =	vld [tilespmem:$0x0]  }
0x6a: {  	p0 =	sne.s32 s28, s23  }
.Ltmp0:
0x6b: {  	_ = 	snop;
	(pc) =	sbr.rel @p0 .LBB2_2-.Ltmp0, $2  }
0x6c: {  	_ =	sdelay $0x2  }
0x6d: {  	s19 =	sadd.s32 $0x1800, s19;
	s31 =	sadd.s32 $0x300, s31;
	s6 =	sadd.s32 $0x300, s6  }
0x6e: {  	s29 =	sadd.s32 $0x1, s29  }
0x6f: {  	p0 =	sne.s32 s29, s18  }
.Ltmp1:
0x70: {  	[bflag:$0x0] =	sbarrier.arrive $0xFFFF;
	(pc) =	sbr.rel @p0 .LBB2_1-.Ltmp1, $4  }
0x71: {  	[hbm:s17], [sflag:s10] =	dma.local [spmem:s30], $0x2780  }
0x72: {  	_ =	swait.ge [sflag:s22], $0x2780  }
0x73: {  	[sflag:s22] =	ssyncset.done $0x0  }
0x74: {  	[sflag:s22] =	ssyncadd.s32 $0xFFFFD880  }
0x75: {  	_ =	sfence.sel $0x180000  }
0x76: {  	[bflag:$0x0] =	sbarrier.arrive $0xFFFF  }
0x77: {  	_ =	strace $0x9000004A  }
0x78: {  	s0 =	stileid.u32;
	[bflag:$0x2] =	sbarrier.arrive $0xFFFF  }
0x79: {  	p0 =	sne.s32 s0, $0x0;
	s0 =	rddreg [dreg:$0x2]  }
0x7a: {  	s0 =	sadd.s32 @!p0 $0x100000, s0  }
0x7b: {  	[sflag:s0] =	ssyncadd.tile.s32 @!p0 $0x1;
	_ =	shalt  }
.Lfunc_end2:
_tile_overlayer_lowered:
.L_overlay_start_2:
0x7c: {  	(tag) =	ssettag $0x2  }
0x7d: {  	s0 =	rddreg [dreg:$0x0];
	s2 =	stileid.u32  }
0x7e: {  	s1 =	rddreg [dreg:$0x1];
	p0 =	sne.s32 s2, $0x0  }
0x7f: {  	s3 =	rddreg [dreg:$0x2];
	[bflag:$0x3] =	sbarrier.arrive $0xFFFF;
	s2 =	simm.s32 @!p0 $0x1C07  }
0x80: {  	[timem:s3], [sflag:s2] =	dma.local @!p0 [hbm:s0], s1  }
0x81: {  	s0 =	simm.s32 @!p0 $0x7  }
0x82: {  	_ =	swait.ge @!p0 [sflag:s0], s1  }
0x83: {  	s1 =	ssub.s32 @!p0 $0x0, s1;
	[sflag:s0] =	ssyncset.done @!p0 $0x0  }
0x84: {  	[sflag:s0] =	ssyncadd.s32 @!p0 s1  }
0x85: {  	[bflag:$0x3] =	sbarrier.arrive $0xFFFF  }
0x86: {  	_ =	shalt  }

// kernel: kernel.16.cloned.1.call-start
scs
__scs_entry_jumppad:
0x0: {  	(pc) =	sbr.rel $0x88, $3  }
0x1: {  	(tag) =	ssettag $0x0;
	lr =	simm.s32 $0x1  }
0x2: {  	[smem:$0x3F8E] =	sst lr;
	_ =	strace $0xD0000000  }
0x3: {  	_ = 	snop  }
0x4: {  	_ = 	snop  }
0x5: {  	_ = 	snop  }
0x6: {  	_ = 	snop  }
0x7: {  	_ = 	snop  }
__scs_overlays_trampoline_lowered:
0x8: {  	[smem:$0x3F9D] =	sst s0  }
0x9: {  	[smem:$0x3F9E] =	sst s1  }
0xa: {  	[smem:$0x3F9F] =	sst s2  }
0xb: {  	[smem:$0x3FA0] =	sst s3  }
0xc: {  	[smem:$0x3FA1] =	sst s4  }
0xd: {  	[smem:$0x3FA2] =	sst s5  }
0xe: {  	[smem:$0x3FA3] =	sst s6  }
0xf: {  	[smem:$0x3FA4] =	sst s7  }
0x10: {  	[smem:$0x3FA5] =	sst s8  }
0x11: {  	[smem:$0x3FA6] =	sst s9;
	s0 =	simm.s32 @!p0 $0x0  }
0x12: {  	s1 =	sld [smem:$0x3F8C];
	s0 =	simm.s32 @p0 $0x1  }
0x13: {  	[smem:$0x3FA7] =	sst s0;
	s0 =	simm.s32 @!p1 $0x0  }
0x14: {  	s2 =	sld [smem:$0x3F8B];
	s0 =	simm.s32 @p1 $0x1  }
0x15: {  	[smem:$0x3FA8] =	sst s0;
	s0 =	simm.s32 @!p2 $0x0  }
0x16: {  	s3 =	sld [smem:$0x3FDB];
	s0 =	simm.s32 @p2 $0x1  }
0x17: {  	s4 =	simm.s32 $0x1BF5;
	[smem:$0x3FAA] =	sst s0  }
0x18: {  	s0 =	sld [smem:$0x3F8D];
	_ =	swait.ge [sflag:s4], $0x0  }
0x19: {  	s7 =	sld [smem:$0x3F8E]  }
0x1a: {  	s8 =	sadd.s32 $0xFFFFE003, lr  }
0x1b: {  	s9 =	sadd.s32 $0xFFFFFEF7, lr;
	s5 =	simm.s32 $0xFFFFFFFF;
	p2 =	slt.u32 s8, $0xFFFFF086  }
0x1c: {  	p1 =	slt.u32 s9, $0xF7A;
	s5 =	simm.s32 @!p2 $0x0  }
0x1d: {  	s5 =	simm.s32 @p1 $0x1;
	p0 =	seq.s32 s7, s2  }
0x1e: {  	s7 =	smul.u32 @!p0 $0xF7A, s2;
	p2 =	seq.s32 @!p0 s5, $0x0  }
0x1f: {  	s9 =	smul.u32 $0xF7A, s1;
	s8 =	simm.s32 @!p0 $0x1BF5;
	p2 =	por !p2, p0  }
0x20: {  	[sflag:s8] =	ssyncset.s32 @!p0 $0xFFFFF086;
	s6 =	sadd.s32 @!p0 s3, s7;
	s7 =	simm.s32 @!p0 $0x108  }
0x21: {  	s3 =	sadd.s32 s3, s9;
	s6 =	sadd.s32 @!p0 $0x88, s6;
	s7 =	simm.s32 @p2 $0x1082  }
0x22: {  	[simem:s7], [sflag:s8] =	dma.local @!p0 [hbm:s6], $0xF7A  }
0x23: {  	s9 =	sor.u32 $0xD0000000, s2;
	s6 =	simm.s32 $0x108;
	_ =	swait.ge @!p0 [sflag:s8], $0x0  }
0x24: {  	s3 =	sadd.s32 $0x88, s3;
	s6 =	simm.s32 @!p1 $0x1082;
	[sflag:s4] =	ssyncset.s32 $0xFFFFF086  }
0x25: {  	[simem:s6], [sflag:s4] =	dma.local [hbm:s3], $0xF7A  }
0x26: {  	[smem:$0x3F8E] =	sst s1;
	(tag) =	ssettag s2;
	_ =	strace s9  }
0x27: {  	s1 =	sld [smem:$0x3F9E]  }
0x28: {  	s2 =	sld [smem:$0x3F9F]  }
0x29: {  	s4 =	sld [smem:$0x3FA1]  }
0x2a: {  	p0 =	seq.s32 s5, $0x0;
	s5 =	sld [smem:$0x3FA2]  }
0x2b: {  	s6 =	sld [smem:$0x3FA3]  }
0x2c: {  	s7 =	sld [smem:$0x3FA4]  }
0x2d: {  	s3 =	simm.s32 $0x108;
	s8 =	sld [smem:$0x3FA5]  }
0x2e: {  	s3 =	simm.s32 @!p0 $0x1082;
	s9 =	sld [smem:$0x3FA6]  }
0x2f: {  	lr =	sadd.s32 s0, s3;
	s0 =	sld [smem:$0x3F9D]  }
0x30: {  	s3 =	sld [smem:$0x3FA0]  }
0x31: {  	[smem:$0x3FA9] =	sst s10  }
0x32: {  	s10 =	sld [smem:$0x3FA7];
	_ =	sdelay $0x3  }
0x33: {  	p0 =	seq.s32 s10, $0x1;
	s10 =	sld [smem:$0x3FA9];
	_ =	sdelay $0x3  }
0x34: {  	[smem:$0x3FA9] =	sst s10  }
0x35: {  	s10 =	sld [smem:$0x3FA8];
	_ =	sdelay $0x3  }
0x36: {  	p1 =	seq.s32 s10, $0x1;
	s10 =	sld [smem:$0x3FA9];
	_ =	sdelay $0x3  }
0x37: {  	[smem:$0x3FA9] =	sst s10  }
0x38: {  	s10 =	sld [smem:$0x3FAA]  }
0x39: {  	_ = 	snop;
	(pc) =	sbr.ind lr, $3  }
0x3a: {  	_ = 	snop  }
0x3b: {  	_ = 	snop  }
0x3c: {  	p2 =	seq.s32 s10, $0x1;
	s10 =	sld [smem:$0x3FA9]  }
0x3d: {  	_ =	shalt  }
0x3e: {  	_ =	shalt  }
0x3f: {  	_ =	shalt  }
0x40: {  	_ =	shalt  }
0x41: {  	_ =	shalt  }
0x42: {  	_ =	shalt  }
0x43: {  	_ =	shalt  }
0x44: {  	_ =	shalt  }
0x45: {  	_ =	shalt  }
0x46: {  	_ =	shalt  }
0x47: {  	_ =	shalt  }
0x48: {  	_ =	shalt  }
0x49: {  	_ =	shalt  }
0x4a: {  	_ =	shalt  }
0x4b: {  	_ =	shalt  }
0x4c: {  	_ =	shalt  }
0x4d: {  	_ =	shalt  }
0x4e: {  	_ =	shalt  }
0x4f: {  	_ =	shalt  }
0x50: {  	_ =	shalt  }
0x51: {  	_ =	shalt  }
0x52: {  	_ =	shalt  }
0x53: {  	_ =	shalt  }
0x54: {  	_ =	shalt  }
0x55: {  	_ =	shalt  }
0x56: {  	_ =	shalt  }
0x57: {  	_ =	shalt  }
0x58: {  	_ =	shalt  }
0x59: {  	_ =	shalt  }
0x5a: {  	_ =	shalt  }
0x5b: {  	_ =	shalt  }
0x5c: {  	_ =	shalt  }
0x5d: {  	_ =	shalt  }
0x5e: {  	_ =	shalt  }
0x5f: {  	_ =	shalt  }
0x60: {  	_ =	shalt  }
0x61: {  	_ =	shalt  }
0x62: {  	_ =	shalt  }
0x63: {  	_ =	shalt  }
0x64: {  	_ =	shalt  }
0x65: {  	_ =	shalt  }
0x66: {  	_ =	shalt  }
0x67: {  	_ =	shalt  }
0x68: {  	_ =	shalt  }
0x69: {  	_ =	shalt  }
0x6a: {  	_ =	shalt  }
0x6b: {  	_ =	shalt  }
0x6c: {  	_ =	shalt  }
0x6d: {  	_ =	shalt  }
0x6e: {  	_ =	shalt  }
0x6f: {  	_ =	shalt  }
0x70: {  	_ =	shalt  }
0x71: {  	_ =	shalt  }
0x72: {  	_ =	shalt  }
0x73: {  	_ =	shalt  }
0x74: {  	_ =	shalt  }
0x75: {  	_ =	shalt  }
0x76: {  	_ =	shalt  }
0x77: {  	_ =	shalt  }
0x78: {  	_ =	shalt  }
0x79: {  	_ =	shalt  }
0x7a: {  	_ =	shalt  }
0x7b: {  	_ =	shalt  }
0x7c: {  	_ =	shalt  }
0x7d: {  	_ =	shalt  }
0x7e: {  	_ =	shalt  }
0x7f: {  	_ =	shalt  }
0x80: {  	_ =	shalt  }
0x81: {  	_ =	shalt  }
0x82: {  	_ =	shalt  }
0x83: {  	_ =	shalt  }
0x84: {  	_ =	shalt  }
0x85: {  	_ =	shalt  }
0x86: {  	_ =	shalt  }
0x87: {  	_ =	shalt  }
.Lfunc_end0:
.L_simem_size_0:
called_computation.2_lowered:
.L_overlay_start_0:
0x88: {  	s2 =	sld [smem:$0x3FD9]  }
0x89: {  	s3 =	sld [smem:$0x3FFE];
	_ =	sdelay $0x1  }
0x8a: {  	s1 =	srdreg.scid  }
0x8b: {  	s0 =	sand.u32 $0x1, s1  }
0x8c: {  	s16 =	sshll.u32 s0, $0xA;
	s2 =	sadd.s32 s3, s2  }
0x8d: {  	s2 =	sadd.s32 s2, s16  }
0x8e: {  	[smem:$0x3FB5] =	sst s2  }
0x8f: {  	_ = 	snop  }
0x90: {  	(tm) =	ssettm $0x1  }
0x91: {  	s17 =	sld [smem:$0x3FFB];
	_ =	sdelay $0x3  }
0x92: {  	_ =	strace s17  }
0x93: {  	s2 =	sld [smem:$0x3FFC];
	_ =	sdelay $0x3  }
0x94: {  	_ =	strace s2  }
0x95: {  	s2 =	sld [smem:$0x3FFD];
	_ =	sdelay $0x3  }
0x96: {  	_ =	strace s2  }
0x97: {  	_ =	strace $0x8FFFFFFF  }
0x98: {  	s18 =	sld [smem:$0x3FDB];
	_ =	sdelay $0x1  }
0x99: {  	s19 =	simm.s32 $_scs_section_size  }
0x9a: {  	s4 =	simm.s32 $_size__tile_overlayer_lowered;
	s5 =	simm.s32 $_tile_overlayer_lowered  }
0x9b: {  	s22 =	simm.s32 $0x1BFF;
	s21 =	sshll.u32 s5, $0x1;
	s2 =	sadd.s32 s19, s18  }
0x9c: {  	s6 =	simm.s32 $0x0;
	s20 =	sshll.u32 s4, $0x1;
	s4 =	sadd.s32 s21, s2  }
0x9d: {  	[timem:s6], [sflag:s22] =	dma.local [hbm:s4], s20  }
0x9e: {  	_ =	swait.ge [sflag:s22], s20  }
0x9f: {  	s3 =	ssub.s32 $0x0, s20;
	[sflag:s22] =	ssyncset.done $0x0  }
0xa0: {  	[sflag:s22] =	ssyncadd.s32 s3;
	_ =	sdelay $0x1  }
0xa1: {  	s23 =	simm.s32 $0x1B8B  }
0xa2: {  	_ =	swait.ge [sflag:s23], $0x1  }
0xa3: {  	[sflag:s23] =	ssyncset.done $0x0  }
0xa4: {  	s25 =	simm.s32 $0x1B8E;
	s24 =	sld [smem:$0x3FFE];
	[sflag:s23] =	ssyncadd.s32 $0xFFFFFFFF  }
0xa5: {  	s26 =	simm.s32 $execute0_lowered;
	[smem:$0x3FD2] =	sst s25  }
0xa6: {  	s4 =	sshll.u32 s26, $0x1;
	_ =	strace $0x8000004C;
	[dreg:$0x1] =	wrdreg $0xFFFFFFFF  }
0xa7: {  	s28 =	simm.s32 $_size_execute0_lowered;
	s2 =	sadd.s32 s2, s4;
	[dreg:$0x0] =	wrdreg $0x0  }
0xa8: {  	s4 =	sshll.u32 s28, $0x1;
	[dreg:$0x2] =	wrdreg s2  }
0xa9: {  	[dreg:$0x3] =	wrdreg s4  }
0xaa: {  	[dreg:$0x4] =	wrdreg $0xC0  }
0xab: {  	_ =	task [dreg:s6], $0x5FFFF  }
0xac: {  	[dreg:$0x1] =	wrdreg $0xFFFFFFFF  }
0xad: {  	[dreg:$0x0] =	wrdreg $0x60  }
0xae: {  	[dreg:$0x2] =	wrdreg s24  }
0xaf: {  	[dreg:$0x3] =	wrdreg $0xC4000  }
0xb0: {  	[dreg:$0x4] =	wrdreg $0x9  }
0xb1: {  	_ =	task.clear_ibuf [dreg:s6], $0x5FFFF;
	_ =	strace $0x9000004C  }
0xb2: {  	s29 =	simm.s32 $0x9;
	_ =	strace $0x8000004E  }
0xb3: {  	_ =	swait.ge [sflag:s29], $0x1  }
0xb4: {  	[sflag:s29] =	ssyncadd.s32 $0xFFFFFFFF  }
0xb5: {  	_ =	strace $0x9000004E  }
0xb6: {  	_ =	sfence  }
0xb7: {  	s30 =	sld [smem:$0x0];
	_ =	sdelay $0x2  }
0xb8: {  	s31 =	sshll.u32 s1, $0xD;
	s1 =	sshrl.u32 s1, $0x2  }
0xb9: {  	s3 =	sand.u32 $0x4000, s31;
	s1 =	sadd.s32 s1, s30  }
0xba: {  	s0 =	sor.u32 s3, s0;
	s1 =	sshll.u32 s1, $0x11  }
0xbb: {  	s0 =	sor.u32 s1, s0  }
0xbc: {  	s0 =	sadd.s32 $0x8F2B, s0  }
0xbd: {  	[sflag:s0] =	ssyncadd.remote.s32 $0x1  }
0xbe: {  	_ =	sfence.sel $0xFFFF  }
0xbf: {  	[dreg:$0x0] =	wrdreg $0xFFFFFFFF;
	(pc) =	sbr.abs _section_cstart, $3  }
0xc0: {  	[dreg:$0x1] =	wrdreg $0xFFFFFFFF  }
0xc1: {  	_ =	task.clear_ibuf [dreg:s6], $0x2FFFF;
	_ =	strace $0x9FFFFFFF  }
0xc2: {  	(tm) =	ssettm $0x7FFFFFFF  }
0xc3: {  	_ =	shalt  }
tec
execute0_lowered:
.L_overlay_start_1:
0x0: {  	(tag) =	ssettag $0x1  }
0x1: {  	s1 =	rddreg [dreg:$0x0]  }
0x2: {  	s2 =	rddreg [dreg:$0x1]  }
0x3: {  	s21 =	stileid.u32;
	s0 =	srdreg.scid  }
0x4: {  	s3 =	simm.s32 $0x0;
	s29 =	simm.s32 $0x0;
	s6 =	smul.u32 $0x13C00, s21  }
0x5: {  	s17 =	sand.u32 $0x1, s0;
	[smem:$0x7FF] =	sst s3;
	s4 =	sadd.s32 $0x40E00, s1  }
0x6: {  	s5 =	sadd.s32 $0x6000, s1;
	s0 =	sadd.s32 $0xFE00, s1;
	s9 =	smul.u32 $0x4F000, s21  }
0x7: {  	s23 =	ssub.s32 $0x4F1, s21;
	s11 =	sshll.u32 s21, $0x6;
	s28 =	sshll.u32 s21, $0x7  }
0x8: {  	s7 =	smul.u32 $0x13C000, s17;
	_ =	strace $0x8000004D;
	s18 =	ssub.s32 $0x2, s17  }
0x9: {  	s10 =	smul.u32 $0x4E2, s17;
	s8 =	sshrl.u32 s6, $0x3;
	s19 =	sshrl.u32 s18, $0x1  }
0xa: {  	s20 =	sshrl.u32 s9, $0x2;
	s9 =	sshrl.u32 s23, $0x4;
	s6 =	sadd.s32 s6, s7  }
0xb: {  	s8 =	sadd.s32 s8, s1;
	s7 =	sadd.s32 s20, s2;
	s12 =	sadd.s32 s21, s10  }
0xc: {  	s10 =	sor.u32 $0x1C07, s11;
	s15 =	smul.u32 $0x56, s9;
	s25 =	sadd.s32 $0xFFFFFFFF, s9  }
0xd: {  	s26 =	sadd.s32 $0xFFFFFFFE, s9;
	s20 =	smul.u32 $0x27100, s17;
	[dreg:$0x6] =	wrdreg s7  }
0xe: {  	s6 =	sshrl.u32 s6, $0x3;
	s22 =	sadd.s32 $0x68000, s8;
	[dreg:$0x3] =	wrdreg s25  }
0xf: {  	s14 =	sshll.u32 s12, $0x4;
	[dreg:$0x4] =	wrdreg s26;
	s1 =	sadd.s32 s6, s1  }
0x10: {  	s6 =	ssub.s32 s18, s19;
	[dreg:$0x7] =	wrdreg s22;
	s24 =	sadd.s32 s5, s14  }
0x11: {  	s12 =	sadd.s32 s0, s14;
	s16 =	sadd.s32 $0x100, s14;
	s18 =	sadd.s32 $0x200, s14  }
0x12: {  	s19 =	sadd.s32 $0xAC, s15;
	s30 =	sadd.s32 s28, s20;
	s22 =	simm.s32 $0x7  }
0x13: {  	[dreg:$0x8] =	wrdreg s24;
	s13 =	sadd.s32 s5, s16;
	s14 =	sadd.s32 s0, s16  }
0x14: {  	s15 =	sadd.s32 s5, s18;
	s19 =	sshrl.u32 s19, $0x8;
	s16 =	sadd.s32 s0, s18  }
0x15: {  	s17 =	sadd.s32 $0x8F800, s1;
	s18 =	smax.u32 s6, $0x1;
	s19 =	smul.u32 $0x3, s19  }
0x16: {  	s1 =	sadd.s32 $0x1800, s30;
	s31 =	sadd.s32 $0x2800, s30;
	s6 =	sadd.s32 $0x2000, s30  }
0x17: {  	s20 =	sshrl.u32 s31, $0x3;
	s21 =	sshrl.u32 s6, $0x3;
	[dreg:$0x5] =	wrdreg s19  }
.LBB2_1:
0x18: {  	s6 =	rddreg [dreg:$0x6]  }
0x19: {  	s11 =	rddreg [dreg:$0x7];
	s30 =	sshrl.u32 s6, $0x3  }
0x1a: {  	[spmem:s30], [sflag:s10] =	dma.local [hbm:s11], $0x2780  }
0x1b: {  	_ =	swait.ge [sflag:s22], $0x2780  }
0x1c: {  	[sflag:s22] =	ssyncset.done $0x0  }
0x1d: {  	s19 =	rddreg [dreg:$0x8];
	[sflag:s22] =	ssyncadd.s32 $0xFFFFD880  }
0x1e: {  	[tilespmem:s3], [sflag:$0x1] =	stream.linear.gather [hbm4b:s19+s3], $0x80, $0x38;
	v63 =	vld [tilespmem:$0x0]  }
0x1f: {  	s23 =	simm.s32 $0x200  }
0x20: {  	[tilespmem:s23], [sflag:$0x1] =	stream.linear.gather [hbm4b:s12+s3], $0x80, $0x38;
	v63 =	vld [tilespmem:$0x0]  }
0x21: {  	s24 =	simm.s32 $0x80  }
0x22: {  	[tilespmem:s24], [sflag:$0x2] =	stream.linear.gather [hbm4b:s13+s3], $0x80, $0x38;
	v63 =	vld [tilespmem:$0x0]  }
0x23: {  	s25 =	simm.s32 $0x280  }
0x24: {  	[tilespmem:s25], [sflag:$0x2] =	stream.linear.gather [hbm4b:s14+s3], $0x80, $0x38;
	v63 =	vld [tilespmem:$0x0]  }
0x25: {  	s26 =	simm.s32 $0x100  }
0x26: {  	[tilespmem:s26], [sflag:$0x3] =	stream.linear.gather [hbm4b:s15+s3], $0x80, $0x38;
	v63 =	vld [tilespmem:$0x0]  }
0x27: {  	s28 =	simm.s32 $0x300;
	s31 =	smov.u32 s5;
	s6 =	smov.u32 s0  }
0x28: {  	[tilespmem:s28], [sflag:$0x3] =	stream.linear.gather [hbm4b:s16+s3], $0x80, $0x38;
	v63 =	vld [tilespmem:$0x0]  }
0x29: {  	s19 =	smov.u32 s1;
	s23 =	simm.s32 $0x0;
	[bflag:$0x0] =	sbarrier.arrive $0xFFFF  }
.LBB2_2:
0x2a: {  	p2 =	sge.u32 s23, s9  }
0x2b: {  	s24 =	simm.s32 @!p2 $0x1  }
0x2c: {  	_ =	swait.ge @!p2 [sflag:s24], $0x80  }
0x2d: {  	[sflag:s24] =	ssyncset.done @!p2 $0x0  }
0x2e: {  	[sflag:s24] =	ssyncadd.s32 @!p2 $0xFFFFFF80  }
0x2f: {  	s25 =	simm.s32 @!p2 $0x80;
	_ =	swait.ge @!p2 [sflag:s24], $0x80  }
0x30: {  	s26 =	simm.s32 @!p2 $0x0;
	[sflag:s24] =	ssyncset.done @!p2 $0x0;
	s8 =	rddreg [dreg:$0x3]  }
0x31: {  	s28 =	simm.s32 @!p2 $0x400;
	[sflag:s24] =	ssyncadd.s32 @!p2 $0xFFFFFF80;
	p1 =	sge.u32 s23, s8  }
0x32: {  	[tilespmem:s28], [sflag:$0x4] =	stream.indirect.gather @!p2 [hbm4b:s4+s25], $0x80, s26, s25, $0xb8;
	v63 =	vld [tilespmem:$0x0]  }
0x33: {  	s24 =	simm.s32 @!p1 $0x2  }
0x34: {  	_ =	swait.ge @!p1 [sflag:s24], $0x80  }
0x35: {  	[sflag:s24] =	ssyncset.done @!p1 $0x0  }
0x36: {  	[sflag:s24] =	ssyncadd.s32 @!p1 $0xFFFFFF80  }
0x37: {  	_ =	swait.ge @!p1 [sflag:s24], $0x80  }
0x38: {  	s7 =	simm.s32 @!p1 $0x4400;
	[sflag:s24] =	ssyncset.done @!p1 $0x0;
	s11 =	rddreg [dreg:$0x4]  }
0x39: {  	[sflag:s24] =	ssyncadd.s32 @!p1 $0xFFFFFF80;
	s24 =	simm.s32 @!p1 $0x80;
	p0 =	sge.u32 s23, s11  }
0x3a: {  	[tilespmem:s7], [sflag:$0x5] =	stream.indirect.gather @!p1 [hbm4b:s4+s24], $0x80, s24, s24, $0xb8;
	v63 =	vld [tilespmem:$0x0]  }
0x3b: {  	s26 =	simm.s32 @!p0 $0x3  }
0x3c: {  	_ =	swait.ge @!p0 [sflag:s26], $0x80  }
0x3d: {  	[sflag:s26] =	ssyncset.done @!p0 $0x0  }
0x3e: {  	[sflag:s26] =	ssyncadd.s32 @!p0 $0xFFFFFF80  }
0x3f: {  	_ =	swait.ge @!p0 [sflag:s26], $0x80  }
0x40: {  	s8 =	simm.s32 @!p0 $0x100;
	[sflag:s26] =	ssyncset.done @!p0 $0x0  }
0x41: {  	s11 =	simm.s32 @!p0 $0x8400;
	[sflag:s26] =	ssyncadd.s32 @!p0 $0xFFFFFF80;
	s26 =	simm.s32 @!p0 $0x80  }
0x42: {  	[tilespmem:s11], [sflag:$0x6] =	stream.indirect.gather @!p0 [hbm4b:s4+s26], $0x80, s8, s26, $0xb8;
	v63 =	vld [tilespmem:$0x0]  }
0x43: {  	s8 =	simm.s32 @!p2 $0x4  }
0x44: {  	_ =	swait.ge @!p2 [sflag:s8], $0x4000  }
0x45: {  	[sflag:s8] =	ssyncset.done @!p2 $0x0  }
0x46: {  	[sflag:s8] =	ssyncadd.s32 @!p2 $0xFFFFC000;
	s8 =	simm.s32 @!p2 $0x200  }
0x47: {  	[spmem:s2] =	stream.indirect.scatter.add.f32 @!p2 [tilespmem:s28], [sflag:$0x7], $0x80, s8, s25, $0xb8;
	v63 =	vld [tilespmem:$0x0]  }
0x48: {  	s8 =	sadd.s32 @!p2 $0x3, s23  }
0x49: {  	s25 =	simm.s32 @!p2 $0x7;
	p3 =	sge.u32 @!p2 s8, s9  }
0x4a: {  	_ =	swait.ge @!p2 [sflag:s25], $0x4000;
	p3 =	por p3, p2  }
0x4b: {  	[sflag:s25] =	ssyncset.done @!p2 $0x0;
	s8 =	sshrl.u32 @!p3 s19, $0x3  }
0x4c: {  	[sflag:s25] =	ssyncadd.s32 @!p2 $0xFFFFC000;
	s28 =	simm.s32 @!p3 $0x0;
	s25 =	sadd.s32 @!p3 s5, s8  }
0x4d: {  	[tilespmem:s28], [sflag:$0x1] =	stream.linear.gather @!p3 [hbm4b:s25+s28], $0x80, $0x38;
	v63 =	vld [tilespmem:$0x0]  }
0x4e: {  	s8 =	sadd.s32 @!p3 s0, s8;
	s25 =	simm.s32 @!p3 $0x200  }
0x4f: {  	[tilespmem:s25], [sflag:$0x1] =	stream.linear.gather @!p3 [hbm4b:s8+s28], $0x80, $0x38;
	v63 =	vld [tilespmem:$0x0]  }
0x50: {  	s8 =	simm.s32 @!p1 $0x5  }
0x51: {  	_ =	swait.ge @!p1 [sflag:s8], $0x4000  }
0x52: {  	[sflag:s8] =	ssyncset.done @!p1 $0x0  }
0x53: {  	[sflag:s8] =	ssyncadd.s32 @!p1 $0xFFFFC000;
	s8 =	simm.s32 @!p1 $0x280  }
0x54: {  	[spmem:s2] =	stream.indirect.scatter.add.f32 @!p1 [tilespmem:s7], [sflag:$0x7], $0x80, s8, s24, $0xb8;
	v63 =	vld [tilespmem:$0x0]  }
0x55: {  	s7 =	simm.s32 @!p1 $0x7  }
0x56: {  	s8 =	sadd.s32 @!p1 $0x4, s23;
	_ =	swait.ge @!p1 [sflag:s7], $0x4000  }
0x57: {  	p2 =	sge.u32 @!p1 s8, s9;
	[sflag:s7] =	ssyncset.done @!p1 $0x0  }
0x58: {  	[sflag:s7] =	ssyncadd.s32 @!p1 $0xFFFFC000;
	p1 =	por p2, p1  }
0x59: {  	s7 =	sadd.s32 @!p1 s31, s21;
	s8 =	simm.s32 @!p1 $0x0;
	s24 =	simm.s32 @!p1 $0x80  }
0x5a: {  	[tilespmem:s24], [sflag:$0x2] =	stream.linear.gather @!p1 [hbm4b:s7+s8], $0x80, $0x38;
	v63 =	vld [tilespmem:$0x0]  }
0x5b: {  	s7 =	sadd.s32 @!p1 s6, s21;
	s24 =	simm.s32 @!p1 $0x280  }
0x5c: {  	[tilespmem:s24], [sflag:$0x2] =	stream.linear.gather @!p1 [hbm4b:s7+s8], $0x80, $0x38;
	v63 =	vld [tilespmem:$0x0]  }
0x5d: {  	s7 =	simm.s32 @!p0 $0x6  }
0x5e: {  	_ =	swait.ge @!p0 [sflag:s7], $0x4000  }
0x5f: {  	[sflag:s7] =	ssyncset.done @!p0 $0x0  }
0x60: {  	[sflag:s7] =	ssyncadd.s32 @!p0 $0xFFFFC000;
	s7 =	simm.s32 @!p0 $0x300  }
0x61: {  	[spmem:s2] =	stream.indirect.scatter.add.f32 @!p0 [tilespmem:s11], [sflag:$0x7], $0x80, s7, s26, $0xb8;
	v63 =	vld [tilespmem:$0x0]  }
0x62: {  	s7 =	simm.s32 @!p0 $0x7  }
0x63: {  	s8 =	sadd.s32 @!p0 $0x5, s23;
	_ =	swait.ge @!p0 [sflag:s7], $0x4000  }
0x64: {  	p1 =	sge.u32 @!p0 s8, s9;
	[sflag:s7] =	ssyncset.done @!p0 $0x0  }
0x65: {  	s23 =	sadd.s32 $0x3, s23;
	[sflag:s7] =	ssyncadd.s32 @!p0 $0xFFFFC000;
	p0 =	por p1, p0  }
0x66: {  	s7 =	sadd.s32 @!p0 s31, s20;
	s8 =	simm.s32 @!p0 $0x0;
	s11 =	simm.s32 @!p0 $0x100  }
0x67: {  	[tilespmem:s11], [sflag:$0x3] =	stream.linear.gather @!p0 [hbm4b:s7+s8], $0x80, $0x38;
	v63 =	vld [tilespmem:$0x0]  }
0x68: {  	s28 =	rddreg [dreg:$0x5];
	s7 =	sadd.s32 @!p0 s6, s20;
	s11 =	simm.s32 @!p0 $0x300  }
0x69: {  	[tilespmem:s11], [sflag:$0x3] =	stream.linear.gather @!p0 [hbm4b:s7+s8], $0x80, $0x38;
	v63 =	vld [tilespmem:$0x0]  }
0x6a: {  	p0 =	sne.s32 s28, s23  }
.Ltmp0:
0x6b: {  	_ = 	snop;
	(pc) =	sbr.rel @p0 .LBB2_2-.Ltmp0, $2  }
0x6c: {  	_ =	sdelay $0x2  }
0x6d: {  	s19 =	sadd.s32 $0x1800, s19;
	s31 =	sadd.s32 $0x300, s31;
	s6 =	sadd.s32 $0x300, s6  }
0x6e: {  	s29 =	sadd.s32 $0x1, s29  }
0x6f: {  	p0 =	sne.s32 s29, s18  }
.Ltmp1:
0x70: {  	[bflag:$0x0] =	sbarrier.arrive $0xFFFF;
	(pc) =	sbr.rel @p0 .LBB2_1-.Ltmp1, $4  }
0x71: {  	[hbm:s17], [sflag:s10] =	dma.local [spmem:s30], $0x2780  }
0x72: {  	_ =	swait.ge [sflag:s22], $0x2780  }
0x73: {  	[sflag:s22] =	ssyncset.done $0x0  }
0x74: {  	[sflag:s22] =	ssyncadd.s32 $0xFFFFD880  }
0x75: {  	_ =	sfence.sel $0x180000  }
0x76: {  	[bflag:$0x0] =	sbarrier.arrive $0xFFFF  }
0x77: {  	_ =	strace $0x9000004D  }
0x78: {  	s0 =	stileid.u32;
	[bflag:$0x2] =	sbarrier.arrive $0xFFFF  }
0x79: {  	p0 =	sne.s32 s0, $0x0;
	s0 =	rddreg [dreg:$0x2]  }
0x7a: {  	s0 =	sadd.s32 @!p0 $0x100000, s0  }
0x7b: {  	[sflag:s0] =	ssyncadd.tile.s32 @!p0 $0x1;
	_ =	shalt  }
.Lfunc_end2:
_tile_overlayer_lowered:
.L_overlay_start_2:
0x7c: {  	(tag) =	ssettag $0x2  }
0x7d: {  	s0 =	rddreg [dreg:$0x0];
	s2 =	stileid.u32  }
0x7e: {  	s1 =	rddreg [dreg:$0x1];
	p0 =	sne.s32 s2, $0x0  }
0x7f: {  	s3 =	rddreg [dreg:$0x2];
	[bflag:$0x3] =	sbarrier.arrive $0xFFFF;
	s2 =	simm.s32 @!p0 $0x1C07  }
0x80: {  	[timem:s3], [sflag:s2] =	dma.local @!p0 [hbm:s0], s1  }
0x81: {  	s0 =	simm.s32 @!p0 $0x7  }
0x82: {  	_ =	swait.ge @!p0 [sflag:s0], s1  }
0x83: {  	s1 =	ssub.s32 @!p0 $0x0, s1;
	[sflag:s0] =	ssyncset.done @!p0 $0x0  }
0x84: {  	[sflag:s0] =	ssyncadd.s32 @!p0 s1  }
0x85: {  	[bflag:$0x3] =	sbarrier.arrive $0xFFFF  }
0x86: {  	_ =	shalt  }

// kernel: kernel.19.cloned.1.call-start
scs
__scs_entry_jumppad:
0x0: {  	(pc) =	sbr.rel $0x88, $3  }
0x1: {  	(tag) =	ssettag $0x0;
	lr =	simm.s32 $0x1  }
0x2: {  	[smem:$0x3F8E] =	sst lr;
	_ =	strace $0xD0000000  }
0x3: {  	_ = 	snop  }
0x4: {  	_ = 	snop  }
0x5: {  	_ = 	snop  }
0x6: {  	_ = 	snop  }
0x7: {  	_ = 	snop  }
__scs_overlays_trampoline_lowered:
0x8: {  	[smem:$0x3F9D] =	sst s0  }
0x9: {  	[smem:$0x3F9E] =	sst s1  }
0xa: {  	[smem:$0x3F9F] =	sst s2  }
0xb: {  	[smem:$0x3FA0] =	sst s3  }
0xc: {  	[smem:$0x3FA1] =	sst s4  }
0xd: {  	[smem:$0x3FA2] =	sst s5  }
0xe: {  	[smem:$0x3FA3] =	sst s6  }
0xf: {  	[smem:$0x3FA4] =	sst s7  }
0x10: {  	[smem:$0x3FA5] =	sst s8  }
0x11: {  	[smem:$0x3FA6] =	sst s9;
	s0 =	simm.s32 @!p0 $0x0  }
0x12: {  	s1 =	sld [smem:$0x3F8C];
	s0 =	simm.s32 @p0 $0x1  }
0x13: {  	[smem:$0x3FA7] =	sst s0;
	s0 =	simm.s32 @!p1 $0x0  }
0x14: {  	s2 =	sld [smem:$0x3F8B];
	s0 =	simm.s32 @p1 $0x1  }
0x15: {  	[smem:$0x3FA8] =	sst s0;
	s0 =	simm.s32 @!p2 $0x0  }
0x16: {  	s3 =	sld [smem:$0x3FDB];
	s0 =	simm.s32 @p2 $0x1  }
0x17: {  	s4 =	simm.s32 $0x1BF5;
	[smem:$0x3FAA] =	sst s0  }
0x18: {  	s0 =	sld [smem:$0x3F8D];
	_ =	swait.ge [sflag:s4], $0x0  }
0x19: {  	s7 =	sld [smem:$0x3F8E]  }
0x1a: {  	s8 =	sadd.s32 $0xFFFFE003, lr  }
0x1b: {  	s9 =	sadd.s32 $0xFFFFFEF7, lr;
	s5 =	simm.s32 $0xFFFFFFFF;
	p2 =	slt.u32 s8, $0xFFFFF086  }
0x1c: {  	p1 =	slt.u32 s9, $0xF7A;
	s5 =	simm.s32 @!p2 $0x0  }
0x1d: {  	s5 =	simm.s32 @p1 $0x1;
	p0 =	seq.s32 s7, s2  }
0x1e: {  	s7 =	smul.u32 @!p0 $0xF7A, s2;
	p2 =	seq.s32 @!p0 s5, $0x0  }
0x1f: {  	s9 =	smul.u32 $0xF7A, s1;
	s8 =	simm.s32 @!p0 $0x1BF5;
	p2 =	por !p2, p0  }
0x20: {  	[sflag:s8] =	ssyncset.s32 @!p0 $0xFFFFF086;
	s6 =	sadd.s32 @!p0 s3, s7;
	s7 =	simm.s32 @!p0 $0x108  }
0x21: {  	s3 =	sadd.s32 s3, s9;
	s6 =	sadd.s32 @!p0 $0x88, s6;
	s7 =	simm.s32 @p2 $0x1082  }
0x22: {  	[simem:s7], [sflag:s8] =	dma.local @!p0 [hbm:s6], $0xF7A  }
0x23: {  	s9 =	sor.u32 $0xD0000000, s2;
	s6 =	simm.s32 $0x108;
	_ =	swait.ge @!p0 [sflag:s8], $0x0  }
0x24: {  	s3 =	sadd.s32 $0x88, s3;
	s6 =	simm.s32 @!p1 $0x1082;
	[sflag:s4] =	ssyncset.s32 $0xFFFFF086  }
0x25: {  	[simem:s6], [sflag:s4] =	dma.local [hbm:s3], $0xF7A  }
0x26: {  	[smem:$0x3F8E] =	sst s1;
	(tag) =	ssettag s2;
	_ =	strace s9  }
0x27: {  	s1 =	sld [smem:$0x3F9E]  }
0x28: {  	s2 =	sld [smem:$0x3F9F]  }
0x29: {  	s4 =	sld [smem:$0x3FA1]  }
0x2a: {  	p0 =	seq.s32 s5, $0x0;
	s5 =	sld [smem:$0x3FA2]  }
0x2b: {  	s6 =	sld [smem:$0x3FA3]  }
0x2c: {  	s7 =	sld [smem:$0x3FA4]  }
0x2d: {  	s3 =	simm.s32 $0x108;
	s8 =	sld [smem:$0x3FA5]  }
0x2e: {  	s3 =	simm.s32 @!p0 $0x1082;
	s9 =	sld [smem:$0x3FA6]  }
0x2f: {  	lr =	sadd.s32 s0, s3;
	s0 =	sld [smem:$0x3F9D]  }
0x30: {  	s3 =	sld [smem:$0x3FA0]  }
0x31: {  	[smem:$0x3FA9] =	sst s10  }
0x32: {  	s10 =	sld [smem:$0x3FA7];
	_ =	sdelay $0x3  }
0x33: {  	p0 =	seq.s32 s10, $0x1;
	s10 =	sld [smem:$0x3FA9];
	_ =	sdelay $0x3  }
0x34: {  	[smem:$0x3FA9] =	sst s10  }
0x35: {  	s10 =	sld [smem:$0x3FA8];
	_ =	sdelay $0x3  }
0x36: {  	p1 =	seq.s32 s10, $0x1;
	s10 =	sld [smem:$0x3FA9];
	_ =	sdelay $0x3  }
0x37: {  	[smem:$0x3FA9] =	sst s10  }
0x38: {  	s10 =	sld [smem:$0x3FAA]  }
0x39: {  	_ = 	snop;
	(pc) =	sbr.ind lr, $3  }
0x3a: {  	_ = 	snop  }
0x3b: {  	_ = 	snop  }
0x3c: {  	p2 =	seq.s32 s10, $0x1;
	s10 =	sld [smem:$0x3FA9]  }
0x3d: {  	_ =	shalt  }
0x3e: {  	_ =	shalt  }
0x3f: {  	_ =	shalt  }
0x40: {  	_ =	shalt  }
0x41: {  	_ =	shalt  }
0x42: {  	_ =	shalt  }
0x43: {  	_ =	shalt  }
0x44: {  	_ =	shalt  }
0x45: {  	_ =	shalt  }
0x46: {  	_ =	shalt  }
0x47: {  	_ =	shalt  }
0x48: {  	_ =	shalt  }
0x49: {  	_ =	shalt  }
0x4a: {  	_ =	shalt  }
0x4b: {  	_ =	shalt  }
0x4c: {  	_ =	shalt  }
0x4d: {  	_ =	shalt  }
0x4e: {  	_ =	shalt  }
0x4f: {  	_ =	shalt  }
0x50: {  	_ =	shalt  }
0x51: {  	_ =	shalt  }
0x52: {  	_ =	shalt  }
0x53: {  	_ =	shalt  }
0x54: {  	_ =	shalt  }
0x55: {  	_ =	shalt  }
0x56: {  	_ =	shalt  }
0x57: {  	_ =	shalt  }
0x58: {  	_ =	shalt  }
0x59: {  	_ =	shalt  }
0x5a: {  	_ =	shalt  }
0x5b: {  	_ =	shalt  }
0x5c: {  	_ =	shalt  }
0x5d: {  	_ =	shalt  }
0x5e: {  	_ =	shalt  }
0x5f: {  	_ =	shalt  }
0x60: {  	_ =	shalt  }
0x61: {  	_ =	shalt  }
0x62: {  	_ =	shalt  }
0x63: {  	_ =	shalt  }
0x64: {  	_ =	shalt  }
0x65: {  	_ =	shalt  }
0x66: {  	_ =	shalt  }
0x67: {  	_ =	shalt  }
0x68: {  	_ =	shalt  }
0x69: {  	_ =	shalt  }
0x6a: {  	_ =	shalt  }
0x6b: {  	_ =	shalt  }
0x6c: {  	_ =	shalt  }
0x6d: {  	_ =	shalt  }
0x6e: {  	_ =	shalt  }
0x6f: {  	_ =	shalt  }
0x70: {  	_ =	shalt  }
0x71: {  	_ =	shalt  }
0x72: {  	_ =	shalt  }
0x73: {  	_ =	shalt  }
0x74: {  	_ =	shalt  }
0x75: {  	_ =	shalt  }
0x76: {  	_ =	shalt  }
0x77: {  	_ =	shalt  }
0x78: {  	_ =	shalt  }
0x79: {  	_ =	shalt  }
0x7a: {  	_ =	shalt  }
0x7b: {  	_ =	shalt  }
0x7c: {  	_ =	shalt  }
0x7d: {  	_ =	shalt  }
0x7e: {  	_ =	shalt  }
0x7f: {  	_ =	shalt  }
0x80: {  	_ =	shalt  }
0x81: {  	_ =	shalt  }
0x82: {  	_ =	shalt  }
0x83: {  	_ =	shalt  }
0x84: {  	_ =	shalt  }
0x85: {  	_ =	shalt  }
0x86: {  	_ =	shalt  }
0x87: {  	_ =	shalt  }
.Lfunc_end0:
.L_simem_size_0:
called_computation.3_lowered:
.L_overlay_start_0:
0x88: {  	s2 =	sld [smem:$0x3FD9]  }
0x89: {  	s3 =	sld [smem:$0x3FFE];
	_ =	sdelay $0x1  }
0x8a: {  	s1 =	srdreg.scid  }
0x8b: {  	s0 =	sand.u32 $0x1, s1  }
0x8c: {  	s16 =	sshll.u32 s0, $0xA;
	s2 =	sadd.s32 s3, s2  }
0x8d: {  	s2 =	sadd.s32 s2, s16  }
0x8e: {  	[smem:$0x3FB5] =	sst s2  }
0x8f: {  	_ = 	snop  }
0x90: {  	(tm) =	ssettm $0x1  }
0x91: {  	s17 =	sld [smem:$0x3FFB];
	_ =	sdelay $0x3  }
0x92: {  	_ =	strace s17  }
0x93: {  	s2 =	sld [smem:$0x3FFC];
	_ =	sdelay $0x3  }
0x94: {  	_ =	strace s2  }
0x95: {  	s2 =	sld [smem:$0x3FFD];
	_ =	sdelay $0x3  }
0x96: {  	_ =	strace s2  }
0x97: {  	_ =	strace $0x8FFFFFFF  }
0x98: {  	s18 =	sld [smem:$0x3FDB];
	_ =	sdelay $0x1  }
0x99: {  	s19 =	simm.s32 $_scs_section_size  }
0x9a: {  	s4 =	simm.s32 $_size__tile_overlayer_lowered;
	s5 =	simm.s32 $_tile_overlayer_lowered  }
0x9b: {  	s22 =	simm.s32 $0x1BFF;
	s21 =	sshll.u32 s5, $0x1;
	s2 =	sadd.s32 s19, s18  }
0x9c: {  	s6 =	simm.s32 $0x0;
	s20 =	sshll.u32 s4, $0x1;
	s4 =	sadd.s32 s21, s2  }
0x9d: {  	[timem:s6], [sflag:s22] =	dma.local [hbm:s4], s20  }
0x9e: {  	_ =	swait.ge [sflag:s22], s20  }
0x9f: {  	s3 =	ssub.s32 $0x0, s20;
	[sflag:s22] =	ssyncset.done $0x0  }
0xa0: {  	[sflag:s22] =	ssyncadd.s32 s3;
	_ =	sdelay $0x1  }
0xa1: {  	s23 =	simm.s32 $0x1B8B  }
0xa2: {  	_ =	swait.ge [sflag:s23], $0x1  }
0xa3: {  	[sflag:s23] =	ssyncset.done $0x0  }
0xa4: {  	s25 =	simm.s32 $0x1B8E;
	s24 =	sld [smem:$0x3FFE];
	[sflag:s23] =	ssyncadd.s32 $0xFFFFFFFF  }
0xa5: {  	s26 =	simm.s32 $execute0_lowered;
	[smem:$0x3FD2] =	sst s25  }
0xa6: {  	s4 =	sshll.u32 s26, $0x1;
	_ =	strace $0x8000004F;
	[dreg:$0x1] =	wrdreg $0xFFFFFFFF  }
0xa7: {  	s28 =	simm.s32 $_size_execute0_lowered;
	s2 =	sadd.s32 s2, s4;
	[dreg:$0x0] =	wrdreg $0x0  }
0xa8: {  	s4 =	sshll.u32 s28, $0x1;
	[dreg:$0x2] =	wrdreg s2  }
0xa9: {  	[dreg:$0x3] =	wrdreg s4  }
0xaa: {  	[dreg:$0x4] =	wrdreg $0xC0  }
0xab: {  	_ =	task [dreg:s6], $0x5FFFF  }
0xac: {  	[dreg:$0x1] =	wrdreg $0xFFFFFFFF  }
0xad: {  	[dreg:$0x0] =	wrdreg $0x60  }
0xae: {  	[dreg:$0x2] =	wrdreg s24  }
0xaf: {  	[dreg:$0x3] =	wrdreg $0xC4000  }
0xb0: {  	[dreg:$0x4] =	wrdreg $0x9  }
0xb1: {  	_ =	task.clear_ibuf [dreg:s6], $0x5FFFF;
	_ =	strace $0x9000004F  }
0xb2: {  	s29 =	simm.s32 $0x9;
	_ =	strace $0x80000051  }
0xb3: {  	_ =	swait.ge [sflag:s29], $0x1  }
0xb4: {  	[sflag:s29] =	ssyncadd.s32 $0xFFFFFFFF  }
0xb5: {  	_ =	strace $0x90000051  }
0xb6: {  	_ =	sfence  }
0xb7: {  	s30 =	sld [smem:$0x0];
	_ =	sdelay $0x2  }
0xb8: {  	s31 =	sshll.u32 s1, $0xD;
	s1 =	sshrl.u32 s1, $0x2  }
0xb9: {  	s3 =	sand.u32 $0x4000, s31;
	s1 =	sadd.s32 s1, s30  }
0xba: {  	s0 =	sor.u32 s3, s0;
	s1 =	sshll.u32 s1, $0x11  }
0xbb: {  	s0 =	sor.u32 s1, s0  }
0xbc: {  	s0 =	sadd.s32 $0x8F2B, s0  }
0xbd: {  	[sflag:s0] =	ssyncadd.remote.s32 $0x1  }
0xbe: {  	_ =	sfence.sel $0xFFFF  }
0xbf: {  	[dreg:$0x0] =	wrdreg $0xFFFFFFFF;
	(pc) =	sbr.abs _section_cstart, $3  }
0xc0: {  	[dreg:$0x1] =	wrdreg $0xFFFFFFFF  }
0xc1: {  	_ =	task.clear_ibuf [dreg:s6], $0x2FFFF;
	_ =	strace $0x9FFFFFFF  }
0xc2: {  	(tm) =	ssettm $0x7FFFFFFF  }
0xc3: {  	_ =	shalt  }
tec
execute0_lowered:
.L_overlay_start_1:
0x0: {  	(tag) =	ssettag $0x1  }
0x1: {  	s1 =	rddreg [dreg:$0x0]  }
0x2: {  	s2 =	rddreg [dreg:$0x1]  }
0x3: {  	s21 =	stileid.u32;
	s0 =	srdreg.scid  }
0x4: {  	s3 =	simm.s32 $0x0;
	s29 =	simm.s32 $0x0;
	s6 =	smul.u32 $0x13C00, s21  }
0x5: {  	s17 =	sand.u32 $0x1, s0;
	[smem:$0x7FF] =	sst s3;
	s4 =	sadd.s32 $0x40E00, s1  }
0x6: {  	s5 =	sadd.s32 $0x6000, s1;
	s0 =	sadd.s32 $0xFE00, s1;
	s9 =	smul.u32 $0x4F000, s21  }
0x7: {  	s23 =	ssub.s32 $0x4F1, s21;
	s11 =	sshll.u32 s21, $0x6;
	s28 =	sshll.u32 s21, $0x7  }
0x8: {  	s7 =	smul.u32 $0x13C000, s17;
	_ =	strace $0x80000050;
	s18 =	ssub.s32 $0x2, s17  }
0x9: {  	s10 =	smul.u32 $0x4E2, s17;
	s8 =	sshrl.u32 s6, $0x3;
	s19 =	sshrl.u32 s18, $0x1  }
0xa: {  	s20 =	sshrl.u32 s9, $0x2;
	s9 =	sshrl.u32 s23, $0x4;
	s6 =	sadd.s32 s6, s7  }
0xb: {  	s8 =	sadd.s32 s8, s1;
	s7 =	sadd.s32 s20, s2;
	s12 =	sadd.s32 s21, s10  }
0xc: {  	s10 =	sor.u32 $0x1C07, s11;
	s15 =	smul.u32 $0x56, s9;
	s25 =	sadd.s32 $0xFFFFFFFF, s9  }
0xd: {  	s26 =	sadd.s32 $0xFFFFFFFE, s9;
	s20 =	smul.u32 $0x27100, s17;
	[dreg:$0x6] =	wrdreg s7  }
0xe: {  	s6 =	sshrl.u32 s6, $0x3;
	s22 =	sadd.s32 $0x68000, s8;
	[dreg:$0x3] =	wrdreg s25  }
0xf: {  	s14 =	sshll.u32 s12, $0x4;
	[dreg:$0x4] =	wrdreg s26;
	s1 =	sadd.s32 s6, s1  }
0x10: {  	s6 =	ssub.s32 s18, s19;
	[dreg:$0x7] =	wrdreg s22;
	s24 =	sadd.s32 s5, s14  }
0x11: {  	s12 =	sadd.s32 s0, s14;
	s16 =	sadd.s32 $0x100, s14;
	s18 =	sadd.s32 $0x200, s14  }
0x12: {  	s19 =	sadd.s32 $0xAC, s15;
	s30 =	sadd.s32 s28, s20;
	s22 =	simm.s32 $0x7  }
0x13: {  	[dreg:$0x8] =	wrdreg s24;
	s13 =	sadd.s32 s5, s16;
	s14 =	sadd.s32 s0, s16  }
0x14: {  	s15 =	sadd.s32 s5, s18;
	s19 =	sshrl.u32 s19, $0x8;
	s16 =	sadd.s32 s0, s18  }
0x15: {  	s17 =	sadd.s32 $0x8F800, s1;
	s18 =	smax.u32 s6, $0x1;
	s19 =	smul.u32 $0x3, s19  }
0x16: {  	s1 =	sadd.s32 $0x1800, s30;
	s31 =	sadd.s32 $0x2800, s30;
	s6 =	sadd.s32 $0x2000, s30  }
0x17: {  	s20 =	sshrl.u32 s31, $0x3;
	s21 =	sshrl.u32 s6, $0x3;
	[dreg:$0x5] =	wrdreg s19  }
.LBB2_1:
0x18: {  	s6 =	rddreg [dreg:$0x6]  }
0x19: {  	s11 =	rddreg [dreg:$0x7];
	s30 =	sshrl.u32 s6, $0x3  }
0x1a: {  	[spmem:s30], [sflag:s10] =	dma.local [hbm:s11], $0x2780  }
0x1b: {  	_ =	swait.ge [sflag:s22], $0x2780  }
0x1c: {  	[sflag:s22] =	ssyncset.done $0x0  }
0x1d: {  	s19 =	rddreg [dreg:$0x8];
	[sflag:s22] =	ssyncadd.s32 $0xFFFFD880  }
0x1e: {  	[tilespmem:s3], [sflag:$0x1] =	stream.linear.gather [hbm4b:s19+s3], $0x80, $0x38;
	v63 =	vld [tilespmem:$0x0]  }
0x1f: {  	s23 =	simm.s32 $0x200  }
0x20: {  	[tilespmem:s23], [sflag:$0x1] =	stream.linear.gather [hbm4b:s12+s3], $0x80, $0x38;
	v63 =	vld [tilespmem:$0x0]  }
0x21: {  	s24 =	simm.s32 $0x80  }
0x22: {  	[tilespmem:s24], [sflag:$0x2] =	stream.linear.gather [hbm4b:s13+s3], $0x80, $0x38;
	v63 =	vld [tilespmem:$0x0]  }
0x23: {  	s25 =	simm.s32 $0x280  }
0x24: {  	[tilespmem:s25], [sflag:$0x2] =	stream.linear.gather [hbm4b:s14+s3], $0x80, $0x38;
	v63 =	vld [tilespmem:$0x0]  }
0x25: {  	s26 =	simm.s32 $0x100  }
0x26: {  	[tilespmem:s26], [sflag:$0x3] =	stream.linear.gather [hbm4b:s15+s3], $0x80, $0x38;
	v63 =	vld [tilespmem:$0x0]  }
0x27: {  	s28 =	simm.s32 $0x300;
	s31 =	smov.u32 s5;
	s6 =	smov.u32 s0  }
0x28: {  	[tilespmem:s28], [sflag:$0x3] =	stream.linear.gather [hbm4b:s16+s3], $0x80, $0x38;
	v63 =	vld [tilespmem:$0x0]  }
0x29: {  	s19 =	smov.u32 s1;
	s23 =	simm.s32 $0x0;
	[bflag:$0x0] =	sbarrier.arrive $0xFFFF  }
.LBB2_2:
0x2a: {  	p2 =	sge.u32 s23, s9  }
0x2b: {  	s24 =	simm.s32 @!p2 $0x1  }
0x2c: {  	_ =	swait.ge @!p2 [sflag:s24], $0x80  }
0x2d: {  	[sflag:s24] =	ssyncset.done @!p2 $0x0  }
0x2e: {  	[sflag:s24] =	ssyncadd.s32 @!p2 $0xFFFFFF80  }
0x2f: {  	s25 =	simm.s32 @!p2 $0x80;
	_ =	swait.ge @!p2 [sflag:s24], $0x80  }
0x30: {  	s26 =	simm.s32 @!p2 $0x0;
	[sflag:s24] =	ssyncset.done @!p2 $0x0;
	s8 =	rddreg [dreg:$0x3]  }
0x31: {  	s28 =	simm.s32 @!p2 $0x400;
	[sflag:s24] =	ssyncadd.s32 @!p2 $0xFFFFFF80;
	p1 =	sge.u32 s23, s8  }
0x32: {  	[tilespmem:s28], [sflag:$0x4] =	stream.indirect.gather @!p2 [hbm4b:s4+s25], $0x80, s26, s25, $0xb8;
	v63 =	vld [tilespmem:$0x0]  }
0x33: {  	s24 =	simm.s32 @!p1 $0x2  }
0x34: {  	_ =	swait.ge @!p1 [sflag:s24], $0x80  }
0x35: {  	[sflag:s24] =	ssyncset.done @!p1 $0x0  }
0x36: {  	[sflag:s24] =	ssyncadd.s32 @!p1 $0xFFFFFF80  }
0x37: {  	_ =	swait.ge @!p1 [sflag:s24], $0x80  }
0x38: {  	s7 =	simm.s32 @!p1 $0x4400;
	[sflag:s24] =	ssyncset.done @!p1 $0x0;
	s11 =	rddreg [dreg:$0x4]  }
0x39: {  	[sflag:s24] =	ssyncadd.s32 @!p1 $0xFFFFFF80;
	s24 =	simm.s32 @!p1 $0x80;
	p0 =	sge.u32 s23, s11  }
0x3a: {  	[tilespmem:s7], [sflag:$0x5] =	stream.indirect.gather @!p1 [hbm4b:s4+s24], $0x80, s24, s24, $0xb8;
	v63 =	vld [tilespmem:$0x0]  }
0x3b: {  	s26 =	simm.s32 @!p0 $0x3  }
0x3c: {  	_ =	swait.ge @!p0 [sflag:s26], $0x80  }
0x3d: {  	[sflag:s26] =	ssyncset.done @!p0 $0x0  }
0x3e: {  	[sflag:s26] =	ssyncadd.s32 @!p0 $0xFFFFFF80  }
0x3f: {  	_ =	swait.ge @!p0 [sflag:s26], $0x80  }
0x40: {  	s8 =	simm.s32 @!p0 $0x100;
	[sflag:s26] =	ssyncset.done @!p0 $0x0  }
0x41: {  	s11 =	simm.s32 @!p0 $0x8400;
	[sflag:s26] =	ssyncadd.s32 @!p0 $0xFFFFFF80;
	s26 =	simm.s32 @!p0 $0x80  }
0x42: {  	[tilespmem:s11], [sflag:$0x6] =	stream.indirect.gather @!p0 [hbm4b:s4+s26], $0x80, s8, s26, $0xb8;
	v63 =	vld [tilespmem:$0x0]  }
0x43: {  	s8 =	simm.s32 @!p2 $0x4  }
0x44: {  	_ =	swait.ge @!p2 [sflag:s8], $0x4000  }
0x45: {  	[sflag:s8] =	ssyncset.done @!p2 $0x0  }
0x46: {  	[sflag:s8] =	ssyncadd.s32 @!p2 $0xFFFFC000;
	s8 =	simm.s32 @!p2 $0x200  }
0x47: {  	[spmem:s2] =	stream.indirect.scatter.add.f32 @!p2 [tilespmem:s28], [sflag:$0x7], $0x80, s8, s25, $0xb8;
	v63 =	vld [tilespmem:$0x0]  }
0x48: {  	s8 =	sadd.s32 @!p2 $0x3, s23  }
0x49: {  	s25 =	simm.s32 @!p2 $0x7;
	p3 =	sge.u32 @!p2 s8, s9  }
0x4a: {  	_ =	swait.ge @!p2 [sflag:s25], $0x4000;
	p3 =	por p3, p2  }
0x4b: {  	[sflag:s25] =	ssyncset.done @!p2 $0x0;
	s8 =	sshrl.u32 @!p3 s19, $0x3  }
0x4c: {  	[sflag:s25] =	ssyncadd.s32 @!p2 $0xFFFFC000;
	s28 =	simm.s32 @!p3 $0x0;
	s25 =	sadd.s32 @!p3 s5, s8  }
0x4d: {  	[tilespmem:s28], [sflag:$0x1] =	stream.linear.gather @!p3 [hbm4b:s25+s28], $0x80, $0x38;
	v63 =	vld [tilespmem:$0x0]  }
0x4e: {  	s8 =	sadd.s32 @!p3 s0, s8;
	s25 =	simm.s32 @!p3 $0x200  }
0x4f: {  	[tilespmem:s25], [sflag:$0x1] =	stream.linear.gather @!p3 [hbm4b:s8+s28], $0x80, $0x38;
	v63 =	vld [tilespmem:$0x0]  }
0x50: {  	s8 =	simm.s32 @!p1 $0x5  }
0x51: {  	_ =	swait.ge @!p1 [sflag:s8], $0x4000  }
0x52: {  	[sflag:s8] =	ssyncset.done @!p1 $0x0  }
0x53: {  	[sflag:s8] =	ssyncadd.s32 @!p1 $0xFFFFC000;
	s8 =	simm.s32 @!p1 $0x280  }
0x54: {  	[spmem:s2] =	stream.indirect.scatter.add.f32 @!p1 [tilespmem:s7], [sflag:$0x7], $0x80, s8, s24, $0xb8;
	v63 =	vld [tilespmem:$0x0]  }
0x55: {  	s7 =	simm.s32 @!p1 $0x7  }
0x56: {  	s8 =	sadd.s32 @!p1 $0x4, s23;
	_ =	swait.ge @!p1 [sflag:s7], $0x4000  }
0x57: {  	p2 =	sge.u32 @!p1 s8, s9;
	[sflag:s7] =	ssyncset.done @!p1 $0x0  }
0x58: {  	[sflag:s7] =	ssyncadd.s32 @!p1 $0xFFFFC000;
	p1 =	por p2, p1  }
0x59: {  	s7 =	sadd.s32 @!p1 s31, s21;
	s8 =	simm.s32 @!p1 $0x0;
	s24 =	simm.s32 @!p1 $0x80  }
0x5a: {  	[tilespmem:s24], [sflag:$0x2] =	stream.linear.gather @!p1 [hbm4b:s7+s8], $0x80, $0x38;
	v63 =	vld [tilespmem:$0x0]  }
0x5b: {  	s7 =	sadd.s32 @!p1 s6, s21;
	s24 =	simm.s32 @!p1 $0x280  }
0x5c: {  	[tilespmem:s24], [sflag:$0x2] =	stream.linear.gather @!p1 [hbm4b:s7+s8], $0x80, $0x38;
	v63 =	vld [tilespmem:$0x0]  }
0x5d: {  	s7 =	simm.s32 @!p0 $0x6  }
0x5e: {  	_ =	swait.ge @!p0 [sflag:s7], $0x4000  }
0x5f: {  	[sflag:s7] =	ssyncset.done @!p0 $0x0  }
0x60: {  	[sflag:s7] =	ssyncadd.s32 @!p0 $0xFFFFC000;
	s7 =	simm.s32 @!p0 $0x300  }
0x61: {  	[spmem:s2] =	stream.indirect.scatter.add.f32 @!p0 [tilespmem:s11], [sflag:$0x7], $0x80, s7, s26, $0xb8;
	v63 =	vld [tilespmem:$0x0]  }
0x62: {  	s7 =	simm.s32 @!p0 $0x7  }
0x63: {  	s8 =	sadd.s32 @!p0 $0x5, s23;
	_ =	swait.ge @!p0 [sflag:s7], $0x4000  }
0x64: {  	p1 =	sge.u32 @!p0 s8, s9;
	[sflag:s7] =	ssyncset.done @!p0 $0x0  }
0x65: {  	s23 =	sadd.s32 $0x3, s23;
	[sflag:s7] =	ssyncadd.s32 @!p0 $0xFFFFC000;
	p0 =	por p1, p0  }
0x66: {  	s7 =	sadd.s32 @!p0 s31, s20;
	s8 =	simm.s32 @!p0 $0x0;
	s11 =	simm.s32 @!p0 $0x100  }
0x67: {  	[tilespmem:s11], [sflag:$0x3] =	stream.linear.gather @!p0 [hbm4b:s7+s8], $0x80, $0x38;
	v63 =	vld [tilespmem:$0x0]  }
0x68: {  	s28 =	rddreg [dreg:$0x5];
	s7 =	sadd.s32 @!p0 s6, s20;
	s11 =	simm.s32 @!p0 $0x300  }
0x69: {  	[tilespmem:s11], [sflag:$0x3] =	stream.linear.gather @!p0 [hbm4b:s7+s8], $0x80, $0x38;
	v63 =	vld [tilespmem:$0x0]  }
0x6a: {  	p0 =	sne.s32 s28, s23  }
.Ltmp0:
0x6b: {  	_ = 	snop;
	(pc) =	sbr.rel @p0 .LBB2_2-.Ltmp0, $2  }
0x6c: {  	_ =	sdelay $0x2  }
0x6d: {  	s19 =	sadd.s32 $0x1800, s19;
	s31 =	sadd.s32 $0x300, s31;
	s6 =	sadd.s32 $0x300, s6  }
0x6e: {  	s29 =	sadd.s32 $0x1, s29  }
0x6f: {  	p0 =	sne.s32 s29, s18  }
.Ltmp1:
0x70: {  	[bflag:$0x0] =	sbarrier.arrive $0xFFFF;
	(pc) =	sbr.rel @p0 .LBB2_1-.Ltmp1, $4  }
0x71: {  	[hbm:s17], [sflag:s10] =	dma.local [spmem:s30], $0x2780  }
0x72: {  	_ =	swait.ge [sflag:s22], $0x2780  }
0x73: {  	[sflag:s22] =	ssyncset.done $0x0  }
0x74: {  	[sflag:s22] =	ssyncadd.s32 $0xFFFFD880  }
0x75: {  	_ =	sfence.sel $0x180000  }
0x76: {  	[bflag:$0x0] =	sbarrier.arrive $0xFFFF  }
0x77: {  	_ =	strace $0x90000050  }
0x78: {  	s0 =	stileid.u32;
	[bflag:$0x2] =	sbarrier.arrive $0xFFFF  }
0x79: {  	p0 =	sne.s32 s0, $0x0;
	s0 =	rddreg [dreg:$0x2]  }
0x7a: {  	s0 =	sadd.s32 @!p0 $0x100000, s0  }
0x7b: {  	[sflag:s0] =	ssyncadd.tile.s32 @!p0 $0x1;
	_ =	shalt  }
.Lfunc_end2:
_tile_overlayer_lowered:
.L_overlay_start_2:
0x7c: {  	(tag) =	ssettag $0x2  }
0x7d: {  	s0 =	rddreg [dreg:$0x0];
	s2 =	stileid.u32  }
0x7e: {  	s1 =	rddreg [dreg:$0x1];
	p0 =	sne.s32 s2, $0x0  }
0x7f: {  	s3 =	rddreg [dreg:$0x2];
	[bflag:$0x3] =	sbarrier.arrive $0xFFFF;
	s2 =	simm.s32 @!p0 $0x1C07  }
0x80: {  	[timem:s3], [sflag:s2] =	dma.local @!p0 [hbm:s0], s1  }
0x81: {  	s0 =	simm.s32 @!p0 $0x7  }
0x82: {  	_ =	swait.ge @!p0 [sflag:s0], s1  }
0x83: {  	s1 =	ssub.s32 @!p0 $0x0, s1;
	[sflag:s0] =	ssyncset.done @!p0 $0x0  }
0x84: {  	[sflag:s0] =	ssyncadd.s32 @!p0 s1  }
0x85: {  	[bflag:$0x3] =	sbarrier.arrive $0xFFFF  }
0x86: {  	_ =	shalt  }

</sc_bundles>
